<compile_context>
chip_gen: v7x
topology: tpu7x:2x2x1
jax: 0.10.2.dev20260603
libtpu: 0.0.44.dev20260713+nightly
codegen_flags: <defaults>
</compile_context>

<pallas_src>
import jax
import jax.numpy as jnp
from jax import lax
from jax.experimental import pallas as pl
from jax.experimental.pallas import tpu as pltpu
from jax.experimental.pallas import tpu_sc as plsc

_ROWS = 16384
_COLS = 200
_DIM = 20
_NC = 2
_NS = 16
_NW = _NC * _NS
_TJ = _COLS // 8
_TI = _ROWS // 128
_TI_W = _TI // _NW
_LANES = 16


def _body(lbl_hbm, table_hbm, out_hbm,
          table_v, lA, lB, r0, r1, sA, sB, s0, s1):
    wid = lax.axis_index("s") * _NC + lax.axis_index("c")
    ti0 = wid * _TI_W

    pltpu.sync_copy(table_hbm, table_v)

    def lbl_slab(tj):
        return lbl_hbm.at[tj, pl.ds(ti0, _TI_W), :, :]

    def start_lbl(tj, lbuf, sem):
        pltpu.async_copy(lbl_slab(tj), lbuf, sem)

    def wait_lbl(lbuf, sem):
        pltpu.make_async_copy(lbl_slab(0), lbuf, sem).wait()

    def compute_step(q, lbuf, rbuf):
        @plsc.parallel_loop(0, 128, unroll=1)
        def chunk(p):
            sj = lax.shift_right_logical(p, 4)
            c = lax.bitwise_and(p, 15)
            tix = lax.shift_right_logical(c, 3)
            cm8 = lax.bitwise_and(c, 7)
            lbl = lbuf[2 * q + tix, sj, pl.ds(cm8 * _LANES, _LANES)]
            g0 = lbl * _DIM
            for k in range(_DIM):
                vals = plsc.load_gather(table_v, [g0 + k])
                rbuf[k, tix, sj, pl.ds(cm8 * _LANES, _LANES)] = vals

    def start_out(tj, q, rbuf, sem):
        return pltpu.async_copy(
            rbuf, out_hbm.at[:, tj, pl.ds(ti0 + 2 * q, 2), :, :], sem)

    def drain_out(rbuf, sem):
        pltpu.make_async_copy(
            rbuf, out_hbm.at[:, 0, pl.ds(0, 2), :, :], sem).wait()

    def tj_work(tj, lbuf, sem, nbuf, nsem, first):
        wait_lbl(lbuf, sem)
        start_lbl(jnp.minimum(tj + 1, _TJ - 1), nbuf, nsem)
        if not first:
            drain_out(r0, s0)
        compute_step(0, lbuf, r0)
        start_out(tj, 0, r0, s0)
        if not first:
            drain_out(r1, s1)
        compute_step(1, lbuf, r1)
        start_out(tj, 1, r1, s1)

    start_lbl(0, lA, sA)
    tj_work(0, lA, sA, lB, sB, first=True)

    def pair(g, carry):
        tj_work(2 * g + 1, lB, sB, lA, sA, first=False)
        tj_work(2 * g + 2, lA, sA, lB, sB, first=False)
        return carry

    lax.fori_loop(0, (_TJ - 1) // 2, pair, 0)

    wait_lbl(lB, sB)
    drain_out(r0, s0)
    drain_out(r1, s1)


def kernel(speaker_labels, table):
    lbl_t = (speaker_labels.T
             .reshape(_TJ, 8, _TI, 128)
             .transpose(0, 2, 1, 3))
    grid_kernel = pl.kernel(
        _body,
        out_type=jax.ShapeDtypeStruct((_DIM, _TJ, _TI, 8, 128), jnp.float32),
        mesh=plsc.VectorSubcoreMesh(
            core_axis_name="c", subcore_axis_name="s",
            num_cores=_NC, num_subcores=_NS,
        ),
        scratch_types=[
            pltpu.VMEM((3 * _DIM,), jnp.float32),
            pltpu.VMEM((_TI_W, 8, 128), jnp.int32),
            pltpu.VMEM((_TI_W, 8, 128), jnp.int32),
            pltpu.VMEM((_DIM, 2, 8, 128), jnp.float32),
            pltpu.VMEM((_DIM, 2, 8, 128), jnp.float32),
            pltpu.SemaphoreType.DMA,
            pltpu.SemaphoreType.DMA,
            pltpu.SemaphoreType.DMA,
            pltpu.SemaphoreType.DMA,
        ],
        compiler_params=pltpu.CompilerParams(
            use_tc_tiling_on_sc=False, needs_layout_passes=False),
    )
    out_t = grid_kernel(lbl_t, table.reshape(3 * _DIM))
    return out_t.transpose(2, 4, 1, 3, 0).reshape(_ROWS, _COLS, _DIM)

# --- scband reference (transcript-rebuilt; emitter-appended) ---
"""Pipeline reference for scband-speaker-74036646249300 (READ-ONLY COPY).

The authoritative reference and input builder live on the scoring server;
editing this copy changes nothing except your own understanding.
"""

import jax, jax.numpy as jnp
import numpy as np

SPEAKER_DIM = 20
NUM_EMB = 3

def setup_inputs(seed: int = 0) -> dict:
    key = jax.random.key(seed)
    k_idx, k_tab = jax.random.split(key)
    speaker_labels = jax.random.randint(k_idx, (16384, 200), 0, NUM_EMB, dtype=jnp.int64 if jax.config.jax_enable_x64 else jnp.int32)
    table = jax.random.normal(k_tab, (NUM_EMB, SPEAKER_DIM), dtype=jnp.float32)
    # nn.Embedding(padding_idx=0) initializes padding row to zero
    table = table.at[0].set(0.0)
    return {"speaker_labels": speaker_labels, "table": table}

def reference(speaker_labels, table):
    # faithful to nn.Embedding(3, speaker_dim, padding_idx=0): plain row gather
    out = jnp.take(table, speaker_labels, axis=0)
    return out

if __name__ == "__main__":
    import jax
    _d = setup_inputs()
    print(jax.jit(kernel)(*tuple(_d.values())))

</pallas_src>

<mosaic_0001>
#map = affine_map<(d0, d1) -> (0, 0, 0, 0)>
#map1 = affine_map<(d0, d1) -> (0)>
#map2 = affine_map<(d0, d1) -> (0, 0, 0, 0, 0)>
module attributes {stable_mosaic.version = 14 : i64} {
  func.func @_body(%arg0: i32, %arg1: i32, %arg2: memref<25x128x8x128xi32, #tpu.memory_space<hbm>>, %arg3: memref<60xf32, #tpu.memory_space<hbm>>, %arg4: memref<20x25x128x8x128xf32, #tpu.memory_space<hbm>>, %arg5: memref<60xf32, #tpu.memory_space<vmem>>, %arg6: memref<4x8x128xi32, #tpu.memory_space<vmem>>, %arg7: memref<4x8x128xi32, #tpu.memory_space<vmem>>, %arg8: memref<20x2x8x128xf32, #tpu.memory_space<vmem>>, %arg9: memref<20x2x8x128xf32, #tpu.memory_space<vmem>>, %arg10: memref<!tpu.dma_semaphore, #tpu.memory_space<semaphore_mem>>, %arg11: memref<!tpu.dma_semaphore, #tpu.memory_space<semaphore_mem>>, %arg12: memref<!tpu.dma_semaphore, #tpu.memory_space<semaphore_mem>>, %arg13: memref<!tpu.dma_semaphore, #tpu.memory_space<semaphore_mem>>) attributes {dimension_semantics = [#tpu.dimension_semantics<core_parallel>, #tpu.dimension_semantics<subcore_parallel>], iteration_bounds = array<i64: 2, 16>, scalar_prefetch = 0 : i64, scratch_operands = 9 : i64, tpu.core_type = #tpu.core_type<sc_vector_subcore>, window_params = [{transform_indices = #map}, {transform_indices = #map1}, {transform_indices = #map2}]} {
    %mul3A = arith.constant 2 : i32
    %mul3A_0 = arith.muli %arg1, %mul3A : i32
    %add3A = arith.addi %mul3A_0, %arg0 : i32
    %mul3A_1 = arith.constant 4 : i32
    %mul3A_2 = arith.muli %add3A, %mul3A_1 : i32
    "tpu.region"() ({
      %run_scoped3A = tpu.sem_alloc : memref<!tpu.dma_semaphore, #tpu.memory_space<semaphore_mem>>
      tpu.enqueue_dma source(%arg3 : memref<60xf32, #tpu.memory_space<hbm>>) target(%arg5 : memref<60xf32, #tpu.memory_space<vmem>>) target_semaphore(%run_scoped3A : memref<!tpu.dma_semaphore, #tpu.memory_space<semaphore_mem>>)
      tpu.wait_dma2 semaphore(%run_scoped3A : memref<!tpu.dma_semaphore, #tpu.memory_space<semaphore_mem>>) src(%arg3 : memref<60xf32, #tpu.memory_space<hbm>>) dst(%arg5 : memref<60xf32, #tpu.memory_space<vmem>>)
      tpu.yield
    }) : () -> ()
    %dma_start3A = arith.constant 0 : i32
    %dma_start3A_3 = arith.constant 0 : i32
    %dma_start3A_4 = arith.constant 0 : i32
    %dma_start3A_5 = tpu.memref_slice %arg2[%dma_start3A, %mul3A_2, %dma_start3A_3, %dma_start3A_4] : memref<25x128x8x128xi32, #tpu.memory_space<hbm>> -> memref<1x4x8x128xi32, #tpu.memory_space<hbm>>
    %dma_start3A_6 = tpu.memref_squeeze %dma_start3A_5 : memref<1x4x8x128xi32, #tpu.memory_space<hbm>> -> memref<4x8x128xi32, #tpu.memory_space<hbm>>
    %dma_start3A_7 = arith.constant 0 : i32
    %dma_start3A_8 = arith.constant 0 : i32
    %dma_start3A_9 = tpu.memref_slice %arg2[%dma_start3A, %mul3A_2, %dma_start3A_7, %dma_start3A_8] : memref<25x128x8x128xi32, #tpu.memory_space<hbm>> -> memref<1x4x8x128xi32, #tpu.memory_space<hbm>>
    %dma_start3A_10 = tpu.memref_squeeze %dma_start3A_9 : memref<1x4x8x128xi32, #tpu.memory_space<hbm>> -> memref<4x8x128xi32, #tpu.memory_space<hbm>>
    tpu.enqueue_dma source(%dma_start3A_10 : memref<4x8x128xi32, #tpu.memory_space<hbm>>) target(%arg6 : memref<4x8x128xi32, #tpu.memory_space<vmem>>) target_semaphore(%arg10 : memref<!tpu.dma_semaphore, #tpu.memory_space<semaphore_mem>>)
    %dma_wait3A = arith.constant 0 : i32
    %dma_wait3A_11 = arith.constant 0 : i32
    %dma_wait3A_12 = arith.constant 0 : i32
    %dma_wait3A_13 = tpu.memref_slice %arg2[%dma_wait3A, %mul3A_2, %dma_wait3A_11, %dma_wait3A_12] : memref<25x128x8x128xi32, #tpu.memory_space<hbm>> -> memref<1x4x8x128xi32, #tpu.memory_space<hbm>>
    %dma_wait3A_14 = tpu.memref_squeeze %dma_wait3A_13 : memref<1x4x8x128xi32, #tpu.memory_space<hbm>> -> memref<4x8x128xi32, #tpu.memory_space<hbm>>
    %dma_wait3A_15 = arith.constant 0 : i32
    %dma_wait3A_16 = arith.constant 0 : i32
    %dma_wait3A_17 = tpu.memref_slice %arg2[%dma_wait3A, %mul3A_2, %dma_wait3A_15, %dma_wait3A_16] : memref<25x128x8x128xi32, #tpu.memory_space<hbm>> -> memref<1x4x8x128xi32, #tpu.memory_space<hbm>>
    %dma_wait3A_18 = tpu.memref_squeeze %dma_wait3A_17 : memref<1x4x8x128xi32, #tpu.memory_space<hbm>> -> memref<4x8x128xi32, #tpu.memory_space<hbm>>
    tpu.wait_dma2 semaphore(%arg10 : memref<!tpu.dma_semaphore, #tpu.memory_space<semaphore_mem>>) src(%dma_wait3A_18 : memref<4x8x128xi32, #tpu.memory_space<hbm>>) dst(%arg6 : memref<4x8x128xi32, #tpu.memory_space<vmem>>)
    %min3A = arith.constant 1 : i32
    %min3A_19 = arith.constant 24 : i32
    %min3A_20 = arith.minsi %min3A, %min3A_19 : i32
    %dma_start3A_21 = arith.constant 0 : i32
    %dma_start3A_22 = arith.constant 0 : i32
    %dma_start3A_23 = tpu.memref_slice %arg2[%min3A_20, %mul3A_2, %dma_start3A_21, %dma_start3A_22] : memref<25x128x8x128xi32, #tpu.memory_space<hbm>> -> memref<1x4x8x128xi32, #tpu.memory_space<hbm>>
    %dma_start3A_24 = tpu.memref_squeeze %dma_start3A_23 : memref<1x4x8x128xi32, #tpu.memory_space<hbm>> -> memref<4x8x128xi32, #tpu.memory_space<hbm>>
    %dma_start3A_25 = arith.constant 0 : i32
    %dma_start3A_26 = arith.constant 0 : i32
    %dma_start3A_27 = tpu.memref_slice %arg2[%min3A_20, %mul3A_2, %dma_start3A_25, %dma_start3A_26] : memref<25x128x8x128xi32, #tpu.memory_space<hbm>> -> memref<1x4x8x128xi32, #tpu.memory_space<hbm>>
    %dma_start3A_28 = tpu.memref_squeeze %dma_start3A_27 : memref<1x4x8x128xi32, #tpu.memory_space<hbm>> -> memref<4x8x128xi32, #tpu.memory_space<hbm>>
    tpu.enqueue_dma source(%dma_start3A_28 : memref<4x8x128xi32, #tpu.memory_space<hbm>>) target(%arg7 : memref<4x8x128xi32, #tpu.memory_space<vmem>>) target_semaphore(%arg11 : memref<!tpu.dma_semaphore, #tpu.memory_space<semaphore_mem>>)
    %parallel_loop3A = arith.constant 0 : i32
    %parallel_loop3A_29 = arith.constant 128 : i32
    %parallel_loop3A_30 = arith.constant 1 : i32
    scf.for %parallel_loop3A_100 = %parallel_loop3A to %parallel_loop3A_29 step %parallel_loop3A_30  : i32 {
      %parallel_loop3A_101 = arith.constant 4 : i32
      %parallel_loop3A_102 = arith.shrui %parallel_loop3A_100, %parallel_loop3A_101 : i32
      %parallel_loop3A_103 = arith.constant 15 : i32
      %parallel_loop3A_104 = arith.andi %parallel_loop3A_100, %parallel_loop3A_103 : i32
      %parallel_loop3A_105 = arith.constant 3 : i32
      %parallel_loop3A_106 = arith.shrui %parallel_loop3A_104, %parallel_loop3A_105 : i32
      %parallel_loop3A_107 = arith.constant 7 : i32
      %parallel_loop3A_108 = arith.andi %parallel_loop3A_104, %parallel_loop3A_107 : i32
      %parallel_loop3A_109 = arith.constant 0 : i32
      %parallel_loop3A_110 = arith.addi %parallel_loop3A_109, %parallel_loop3A_106 : i32
      %parallel_loop3A_111 = arith.constant 16 : i32
      %parallel_loop3A_112 = arith.muli %parallel_loop3A_108, %parallel_loop3A_111 : i32
      %parallel_loop3A_113 = arith.index_cast %parallel_loop3A_110 : i32 to index
      %parallel_loop3A_114 = arith.index_cast %parallel_loop3A_102 : i32 to index
      %parallel_loop3A_115 = arith.index_cast %parallel_loop3A_112 : i32 to index
      %parallel_loop3A_116 = tpu.vector_load %arg6[%parallel_loop3A_113, %parallel_loop3A_114, %parallel_loop3A_115] {strides = array<i32>} : memref<4x8x128xi32, #tpu.memory_space<vmem>>, vector<16xi32>,
      %parallel_loop3A_117 = arith.constant 20 : i32
      %parallel_loop3A_118 = vector.broadcast %parallel_loop3A_117 : i32 to vector<16xi32>
      %parallel_loop3A_119 = arith.muli %parallel_loop3A_116, %parallel_loop3A_118 : vector<16xi32>
      %parallel_loop3A_120 = arith.constant 0 : i32
      %parallel_loop3A_121 = vector.broadcast %parallel_loop3A_120 : i32 to vector<16xi32>
      %parallel_loop3A_122 = arith.addi %parallel_loop3A_119, %parallel_loop3A_121 : vector<16xi32>
      %parallel_loop3A_123 = tpu.vector_load_idx %arg5[%parallel_loop3A_122] : memref<60xf32, #tpu.memory_space<vmem>>[vector<16xi32>], vector<16xf32>,
      %parallel_loop3A_124 = arith.constant 16 : i32
      %parallel_loop3A_125 = arith.muli %parallel_loop3A_108, %parallel_loop3A_124 : i32
      %parallel_loop3A_126 = arith.constant 0 : i32
      %parallel_loop3A_127 = arith.index_cast %parallel_loop3A_126 : i32 to index
      %parallel_loop3A_128 = arith.index_cast %parallel_loop3A_106 : i32 to index
      %parallel_loop3A_129 = arith.index_cast %parallel_loop3A_102 : i32 to index
      %parallel_loop3A_130 = arith.index_cast %parallel_loop3A_125 : i32 to index
      %parallel_loop3A_131 = tpu.vector_load %arg8[%parallel_loop3A_127, %parallel_loop3A_128, %parallel_loop3A_129, %parallel_loop3A_130] {strides = array<i32>} : memref<20x2x8x128xf32, #tpu.memory_space<vmem>>, vector<16xf32>,
      tpu.vector_store %arg8[%parallel_loop3A_127, %parallel_loop3A_128, %parallel_loop3A_129, %parallel_loop3A_130], %parallel_loop3A_123 {strides = array<i32>} : memref<20x2x8x128xf32, #tpu.memory_space<vmem>>, vector<16xf32>,
      %parallel_loop3A_132 = arith.constant 1 : i32
      %parallel_loop3A_133 = vector.broadcast %parallel_loop3A_132 : i32 to vector<16xi32>
      %parallel_loop3A_134 = arith.addi %parallel_loop3A_119, %parallel_loop3A_133 : vector<16xi32>
      %parallel_loop3A_135 = tpu.vector_load_idx %arg5[%parallel_loop3A_134] : memref<60xf32, #tpu.memory_space<vmem>>[vector<16xi32>], vector<16xf32>,
      %parallel_loop3A_136 = arith.constant 16 : i32
      %parallel_loop3A_137 = arith.muli %parallel_loop3A_108, %parallel_loop3A_136 : i32
      %parallel_loop3A_138 = arith.constant 1 : i32
      %parallel_loop3A_139 = arith.index_cast %parallel_loop3A_138 : i32 to index
      %parallel_loop3A_140 = arith.index_cast %parallel_loop3A_106 : i32 to index
      %parallel_loop3A_141 = arith.index_cast %parallel_loop3A_102 : i32 to index
      %parallel_loop3A_142 = arith.index_cast %parallel_loop3A_137 : i32 to index
      %parallel_loop3A_143 = tpu.vector_load %arg8[%parallel_loop3A_139, %parallel_loop3A_140, %parallel_loop3A_141, %parallel_loop3A_142] {strides = array<i32>} : memref<20x2x8x128xf32, #tpu.memory_space<vmem>>, vector<16xf32>,
      tpu.vector_store %arg8[%parallel_loop3A_139, %parallel_loop3A_140, %parallel_loop3A_141, %parallel_loop3A_142], %parallel_loop3A_135 {strides = array<i32>} : memref<20x2x8x128xf32, #tpu.memory_space<vmem>>, vector<16xf32>,
      %parallel_loop3A_144 = arith.constant 2 : i32
      %parallel_loop3A_145 = vector.broadcast %parallel_loop3A_144 : i32 to vector<16xi32>
      %parallel_loop3A_146 = arith.addi %parallel_loop3A_119, %parallel_loop3A_145 : vector<16xi32>
      %parallel_loop3A_147 = tpu.vector_load_idx %arg5[%parallel_loop3A_146] : memref<60xf32, #tpu.memory_space<vmem>>[vector<16xi32>], vector<16xf32>,
      %parallel_loop3A_148 = arith.constant 16 : i32
      %parallel_loop3A_149 = arith.muli %parallel_loop3A_108, %parallel_loop3A_148 : i32
      %parallel_loop3A_150 = arith.constant 2 : i32
      %parallel_loop3A_151 = arith.index_cast %parallel_loop3A_150 : i32 to index
      %parallel_loop3A_152 = arith.index_cast %parallel_loop3A_106 : i32 to index
      %parallel_loop3A_153 = arith.index_cast %parallel_loop3A_102 : i32 to index
      %parallel_loop3A_154 = arith.index_cast %parallel_loop3A_149 : i32 to index
      %parallel_loop3A_155 = tpu.vector_load %arg8[%parallel_loop3A_151, %parallel_loop3A_152, %parallel_loop3A_153, %parallel_loop3A_154] {strides = array<i32>} : memref<20x2x8x128xf32, #tpu.memory_space<vmem>>, vector<16xf32>,
      tpu.vector_store %arg8[%parallel_loop3A_151, %parallel_loop3A_152, %parallel_loop3A_153, %parallel_loop3A_154], %parallel_loop3A_147 {strides = array<i32>} : memref<20x2x8x128xf32, #tpu.memory_space<vmem>>, vector<16xf32>,
      %parallel_loop3A_156 = arith.constant 3 : i32
      %parallel_loop3A_157 = vector.broadcast %parallel_loop3A_156 : i32 to vector<16xi32>
      %parallel_loop3A_158 = arith.addi %parallel_loop3A_119, %parallel_loop3A_157 : vector<16xi32>
      %parallel_loop3A_159 = tpu.vector_load_idx %arg5[%parallel_loop3A_158] : memref<60xf32, #tpu.memory_space<vmem>>[vector<16xi32>], vector<16xf32>,
      %parallel_loop3A_160 = arith.constant 16 : i32
      %parallel_loop3A_161 = arith.muli %parallel_loop3A_108, %parallel_loop3A_160 : i32
      %parallel_loop3A_162 = arith.constant 3 : i32
      %parallel_loop3A_163 = arith.index_cast %parallel_loop3A_162 : i32 to index
      %parallel_loop3A_164 = arith.index_cast %parallel_loop3A_106 : i32 to index
      %parallel_loop3A_165 = arith.index_cast %parallel_loop3A_102 : i32 to index
      %parallel_loop3A_166 = arith.index_cast %parallel_loop3A_161 : i32 to index
      %parallel_loop3A_167 = tpu.vector_load %arg8[%parallel_loop3A_163, %parallel_loop3A_164, %parallel_loop3A_165, %parallel_loop3A_166] {strides = array<i32>} : memref<20x2x8x128xf32, #tpu.memory_space<vmem>>, vector<16xf32>,
      tpu.vector_store %arg8[%parallel_loop3A_163, %parallel_loop3A_164, %parallel_loop3A_165, %parallel_loop3A_166], %parallel_loop3A_159 {strides = array<i32>} : memref<20x2x8x128xf32, #tpu.memory_space<vmem>>, vector<16xf32>,
      %parallel_loop3A_168 = arith.constant 4 : i32
      %parallel_loop3A_169 = vector.broadcast %parallel_loop3A_168 : i32 to vector<16xi32>
      %parallel_loop3A_170 = arith.addi %parallel_loop3A_119, %parallel_loop3A_169 : vector<16xi32>
      %parallel_loop3A_171 = tpu.vector_load_idx %arg5[%parallel_loop3A_170] : memref<60xf32, #tpu.memory_space<vmem>>[vector<16xi32>], vector<16xf32>,
      %parallel_loop3A_172 = arith.constant 16 : i32
      %parallel_loop3A_173 = arith.muli %parallel_loop3A_108, %parallel_loop3A_172 : i32
      %parallel_loop3A_174 = arith.constant 4 : i32
      %parallel_loop3A_175 = arith.index_cast %parallel_loop3A_174 : i32 to index
      %parallel_loop3A_176 = arith.index_cast %parallel_loop3A_106 : i32 to index
      %parallel_loop3A_177 = arith.index_cast %parallel_loop3A_102 : i32 to index
      %parallel_loop3A_178 = arith.index_cast %parallel_loop3A_173 : i32 to index
      %parallel_loop3A_179 = tpu.vector_load %arg8[%parallel_loop3A_175, %parallel_loop3A_176, %parallel_loop3A_177, %parallel_loop3A_178] {strides = array<i32>} : memref<20x2x8x128xf32, #tpu.memory_space<vmem>>, vector<16xf32>,
      tpu.vector_store %arg8[%parallel_loop3A_175, %parallel_loop3A_176, %parallel_loop3A_177, %parallel_loop3A_178], %parallel_loop3A_171 {strides = array<i32>} : memref<20x2x8x128xf32, #tpu.memory_space<vmem>>, vector<16xf32>,
      %parallel_loop3A_180 = arith.constant 5 : i32
      %parallel_loop3A_181 = vector.broadcast %parallel_loop3A_180 : i32 to vector<16xi32>
      %parallel_loop3A_182 = arith.addi %parallel_loop3A_119, %parallel_loop3A_181 : vector<16xi32>
      %parallel_loop3A_183 = tpu.vector_load_idx %arg5[%parallel_loop3A_182] : memref<60xf32, #tpu.memory_space<vmem>>[vector<16xi32>], vector<16xf32>,
      %parallel_loop3A_184 = arith.constant 16 : i32
      %parallel_loop3A_185 = arith.muli %parallel_loop3A_108, %parallel_loop3A_184 : i32
      %parallel_loop3A_186 = arith.constant 5 : i32
      %parallel_loop3A_187 = arith.index_cast %parallel_loop3A_186 : i32 to index
      %parallel_loop3A_188 = arith.index_cast %parallel_loop3A_106 : i32 to index
      %parallel_loop3A_189 = arith.index_cast %parallel_loop3A_102 : i32 to index
      %parallel_loop3A_190 = arith.index_cast %parallel_loop3A_185 : i32 to index
      %parallel_loop3A_191 = tpu.vector_load %arg8[%parallel_loop3A_187, %parallel_loop3A_188, %parallel_loop3A_189, %parallel_loop3A_190] {strides = array<i32>} : memref<20x2x8x128xf32, #tpu.memory_space<vmem>>, vector<16xf32>,
      tpu.vector_store %arg8[%parallel_loop3A_187, %parallel_loop3A_188, %parallel_loop3A_189, %parallel_loop3A_190], %parallel_loop3A_183 {strides = array<i32>} : memref<20x2x8x128xf32, #tpu.memory_space<vmem>>, vector<16xf32>,
      %parallel_loop3A_192 = arith.constant 6 : i32
      %parallel_loop3A_193 = vector.broadcast %parallel_loop3A_192 : i32 to vector<16xi32>
      %parallel_loop3A_194 = arith.addi %parallel_loop3A_119, %parallel_loop3A_193 : vector<16xi32>
      %parallel_loop3A_195 = tpu.vector_load_idx %arg5[%parallel_loop3A_194] : memref<60xf32, #tpu.memory_space<vmem>>[vector<16xi32>], vector<16xf32>,
      %parallel_loop3A_196 = arith.constant 16 : i32
      %parallel_loop3A_197 = arith.muli %parallel_loop3A_108, %parallel_loop3A_196 : i32
      %parallel_loop3A_198 = arith.constant 6 : i32
      %parallel_loop3A_199 = arith.index_cast %parallel_loop3A_198 : i32 to index
      %parallel_loop3A_200 = arith.index_cast %parallel_loop3A_106 : i32 to index
      %parallel_loop3A_201 = arith.index_cast %parallel_loop3A_102 : i32 to index
      %parallel_loop3A_202 = arith.index_cast %parallel_loop3A_197 : i32 to index
      %parallel_loop3A_203 = tpu.vector_load %arg8[%parallel_loop3A_199, %parallel_loop3A_200, %parallel_loop3A_201, %parallel_loop3A_202] {strides = array<i32>} : memref<20x2x8x128xf32, #tpu.memory_space<vmem>>, vector<16xf32>,
      tpu.vector_store %arg8[%parallel_loop3A_199, %parallel_loop3A_200, %parallel_loop3A_201, %parallel_loop3A_202], %parallel_loop3A_195 {strides = array<i32>} : memref<20x2x8x128xf32, #tpu.memory_space<vmem>>, vector<16xf32>,
      %parallel_loop3A_204 = arith.constant 7 : i32
      %parallel_loop3A_205 = vector.broadcast %parallel_loop3A_204 : i32 to vector<16xi32>
      %parallel_loop3A_206 = arith.addi %parallel_loop3A_119, %parallel_loop3A_205 : vector<16xi32>
      %parallel_loop3A_207 = tpu.vector_load_idx %arg5[%parallel_loop3A_206] : memref<60xf32, #tpu.memory_space<vmem>>[vector<16xi32>], vector<16xf32>,
      %parallel_loop3A_208 = arith.constant 16 : i32
      %parallel_loop3A_209 = arith.muli %parallel_loop3A_108, %parallel_loop3A_208 : i32
      %parallel_loop3A_210 = arith.constant 7 : i32
      %parallel_loop3A_211 = arith.index_cast %parallel_loop3A_210 : i32 to index
      %parallel_loop3A_212 = arith.index_cast %parallel_loop3A_106 : i32 to index
      %parallel_loop3A_213 = arith.index_cast %parallel_loop3A_102 : i32 to index
      %parallel_loop3A_214 = arith.index_cast %parallel_loop3A_209 : i32 to index
      %parallel_loop3A_215 = tpu.vector_load %arg8[%parallel_loop3A_211, %parallel_loop3A_212, %parallel_loop3A_213, %parallel_loop3A_214] {strides = array<i32>} : memref<20x2x8x128xf32, #tpu.memory_space<vmem>>, vector<16xf32>,
      tpu.vector_store %arg8[%parallel_loop3A_211, %parallel_loop3A_212, %parallel_loop3A_213, %parallel_loop3A_214], %parallel_loop3A_207 {strides = array<i32>} : memref<20x2x8x128xf32, #tpu.memory_space<vmem>>, vector<16xf32>,
      %parallel_loop3A_216 = arith.constant 8 : i32
      %parallel_loop3A_217 = vector.broadcast %parallel_loop3A_216 : i32 to vector<16xi32>
      %parallel_loop3A_218 = arith.addi %parallel_loop3A_119, %parallel_loop3A_217 : vector<16xi32>
      %parallel_loop3A_219 = tpu.vector_load_idx %arg5[%parallel_loop3A_218] : memref<60xf32, #tpu.memory_space<vmem>>[vector<16xi32>], vector<16xf32>,
      %parallel_loop3A_220 = arith.constant 16 : i32
      %parallel_loop3A_221 = arith.muli %parallel_loop3A_108, %parallel_loop3A_220 : i32
      %parallel_loop3A_222 = arith.constant 8 : i32
      %parallel_loop3A_223 = arith.index_cast %parallel_loop3A_222 : i32 to index
      %parallel_loop3A_224 = arith.index_cast %parallel_loop3A_106 : i32 to index
      %parallel_loop3A_225 = arith.index_cast %parallel_loop3A_102 : i32 to index
      %parallel_loop3A_226 = arith.index_cast %parallel_loop3A_221 : i32 to index
      %parallel_loop3A_227 = tpu.vector_load %arg8[%parallel_loop3A_223, %parallel_loop3A_224, %parallel_loop3A_225, %parallel_loop3A_226] {strides = array<i32>} : memref<20x2x8x128xf32, #tpu.memory_space<vmem>>, vector<16xf32>,
      tpu.vector_store %arg8[%parallel_loop3A_223, %parallel_loop3A_224, %parallel_loop3A_225, %parallel_loop3A_226], %parallel_loop3A_219 {strides = array<i32>} : memref<20x2x8x128xf32, #tpu.memory_space<vmem>>, vector<16xf32>,
      %parallel_loop3A_228 = arith.constant 9 : i32
      %parallel_loop3A_229 = vector.broadcast %parallel_loop3A_228 : i32 to vector<16xi32>
      %parallel_loop3A_230 = arith.addi %parallel_loop3A_119, %parallel_loop3A_229 : vector<16xi32>
      %parallel_loop3A_231 = tpu.vector_load_idx %arg5[%parallel_loop3A_230] : memref<60xf32, #tpu.memory_space<vmem>>[vector<16xi32>], vector<16xf32>,
      %parallel_loop3A_232 = arith.constant 16 : i32
      %parallel_loop3A_233 = arith.muli %parallel_loop3A_108, %parallel_loop3A_232 : i32
      %parallel_loop3A_234 = arith.constant 9 : i32
      %parallel_loop3A_235 = arith.index_cast %parallel_loop3A_234 : i32 to index
      %parallel_loop3A_236 = arith.index_cast %parallel_loop3A_106 : i32 to index
      %parallel_loop3A_237 = arith.index_cast %parallel_loop3A_102 : i32 to index
      %parallel_loop3A_238 = arith.index_cast %parallel_loop3A_233 : i32 to index
      %parallel_loop3A_239 = tpu.vector_load %arg8[%parallel_loop3A_235, %parallel_loop3A_236, %parallel_loop3A_237, %parallel_loop3A_238] {strides = array<i32>} : memref<20x2x8x128xf32, #tpu.memory_space<vmem>>, vector<16xf32>,
      tpu.vector_store %arg8[%parallel_loop3A_235, %parallel_loop3A_236, %parallel_loop3A_237, %parallel_loop3A_238], %parallel_loop3A_231 {strides = array<i32>} : memref<20x2x8x128xf32, #tpu.memory_space<vmem>>, vector<16xf32>,
      %parallel_loop3A_240 = arith.constant 10 : i32
      %parallel_loop3A_241 = vector.broadcast %parallel_loop3A_240 : i32 to vector<16xi32>
      %parallel_loop3A_242 = arith.addi %parallel_loop3A_119, %parallel_loop3A_241 : vector<16xi32>
      %parallel_loop3A_243 = tpu.vector_load_idx %arg5[%parallel_loop3A_242] : memref<60xf32, #tpu.memory_space<vmem>>[vector<16xi32>], vector<16xf32>,
      %parallel_loop3A_244 = arith.constant 16 : i32
      %parallel_loop3A_245 = arith.muli %parallel_loop3A_108, %parallel_loop3A_244 : i32
      %parallel_loop3A_246 = arith.constant 10 : i32
      %parallel_loop3A_247 = arith.index_cast %parallel_loop3A_246 : i32 to index
      %parallel_loop3A_248 = arith.index_cast %parallel_loop3A_106 : i32 to index
      %parallel_loop3A_249 = arith.index_cast %parallel_loop3A_102 : i32 to index
      %parallel_loop3A_250 = arith.index_cast %parallel_loop3A_245 : i32 to index
      %parallel_loop3A_251 = tpu.vector_load %arg8[%parallel_loop3A_247, %parallel_loop3A_248, %parallel_loop3A_249, %parallel_loop3A_250] {strides = array<i32>} : memref<20x2x8x128xf32, #tpu.memory_space<vmem>>, vector<16xf32>,
      tpu.vector_store %arg8[%parallel_loop3A_247, %parallel_loop3A_248, %parallel_loop3A_249, %parallel_loop3A_250], %parallel_loop3A_243 {strides = array<i32>} : memref<20x2x8x128xf32, #tpu.memory_space<vmem>>, vector<16xf32>,
      %parallel_loop3A_252 = arith.constant 11 : i32
      %parallel_loop3A_253 = vector.broadcast %parallel_loop3A_252 : i32 to vector<16xi32>
      %parallel_loop3A_254 = arith.addi %parallel_loop3A_119, %parallel_loop3A_253 : vector<16xi32>
      %parallel_loop3A_255 = tpu.vector_load_idx %arg5[%parallel_loop3A_254] : memref<60xf32, #tpu.memory_space<vmem>>[vector<16xi32>], vector<16xf32>,
      %parallel_loop3A_256 = arith.constant 16 : i32
      %parallel_loop3A_257 = arith.muli %parallel_loop3A_108, %parallel_loop3A_256 : i32
      %parallel_loop3A_258 = arith.constant 11 : i32
      %parallel_loop3A_259 = arith.index_cast %parallel_loop3A_258 : i32 to index
      %parallel_loop3A_260 = arith.index_cast %parallel_loop3A_106 : i32 to index
      %parallel_loop3A_261 = arith.index_cast %parallel_loop3A_102 : i32 to index
      %parallel_loop3A_262 = arith.index_cast %parallel_loop3A_257 : i32 to index
      %parallel_loop3A_263 = tpu.vector_load %arg8[%parallel_loop3A_259, %parallel_loop3A_260, %parallel_loop3A_261, %parallel_loop3A_262] {strides = array<i32>} : memref<20x2x8x128xf32, #tpu.memory_space<vmem>>, vector<16xf32>,
      tpu.vector_store %arg8[%parallel_loop3A_259, %parallel_loop3A_260, %parallel_loop3A_261, %parallel_loop3A_262], %parallel_loop3A_255 {strides = array<i32>} : memref<20x2x8x128xf32, #tpu.memory_space<vmem>>, vector<16xf32>,
      %parallel_loop3A_264 = arith.constant 12 : i32
      %parallel_loop3A_265 = vector.broadcast %parallel_loop3A_264 : i32 to vector<16xi32>
      %parallel_loop3A_266 = arith.addi %parallel_loop3A_119, %parallel_loop3A_265 : vector<16xi32>
      %parallel_loop3A_267 = tpu.vector_load_idx %arg5[%parallel_loop3A_266] : memref<60xf32, #tpu.memory_space<vmem>>[vector<16xi32>], vector<16xf32>,
      %parallel_loop3A_268 = arith.constant 16 : i32
      %parallel_loop3A_269 = arith.muli %parallel_loop3A_108, %parallel_loop3A_268 : i32
      %parallel_loop3A_270 = arith.constant 12 : i32
      %parallel_loop3A_271 = arith.index_cast %parallel_loop3A_270 : i32 to index
      %parallel_loop3A_272 = arith.index_cast %parallel_loop3A_106 : i32 to index
      %parallel_loop3A_273 = arith.index_cast %parallel_loop3A_102 : i32 to index
      %parallel_loop3A_274 = arith.index_cast %parallel_loop3A_269 : i32 to index
      %parallel_loop3A_275 = tpu.vector_load %arg8[%parallel_loop3A_271, %parallel_loop3A_272, %parallel_loop3A_273, %parallel_loop3A_274] {strides = array<i32>} : memref<20x2x8x128xf32, #tpu.memory_space<vmem>>, vector<16xf32>,
      tpu.vector_store %arg8[%parallel_loop3A_271, %parallel_loop3A_272, %parallel_loop3A_273, %parallel_loop3A_274], %parallel_loop3A_267 {strides = array<i32>} : memref<20x2x8x128xf32, #tpu.memory_space<vmem>>, vector<16xf32>,
      %parallel_loop3A_276 = arith.constant 13 : i32
      %parallel_loop3A_277 = vector.broadcast %parallel_loop3A_276 : i32 to vector<16xi32>
      %parallel_loop3A_278 = arith.addi %parallel_loop3A_119, %parallel_loop3A_277 : vector<16xi32>
      %parallel_loop3A_279 = tpu.vector_load_idx %arg5[%parallel_loop3A_278] : memref<60xf32, #tpu.memory_space<vmem>>[vector<16xi32>], vector<16xf32>,
      %parallel_loop3A_280 = arith.constant 16 : i32
      %parallel_loop3A_281 = arith.muli %parallel_loop3A_108, %parallel_loop3A_280 : i32
      %parallel_loop3A_282 = arith.constant 13 : i32
      %parallel_loop3A_283 = arith.index_cast %parallel_loop3A_282 : i32 to index
      %parallel_loop3A_284 = arith.index_cast %parallel_loop3A_106 : i32 to index
      %parallel_loop3A_285 = arith.index_cast %parallel_loop3A_102 : i32 to index
      %parallel_loop3A_286 = arith.index_cast %parallel_loop3A_281 : i32 to index
      %parallel_loop3A_287 = tpu.vector_load %arg8[%parallel_loop3A_283, %parallel_loop3A_284, %parallel_loop3A_285, %parallel_loop3A_286] {strides = array<i32>} : memref<20x2x8x128xf32, #tpu.memory_space<vmem>>, vector<16xf32>,
      tpu.vector_store %arg8[%parallel_loop3A_283, %parallel_loop3A_284, %parallel_loop3A_285, %parallel_loop3A_286], %parallel_loop3A_279 {strides = array<i32>} : memref<20x2x8x128xf32, #tpu.memory_space<vmem>>, vector<16xf32>,
      %parallel_loop3A_288 = arith.constant 14 : i32
      %parallel_loop3A_289 = vector.broadcast %parallel_loop3A_288 : i32 to vector<16xi32>
      %parallel_loop3A_290 = arith.addi %parallel_loop3A_119, %parallel_loop3A_289 : vector<16xi32>
      %parallel_loop3A_291 = tpu.vector_load_idx %arg5[%parallel_loop3A_290] : memref<60xf32, #tpu.memory_space<vmem>>[vector<16xi32>], vector<16xf32>,
      %parallel_loop3A_292 = arith.constant 16 : i32
      %parallel_loop3A_293 = arith.muli %parallel_loop3A_108, %parallel_loop3A_292 : i32
      %parallel_loop3A_294 = arith.constant 14 : i32
      %parallel_loop3A_295 = arith.index_cast %parallel_loop3A_294 : i32 to index
      %parallel_loop3A_296 = arith.index_cast %parallel_loop3A_106 : i32 to index
      %parallel_loop3A_297 = arith.index_cast %parallel_loop3A_102 : i32 to index
      %parallel_loop3A_298 = arith.index_cast %parallel_loop3A_293 : i32 to index
      %parallel_loop3A_299 = tpu.vector_load %arg8[%parallel_loop3A_295, %parallel_loop3A_296, %parallel_loop3A_297, %parallel_loop3A_298] {strides = array<i32>} : memref<20x2x8x128xf32, #tpu.memory_space<vmem>>, vector<16xf32>,
      tpu.vector_store %arg8[%parallel_loop3A_295, %parallel_loop3A_296, %parallel_loop3A_297, %parallel_loop3A_298], %parallel_loop3A_291 {strides = array<i32>} : memref<20x2x8x128xf32, #tpu.memory_space<vmem>>, vector<16xf32>,
      %parallel_loop3A_300 = arith.constant 15 : i32
      %parallel_loop3A_301 = vector.broadcast %parallel_loop3A_300 : i32 to vector<16xi32>
      %parallel_loop3A_302 = arith.addi %parallel_loop3A_119, %parallel_loop3A_301 : vector<16xi32>
      %parallel_loop3A_303 = tpu.vector_load_idx %arg5[%parallel_loop3A_302] : memref<60xf32, #tpu.memory_space<vmem>>[vector<16xi32>], vector<16xf32>,
      %parallel_loop3A_304 = arith.constant 16 : i32
      %parallel_loop3A_305 = arith.muli %parallel_loop3A_108, %parallel_loop3A_304 : i32
      %parallel_loop3A_306 = arith.constant 15 : i32
      %parallel_loop3A_307 = arith.index_cast %parallel_loop3A_306 : i32 to index
      %parallel_loop3A_308 = arith.index_cast %parallel_loop3A_106 : i32 to index
      %parallel_loop3A_309 = arith.index_cast %parallel_loop3A_102 : i32 to index
      %parallel_loop3A_310 = arith.index_cast %parallel_loop3A_305 : i32 to index
      %parallel_loop3A_311 = tpu.vector_load %arg8[%parallel_loop3A_307, %parallel_loop3A_308, %parallel_loop3A_309, %parallel_loop3A_310] {strides = array<i32>} : memref<20x2x8x128xf32, #tpu.memory_space<vmem>>, vector<16xf32>,
      tpu.vector_store %arg8[%parallel_loop3A_307, %parallel_loop3A_308, %parallel_loop3A_309, %parallel_loop3A_310], %parallel_loop3A_303 {strides = array<i32>} : memref<20x2x8x128xf32, #tpu.memory_space<vmem>>, vector<16xf32>,
      %parallel_loop3A_312 = arith.constant 16 : i32
      %parallel_loop3A_313 = vector.broadcast %parallel_loop3A_312 : i32 to vector<16xi32>
      %parallel_loop3A_314 = arith.addi %parallel_loop3A_119, %parallel_loop3A_313 : vector<16xi32>
      %parallel_loop3A_315 = tpu.vector_load_idx %arg5[%parallel_loop3A_314] : memref<60xf32, #tpu.memory_space<vmem>>[vector<16xi32>], vector<16xf32>,
      %parallel_loop3A_316 = arith.constant 16 : i32
      %parallel_loop3A_317 = arith.muli %parallel_loop3A_108, %parallel_loop3A_316 : i32
      %parallel_loop3A_318 = arith.constant 16 : i32
      %parallel_loop3A_319 = arith.index_cast %parallel_loop3A_318 : i32 to index
      %parallel_loop3A_320 = arith.index_cast %parallel_loop3A_106 : i32 to index
      %parallel_loop3A_321 = arith.index_cast %parallel_loop3A_102 : i32 to index
      %parallel_loop3A_322 = arith.index_cast %parallel_loop3A_317 : i32 to index
      %parallel_loop3A_323 = tpu.vector_load %arg8[%parallel_loop3A_319, %parallel_loop3A_320, %parallel_loop3A_321, %parallel_loop3A_322] {strides = array<i32>} : memref<20x2x8x128xf32, #tpu.memory_space<vmem>>, vector<16xf32>,
      tpu.vector_store %arg8[%parallel_loop3A_319, %parallel_loop3A_320, %parallel_loop3A_321, %parallel_loop3A_322], %parallel_loop3A_315 {strides = array<i32>} : memref<20x2x8x128xf32, #tpu.memory_space<vmem>>, vector<16xf32>,
      %parallel_loop3A_324 = arith.constant 17 : i32
      %parallel_loop3A_325 = vector.broadcast %parallel_loop3A_324 : i32 to vector<16xi32>
      %parallel_loop3A_326 = arith.addi %parallel_loop3A_119, %parallel_loop3A_325 : vector<16xi32>
      %parallel_loop3A_327 = tpu.vector_load_idx %arg5[%parallel_loop3A_326] : memref<60xf32, #tpu.memory_space<vmem>>[vector<16xi32>], vector<16xf32>,
      %parallel_loop3A_328 = arith.constant 16 : i32
      %parallel_loop3A_329 = arith.muli %parallel_loop3A_108, %parallel_loop3A_328 : i32
      %parallel_loop3A_330 = arith.constant 17 : i32
      %parallel_loop3A_331 = arith.index_cast %parallel_loop3A_330 : i32 to index
      %parallel_loop3A_332 = arith.index_cast %parallel_loop3A_106 : i32 to index
      %parallel_loop3A_333 = arith.index_cast %parallel_loop3A_102 : i32 to index
      %parallel_loop3A_334 = arith.index_cast %parallel_loop3A_329 : i32 to index
      %parallel_loop3A_335 = tpu.vector_load %arg8[%parallel_loop3A_331, %parallel_loop3A_332, %parallel_loop3A_333, %parallel_loop3A_334] {strides = array<i32>} : memref<20x2x8x128xf32, #tpu.memory_space<vmem>>, vector<16xf32>,
      tpu.vector_store %arg8[%parallel_loop3A_331, %parallel_loop3A_332, %parallel_loop3A_333, %parallel_loop3A_334], %parallel_loop3A_327 {strides = array<i32>} : memref<20x2x8x128xf32, #tpu.memory_space<vmem>>, vector<16xf32>,
      %parallel_loop3A_336 = arith.constant 18 : i32
      %parallel_loop3A_337 = vector.broadcast %parallel_loop3A_336 : i32 to vector<16xi32>
      %parallel_loop3A_338 = arith.addi %parallel_loop3A_119, %parallel_loop3A_337 : vector<16xi32>
      %parallel_loop3A_339 = tpu.vector_load_idx %arg5[%parallel_loop3A_338] : memref<60xf32, #tpu.memory_space<vmem>>[vector<16xi32>], vector<16xf32>,
      %parallel_loop3A_340 = arith.constant 16 : i32
      %parallel_loop3A_341 = arith.muli %parallel_loop3A_108, %parallel_loop3A_340 : i32
      %parallel_loop3A_342 = arith.constant 18 : i32
      %parallel_loop3A_343 = arith.index_cast %parallel_loop3A_342 : i32 to index
      %parallel_loop3A_344 = arith.index_cast %parallel_loop3A_106 : i32 to index
      %parallel_loop3A_345 = arith.index_cast %parallel_loop3A_102 : i32 to index
      %parallel_loop3A_346 = arith.index_cast %parallel_loop3A_341 : i32 to index
      %parallel_loop3A_347 = tpu.vector_load %arg8[%parallel_loop3A_343, %parallel_loop3A_344, %parallel_loop3A_345, %parallel_loop3A_346] {strides = array<i32>} : memref<20x2x8x128xf32, #tpu.memory_space<vmem>>, vector<16xf32>,
      tpu.vector_store %arg8[%parallel_loop3A_343, %parallel_loop3A_344, %parallel_loop3A_345, %parallel_loop3A_346], %parallel_loop3A_339 {strides = array<i32>} : memref<20x2x8x128xf32, #tpu.memory_space<vmem>>, vector<16xf32>,
      %parallel_loop3A_348 = arith.constant 19 : i32
      %parallel_loop3A_349 = vector.broadcast %parallel_loop3A_348 : i32 to vector<16xi32>
      %parallel_loop3A_350 = arith.addi %parallel_loop3A_119, %parallel_loop3A_349 : vector<16xi32>
      %parallel_loop3A_351 = tpu.vector_load_idx %arg5[%parallel_loop3A_350] : memref<60xf32, #tpu.memory_space<vmem>>[vector<16xi32>], vector<16xf32>,
      %parallel_loop3A_352 = arith.constant 16 : i32
      %parallel_loop3A_353 = arith.muli %parallel_loop3A_108, %parallel_loop3A_352 : i32
      %parallel_loop3A_354 = arith.constant 19 : i32
      %parallel_loop3A_355 = arith.index_cast %parallel_loop3A_354 : i32 to index
      %parallel_loop3A_356 = arith.index_cast %parallel_loop3A_106 : i32 to index
      %parallel_loop3A_357 = arith.index_cast %parallel_loop3A_102 : i32 to index
      %parallel_loop3A_358 = arith.index_cast %parallel_loop3A_353 : i32 to index
      %parallel_loop3A_359 = tpu.vector_load %arg8[%parallel_loop3A_355, %parallel_loop3A_356, %parallel_loop3A_357, %parallel_loop3A_358] {strides = array<i32>} : memref<20x2x8x128xf32, #tpu.memory_space<vmem>>, vector<16xf32>,
      tpu.vector_store %arg8[%parallel_loop3A_355, %parallel_loop3A_356, %parallel_loop3A_357, %parallel_loop3A_358], %parallel_loop3A_351 {strides = array<i32>} : memref<20x2x8x128xf32, #tpu.memory_space<vmem>>, vector<16xf32>,
    } {sc.loop_unroll_factor = 1 : i64, sc.parallel_access}
    %add3A_31 = arith.constant 0 : i32
    %add3A_32 = arith.addi %mul3A_2, %add3A_31 : i32
    %dma_start3A_33 = arith.constant 0 : i32
    %dma_start3A_34 = arith.constant 0 : i32
    %dma_start3A_35 = arith.constant 0 : i32
    %dma_start3A_36 = arith.constant 0 : i32
    %dma_start3A_37 = tpu.memref_slice %arg4[%dma_start3A_34, %dma_start3A_33, %add3A_32, %dma_start3A_35, %dma_start3A_36] : memref<20x25x128x8x128xf32, #tpu.memory_space<hbm>> -> memref<20x1x2x8x128xf32, #tpu.memory_space<hbm>>
    %dma_start3A_38 = tpu.memref_squeeze %dma_start3A_37 : memref<20x1x2x8x128xf32, #tpu.memory_space<hbm>> -> memref<20x2x8x128xf32, #tpu.memory_space<hbm>>
    %dma_start3A_39 = arith.constant 0 : i32
    %dma_start3A_40 = arith.constant 0 : i32
    %dma_start3A_41 = arith.constant 0 : i32
    %dma_start3A_42 = tpu.memref_slice %arg4[%dma_start3A_39, %dma_start3A_33, %add3A_32, %dma_start3A_40, %dma_start3A_41] : memref<20x25x128x8x128xf32, #tpu.memory_space<hbm>> -> memref<20x1x2x8x128xf32, #tpu.memory_space<hbm>>
    %dma_start3A_43 = tpu.memref_squeeze %dma_start3A_42 : memref<20x1x2x8x128xf32, #tpu.memory_space<hbm>> -> memref<20x2x8x128xf32, #tpu.memory_space<hbm>>
    tpu.enqueue_dma source(%arg8 : memref<20x2x8x128xf32, #tpu.memory_space<vmem>>) target(%dma_start3A_43 : memref<20x2x8x128xf32, #tpu.memory_space<hbm>>) target_semaphore(%arg12 : memref<!tpu.dma_semaphore, #tpu.memory_space<semaphore_mem>>)
    %parallel_loop3A_44 = arith.constant 0 : i32
    %parallel_loop3A_45 = arith.constant 128 : i32
    %parallel_loop3A_46 = arith.constant 1 : i32
    scf.for %parallel_loop3A_100 = %parallel_loop3A_44 to %parallel_loop3A_45 step %parallel_loop3A_46  : i32 {
      %parallel_loop3A_101 = arith.constant 4 : i32
      %parallel_loop3A_102 = arith.shrui %parallel_loop3A_100, %parallel_loop3A_101 : i32
      %parallel_loop3A_103 = arith.constant 15 : i32
      %parallel_loop3A_104 = arith.andi %parallel_loop3A_100, %parallel_loop3A_103 : i32
      %parallel_loop3A_105 = arith.constant 3 : i32
      %parallel_loop3A_106 = arith.shrui %parallel_loop3A_104, %parallel_loop3A_105 : i32
      %parallel_loop3A_107 = arith.constant 7 : i32
      %parallel_loop3A_108 = arith.andi %parallel_loop3A_104, %parallel_loop3A_107 : i32
      %parallel_loop3A_109 = arith.constant 2 : i32
      %parallel_loop3A_110 = arith.addi %parallel_loop3A_109, %parallel_loop3A_106 : i32
      %parallel_loop3A_111 = arith.constant 16 : i32
      %parallel_loop3A_112 = arith.muli %parallel_loop3A_108, %parallel_loop3A_111 : i32
      %parallel_loop3A_113 = arith.index_cast %parallel_loop3A_110 : i32 to index
      %parallel_loop3A_114 = arith.index_cast %parallel_loop3A_102 : i32 to index
      %parallel_loop3A_115 = arith.index_cast %parallel_loop3A_112 : i32 to index
      %parallel_loop3A_116 = tpu.vector_load %arg6[%parallel_loop3A_113, %parallel_loop3A_114, %parallel_loop3A_115] {strides = array<i32>} : memref<4x8x128xi32, #tpu.memory_space<vmem>>, vector<16xi32>,
      %parallel_loop3A_117 = arith.constant 20 : i32
      %parallel_loop3A_118 = vector.broadcast %parallel_loop3A_117 : i32 to vector<16xi32>
      %parallel_loop3A_119 = arith.muli %parallel_loop3A_116, %parallel_loop3A_118 : vector<16xi32>
      %parallel_loop3A_120 = arith.constant 0 : i32
      %parallel_loop3A_121 = vector.broadcast %parallel_loop3A_120 : i32 to vector<16xi32>
      %parallel_loop3A_122 = arith.addi %parallel_loop3A_119, %parallel_loop3A_121 : vector<16xi32>
      %parallel_loop3A_123 = tpu.vector_load_idx %arg5[%parallel_loop3A_122] : memref<60xf32, #tpu.memory_space<vmem>>[vector<16xi32>], vector<16xf32>,
      %parallel_loop3A_124 = arith.constant 16 : i32
      %parallel_loop3A_125 = arith.muli %parallel_loop3A_108, %parallel_loop3A_124 : i32
      %parallel_loop3A_126 = arith.constant 0 : i32
      %parallel_loop3A_127 = arith.index_cast %parallel_loop3A_126 : i32 to index
      %parallel_loop3A_128 = arith.index_cast %parallel_loop3A_106 : i32 to index
      %parallel_loop3A_129 = arith.index_cast %parallel_loop3A_102 : i32 to index
      %parallel_loop3A_130 = arith.index_cast %parallel_loop3A_125 : i32 to index
      %parallel_loop3A_131 = tpu.vector_load %arg9[%parallel_loop3A_127, %parallel_loop3A_128, %parallel_loop3A_129, %parallel_loop3A_130] {strides = array<i32>} : memref<20x2x8x128xf32, #tpu.memory_space<vmem>>, vector<16xf32>,
      tpu.vector_store %arg9[%parallel_loop3A_127, %parallel_loop3A_128, %parallel_loop3A_129, %parallel_loop3A_130], %parallel_loop3A_123 {strides = array<i32>} : memref<20x2x8x128xf32, #tpu.memory_space<vmem>>, vector<16xf32>,
      %parallel_loop3A_132 = arith.constant 1 : i32
      %parallel_loop3A_133 = vector.broadcast %parallel_loop3A_132 : i32 to vector<16xi32>
      %parallel_loop3A_134 = arith.addi %parallel_loop3A_119, %parallel_loop3A_133 : vector<16xi32>
      %parallel_loop3A_135 = tpu.vector_load_idx %arg5[%parallel_loop3A_134] : memref<60xf32, #tpu.memory_space<vmem>>[vector<16xi32>], vector<16xf32>,
      %parallel_loop3A_136 = arith.constant 16 : i32
      %parallel_loop3A_137 = arith.muli %parallel_loop3A_108, %parallel_loop3A_136 : i32
      %parallel_loop3A_138 = arith.constant 1 : i32
      %parallel_loop3A_139 = arith.index_cast %parallel_loop3A_138 : i32 to index
      %parallel_loop3A_140 = arith.index_cast %parallel_loop3A_106 : i32 to index
      %parallel_loop3A_141 = arith.index_cast %parallel_loop3A_102 : i32 to index
      %parallel_loop3A_142 = arith.index_cast %parallel_loop3A_137 : i32 to index
      %parallel_loop3A_143 = tpu.vector_load %arg9[%parallel_loop3A_139, %parallel_loop3A_140, %parallel_loop3A_141, %parallel_loop3A_142] {strides = array<i32>} : memref<20x2x8x128xf32, #tpu.memory_space<vmem>>, vector<16xf32>,
      tpu.vector_store %arg9[%parallel_loop3A_139, %parallel_loop3A_140, %parallel_loop3A_141, %parallel_loop3A_142], %parallel_loop3A_135 {strides = array<i32>} : memref<20x2x8x128xf32, #tpu.memory_space<vmem>>, vector<16xf32>,
      %parallel_loop3A_144 = arith.constant 2 : i32
      %parallel_loop3A_145 = vector.broadcast %parallel_loop3A_144 : i32 to vector<16xi32>
      %parallel_loop3A_146 = arith.addi %parallel_loop3A_119, %parallel_loop3A_145 : vector<16xi32>
      %parallel_loop3A_147 = tpu.vector_load_idx %arg5[%parallel_loop3A_146] : memref<60xf32, #tpu.memory_space<vmem>>[vector<16xi32>], vector<16xf32>,
      %parallel_loop3A_148 = arith.constant 16 : i32
      %parallel_loop3A_149 = arith.muli %parallel_loop3A_108, %parallel_loop3A_148 : i32
      %parallel_loop3A_150 = arith.constant 2 : i32
      %parallel_loop3A_151 = arith.index_cast %parallel_loop3A_150 : i32 to index
      %parallel_loop3A_152 = arith.index_cast %parallel_loop3A_106 : i32 to index
      %parallel_loop3A_153 = arith.index_cast %parallel_loop3A_102 : i32 to index
      %parallel_loop3A_154 = arith.index_cast %parallel_loop3A_149 : i32 to index
      %parallel_loop3A_155 = tpu.vector_load %arg9[%parallel_loop3A_151, %parallel_loop3A_152, %parallel_loop3A_153, %parallel_loop3A_154] {strides = array<i32>} : memref<20x2x8x128xf32, #tpu.memory_space<vmem>>, vector<16xf32>,
      tpu.vector_store %arg9[%parallel_loop3A_151, %parallel_loop3A_152, %parallel_loop3A_153, %parallel_loop3A_154], %parallel_loop3A_147 {strides = array<i32>} : memref<20x2x8x128xf32, #tpu.memory_space<vmem>>, vector<16xf32>,
      %parallel_loop3A_156 = arith.constant 3 : i32
      %parallel_loop3A_157 = vector.broadcast %parallel_loop3A_156 : i32 to vector<16xi32>
      %parallel_loop3A_158 = arith.addi %parallel_loop3A_119, %parallel_loop3A_157 : vector<16xi32>
      %parallel_loop3A_159 = tpu.vector_load_idx %arg5[%parallel_loop3A_158] : memref<60xf32, #tpu.memory_space<vmem>>[vector<16xi32>], vector<16xf32>,
      %parallel_loop3A_160 = arith.constant 16 : i32
      %parallel_loop3A_161 = arith.muli %parallel_loop3A_108, %parallel_loop3A_160 : i32
      %parallel_loop3A_162 = arith.constant 3 : i32
      %parallel_loop3A_163 = arith.index_cast %parallel_loop3A_162 : i32 to index
      %parallel_loop3A_164 = arith.index_cast %parallel_loop3A_106 : i32 to index
      %parallel_loop3A_165 = arith.index_cast %parallel_loop3A_102 : i32 to index
      %parallel_loop3A_166 = arith.index_cast %parallel_loop3A_161 : i32 to index
      %parallel_loop3A_167 = tpu.vector_load %arg9[%parallel_loop3A_163, %parallel_loop3A_164, %parallel_loop3A_165, %parallel_loop3A_166] {strides = array<i32>} : memref<20x2x8x128xf32, #tpu.memory_space<vmem>>, vector<16xf32>,
      tpu.vector_store %arg9[%parallel_loop3A_163, %parallel_loop3A_164, %parallel_loop3A_165, %parallel_loop3A_166], %parallel_loop3A_159 {strides = array<i32>} : memref<20x2x8x128xf32, #tpu.memory_space<vmem>>, vector<16xf32>,
      %parallel_loop3A_168 = arith.constant 4 : i32
      %parallel_loop3A_169 = vector.broadcast %parallel_loop3A_168 : i32 to vector<16xi32>
      %parallel_loop3A_170 = arith.addi %parallel_loop3A_119, %parallel_loop3A_169 : vector<16xi32>
      %parallel_loop3A_171 = tpu.vector_load_idx %arg5[%parallel_loop3A_170] : memref<60xf32, #tpu.memory_space<vmem>>[vector<16xi32>], vector<16xf32>,
      %parallel_loop3A_172 = arith.constant 16 : i32
      %parallel_loop3A_173 = arith.muli %parallel_loop3A_108, %parallel_loop3A_172 : i32
      %parallel_loop3A_174 = arith.constant 4 : i32
      %parallel_loop3A_175 = arith.index_cast %parallel_loop3A_174 : i32 to index
      %parallel_loop3A_176 = arith.index_cast %parallel_loop3A_106 : i32 to index
      %parallel_loop3A_177 = arith.index_cast %parallel_loop3A_102 : i32 to index
      %parallel_loop3A_178 = arith.index_cast %parallel_loop3A_173 : i32 to index
      %parallel_loop3A_179 = tpu.vector_load %arg9[%parallel_loop3A_175, %parallel_loop3A_176, %parallel_loop3A_177, %parallel_loop3A_178] {strides = array<i32>} : memref<20x2x8x128xf32, #tpu.memory_space<vmem>>, vector<16xf32>,
      tpu.vector_store %arg9[%parallel_loop3A_175, %parallel_loop3A_176, %parallel_loop3A_177, %parallel_loop3A_178], %parallel_loop3A_171 {strides = array<i32>} : memref<20x2x8x128xf32, #tpu.memory_space<vmem>>, vector<16xf32>,
      %parallel_loop3A_180 = arith.constant 5 : i32
      %parallel_loop3A_181 = vector.broadcast %parallel_loop3A_180 : i32 to vector<16xi32>
      %parallel_loop3A_182 = arith.addi %parallel_loop3A_119, %parallel_loop3A_181 : vector<16xi32>
      %parallel_loop3A_183 = tpu.vector_load_idx %arg5[%parallel_loop3A_182] : memref<60xf32, #tpu.memory_space<vmem>>[vector<16xi32>], vector<16xf32>,
      %parallel_loop3A_184 = arith.constant 16 : i32
      %parallel_loop3A_185 = arith.muli %parallel_loop3A_108, %parallel_loop3A_184 : i32
      %parallel_loop3A_186 = arith.constant 5 : i32
      %parallel_loop3A_187 = arith.index_cast %parallel_loop3A_186 : i32 to index
      %parallel_loop3A_188 = arith.index_cast %parallel_loop3A_106 : i32 to index
      %parallel_loop3A_189 = arith.index_cast %parallel_loop3A_102 : i32 to index
      %parallel_loop3A_190 = arith.index_cast %parallel_loop3A_185 : i32 to index
      %parallel_loop3A_191 = tpu.vector_load %arg9[%parallel_loop3A_187, %parallel_loop3A_188, %parallel_loop3A_189, %parallel_loop3A_190] {strides = array<i32>} : memref<20x2x8x128xf32, #tpu.memory_space<vmem>>, vector<16xf32>,
      tpu.vector_store %arg9[%parallel_loop3A_187, %parallel_loop3A_188, %parallel_loop3A_189, %parallel_loop3A_190], %parallel_loop3A_183 {strides = array<i32>} : memref<20x2x8x128xf32, #tpu.memory_space<vmem>>, vector<16xf32>,
      %parallel_loop3A_192 = arith.constant 6 : i32
      %parallel_loop3A_193 = vector.broadcast %parallel_loop3A_192 : i32 to vector<16xi32>
      %parallel_loop3A_194 = arith.addi %parallel_loop3A_119, %parallel_loop3A_193 : vector<16xi32>
      %parallel_loop3A_195 = tpu.vector_load_idx %arg5[%parallel_loop3A_194] : memref<60xf32, #tpu.memory_space<vmem>>[vector<16xi32>], vector<16xf32>,
      %parallel_loop3A_196 = arith.constant 16 : i32
      %parallel_loop3A_197 = arith.muli %parallel_loop3A_108, %parallel_loop3A_196 : i32
      %parallel_loop3A_198 = arith.constant 6 : i32
      %parallel_loop3A_199 = arith.index_cast %parallel_loop3A_198 : i32 to index
      %parallel_loop3A_200 = arith.index_cast %parallel_loop3A_106 : i32 to index
      %parallel_loop3A_201 = arith.index_cast %parallel_loop3A_102 : i32 to index
      %parallel_loop3A_202 = arith.index_cast %parallel_loop3A_197 : i32 to index
      %parallel_loop3A_203 = tpu.vector_load %arg9[%parallel_loop3A_199, %parallel_loop3A_200, %parallel_loop3A_201, %parallel_loop3A_202] {strides = array<i32>} : memref<20x2x8x128xf32, #tpu.memory_space<vmem>>, vector<16xf32>,
      tpu.vector_store %arg9[%parallel_loop3A_199, %parallel_loop3A_200, %parallel_loop3A_201, %parallel_loop3A_202], %parallel_loop3A_195 {strides = array<i32>} : memref<20x2x8x128xf32, #tpu.memory_space<vmem>>, vector<16xf32>,
      %parallel_loop3A_204 = arith.constant 7 : i32
      %parallel_loop3A_205 = vector.broadcast %parallel_loop3A_204 : i32 to vector<16xi32>
      %parallel_loop3A_206 = arith.addi %parallel_loop3A_119, %parallel_loop3A_205 : vector<16xi32>
      %parallel_loop3A_207 = tpu.vector_load_idx %arg5[%parallel_loop3A_206] : memref<60xf32, #tpu.memory_space<vmem>>[vector<16xi32>], vector<16xf32>,
      %parallel_loop3A_208 = arith.constant 16 : i32
      %parallel_loop3A_209 = arith.muli %parallel_loop3A_108, %parallel_loop3A_208 : i32
      %parallel_loop3A_210 = arith.constant 7 : i32
      %parallel_loop3A_211 = arith.index_cast %parallel_loop3A_210 : i32 to index
      %parallel_loop3A_212 = arith.index_cast %parallel_loop3A_106 : i32 to index
      %parallel_loop3A_213 = arith.index_cast %parallel_loop3A_102 : i32 to index
      %parallel_loop3A_214 = arith.index_cast %parallel_loop3A_209 : i32 to index
      %parallel_loop3A_215 = tpu.vector_load %arg9[%parallel_loop3A_211, %parallel_loop3A_212, %parallel_loop3A_213, %parallel_loop3A_214] {strides = array<i32>} : memref<20x2x8x128xf32, #tpu.memory_space<vmem>>, vector<16xf32>,
      tpu.vector_store %arg9[%parallel_loop3A_211, %parallel_loop3A_212, %parallel_loop3A_213, %parallel_loop3A_214], %parallel_loop3A_207 {strides = array<i32>} : memref<20x2x8x128xf32, #tpu.memory_space<vmem>>, vector<16xf32>,
      %parallel_loop3A_216 = arith.constant 8 : i32
      %parallel_loop3A_217 = vector.broadcast %parallel_loop3A_216 : i32 to vector<16xi32>
      %parallel_loop3A_218 = arith.addi %parallel_loop3A_119, %parallel_loop3A_217 : vector<16xi32>
      %parallel_loop3A_219 = tpu.vector_load_idx %arg5[%parallel_loop3A_218] : memref<60xf32, #tpu.memory_space<vmem>>[vector<16xi32>], vector<16xf32>,
      %parallel_loop3A_220 = arith.constant 16 : i32
      %parallel_loop3A_221 = arith.muli %parallel_loop3A_108, %parallel_loop3A_220 : i32
      %parallel_loop3A_222 = arith.constant 8 : i32
      %parallel_loop3A_223 = arith.index_cast %parallel_loop3A_222 : i32 to index
      %parallel_loop3A_224 = arith.index_cast %parallel_loop3A_106 : i32 to index
      %parallel_loop3A_225 = arith.index_cast %parallel_loop3A_102 : i32 to index
      %parallel_loop3A_226 = arith.index_cast %parallel_loop3A_221 : i32 to index
      %parallel_loop3A_227 = tpu.vector_load %arg9[%parallel_loop3A_223, %parallel_loop3A_224, %parallel_loop3A_225, %parallel_loop3A_226] {strides = array<i32>} : memref<20x2x8x128xf32, #tpu.memory_space<vmem>>, vector<16xf32>,
      tpu.vector_store %arg9[%parallel_loop3A_223, %parallel_loop3A_224, %parallel_loop3A_225, %parallel_loop3A_226], %parallel_loop3A_219 {strides = array<i32>} : memref<20x2x8x128xf32, #tpu.memory_space<vmem>>, vector<16xf32>,
      %parallel_loop3A_228 = arith.constant 9 : i32
      %parallel_loop3A_229 = vector.broadcast %parallel_loop3A_228 : i32 to vector<16xi32>
      %parallel_loop3A_230 = arith.addi %parallel_loop3A_119, %parallel_loop3A_229 : vector<16xi32>
      %parallel_loop3A_231 = tpu.vector_load_idx %arg5[%parallel_loop3A_230] : memref<60xf32, #tpu.memory_space<vmem>>[vector<16xi32>], vector<16xf32>,
      %parallel_loop3A_232 = arith.constant 16 : i32
      %parallel_loop3A_233 = arith.muli %parallel_loop3A_108, %parallel_loop3A_232 : i32
      %parallel_loop3A_234 = arith.constant 9 : i32
      %parallel_loop3A_235 = arith.index_cast %parallel_loop3A_234 : i32 to index
      %parallel_loop3A_236 = arith.index_cast %parallel_loop3A_106 : i32 to index
      %parallel_loop3A_237 = arith.index_cast %parallel_loop3A_102 : i32 to index
      %parallel_loop3A_238 = arith.index_cast %parallel_loop3A_233 : i32 to index
      %parallel_loop3A_239 = tpu.vector_load %arg9[%parallel_loop3A_235, %parallel_loop3A_236, %parallel_loop3A_237, %parallel_loop3A_238] {strides = array<i32>} : memref<20x2x8x128xf32, #tpu.memory_space<vmem>>, vector<16xf32>,
      tpu.vector_store %arg9[%parallel_loop3A_235, %parallel_loop3A_236, %parallel_loop3A_237, %parallel_loop3A_238], %parallel_loop3A_231 {strides = array<i32>} : memref<20x2x8x128xf32, #tpu.memory_space<vmem>>, vector<16xf32>,
      %parallel_loop3A_240 = arith.constant 10 : i32
      %parallel_loop3A_241 = vector.broadcast %parallel_loop3A_240 : i32 to vector<16xi32>
      %parallel_loop3A_242 = arith.addi %parallel_loop3A_119, %parallel_loop3A_241 : vector<16xi32>
      %parallel_loop3A_243 = tpu.vector_load_idx %arg5[%parallel_loop3A_242] : memref<60xf32, #tpu.memory_space<vmem>>[vector<16xi32>], vector<16xf32>,
      %parallel_loop3A_244 = arith.constant 16 : i32
      %parallel_loop3A_245 = arith.muli %parallel_loop3A_108, %parallel_loop3A_244 : i32
      %parallel_loop3A_246 = arith.constant 10 : i32
      %parallel_loop3A_247 = arith.index_cast %parallel_loop3A_246 : i32 to index
      %parallel_loop3A_248 = arith.index_cast %parallel_loop3A_106 : i32 to index
      %parallel_loop3A_249 = arith.index_cast %parallel_loop3A_102 : i32 to index
      %parallel_loop3A_250 = arith.index_cast %parallel_loop3A_245 : i32 to index
      %parallel_loop3A_251 = tpu.vector_load %arg9[%parallel_loop3A_247, %parallel_loop3A_248, %parallel_loop3A_249, %parallel_loop3A_250] {strides = array<i32>} : memref<20x2x8x128xf32, #tpu.memory_space<vmem>>, vector<16xf32>,
      tpu.vector_store %arg9[%parallel_loop3A_247, %parallel_loop3A_248, %parallel_loop3A_249, %parallel_loop3A_250], %parallel_loop3A_243 {strides = array<i32>} : memref<20x2x8x128xf32, #tpu.memory_space<vmem>>, vector<16xf32>,
      %parallel_loop3A_252 = arith.constant 11 : i32
      %parallel_loop3A_253 = vector.broadcast %parallel_loop3A_252 : i32 to vector<16xi32>
      %parallel_loop3A_254 = arith.addi %parallel_loop3A_119, %parallel_loop3A_253 : vector<16xi32>
      %parallel_loop3A_255 = tpu.vector_load_idx %arg5[%parallel_loop3A_254] : memref<60xf32, #tpu.memory_space<vmem>>[vector<16xi32>], vector<16xf32>,
      %parallel_loop3A_256 = arith.constant 16 : i32
      %parallel_loop3A_257 = arith.muli %parallel_loop3A_108, %parallel_loop3A_256 : i32
      %parallel_loop3A_258 = arith.constant 11 : i32
      %parallel_loop3A_259 = arith.index_cast %parallel_loop3A_258 : i32 to index
      %parallel_loop3A_260 = arith.index_cast %parallel_loop3A_106 : i32 to index
      %parallel_loop3A_261 = arith.index_cast %parallel_loop3A_102 : i32 to index
      %parallel_loop3A_262 = arith.index_cast %parallel_loop3A_257 : i32 to index
      %parallel_loop3A_263 = tpu.vector_load %arg9[%parallel_loop3A_259, %parallel_loop3A_260, %parallel_loop3A_261, %parallel_loop3A_262] {strides = array<i32>} : memref<20x2x8x128xf32, #tpu.memory_space<vmem>>, vector<16xf32>,
      tpu.vector_store %arg9[%parallel_loop3A_259, %parallel_loop3A_260, %parallel_loop3A_261, %parallel_loop3A_262], %parallel_loop3A_255 {strides = array<i32>} : memref<20x2x8x128xf32, #tpu.memory_space<vmem>>, vector<16xf32>,
      %parallel_loop3A_264 = arith.constant 12 : i32
      %parallel_loop3A_265 = vector.broadcast %parallel_loop3A_264 : i32 to vector<16xi32>
      %parallel_loop3A_266 = arith.addi %parallel_loop3A_119, %parallel_loop3A_265 : vector<16xi32>
      %parallel_loop3A_267 = tpu.vector_load_idx %arg5[%parallel_loop3A_266] : memref<60xf32, #tpu.memory_space<vmem>>[vector<16xi32>], vector<16xf32>,
      %parallel_loop3A_268 = arith.constant 16 : i32
      %parallel_loop3A_269 = arith.muli %parallel_loop3A_108, %parallel_loop3A_268 : i32
      %parallel_loop3A_270 = arith.constant 12 : i32
      %parallel_loop3A_271 = arith.index_cast %parallel_loop3A_270 : i32 to index
      %parallel_loop3A_272 = arith.index_cast %parallel_loop3A_106 : i32 to index
      %parallel_loop3A_273 = arith.index_cast %parallel_loop3A_102 : i32 to index
      %parallel_loop3A_274 = arith.index_cast %parallel_loop3A_269 : i32 to index
      %parallel_loop3A_275 = tpu.vector_load %arg9[%parallel_loop3A_271, %parallel_loop3A_272, %parallel_loop3A_273, %parallel_loop3A_274] {strides = array<i32>} : memref<20x2x8x128xf32, #tpu.memory_space<vmem>>, vector<16xf32>,
      tpu.vector_store %arg9[%parallel_loop3A_271, %parallel_loop3A_272, %parallel_loop3A_273, %parallel_loop3A_274], %parallel_loop3A_267 {strides = array<i32>} : memref<20x2x8x128xf32, #tpu.memory_space<vmem>>, vector<16xf32>,
      %parallel_loop3A_276 = arith.constant 13 : i32
      %parallel_loop3A_277 = vector.broadcast %parallel_loop3A_276 : i32 to vector<16xi32>
      %parallel_loop3A_278 = arith.addi %parallel_loop3A_119, %parallel_loop3A_277 : vector<16xi32>
      %parallel_loop3A_279 = tpu.vector_load_idx %arg5[%parallel_loop3A_278] : memref<60xf32, #tpu.memory_space<vmem>>[vector<16xi32>], vector<16xf32>,
      %parallel_loop3A_280 = arith.constant 16 : i32
      %parallel_loop3A_281 = arith.muli %parallel_loop3A_108, %parallel_loop3A_280 : i32
      %parallel_loop3A_282 = arith.constant 13 : i32
      %parallel_loop3A_283 = arith.index_cast %parallel_loop3A_282 : i32 to index
      %parallel_loop3A_284 = arith.index_cast %parallel_loop3A_106 : i32 to index
      %parallel_loop3A_285 = arith.index_cast %parallel_loop3A_102 : i32 to index
      %parallel_loop3A_286 = arith.index_cast %parallel_loop3A_281 : i32 to index
      %parallel_loop3A_287 = tpu.vector_load %arg9[%parallel_loop3A_283, %parallel_loop3A_284, %parallel_loop3A_285, %parallel_loop3A_286] {strides = array<i32>} : memref<20x2x8x128xf32, #tpu.memory_space<vmem>>, vector<16xf32>,
      tpu.vector_store %arg9[%parallel_loop3A_283, %parallel_loop3A_284, %parallel_loop3A_285, %parallel_loop3A_286], %parallel_loop3A_279 {strides = array<i32>} : memref<20x2x8x128xf32, #tpu.memory_space<vmem>>, vector<16xf32>,
      %parallel_loop3A_288 = arith.constant 14 : i32
      %parallel_loop3A_289 = vector.broadcast %parallel_loop3A_288 : i32 to vector<16xi32>
      %parallel_loop3A_290 = arith.addi %parallel_loop3A_119, %parallel_loop3A_289 : vector<16xi32>
      %parallel_loop3A_291 = tpu.vector_load_idx %arg5[%parallel_loop3A_290] : memref<60xf32, #tpu.memory_space<vmem>>[vector<16xi32>], vector<16xf32>,
      %parallel_loop3A_292 = arith.constant 16 : i32
      %parallel_loop3A_293 = arith.muli %parallel_loop3A_108, %parallel_loop3A_292 : i32
      %parallel_loop3A_294 = arith.constant 14 : i32
      %parallel_loop3A_295 = arith.index_cast %parallel_loop3A_294 : i32 to index
      %parallel_loop3A_296 = arith.index_cast %parallel_loop3A_106 : i32 to index
      %parallel_loop3A_297 = arith.index_cast %parallel_loop3A_102 : i32 to index
      %parallel_loop3A_298 = arith.index_cast %parallel_loop3A_293 : i32 to index
      %parallel_loop3A_299 = tpu.vector_load %arg9[%parallel_loop3A_295, %parallel_loop3A_296, %parallel_loop3A_297, %parallel_loop3A_298] {strides = array<i32>} : memref<20x2x8x128xf32, #tpu.memory_space<vmem>>, vector<16xf32>,
      tpu.vector_store %arg9[%parallel_loop3A_295, %parallel_loop3A_296, %parallel_loop3A_297, %parallel_loop3A_298], %parallel_loop3A_291 {strides = array<i32>} : memref<20x2x8x128xf32, #tpu.memory_space<vmem>>, vector<16xf32>,
      %parallel_loop3A_300 = arith.constant 15 : i32
      %parallel_loop3A_301 = vector.broadcast %parallel_loop3A_300 : i32 to vector<16xi32>
      %parallel_loop3A_302 = arith.addi %parallel_loop3A_119, %parallel_loop3A_301 : vector<16xi32>
      %parallel_loop3A_303 = tpu.vector_load_idx %arg5[%parallel_loop3A_302] : memref<60xf32, #tpu.memory_space<vmem>>[vector<16xi32>], vector<16xf32>,
      %parallel_loop3A_304 = arith.constant 16 : i32
      %parallel_loop3A_305 = arith.muli %parallel_loop3A_108, %parallel_loop3A_304 : i32
      %parallel_loop3A_306 = arith.constant 15 : i32
      %parallel_loop3A_307 = arith.index_cast %parallel_loop3A_306 : i32 to index
      %parallel_loop3A_308 = arith.index_cast %parallel_loop3A_106 : i32 to index
      %parallel_loop3A_309 = arith.index_cast %parallel_loop3A_102 : i32 to index
      %parallel_loop3A_310 = arith.index_cast %parallel_loop3A_305 : i32 to index
      %parallel_loop3A_311 = tpu.vector_load %arg9[%parallel_loop3A_307, %parallel_loop3A_308, %parallel_loop3A_309, %parallel_loop3A_310] {strides = array<i32>} : memref<20x2x8x128xf32, #tpu.memory_space<vmem>>, vector<16xf32>,
      tpu.vector_store %arg9[%parallel_loop3A_307, %parallel_loop3A_308, %parallel_loop3A_309, %parallel_loop3A_310], %parallel_loop3A_303 {strides = array<i32>} : memref<20x2x8x128xf32, #tpu.memory_space<vmem>>, vector<16xf32>,
      %parallel_loop3A_312 = arith.constant 16 : i32
      %parallel_loop3A_313 = vector.broadcast %parallel_loop3A_312 : i32 to vector<16xi32>
      %parallel_loop3A_314 = arith.addi %parallel_loop3A_119, %parallel_loop3A_313 : vector<16xi32>
      %parallel_loop3A_315 = tpu.vector_load_idx %arg5[%parallel_loop3A_314] : memref<60xf32, #tpu.memory_space<vmem>>[vector<16xi32>], vector<16xf32>,
      %parallel_loop3A_316 = arith.constant 16 : i32
      %parallel_loop3A_317 = arith.muli %parallel_loop3A_108, %parallel_loop3A_316 : i32
      %parallel_loop3A_318 = arith.constant 16 : i32
      %parallel_loop3A_319 = arith.index_cast %parallel_loop3A_318 : i32 to index
      %parallel_loop3A_320 = arith.index_cast %parallel_loop3A_106 : i32 to index
      %parallel_loop3A_321 = arith.index_cast %parallel_loop3A_102 : i32 to index
      %parallel_loop3A_322 = arith.index_cast %parallel_loop3A_317 : i32 to index
      %parallel_loop3A_323 = tpu.vector_load %arg9[%parallel_loop3A_319, %parallel_loop3A_320, %parallel_loop3A_321, %parallel_loop3A_322] {strides = array<i32>} : memref<20x2x8x128xf32, #tpu.memory_space<vmem>>, vector<16xf32>,
      tpu.vector_store %arg9[%parallel_loop3A_319, %parallel_loop3A_320, %parallel_loop3A_321, %parallel_loop3A_322], %parallel_loop3A_315 {strides = array<i32>} : memref<20x2x8x128xf32, #tpu.memory_space<vmem>>, vector<16xf32>,
      %parallel_loop3A_324 = arith.constant 17 : i32
      %parallel_loop3A_325 = vector.broadcast %parallel_loop3A_324 : i32 to vector<16xi32>
      %parallel_loop3A_326 = arith.addi %parallel_loop3A_119, %parallel_loop3A_325 : vector<16xi32>
      %parallel_loop3A_327 = tpu.vector_load_idx %arg5[%parallel_loop3A_326] : memref<60xf32, #tpu.memory_space<vmem>>[vector<16xi32>], vector<16xf32>,
      %parallel_loop3A_328 = arith.constant 16 : i32
      %parallel_loop3A_329 = arith.muli %parallel_loop3A_108, %parallel_loop3A_328 : i32
      %parallel_loop3A_330 = arith.constant 17 : i32
      %parallel_loop3A_331 = arith.index_cast %parallel_loop3A_330 : i32 to index
      %parallel_loop3A_332 = arith.index_cast %parallel_loop3A_106 : i32 to index
      %parallel_loop3A_333 = arith.index_cast %parallel_loop3A_102 : i32 to index
      %parallel_loop3A_334 = arith.index_cast %parallel_loop3A_329 : i32 to index
      %parallel_loop3A_335 = tpu.vector_load %arg9[%parallel_loop3A_331, %parallel_loop3A_332, %parallel_loop3A_333, %parallel_loop3A_334] {strides = array<i32>} : memref<20x2x8x128xf32, #tpu.memory_space<vmem>>, vector<16xf32>,
      tpu.vector_store %arg9[%parallel_loop3A_331, %parallel_loop3A_332, %parallel_loop3A_333, %parallel_loop3A_334], %parallel_loop3A_327 {strides = array<i32>} : memref<20x2x8x128xf32, #tpu.memory_space<vmem>>, vector<16xf32>,
      %parallel_loop3A_336 = arith.constant 18 : i32
      %parallel_loop3A_337 = vector.broadcast %parallel_loop3A_336 : i32 to vector<16xi32>
      %parallel_loop3A_338 = arith.addi %parallel_loop3A_119, %parallel_loop3A_337 : vector<16xi32>
      %parallel_loop3A_339 = tpu.vector_load_idx %arg5[%parallel_loop3A_338] : memref<60xf32, #tpu.memory_space<vmem>>[vector<16xi32>], vector<16xf32>,
      %parallel_loop3A_340 = arith.constant 16 : i32
      %parallel_loop3A_341 = arith.muli %parallel_loop3A_108, %parallel_loop3A_340 : i32
      %parallel_loop3A_342 = arith.constant 18 : i32
      %parallel_loop3A_343 = arith.index_cast %parallel_loop3A_342 : i32 to index
      %parallel_loop3A_344 = arith.index_cast %parallel_loop3A_106 : i32 to index
      %parallel_loop3A_345 = arith.index_cast %parallel_loop3A_102 : i32 to index
      %parallel_loop3A_346 = arith.index_cast %parallel_loop3A_341 : i32 to index
      %parallel_loop3A_347 = tpu.vector_load %arg9[%parallel_loop3A_343, %parallel_loop3A_344, %parallel_loop3A_345, %parallel_loop3A_346] {strides = array<i32>} : memref<20x2x8x128xf32, #tpu.memory_space<vmem>>, vector<16xf32>,
      tpu.vector_store %arg9[%parallel_loop3A_343, %parallel_loop3A_344, %parallel_loop3A_345, %parallel_loop3A_346], %parallel_loop3A_339 {strides = array<i32>} : memref<20x2x8x128xf32, #tpu.memory_space<vmem>>, vector<16xf32>,
      %parallel_loop3A_348 = arith.constant 19 : i32
      %parallel_loop3A_349 = vector.broadcast %parallel_loop3A_348 : i32 to vector<16xi32>
      %parallel_loop3A_350 = arith.addi %parallel_loop3A_119, %parallel_loop3A_349 : vector<16xi32>
      %parallel_loop3A_351 = tpu.vector_load_idx %arg5[%parallel_loop3A_350] : memref<60xf32, #tpu.memory_space<vmem>>[vector<16xi32>], vector<16xf32>,
      %parallel_loop3A_352 = arith.constant 16 : i32
      %parallel_loop3A_353 = arith.muli %parallel_loop3A_108, %parallel_loop3A_352 : i32
      %parallel_loop3A_354 = arith.constant 19 : i32
      %parallel_loop3A_355 = arith.index_cast %parallel_loop3A_354 : i32 to index
      %parallel_loop3A_356 = arith.index_cast %parallel_loop3A_106 : i32 to index
      %parallel_loop3A_357 = arith.index_cast %parallel_loop3A_102 : i32 to index
      %parallel_loop3A_358 = arith.index_cast %parallel_loop3A_353 : i32 to index
      %parallel_loop3A_359 = tpu.vector_load %arg9[%parallel_loop3A_355, %parallel_loop3A_356, %parallel_loop3A_357, %parallel_loop3A_358] {strides = array<i32>} : memref<20x2x8x128xf32, #tpu.memory_space<vmem>>, vector<16xf32>,
      tpu.vector_store %arg9[%parallel_loop3A_355, %parallel_loop3A_356, %parallel_loop3A_357, %parallel_loop3A_358], %parallel_loop3A_351 {strides = array<i32>} : memref<20x2x8x128xf32, #tpu.memory_space<vmem>>, vector<16xf32>,
    } {sc.loop_unroll_factor = 1 : i64, sc.parallel_access}
    %add3A_47 = arith.constant 2 : i32
    %add3A_48 = arith.addi %mul3A_2, %add3A_47 : i32
    %dma_start3A_49 = arith.constant 0 : i32
    %dma_start3A_50 = arith.constant 0 : i32
    %dma_start3A_51 = arith.constant 0 : i32
    %dma_start3A_52 = arith.constant 0 : i32
    %dma_start3A_53 = tpu.memref_slice %arg4[%dma_start3A_50, %dma_start3A_49, %add3A_48, %dma_start3A_51, %dma_start3A_52] : memref<20x25x128x8x128xf32, #tpu.memory_space<hbm>> -> memref<20x1x2x8x128xf32, #tpu.memory_space<hbm>>
    %dma_start3A_54 = tpu.memref_squeeze %dma_start3A_53 : memref<20x1x2x8x128xf32, #tpu.memory_space<hbm>> -> memref<20x2x8x128xf32, #tpu.memory_space<hbm>>
    %dma_start3A_55 = arith.constant 0 : i32
    %dma_start3A_56 = arith.constant 0 : i32
    %dma_start3A_57 = arith.constant 0 : i32
    %dma_start3A_58 = tpu.memref_slice %arg4[%dma_start3A_55, %dma_start3A_49, %add3A_48, %dma_start3A_56, %dma_start3A_57] : memref<20x25x128x8x128xf32, #tpu.memory_space<hbm>> -> memref<20x1x2x8x128xf32, #tpu.memory_space<hbm>>
    %dma_start3A_59 = tpu.memref_squeeze %dma_start3A_58 : memref<20x1x2x8x128xf32, #tpu.memory_space<hbm>> -> memref<20x2x8x128xf32, #tpu.memory_space<hbm>>
    tpu.enqueue_dma source(%arg9 : memref<20x2x8x128xf32, #tpu.memory_space<vmem>>) target(%dma_start3A_59 : memref<20x2x8x128xf32, #tpu.memory_space<hbm>>) target_semaphore(%arg13 : memref<!tpu.dma_semaphore, #tpu.memory_space<semaphore_mem>>)
    %scan3A = arith.constant 0 : i32
    %scan3A_60 = arith.constant 0 : i32
    %scan3A_61 = arith.constant 12 : i32
    %scan3A_62 = arith.addi %scan3A_60, %scan3A_61 : i32
    %scan3A_63 = arith.constant 1 : i32
    scf.for %scan3A_100 = %scan3A_60 to %scan3A_62 step %scan3A_63  : i32 {
      %mul3A_101 = arith.constant 2 : i32
      %mul3A_102 = arith.muli %mul3A_101, %scan3A_100 : i32
      %add3A_103 = arith.constant 1 : i32
      %add3A_104 = arith.addi %mul3A_102, %add3A_103 : i32
      %dma_wait3A_105 = arith.constant 0 : i32
      %dma_wait3A_106 = arith.constant 0 : i32
      %dma_wait3A_107 = arith.constant 0 : i32
      %dma_wait3A_108 = tpu.memref_slice %arg2[%dma_wait3A_105, %mul3A_2, %dma_wait3A_106, %dma_wait3A_107] : memref<25x128x8x128xi32, #tpu.memory_space<hbm>> -> memref<1x4x8x128xi32, #tpu.memory_space<hbm>>
      %dma_wait3A_109 = tpu.memref_squeeze %dma_wait3A_108 : memref<1x4x8x128xi32, #tpu.memory_space<hbm>> -> memref<4x8x128xi32, #tpu.memory_space<hbm>>
      %dma_wait3A_110 = arith.constant 0 : i32
      %dma_wait3A_111 = arith.constant 0 : i32
      %dma_wait3A_112 = tpu.memref_slice %arg2[%dma_wait3A_105, %mul3A_2, %dma_wait3A_110, %dma_wait3A_111] : memref<25x128x8x128xi32, #tpu.memory_space<hbm>> -> memref<1x4x8x128xi32, #tpu.memory_space<hbm>>
      %dma_wait3A_113 = tpu.memref_squeeze %dma_wait3A_112 : memref<1x4x8x128xi32, #tpu.memory_space<hbm>> -> memref<4x8x128xi32, #tpu.memory_space<hbm>>
      tpu.wait_dma2 semaphore(%arg11 : memref<!tpu.dma_semaphore, #tpu.memory_space<semaphore_mem>>) src(%dma_wait3A_113 : memref<4x8x128xi32, #tpu.memory_space<hbm>>) dst(%arg7 : memref<4x8x128xi32, #tpu.memory_space<vmem>>)
      %add3A_114 = arith.constant 1 : i32
      %add3A_115 = arith.addi %add3A_104, %add3A_114 : i32
      %min3A_116 = arith.constant 24 : i32
      %min3A_117 = arith.minsi %add3A_115, %min3A_116 : i32
      %dma_start3A_118 = arith.constant 0 : i32
      %dma_start3A_119 = arith.constant 0 : i32
      %dma_start3A_120 = tpu.memref_slice %arg2[%min3A_117, %mul3A_2, %dma_start3A_118, %dma_start3A_119] : memref<25x128x8x128xi32, #tpu.memory_space<hbm>> -> memref<1x4x8x128xi32, #tpu.memory_space<hbm>>
      %dma_start3A_121 = tpu.memref_squeeze %dma_start3A_120 : memref<1x4x8x128xi32, #tpu.memory_space<hbm>> -> memref<4x8x128xi32, #tpu.memory_space<hbm>>
      %dma_start3A_122 = arith.constant 0 : i32
      %dma_start3A_123 = arith.constant 0 : i32
      %dma_start3A_124 = tpu.memref_slice %arg2[%min3A_117, %mul3A_2, %dma_start3A_122, %dma_start3A_123] : memref<25x128x8x128xi32, #tpu.memory_space<hbm>> -> memref<1x4x8x128xi32, #tpu.memory_space<hbm>>
      %dma_start3A_125 = tpu.memref_squeeze %dma_start3A_124 : memref<1x4x8x128xi32, #tpu.memory_space<hbm>> -> memref<4x8x128xi32, #tpu.memory_space<hbm>>
      tpu.enqueue_dma source(%dma_start3A_125 : memref<4x8x128xi32, #tpu.memory_space<hbm>>) target(%arg6 : memref<4x8x128xi32, #tpu.memory_space<vmem>>) target_semaphore(%arg10 : memref<!tpu.dma_semaphore, #tpu.memory_space<semaphore_mem>>)
      %dma_wait3A_126 = arith.constant 0 : i32
      %dma_wait3A_127 = arith.constant 0 : i32
      %dma_wait3A_128 = arith.constant 0 : i32
      %dma_wait3A_129 = arith.constant 0 : i32
      %dma_wait3A_130 = arith.constant 0 : i32
      %dma_wait3A_131 = tpu.memref_slice %arg4[%dma_wait3A_127, %dma_wait3A_126, %dma_wait3A_128, %dma_wait3A_129, %dma_wait3A_130] : memref<20x25x128x8x128xf32, #tpu.memory_space<hbm>> -> memref<20x1x2x8x128xf32, #tpu.memory_space<hbm>>
      %dma_wait3A_132 = tpu.memref_squeeze %dma_wait3A_131 : memref<20x1x2x8x128xf32, #tpu.memory_space<hbm>> -> memref<20x2x8x128xf32, #tpu.memory_space<hbm>>
      %dma_wait3A_133 = arith.constant 0 : i32
      %dma_wait3A_134 = arith.constant 0 : i32
      %dma_wait3A_135 = arith.constant 0 : i32
      %dma_wait3A_136 = arith.constant 0 : i32
      %dma_wait3A_137 = tpu.memref_slice %arg4[%dma_wait3A_133, %dma_wait3A_126, %dma_wait3A_134, %dma_wait3A_135, %dma_wait3A_136] : memref<20x25x128x8x128xf32, #tpu.memory_space<hbm>> -> memref<20x1x2x8x128xf32, #tpu.memory_space<hbm>>
      %dma_wait3A_138 = tpu.memref_squeeze %dma_wait3A_137 : memref<20x1x2x8x128xf32, #tpu.memory_space<hbm>> -> memref<20x2x8x128xf32, #tpu.memory_space<hbm>>
      tpu.wait_dma2 semaphore(%arg12 : memref<!tpu.dma_semaphore, #tpu.memory_space<semaphore_mem>>) src(%arg8 : memref<20x2x8x128xf32, #tpu.memory_space<vmem>>) dst(%dma_wait3A_138 : memref<20x2x8x128xf32, #tpu.memory_space<hbm>>)
      %parallel_loop3A_139 = arith.constant 0 : i32
      %parallel_loop3A_140 = arith.constant 128 : i32
      %parallel_loop3A_141 = arith.constant 1 : i32
      scf.for %parallel_loop3A_263 = %parallel_loop3A_139 to %parallel_loop3A_140 step %parallel_loop3A_141  : i32 {
        %parallel_loop3A_264 = arith.constant 4 : i32
        %parallel_loop3A_265 = arith.shrui %parallel_loop3A_263, %parallel_loop3A_264 : i32
        %parallel_loop3A_266 = arith.constant 15 : i32
        %parallel_loop3A_267 = arith.andi %parallel_loop3A_263, %parallel_loop3A_266 : i32
        %parallel_loop3A_268 = arith.constant 3 : i32
        %parallel_loop3A_269 = arith.shrui %parallel_loop3A_267, %parallel_loop3A_268 : i32
        %parallel_loop3A_270 = arith.constant 7 : i32
        %parallel_loop3A_271 = arith.andi %parallel_loop3A_267, %parallel_loop3A_270 : i32
        %parallel_loop3A_272 = arith.constant 0 : i32
        %parallel_loop3A_273 = arith.addi %parallel_loop3A_272, %parallel_loop3A_269 : i32
        %parallel_loop3A_274 = arith.constant 16 : i32
        %parallel_loop3A_275 = arith.muli %parallel_loop3A_271, %parallel_loop3A_274 : i32
        %parallel_loop3A_276 = arith.index_cast %parallel_loop3A_273 : i32 to index
        %parallel_loop3A_277 = arith.index_cast %parallel_loop3A_265 : i32 to index
        %parallel_loop3A_278 = arith.index_cast %parallel_loop3A_275 : i32 to index
        %parallel_loop3A_279 = tpu.vector_load %arg7[%parallel_loop3A_276, %parallel_loop3A_277, %parallel_loop3A_278] {strides = array<i32>} : memref<4x8x128xi32, #tpu.memory_space<vmem>>, vector<16xi32>,
        %parallel_loop3A_280 = arith.constant 20 : i32
        %parallel_loop3A_281 = vector.broadcast %parallel_loop3A_280 : i32 to vector<16xi32>
        %parallel_loop3A_282 = arith.muli %parallel_loop3A_279, %parallel_loop3A_281 : vector<16xi32>
        %parallel_loop3A_283 = arith.constant 0 : i32
        %parallel_loop3A_284 = vector.broadcast %parallel_loop3A_283 : i32 to vector<16xi32>
        %parallel_loop3A_285 = arith.addi %parallel_loop3A_282, %parallel_loop3A_284 : vector<16xi32>
        %parallel_loop3A_286 = tpu.vector_load_idx %arg5[%parallel_loop3A_285] : memref<60xf32, #tpu.memory_space<vmem>>[vector<16xi32>], vector<16xf32>,
        %parallel_loop3A_287 = arith.constant 16 : i32
        %parallel_loop3A_288 = arith.muli %parallel_loop3A_271, %parallel_loop3A_287 : i32
        %parallel_loop3A_289 = arith.constant 0 : i32
        %parallel_loop3A_290 = arith.index_cast %parallel_loop3A_289 : i32 to index
        %parallel_loop3A_291 = arith.index_cast %parallel_loop3A_269 : i32 to index
        %parallel_loop3A_292 = arith.index_cast %parallel_loop3A_265 : i32 to index
        %parallel_loop3A_293 = arith.index_cast %parallel_loop3A_288 : i32 to index
        %parallel_loop3A_294 = tpu.vector_load %arg8[%parallel_loop3A_290, %parallel_loop3A_291, %parallel_loop3A_292, %parallel_loop3A_293] {strides = array<i32>} : memref<20x2x8x128xf32, #tpu.memory_space<vmem>>, vector<16xf32>,
        tpu.vector_store %arg8[%parallel_loop3A_290, %parallel_loop3A_291, %parallel_loop3A_292, %parallel_loop3A_293], %parallel_loop3A_286 {strides = array<i32>} : memref<20x2x8x128xf32, #tpu.memory_space<vmem>>, vector<16xf32>,
        %parallel_loop3A_295 = arith.constant 1 : i32
        %parallel_loop3A_296 = vector.broadcast %parallel_loop3A_295 : i32 to vector<16xi32>
        %parallel_loop3A_297 = arith.addi %parallel_loop3A_282, %parallel_loop3A_296 : vector<16xi32>
        %parallel_loop3A_298 = tpu.vector_load_idx %arg5[%parallel_loop3A_297] : memref<60xf32, #tpu.memory_space<vmem>>[vector<16xi32>], vector<16xf32>,
        %parallel_loop3A_299 = arith.constant 16 : i32
        %parallel_loop3A_300 = arith.muli %parallel_loop3A_271, %parallel_loop3A_299 : i32
        %parallel_loop3A_301 = arith.constant 1 : i32
        %parallel_loop3A_302 = arith.index_cast %parallel_loop3A_301 : i32 to index
        %parallel_loop3A_303 = arith.index_cast %parallel_loop3A_269 : i32 to index
        %parallel_loop3A_304 = arith.index_cast %parallel_loop3A_265 : i32 to index
        %parallel_loop3A_305 = arith.index_cast %parallel_loop3A_300 : i32 to index
        %parallel_loop3A_306 = tpu.vector_load %arg8[%parallel_loop3A_302, %parallel_loop3A_303, %parallel_loop3A_304, %parallel_loop3A_305] {strides = array<i32>} : memref<20x2x8x128xf32, #tpu.memory_space<vmem>>, vector<16xf32>,
        tpu.vector_store %arg8[%parallel_loop3A_302, %parallel_loop3A_303, %parallel_loop3A_304, %parallel_loop3A_305], %parallel_loop3A_298 {strides = array<i32>} : memref<20x2x8x128xf32, #tpu.memory_space<vmem>>, vector<16xf32>,
        %parallel_loop3A_307 = arith.constant 2 : i32
        %parallel_loop3A_308 = vector.broadcast %parallel_loop3A_307 : i32 to vector<16xi32>
        %parallel_loop3A_309 = arith.addi %parallel_loop3A_282, %parallel_loop3A_308 : vector<16xi32>
        %parallel_loop3A_310 = tpu.vector_load_idx %arg5[%parallel_loop3A_309] : memref<60xf32, #tpu.memory_space<vmem>>[vector<16xi32>], vector<16xf32>,
        %parallel_loop3A_311 = arith.constant 16 : i32
        %parallel_loop3A_312 = arith.muli %parallel_loop3A_271, %parallel_loop3A_311 : i32
        %parallel_loop3A_313 = arith.constant 2 : i32
        %parallel_loop3A_314 = arith.index_cast %parallel_loop3A_313 : i32 to index
        %parallel_loop3A_315 = arith.index_cast %parallel_loop3A_269 : i32 to index
        %parallel_loop3A_316 = arith.index_cast %parallel_loop3A_265 : i32 to index
        %parallel_loop3A_317 = arith.index_cast %parallel_loop3A_312 : i32 to index
        %parallel_loop3A_318 = tpu.vector_load %arg8[%parallel_loop3A_314, %parallel_loop3A_315, %parallel_loop3A_316, %parallel_loop3A_317] {strides = array<i32>} : memref<20x2x8x128xf32, #tpu.memory_space<vmem>>, vector<16xf32>,
        tpu.vector_store %arg8[%parallel_loop3A_314, %parallel_loop3A_315, %parallel_loop3A_316, %parallel_loop3A_317], %parallel_loop3A_310 {strides = array<i32>} : memref<20x2x8x128xf32, #tpu.memory_space<vmem>>, vector<16xf32>,
        %parallel_loop3A_319 = arith.constant 3 : i32
        %parallel_loop3A_320 = vector.broadcast %parallel_loop3A_319 : i32 to vector<16xi32>
        %parallel_loop3A_321 = arith.addi %parallel_loop3A_282, %parallel_loop3A_320 : vector<16xi32>
        %parallel_loop3A_322 = tpu.vector_load_idx %arg5[%parallel_loop3A_321] : memref<60xf32, #tpu.memory_space<vmem>>[vector<16xi32>], vector<16xf32>,
        %parallel_loop3A_323 = arith.constant 16 : i32
        %parallel_loop3A_324 = arith.muli %parallel_loop3A_271, %parallel_loop3A_323 : i32
        %parallel_loop3A_325 = arith.constant 3 : i32
        %parallel_loop3A_326 = arith.index_cast %parallel_loop3A_325 : i32 to index
        %parallel_loop3A_327 = arith.index_cast %parallel_loop3A_269 : i32 to index
        %parallel_loop3A_328 = arith.index_cast %parallel_loop3A_265 : i32 to index
        %parallel_loop3A_329 = arith.index_cast %parallel_loop3A_324 : i32 to index
        %parallel_loop3A_330 = tpu.vector_load %arg8[%parallel_loop3A_326, %parallel_loop3A_327, %parallel_loop3A_328, %parallel_loop3A_329] {strides = array<i32>} : memref<20x2x8x128xf32, #tpu.memory_space<vmem>>, vector<16xf32>,
        tpu.vector_store %arg8[%parallel_loop3A_326, %parallel_loop3A_327, %parallel_loop3A_328, %parallel_loop3A_329], %parallel_loop3A_322 {strides = array<i32>} : memref<20x2x8x128xf32, #tpu.memory_space<vmem>>, vector<16xf32>,
        %parallel_loop3A_331 = arith.constant 4 : i32
        %parallel_loop3A_332 = vector.broadcast %parallel_loop3A_331 : i32 to vector<16xi32>
        %parallel_loop3A_333 = arith.addi %parallel_loop3A_282, %parallel_loop3A_332 : vector<16xi32>
        %parallel_loop3A_334 = tpu.vector_load_idx %arg5[%parallel_loop3A_333] : memref<60xf32, #tpu.memory_space<vmem>>[vector<16xi32>], vector<16xf32>,
        %parallel_loop3A_335 = arith.constant 16 : i32
        %parallel_loop3A_336 = arith.muli %parallel_loop3A_271, %parallel_loop3A_335 : i32
        %parallel_loop3A_337 = arith.constant 4 : i32
        %parallel_loop3A_338 = arith.index_cast %parallel_loop3A_337 : i32 to index
        %parallel_loop3A_339 = arith.index_cast %parallel_loop3A_269 : i32 to index
        %parallel_loop3A_340 = arith.index_cast %parallel_loop3A_265 : i32 to index
        %parallel_loop3A_341 = arith.index_cast %parallel_loop3A_336 : i32 to index
        %parallel_loop3A_342 = tpu.vector_load %arg8[%parallel_loop3A_338, %parallel_loop3A_339, %parallel_loop3A_340, %parallel_loop3A_341] {strides = array<i32>} : memref<20x2x8x128xf32, #tpu.memory_space<vmem>>, vector<16xf32>,
        tpu.vector_store %arg8[%parallel_loop3A_338, %parallel_loop3A_339, %parallel_loop3A_340, %parallel_loop3A_341], %parallel_loop3A_334 {strides = array<i32>} : memref<20x2x8x128xf32, #tpu.memory_space<vmem>>, vector<16xf32>,
        %parallel_loop3A_343 = arith.constant 5 : i32
        %parallel_loop3A_344 = vector.broadcast %parallel_loop3A_343 : i32 to vector<16xi32>
        %parallel_loop3A_345 = arith.addi %parallel_loop3A_282, %parallel_loop3A_344 : vector<16xi32>
        %parallel_loop3A_346 = tpu.vector_load_idx %arg5[%parallel_loop3A_345] : memref<60xf32, #tpu.memory_space<vmem>>[vector<16xi32>], vector<16xf32>,
        %parallel_loop3A_347 = arith.constant 16 : i32
        %parallel_loop3A_348 = arith.muli %parallel_loop3A_271, %parallel_loop3A_347 : i32
        %parallel_loop3A_349 = arith.constant 5 : i32
        %parallel_loop3A_350 = arith.index_cast %parallel_loop3A_349 : i32 to index
        %parallel_loop3A_351 = arith.index_cast %parallel_loop3A_269 : i32 to index
        %parallel_loop3A_352 = arith.index_cast %parallel_loop3A_265 : i32 to index
        %parallel_loop3A_353 = arith.index_cast %parallel_loop3A_348 : i32 to index
        %parallel_loop3A_354 = tpu.vector_load %arg8[%parallel_loop3A_350, %parallel_loop3A_351, %parallel_loop3A_352, %parallel_loop3A_353] {strides = array<i32>} : memref<20x2x8x128xf32, #tpu.memory_space<vmem>>, vector<16xf32>,
        tpu.vector_store %arg8[%parallel_loop3A_350, %parallel_loop3A_351, %parallel_loop3A_352, %parallel_loop3A_353], %parallel_loop3A_346 {strides = array<i32>} : memref<20x2x8x128xf32, #tpu.memory_space<vmem>>, vector<16xf32>,
        %parallel_loop3A_355 = arith.constant 6 : i32
        %parallel_loop3A_356 = vector.broadcast %parallel_loop3A_355 : i32 to vector<16xi32>
        %parallel_loop3A_357 = arith.addi %parallel_loop3A_282, %parallel_loop3A_356 : vector<16xi32>
        %parallel_loop3A_358 = tpu.vector_load_idx %arg5[%parallel_loop3A_357] : memref<60xf32, #tpu.memory_space<vmem>>[vector<16xi32>], vector<16xf32>,
        %parallel_loop3A_359 = arith.constant 16 : i32
        %parallel_loop3A_360 = arith.muli %parallel_loop3A_271, %parallel_loop3A_359 : i32
        %parallel_loop3A_361 = arith.constant 6 : i32
        %parallel_loop3A_362 = arith.index_cast %parallel_loop3A_361 : i32 to index
        %parallel_loop3A_363 = arith.index_cast %parallel_loop3A_269 : i32 to index
        %parallel_loop3A_364 = arith.index_cast %parallel_loop3A_265 : i32 to index
        %parallel_loop3A_365 = arith.index_cast %parallel_loop3A_360 : i32 to index
        %parallel_loop3A_366 = tpu.vector_load %arg8[%parallel_loop3A_362, %parallel_loop3A_363, %parallel_loop3A_364, %parallel_loop3A_365] {strides = array<i32>} : memref<20x2x8x128xf32, #tpu.memory_space<vmem>>, vector<16xf32>,
        tpu.vector_store %arg8[%parallel_loop3A_362, %parallel_loop3A_363, %parallel_loop3A_364, %parallel_loop3A_365], %parallel_loop3A_358 {strides = array<i32>} : memref<20x2x8x128xf32, #tpu.memory_space<vmem>>, vector<16xf32>,
        %parallel_loop3A_367 = arith.constant 7 : i32
        %parallel_loop3A_368 = vector.broadcast %parallel_loop3A_367 : i32 to vector<16xi32>
        %parallel_loop3A_369 = arith.addi %parallel_loop3A_282, %parallel_loop3A_368 : vector<16xi32>
        %parallel_loop3A_370 = tpu.vector_load_idx %arg5[%parallel_loop3A_369] : memref<60xf32, #tpu.memory_space<vmem>>[vector<16xi32>], vector<16xf32>,
        %parallel_loop3A_371 = arith.constant 16 : i32
        %parallel_loop3A_372 = arith.muli %parallel_loop3A_271, %parallel_loop3A_371 : i32
        %parallel_loop3A_373 = arith.constant 7 : i32
        %parallel_loop3A_374 = arith.index_cast %parallel_loop3A_373 : i32 to index
        %parallel_loop3A_375 = arith.index_cast %parallel_loop3A_269 : i32 to index
        %parallel_loop3A_376 = arith.index_cast %parallel_loop3A_265 : i32 to index
        %parallel_loop3A_377 = arith.index_cast %parallel_loop3A_372 : i32 to index
        %parallel_loop3A_378 = tpu.vector_load %arg8[%parallel_loop3A_374, %parallel_loop3A_375, %parallel_loop3A_376, %parallel_loop3A_377] {strides = array<i32>} : memref<20x2x8x128xf32, #tpu.memory_space<vmem>>, vector<16xf32>,
        tpu.vector_store %arg8[%parallel_loop3A_374, %parallel_loop3A_375, %parallel_loop3A_376, %parallel_loop3A_377], %parallel_loop3A_370 {strides = array<i32>} : memref<20x2x8x128xf32, #tpu.memory_space<vmem>>, vector<16xf32>,
        %parallel_loop3A_379 = arith.constant 8 : i32
        %parallel_loop3A_380 = vector.broadcast %parallel_loop3A_379 : i32 to vector<16xi32>
        %parallel_loop3A_381 = arith.addi %parallel_loop3A_282, %parallel_loop3A_380 : vector<16xi32>
        %parallel_loop3A_382 = tpu.vector_load_idx %arg5[%parallel_loop3A_381] : memref<60xf32, #tpu.memory_space<vmem>>[vector<16xi32>], vector<16xf32>,
        %parallel_loop3A_383 = arith.constant 16 : i32
        %parallel_loop3A_384 = arith.muli %parallel_loop3A_271, %parallel_loop3A_383 : i32
        %parallel_loop3A_385 = arith.constant 8 : i32
        %parallel_loop3A_386 = arith.index_cast %parallel_loop3A_385 : i32 to index
        %parallel_loop3A_387 = arith.index_cast %parallel_loop3A_269 : i32 to index
        %parallel_loop3A_388 = arith.index_cast %parallel_loop3A_265 : i32 to index
        %parallel_loop3A_389 = arith.index_cast %parallel_loop3A_384 : i32 to index
        %parallel_loop3A_390 = tpu.vector_load %arg8[%parallel_loop3A_386, %parallel_loop3A_387, %parallel_loop3A_388, %parallel_loop3A_389] {strides = array<i32>} : memref<20x2x8x128xf32, #tpu.memory_space<vmem>>, vector<16xf32>,
        tpu.vector_store %arg8[%parallel_loop3A_386, %parallel_loop3A_387, %parallel_loop3A_388, %parallel_loop3A_389], %parallel_loop3A_382 {strides = array<i32>} : memref<20x2x8x128xf32, #tpu.memory_space<vmem>>, vector<16xf32>,
        %parallel_loop3A_391 = arith.constant 9 : i32
        %parallel_loop3A_392 = vector.broadcast %parallel_loop3A_391 : i32 to vector<16xi32>
        %parallel_loop3A_393 = arith.addi %parallel_loop3A_282, %parallel_loop3A_392 : vector<16xi32>
        %parallel_loop3A_394 = tpu.vector_load_idx %arg5[%parallel_loop3A_393] : memref<60xf32, #tpu.memory_space<vmem>>[vector<16xi32>], vector<16xf32>,
        %parallel_loop3A_395 = arith.constant 16 : i32
        %parallel_loop3A_396 = arith.muli %parallel_loop3A_271, %parallel_loop3A_395 : i32
        %parallel_loop3A_397 = arith.constant 9 : i32
        %parallel_loop3A_398 = arith.index_cast %parallel_loop3A_397 : i32 to index
        %parallel_loop3A_399 = arith.index_cast %parallel_loop3A_269 : i32 to index
        %parallel_loop3A_400 = arith.index_cast %parallel_loop3A_265 : i32 to index
        %parallel_loop3A_401 = arith.index_cast %parallel_loop3A_396 : i32 to index
        %parallel_loop3A_402 = tpu.vector_load %arg8[%parallel_loop3A_398, %parallel_loop3A_399, %parallel_loop3A_400, %parallel_loop3A_401] {strides = array<i32>} : memref<20x2x8x128xf32, #tpu.memory_space<vmem>>, vector<16xf32>,
        tpu.vector_store %arg8[%parallel_loop3A_398, %parallel_loop3A_399, %parallel_loop3A_400, %parallel_loop3A_401], %parallel_loop3A_394 {strides = array<i32>} : memref<20x2x8x128xf32, #tpu.memory_space<vmem>>, vector<16xf32>,
        %parallel_loop3A_403 = arith.constant 10 : i32
        %parallel_loop3A_404 = vector.broadcast %parallel_loop3A_403 : i32 to vector<16xi32>
        %parallel_loop3A_405 = arith.addi %parallel_loop3A_282, %parallel_loop3A_404 : vector<16xi32>
        %parallel_loop3A_406 = tpu.vector_load_idx %arg5[%parallel_loop3A_405] : memref<60xf32, #tpu.memory_space<vmem>>[vector<16xi32>], vector<16xf32>,
        %parallel_loop3A_407 = arith.constant 16 : i32
        %parallel_loop3A_408 = arith.muli %parallel_loop3A_271, %parallel_loop3A_407 : i32
        %parallel_loop3A_409 = arith.constant 10 : i32
        %parallel_loop3A_410 = arith.index_cast %parallel_loop3A_409 : i32 to index
        %parallel_loop3A_411 = arith.index_cast %parallel_loop3A_269 : i32 to index
        %parallel_loop3A_412 = arith.index_cast %parallel_loop3A_265 : i32 to index
        %parallel_loop3A_413 = arith.index_cast %parallel_loop3A_408 : i32 to index
        %parallel_loop3A_414 = tpu.vector_load %arg8[%parallel_loop3A_410, %parallel_loop3A_411, %parallel_loop3A_412, %parallel_loop3A_413] {strides = array<i32>} : memref<20x2x8x128xf32, #tpu.memory_space<vmem>>, vector<16xf32>,
        tpu.vector_store %arg8[%parallel_loop3A_410, %parallel_loop3A_411, %parallel_loop3A_412, %parallel_loop3A_413], %parallel_loop3A_406 {strides = array<i32>} : memref<20x2x8x128xf32, #tpu.memory_space<vmem>>, vector<16xf32>,
        %parallel_loop3A_415 = arith.constant 11 : i32
        %parallel_loop3A_416 = vector.broadcast %parallel_loop3A_415 : i32 to vector<16xi32>
        %parallel_loop3A_417 = arith.addi %parallel_loop3A_282, %parallel_loop3A_416 : vector<16xi32>
        %parallel_loop3A_418 = tpu.vector_load_idx %arg5[%parallel_loop3A_417] : memref<60xf32, #tpu.memory_space<vmem>>[vector<16xi32>], vector<16xf32>,
        %parallel_loop3A_419 = arith.constant 16 : i32
        %parallel_loop3A_420 = arith.muli %parallel_loop3A_271, %parallel_loop3A_419 : i32
        %parallel_loop3A_421 = arith.constant 11 : i32
        %parallel_loop3A_422 = arith.index_cast %parallel_loop3A_421 : i32 to index
        %parallel_loop3A_423 = arith.index_cast %parallel_loop3A_269 : i32 to index
        %parallel_loop3A_424 = arith.index_cast %parallel_loop3A_265 : i32 to index
        %parallel_loop3A_425 = arith.index_cast %parallel_loop3A_420 : i32 to index
        %parallel_loop3A_426 = tpu.vector_load %arg8[%parallel_loop3A_422, %parallel_loop3A_423, %parallel_loop3A_424, %parallel_loop3A_425] {strides = array<i32>} : memref<20x2x8x128xf32, #tpu.memory_space<vmem>>, vector<16xf32>,
        tpu.vector_store %arg8[%parallel_loop3A_422, %parallel_loop3A_423, %parallel_loop3A_424, %parallel_loop3A_425], %parallel_loop3A_418 {strides = array<i32>} : memref<20x2x8x128xf32, #tpu.memory_space<vmem>>, vector<16xf32>,
        %parallel_loop3A_427 = arith.constant 12 : i32
        %parallel_loop3A_428 = vector.broadcast %parallel_loop3A_427 : i32 to vector<16xi32>
        %parallel_loop3A_429 = arith.addi %parallel_loop3A_282, %parallel_loop3A_428 : vector<16xi32>
        %parallel_loop3A_430 = tpu.vector_load_idx %arg5[%parallel_loop3A_429] : memref<60xf32, #tpu.memory_space<vmem>>[vector<16xi32>], vector<16xf32>,
        %parallel_loop3A_431 = arith.constant 16 : i32
        %parallel_loop3A_432 = arith.muli %parallel_loop3A_271, %parallel_loop3A_431 : i32
        %parallel_loop3A_433 = arith.constant 12 : i32
        %parallel_loop3A_434 = arith.index_cast %parallel_loop3A_433 : i32 to index
        %parallel_loop3A_435 = arith.index_cast %parallel_loop3A_269 : i32 to index
        %parallel_loop3A_436 = arith.index_cast %parallel_loop3A_265 : i32 to index
        %parallel_loop3A_437 = arith.index_cast %parallel_loop3A_432 : i32 to index
        %parallel_loop3A_438 = tpu.vector_load %arg8[%parallel_loop3A_434, %parallel_loop3A_435, %parallel_loop3A_436, %parallel_loop3A_437] {strides = array<i32>} : memref<20x2x8x128xf32, #tpu.memory_space<vmem>>, vector<16xf32>,
        tpu.vector_store %arg8[%parallel_loop3A_434, %parallel_loop3A_435, %parallel_loop3A_436, %parallel_loop3A_437], %parallel_loop3A_430 {strides = array<i32>} : memref<20x2x8x128xf32, #tpu.memory_space<vmem>>, vector<16xf32>,
        %parallel_loop3A_439 = arith.constant 13 : i32
        %parallel_loop3A_440 = vector.broadcast %parallel_loop3A_439 : i32 to vector<16xi32>
        %parallel_loop3A_441 = arith.addi %parallel_loop3A_282, %parallel_loop3A_440 : vector<16xi32>
        %parallel_loop3A_442 = tpu.vector_load_idx %arg5[%parallel_loop3A_441] : memref<60xf32, #tpu.memory_space<vmem>>[vector<16xi32>], vector<16xf32>,
        %parallel_loop3A_443 = arith.constant 16 : i32
        %parallel_loop3A_444 = arith.muli %parallel_loop3A_271, %parallel_loop3A_443 : i32
        %parallel_loop3A_445 = arith.constant 13 : i32
        %parallel_loop3A_446 = arith.index_cast %parallel_loop3A_445 : i32 to index
        %parallel_loop3A_447 = arith.index_cast %parallel_loop3A_269 : i32 to index
        %parallel_loop3A_448 = arith.index_cast %parallel_loop3A_265 : i32 to index
        %parallel_loop3A_449 = arith.index_cast %parallel_loop3A_444 : i32 to index
        %parallel_loop3A_450 = tpu.vector_load %arg8[%parallel_loop3A_446, %parallel_loop3A_447, %parallel_loop3A_448, %parallel_loop3A_449] {strides = array<i32>} : memref<20x2x8x128xf32, #tpu.memory_space<vmem>>, vector<16xf32>,
        tpu.vector_store %arg8[%parallel_loop3A_446, %parallel_loop3A_447, %parallel_loop3A_448, %parallel_loop3A_449], %parallel_loop3A_442 {strides = array<i32>} : memref<20x2x8x128xf32, #tpu.memory_space<vmem>>, vector<16xf32>,
        %parallel_loop3A_451 = arith.constant 14 : i32
        %parallel_loop3A_452 = vector.broadcast %parallel_loop3A_451 : i32 to vector<16xi32>
        %parallel_loop3A_453 = arith.addi %parallel_loop3A_282, %parallel_loop3A_452 : vector<16xi32>
        %parallel_loop3A_454 = tpu.vector_load_idx %arg5[%parallel_loop3A_453] : memref<60xf32, #tpu.memory_space<vmem>>[vector<16xi32>], vector<16xf32>,
        %parallel_loop3A_455 = arith.constant 16 : i32
        %parallel_loop3A_456 = arith.muli %parallel_loop3A_271, %parallel_loop3A_455 : i32
        %parallel_loop3A_457 = arith.constant 14 : i32
        %parallel_loop3A_458 = arith.index_cast %parallel_loop3A_457 : i32 to index
        %parallel_loop3A_459 = arith.index_cast %parallel_loop3A_269 : i32 to index
        %parallel_loop3A_460 = arith.index_cast %parallel_loop3A_265 : i32 to index
        %parallel_loop3A_461 = arith.index_cast %parallel_loop3A_456 : i32 to index
        %parallel_loop3A_462 = tpu.vector_load %arg8[%parallel_loop3A_458, %parallel_loop3A_459, %parallel_loop3A_460, %parallel_loop3A_461] {strides = array<i32>} : memref<20x2x8x128xf32, #tpu.memory_space<vmem>>, vector<16xf32>,
        tpu.vector_store %arg8[%parallel_loop3A_458, %parallel_loop3A_459, %parallel_loop3A_460, %parallel_loop3A_461], %parallel_loop3A_454 {strides = array<i32>} : memref<20x2x8x128xf32, #tpu.memory_space<vmem>>, vector<16xf32>,
        %parallel_loop3A_463 = arith.constant 15 : i32
        %parallel_loop3A_464 = vector.broadcast %parallel_loop3A_463 : i32 to vector<16xi32>
        %parallel_loop3A_465 = arith.addi %parallel_loop3A_282, %parallel_loop3A_464 : vector<16xi32>
        %parallel_loop3A_466 = tpu.vector_load_idx %arg5[%parallel_loop3A_465] : memref<60xf32, #tpu.memory_space<vmem>>[vector<16xi32>], vector<16xf32>,
        %parallel_loop3A_467 = arith.constant 16 : i32
        %parallel_loop3A_468 = arith.muli %parallel_loop3A_271, %parallel_loop3A_467 : i32
        %parallel_loop3A_469 = arith.constant 15 : i32
        %parallel_loop3A_470 = arith.index_cast %parallel_loop3A_469 : i32 to index
        %parallel_loop3A_471 = arith.index_cast %parallel_loop3A_269 : i32 to index
        %parallel_loop3A_472 = arith.index_cast %parallel_loop3A_265 : i32 to index
        %parallel_loop3A_473 = arith.index_cast %parallel_loop3A_468 : i32 to index
        %parallel_loop3A_474 = tpu.vector_load %arg8[%parallel_loop3A_470, %parallel_loop3A_471, %parallel_loop3A_472, %parallel_loop3A_473] {strides = array<i32>} : memref<20x2x8x128xf32, #tpu.memory_space<vmem>>, vector<16xf32>,
        tpu.vector_store %arg8[%parallel_loop3A_470, %parallel_loop3A_471, %parallel_loop3A_472, %parallel_loop3A_473], %parallel_loop3A_466 {strides = array<i32>} : memref<20x2x8x128xf32, #tpu.memory_space<vmem>>, vector<16xf32>,
        %parallel_loop3A_475 = arith.constant 16 : i32
        %parallel_loop3A_476 = vector.broadcast %parallel_loop3A_475 : i32 to vector<16xi32>
        %parallel_loop3A_477 = arith.addi %parallel_loop3A_282, %parallel_loop3A_476 : vector<16xi32>
        %parallel_loop3A_478 = tpu.vector_load_idx %arg5[%parallel_loop3A_477] : memref<60xf32, #tpu.memory_space<vmem>>[vector<16xi32>], vector<16xf32>,
        %parallel_loop3A_479 = arith.constant 16 : i32
        %parallel_loop3A_480 = arith.muli %parallel_loop3A_271, %parallel_loop3A_479 : i32
        %parallel_loop3A_481 = arith.constant 16 : i32
        %parallel_loop3A_482 = arith.index_cast %parallel_loop3A_481 : i32 to index
        %parallel_loop3A_483 = arith.index_cast %parallel_loop3A_269 : i32 to index
        %parallel_loop3A_484 = arith.index_cast %parallel_loop3A_265 : i32 to index
        %parallel_loop3A_485 = arith.index_cast %parallel_loop3A_480 : i32 to index
        %parallel_loop3A_486 = tpu.vector_load %arg8[%parallel_loop3A_482, %parallel_loop3A_483, %parallel_loop3A_484, %parallel_loop3A_485] {strides = array<i32>} : memref<20x2x8x128xf32, #tpu.memory_space<vmem>>, vector<16xf32>,
        tpu.vector_store %arg8[%parallel_loop3A_482, %parallel_loop3A_483, %parallel_loop3A_484, %parallel_loop3A_485], %parallel_loop3A_478 {strides = array<i32>} : memref<20x2x8x128xf32, #tpu.memory_space<vmem>>, vector<16xf32>,
        %parallel_loop3A_487 = arith.constant 17 : i32
        %parallel_loop3A_488 = vector.broadcast %parallel_loop3A_487 : i32 to vector<16xi32>
        %parallel_loop3A_489 = arith.addi %parallel_loop3A_282, %parallel_loop3A_488 : vector<16xi32>
        %parallel_loop3A_490 = tpu.vector_load_idx %arg5[%parallel_loop3A_489] : memref<60xf32, #tpu.memory_space<vmem>>[vector<16xi32>], vector<16xf32>,
        %parallel_loop3A_491 = arith.constant 16 : i32
        %parallel_loop3A_492 = arith.muli %parallel_loop3A_271, %parallel_loop3A_491 : i32
        %parallel_loop3A_493 = arith.constant 17 : i32
        %parallel_loop3A_494 = arith.index_cast %parallel_loop3A_493 : i32 to index
        %parallel_loop3A_495 = arith.index_cast %parallel_loop3A_269 : i32 to index
        %parallel_loop3A_496 = arith.index_cast %parallel_loop3A_265 : i32 to index
        %parallel_loop3A_497 = arith.index_cast %parallel_loop3A_492 : i32 to index
        %parallel_loop3A_498 = tpu.vector_load %arg8[%parallel_loop3A_494, %parallel_loop3A_495, %parallel_loop3A_496, %parallel_loop3A_497] {strides = array<i32>} : memref<20x2x8x128xf32, #tpu.memory_space<vmem>>, vector<16xf32>,
        tpu.vector_store %arg8[%parallel_loop3A_494, %parallel_loop3A_495, %parallel_loop3A_496, %parallel_loop3A_497], %parallel_loop3A_490 {strides = array<i32>} : memref<20x2x8x128xf32, #tpu.memory_space<vmem>>, vector<16xf32>,
        %parallel_loop3A_499 = arith.constant 18 : i32
        %parallel_loop3A_500 = vector.broadcast %parallel_loop3A_499 : i32 to vector<16xi32>
        %parallel_loop3A_501 = arith.addi %parallel_loop3A_282, %parallel_loop3A_500 : vector<16xi32>
        %parallel_loop3A_502 = tpu.vector_load_idx %arg5[%parallel_loop3A_501] : memref<60xf32, #tpu.memory_space<vmem>>[vector<16xi32>], vector<16xf32>,
        %parallel_loop3A_503 = arith.constant 16 : i32
        %parallel_loop3A_504 = arith.muli %parallel_loop3A_271, %parallel_loop3A_503 : i32
        %parallel_loop3A_505 = arith.constant 18 : i32
        %parallel_loop3A_506 = arith.index_cast %parallel_loop3A_505 : i32 to index
        %parallel_loop3A_507 = arith.index_cast %parallel_loop3A_269 : i32 to index
        %parallel_loop3A_508 = arith.index_cast %parallel_loop3A_265 : i32 to index
        %parallel_loop3A_509 = arith.index_cast %parallel_loop3A_504 : i32 to index
        %parallel_loop3A_510 = tpu.vector_load %arg8[%parallel_loop3A_506, %parallel_loop3A_507, %parallel_loop3A_508, %parallel_loop3A_509] {strides = array<i32>} : memref<20x2x8x128xf32, #tpu.memory_space<vmem>>, vector<16xf32>,
        tpu.vector_store %arg8[%parallel_loop3A_506, %parallel_loop3A_507, %parallel_loop3A_508, %parallel_loop3A_509], %parallel_loop3A_502 {strides = array<i32>} : memref<20x2x8x128xf32, #tpu.memory_space<vmem>>, vector<16xf32>,
        %parallel_loop3A_511 = arith.constant 19 : i32
        %parallel_loop3A_512 = vector.broadcast %parallel_loop3A_511 : i32 to vector<16xi32>
        %parallel_loop3A_513 = arith.addi %parallel_loop3A_282, %parallel_loop3A_512 : vector<16xi32>
        %parallel_loop3A_514 = tpu.vector_load_idx %arg5[%parallel_loop3A_513] : memref<60xf32, #tpu.memory_space<vmem>>[vector<16xi32>], vector<16xf32>,
        %parallel_loop3A_515 = arith.constant 16 : i32
        %parallel_loop3A_516 = arith.muli %parallel_loop3A_271, %parallel_loop3A_515 : i32
        %parallel_loop3A_517 = arith.constant 19 : i32
        %parallel_loop3A_518 = arith.index_cast %parallel_loop3A_517 : i32 to index
        %parallel_loop3A_519 = arith.index_cast %parallel_loop3A_269 : i32 to index
        %parallel_loop3A_520 = arith.index_cast %parallel_loop3A_265 : i32 to index
        %parallel_loop3A_521 = arith.index_cast %parallel_loop3A_516 : i32 to index
        %parallel_loop3A_522 = tpu.vector_load %arg8[%parallel_loop3A_518, %parallel_loop3A_519, %parallel_loop3A_520, %parallel_loop3A_521] {strides = array<i32>} : memref<20x2x8x128xf32, #tpu.memory_space<vmem>>, vector<16xf32>,
        tpu.vector_store %arg8[%parallel_loop3A_518, %parallel_loop3A_519, %parallel_loop3A_520, %parallel_loop3A_521], %parallel_loop3A_514 {strides = array<i32>} : memref<20x2x8x128xf32, #tpu.memory_space<vmem>>, vector<16xf32>,
      } {sc.loop_unroll_factor = 1 : i64, sc.parallel_access}
      %add3A_142 = arith.constant 0 : i32
      %add3A_143 = arith.addi %mul3A_2, %add3A_142 : i32
      %dma_start3A_144 = arith.constant 0 : i32
      %dma_start3A_145 = arith.constant 0 : i32
      %dma_start3A_146 = arith.constant 0 : i32
      %dma_start3A_147 = tpu.memref_slice %arg4[%dma_start3A_144, %add3A_104, %add3A_143, %dma_start3A_145, %dma_start3A_146] : memref<20x25x128x8x128xf32, #tpu.memory_space<hbm>> -> memref<20x1x2x8x128xf32, #tpu.memory_space<hbm>>
      %dma_start3A_148 = tpu.memref_squeeze %dma_start3A_147 : memref<20x1x2x8x128xf32, #tpu.memory_space<hbm>> -> memref<20x2x8x128xf32, #tpu.memory_space<hbm>>
      %dma_start3A_149 = arith.constant 0 : i32
      %dma_start3A_150 = arith.constant 0 : i32
      %dma_start3A_151 = arith.constant 0 : i32
      %dma_start3A_152 = tpu.memref_slice %arg4[%dma_start3A_149, %add3A_104, %add3A_143, %dma_start3A_150, %dma_start3A_151] : memref<20x25x128x8x128xf32, #tpu.memory_space<hbm>> -> memref<20x1x2x8x128xf32, #tpu.memory_space<hbm>>
      %dma_start3A_153 = tpu.memref_squeeze %dma_start3A_152 : memref<20x1x2x8x128xf32, #tpu.memory_space<hbm>> -> memref<20x2x8x128xf32, #tpu.memory_space<hbm>>
      tpu.enqueue_dma source(%arg8 : memref<20x2x8x128xf32, #tpu.memory_space<vmem>>) target(%dma_start3A_153 : memref<20x2x8x128xf32, #tpu.memory_space<hbm>>) target_semaphore(%arg12 : memref<!tpu.dma_semaphore, #tpu.memory_space<semaphore_mem>>)
      %dma_wait3A_154 = arith.constant 0 : i32
      %dma_wait3A_155 = arith.constant 0 : i32
      %dma_wait3A_156 = arith.constant 0 : i32
      %dma_wait3A_157 = arith.constant 0 : i32
      %dma_wait3A_158 = arith.constant 0 : i32
      %dma_wait3A_159 = tpu.memref_slice %arg4[%dma_wait3A_155, %dma_wait3A_154, %dma_wait3A_156, %dma_wait3A_157, %dma_wait3A_158] : memref<20x25x128x8x128xf32, #tpu.memory_space<hbm>> -> memref<20x1x2x8x128xf32, #tpu.memory_space<hbm>>
      %dma_wait3A_160 = tpu.memref_squeeze %dma_wait3A_159 : memref<20x1x2x8x128xf32, #tpu.memory_space<hbm>> -> memref<20x2x8x128xf32, #tpu.memory_space<hbm>>
      %dma_wait3A_161 = arith.constant 0 : i32
      %dma_wait3A_162 = arith.constant 0 : i32
      %dma_wait3A_163 = arith.constant 0 : i32
      %dma_wait3A_164 = arith.constant 0 : i32
      %dma_wait3A_165 = tpu.memref_slice %arg4[%dma_wait3A_161, %dma_wait3A_154, %dma_wait3A_162, %dma_wait3A_163, %dma_wait3A_164] : memref<20x25x128x8x128xf32, #tpu.memory_space<hbm>> -> memref<20x1x2x8x128xf32, #tpu.memory_space<hbm>>
      %dma_wait3A_166 = tpu.memref_squeeze %dma_wait3A_165 : memref<20x1x2x8x128xf32, #tpu.memory_space<hbm>> -> memref<20x2x8x128xf32, #tpu.memory_space<hbm>>
      tpu.wait_dma2 semaphore(%arg13 : memref<!tpu.dma_semaphore, #tpu.memory_space<semaphore_mem>>) src(%arg9 : memref<20x2x8x128xf32, #tpu.memory_space<vmem>>) dst(%dma_wait3A_166 : memref<20x2x8x128xf32, #tpu.memory_space<hbm>>)
      %parallel_loop3A_167 = arith.constant 0 : i32
      %parallel_loop3A_168 = arith.constant 128 : i32
      %parallel_loop3A_169 = arith.constant 1 : i32
      scf.for %parallel_loop3A_263 = %parallel_loop3A_167 to %parallel_loop3A_168 step %parallel_loop3A_169  : i32 {
        %parallel_loop3A_264 = arith.constant 4 : i32
        %parallel_loop3A_265 = arith.shrui %parallel_loop3A_263, %parallel_loop3A_264 : i32
        %parallel_loop3A_266 = arith.constant 15 : i32
        %parallel_loop3A_267 = arith.andi %parallel_loop3A_263, %parallel_loop3A_266 : i32
        %parallel_loop3A_268 = arith.constant 3 : i32
        %parallel_loop3A_269 = arith.shrui %parallel_loop3A_267, %parallel_loop3A_268 : i32
        %parallel_loop3A_270 = arith.constant 7 : i32
        %parallel_loop3A_271 = arith.andi %parallel_loop3A_267, %parallel_loop3A_270 : i32
        %parallel_loop3A_272 = arith.constant 2 : i32
        %parallel_loop3A_273 = arith.addi %parallel_loop3A_272, %parallel_loop3A_269 : i32
        %parallel_loop3A_274 = arith.constant 16 : i32
        %parallel_loop3A_275 = arith.muli %parallel_loop3A_271, %parallel_loop3A_274 : i32
        %parallel_loop3A_276 = arith.index_cast %parallel_loop3A_273 : i32 to index
        %parallel_loop3A_277 = arith.index_cast %parallel_loop3A_265 : i32 to index
        %parallel_loop3A_278 = arith.index_cast %parallel_loop3A_275 : i32 to index
        %parallel_loop3A_279 = tpu.vector_load %arg7[%parallel_loop3A_276, %parallel_loop3A_277, %parallel_loop3A_278] {strides = array<i32>} : memref<4x8x128xi32, #tpu.memory_space<vmem>>, vector<16xi32>,
        %parallel_loop3A_280 = arith.constant 20 : i32
        %parallel_loop3A_281 = vector.broadcast %parallel_loop3A_280 : i32 to vector<16xi32>
        %parallel_loop3A_282 = arith.muli %parallel_loop3A_279, %parallel_loop3A_281 : vector<16xi32>
        %parallel_loop3A_283 = arith.constant 0 : i32
        %parallel_loop3A_284 = vector.broadcast %parallel_loop3A_283 : i32 to vector<16xi32>
        %parallel_loop3A_285 = arith.addi %parallel_loop3A_282, %parallel_loop3A_284 : vector<16xi32>
        %parallel_loop3A_286 = tpu.vector_load_idx %arg5[%parallel_loop3A_285] : memref<60xf32, #tpu.memory_space<vmem>>[vector<16xi32>], vector<16xf32>,
        %parallel_loop3A_287 = arith.constant 16 : i32
        %parallel_loop3A_288 = arith.muli %parallel_loop3A_271, %parallel_loop3A_287 : i32
        %parallel_loop3A_289 = arith.constant 0 : i32
        %parallel_loop3A_290 = arith.index_cast %parallel_loop3A_289 : i32 to index
        %parallel_loop3A_291 = arith.index_cast %parallel_loop3A_269 : i32 to index
        %parallel_loop3A_292 = arith.index_cast %parallel_loop3A_265 : i32 to index
        %parallel_loop3A_293 = arith.index_cast %parallel_loop3A_288 : i32 to index
        %parallel_loop3A_294 = tpu.vector_load %arg9[%parallel_loop3A_290, %parallel_loop3A_291, %parallel_loop3A_292, %parallel_loop3A_293] {strides = array<i32>} : memref<20x2x8x128xf32, #tpu.memory_space<vmem>>, vector<16xf32>,
        tpu.vector_store %arg9[%parallel_loop3A_290, %parallel_loop3A_291, %parallel_loop3A_292, %parallel_loop3A_293], %parallel_loop3A_286 {strides = array<i32>} : memref<20x2x8x128xf32, #tpu.memory_space<vmem>>, vector<16xf32>,
        %parallel_loop3A_295 = arith.constant 1 : i32
        %parallel_loop3A_296 = vector.broadcast %parallel_loop3A_295 : i32 to vector<16xi32>
        %parallel_loop3A_297 = arith.addi %parallel_loop3A_282, %parallel_loop3A_296 : vector<16xi32>
        %parallel_loop3A_298 = tpu.vector_load_idx %arg5[%parallel_loop3A_297] : memref<60xf32, #tpu.memory_space<vmem>>[vector<16xi32>], vector<16xf32>,
        %parallel_loop3A_299 = arith.constant 16 : i32
        %parallel_loop3A_300 = arith.muli %parallel_loop3A_271, %parallel_loop3A_299 : i32
        %parallel_loop3A_301 = arith.constant 1 : i32
        %parallel_loop3A_302 = arith.index_cast %parallel_loop3A_301 : i32 to index
        %parallel_loop3A_303 = arith.index_cast %parallel_loop3A_269 : i32 to index
        %parallel_loop3A_304 = arith.index_cast %parallel_loop3A_265 : i32 to index
        %parallel_loop3A_305 = arith.index_cast %parallel_loop3A_300 : i32 to index
        %parallel_loop3A_306 = tpu.vector_load %arg9[%parallel_loop3A_302, %parallel_loop3A_303, %parallel_loop3A_304, %parallel_loop3A_305] {strides = array<i32>} : memref<20x2x8x128xf32, #tpu.memory_space<vmem>>, vector<16xf32>,
        tpu.vector_store %arg9[%parallel_loop3A_302, %parallel_loop3A_303, %parallel_loop3A_304, %parallel_loop3A_305], %parallel_loop3A_298 {strides = array<i32>} : memref<20x2x8x128xf32, #tpu.memory_space<vmem>>, vector<16xf32>,
        %parallel_loop3A_307 = arith.constant 2 : i32
        %parallel_loop3A_308 = vector.broadcast %parallel_loop3A_307 : i32 to vector<16xi32>
        %parallel_loop3A_309 = arith.addi %parallel_loop3A_282, %parallel_loop3A_308 : vector<16xi32>
        %parallel_loop3A_310 = tpu.vector_load_idx %arg5[%parallel_loop3A_309] : memref<60xf32, #tpu.memory_space<vmem>>[vector<16xi32>], vector<16xf32>,
        %parallel_loop3A_311 = arith.constant 16 : i32
        %parallel_loop3A_312 = arith.muli %parallel_loop3A_271, %parallel_loop3A_311 : i32
        %parallel_loop3A_313 = arith.constant 2 : i32
        %parallel_loop3A_314 = arith.index_cast %parallel_loop3A_313 : i32 to index
        %parallel_loop3A_315 = arith.index_cast %parallel_loop3A_269 : i32 to index
        %parallel_loop3A_316 = arith.index_cast %parallel_loop3A_265 : i32 to index
        %parallel_loop3A_317 = arith.index_cast %parallel_loop3A_312 : i32 to index
        %parallel_loop3A_318 = tpu.vector_load %arg9[%parallel_loop3A_314, %parallel_loop3A_315, %parallel_loop3A_316, %parallel_loop3A_317] {strides = array<i32>} : memref<20x2x8x128xf32, #tpu.memory_space<vmem>>, vector<16xf32>,
        tpu.vector_store %arg9[%parallel_loop3A_314, %parallel_loop3A_315, %parallel_loop3A_316, %parallel_loop3A_317], %parallel_loop3A_310 {strides = array<i32>} : memref<20x2x8x128xf32, #tpu.memory_space<vmem>>, vector<16xf32>,
        %parallel_loop3A_319 = arith.constant 3 : i32
        %parallel_loop3A_320 = vector.broadcast %parallel_loop3A_319 : i32 to vector<16xi32>
        %parallel_loop3A_321 = arith.addi %parallel_loop3A_282, %parallel_loop3A_320 : vector<16xi32>
        %parallel_loop3A_322 = tpu.vector_load_idx %arg5[%parallel_loop3A_321] : memref<60xf32, #tpu.memory_space<vmem>>[vector<16xi32>], vector<16xf32>,
        %parallel_loop3A_323 = arith.constant 16 : i32
        %parallel_loop3A_324 = arith.muli %parallel_loop3A_271, %parallel_loop3A_323 : i32
        %parallel_loop3A_325 = arith.constant 3 : i32
        %parallel_loop3A_326 = arith.index_cast %parallel_loop3A_325 : i32 to index
        %parallel_loop3A_327 = arith.index_cast %parallel_loop3A_269 : i32 to index
        %parallel_loop3A_328 = arith.index_cast %parallel_loop3A_265 : i32 to index
        %parallel_loop3A_329 = arith.index_cast %parallel_loop3A_324 : i32 to index
        %parallel_loop3A_330 = tpu.vector_load %arg9[%parallel_loop3A_326, %parallel_loop3A_327, %parallel_loop3A_328, %parallel_loop3A_329] {strides = array<i32>} : memref<20x2x8x128xf32, #tpu.memory_space<vmem>>, vector<16xf32>,
        tpu.vector_store %arg9[%parallel_loop3A_326, %parallel_loop3A_327, %parallel_loop3A_328, %parallel_loop3A_329], %parallel_loop3A_322 {strides = array<i32>} : memref<20x2x8x128xf32, #tpu.memory_space<vmem>>, vector<16xf32>,
        %parallel_loop3A_331 = arith.constant 4 : i32
        %parallel_loop3A_332 = vector.broadcast %parallel_loop3A_331 : i32 to vector<16xi32>
        %parallel_loop3A_333 = arith.addi %parallel_loop3A_282, %parallel_loop3A_332 : vector<16xi32>
        %parallel_loop3A_334 = tpu.vector_load_idx %arg5[%parallel_loop3A_333] : memref<60xf32, #tpu.memory_space<vmem>>[vector<16xi32>], vector<16xf32>,
        %parallel_loop3A_335 = arith.constant 16 : i32
        %parallel_loop3A_336 = arith.muli %parallel_loop3A_271, %parallel_loop3A_335 : i32
        %parallel_loop3A_337 = arith.constant 4 : i32
        %parallel_loop3A_338 = arith.index_cast %parallel_loop3A_337 : i32 to index
        %parallel_loop3A_339 = arith.index_cast %parallel_loop3A_269 : i32 to index
        %parallel_loop3A_340 = arith.index_cast %parallel_loop3A_265 : i32 to index
        %parallel_loop3A_341 = arith.index_cast %parallel_loop3A_336 : i32 to index
        %parallel_loop3A_342 = tpu.vector_load %arg9[%parallel_loop3A_338, %parallel_loop3A_339, %parallel_loop3A_340, %parallel_loop3A_341] {strides = array<i32>} : memref<20x2x8x128xf32, #tpu.memory_space<vmem>>, vector<16xf32>,
        tpu.vector_store %arg9[%parallel_loop3A_338, %parallel_loop3A_339, %parallel_loop3A_340, %parallel_loop3A_341], %parallel_loop3A_334 {strides = array<i32>} : memref<20x2x8x128xf32, #tpu.memory_space<vmem>>, vector<16xf32>,
        %parallel_loop3A_343 = arith.constant 5 : i32
        %parallel_loop3A_344 = vector.broadcast %parallel_loop3A_343 : i32 to vector<16xi32>
        %parallel_loop3A_345 = arith.addi %parallel_loop3A_282, %parallel_loop3A_344 : vector<16xi32>
        %parallel_loop3A_346 = tpu.vector_load_idx %arg5[%parallel_loop3A_345] : memref<60xf32, #tpu.memory_space<vmem>>[vector<16xi32>], vector<16xf32>,
        %parallel_loop3A_347 = arith.constant 16 : i32
        %parallel_loop3A_348 = arith.muli %parallel_loop3A_271, %parallel_loop3A_347 : i32
        %parallel_loop3A_349 = arith.constant 5 : i32
        %parallel_loop3A_350 = arith.index_cast %parallel_loop3A_349 : i32 to index
        %parallel_loop3A_351 = arith.index_cast %parallel_loop3A_269 : i32 to index
        %parallel_loop3A_352 = arith.index_cast %parallel_loop3A_265 : i32 to index
        %parallel_loop3A_353 = arith.index_cast %parallel_loop3A_348 : i32 to index
        %parallel_loop3A_354 = tpu.vector_load %arg9[%parallel_loop3A_350, %parallel_loop3A_351, %parallel_loop3A_352, %parallel_loop3A_353] {strides = array<i32>} : memref<20x2x8x128xf32, #tpu.memory_space<vmem>>, vector<16xf32>,
        tpu.vector_store %arg9[%parallel_loop3A_350, %parallel_loop3A_351, %parallel_loop3A_352, %parallel_loop3A_353], %parallel_loop3A_346 {strides = array<i32>} : memref<20x2x8x128xf32, #tpu.memory_space<vmem>>, vector<16xf32>,
        %parallel_loop3A_355 = arith.constant 6 : i32
        %parallel_loop3A_356 = vector.broadcast %parallel_loop3A_355 : i32 to vector<16xi32>
        %parallel_loop3A_357 = arith.addi %parallel_loop3A_282, %parallel_loop3A_356 : vector<16xi32>
        %parallel_loop3A_358 = tpu.vector_load_idx %arg5[%parallel_loop3A_357] : memref<60xf32, #tpu.memory_space<vmem>>[vector<16xi32>], vector<16xf32>,
        %parallel_loop3A_359 = arith.constant 16 : i32
        %parallel_loop3A_360 = arith.muli %parallel_loop3A_271, %parallel_loop3A_359 : i32
        %parallel_loop3A_361 = arith.constant 6 : i32
        %parallel_loop3A_362 = arith.index_cast %parallel_loop3A_361 : i32 to index
        %parallel_loop3A_363 = arith.index_cast %parallel_loop3A_269 : i32 to index
        %parallel_loop3A_364 = arith.index_cast %parallel_loop3A_265 : i32 to index
        %parallel_loop3A_365 = arith.index_cast %parallel_loop3A_360 : i32 to index
        %parallel_loop3A_366 = tpu.vector_load %arg9[%parallel_loop3A_362, %parallel_loop3A_363, %parallel_loop3A_364, %parallel_loop3A_365] {strides = array<i32>} : memref<20x2x8x128xf32, #tpu.memory_space<vmem>>, vector<16xf32>,
        tpu.vector_store %arg9[%parallel_loop3A_362, %parallel_loop3A_363, %parallel_loop3A_364, %parallel_loop3A_365], %parallel_loop3A_358 {strides = array<i32>} : memref<20x2x8x128xf32, #tpu.memory_space<vmem>>, vector<16xf32>,
        %parallel_loop3A_367 = arith.constant 7 : i32
        %parallel_loop3A_368 = vector.broadcast %parallel_loop3A_367 : i32 to vector<16xi32>
        %parallel_loop3A_369 = arith.addi %parallel_loop3A_282, %parallel_loop3A_368 : vector<16xi32>
        %parallel_loop3A_370 = tpu.vector_load_idx %arg5[%parallel_loop3A_369] : memref<60xf32, #tpu.memory_space<vmem>>[vector<16xi32>], vector<16xf32>,
        %parallel_loop3A_371 = arith.constant 16 : i32
        %parallel_loop3A_372 = arith.muli %parallel_loop3A_271, %parallel_loop3A_371 : i32
        %parallel_loop3A_373 = arith.constant 7 : i32
        %parallel_loop3A_374 = arith.index_cast %parallel_loop3A_373 : i32 to index
        %parallel_loop3A_375 = arith.index_cast %parallel_loop3A_269 : i32 to index
        %parallel_loop3A_376 = arith.index_cast %parallel_loop3A_265 : i32 to index
        %parallel_loop3A_377 = arith.index_cast %parallel_loop3A_372 : i32 to index
        %parallel_loop3A_378 = tpu.vector_load %arg9[%parallel_loop3A_374, %parallel_loop3A_375, %parallel_loop3A_376, %parallel_loop3A_377] {strides = array<i32>} : memref<20x2x8x128xf32, #tpu.memory_space<vmem>>, vector<16xf32>,
        tpu.vector_store %arg9[%parallel_loop3A_374, %parallel_loop3A_375, %parallel_loop3A_376, %parallel_loop3A_377], %parallel_loop3A_370 {strides = array<i32>} : memref<20x2x8x128xf32, #tpu.memory_space<vmem>>, vector<16xf32>,
        %parallel_loop3A_379 = arith.constant 8 : i32
        %parallel_loop3A_380 = vector.broadcast %parallel_loop3A_379 : i32 to vector<16xi32>
        %parallel_loop3A_381 = arith.addi %parallel_loop3A_282, %parallel_loop3A_380 : vector<16xi32>
        %parallel_loop3A_382 = tpu.vector_load_idx %arg5[%parallel_loop3A_381] : memref<60xf32, #tpu.memory_space<vmem>>[vector<16xi32>], vector<16xf32>,
        %parallel_loop3A_383 = arith.constant 16 : i32
        %parallel_loop3A_384 = arith.muli %parallel_loop3A_271, %parallel_loop3A_383 : i32
        %parallel_loop3A_385 = arith.constant 8 : i32
        %parallel_loop3A_386 = arith.index_cast %parallel_loop3A_385 : i32 to index
        %parallel_loop3A_387 = arith.index_cast %parallel_loop3A_269 : i32 to index
        %parallel_loop3A_388 = arith.index_cast %parallel_loop3A_265 : i32 to index
        %parallel_loop3A_389 = arith.index_cast %parallel_loop3A_384 : i32 to index
        %parallel_loop3A_390 = tpu.vector_load %arg9[%parallel_loop3A_386, %parallel_loop3A_387, %parallel_loop3A_388, %parallel_loop3A_389] {strides = array<i32>} : memref<20x2x8x128xf32, #tpu.memory_space<vmem>>, vector<16xf32>,
        tpu.vector_store %arg9[%parallel_loop3A_386, %parallel_loop3A_387, %parallel_loop3A_388, %parallel_loop3A_389], %parallel_loop3A_382 {strides = array<i32>} : memref<20x2x8x128xf32, #tpu.memory_space<vmem>>, vector<16xf32>,
        %parallel_loop3A_391 = arith.constant 9 : i32
        %parallel_loop3A_392 = vector.broadcast %parallel_loop3A_391 : i32 to vector<16xi32>
        %parallel_loop3A_393 = arith.addi %parallel_loop3A_282, %parallel_loop3A_392 : vector<16xi32>
        %parallel_loop3A_394 = tpu.vector_load_idx %arg5[%parallel_loop3A_393] : memref<60xf32, #tpu.memory_space<vmem>>[vector<16xi32>], vector<16xf32>,
        %parallel_loop3A_395 = arith.constant 16 : i32
        %parallel_loop3A_396 = arith.muli %parallel_loop3A_271, %parallel_loop3A_395 : i32
        %parallel_loop3A_397 = arith.constant 9 : i32
        %parallel_loop3A_398 = arith.index_cast %parallel_loop3A_397 : i32 to index
        %parallel_loop3A_399 = arith.index_cast %parallel_loop3A_269 : i32 to index
        %parallel_loop3A_400 = arith.index_cast %parallel_loop3A_265 : i32 to index
        %parallel_loop3A_401 = arith.index_cast %parallel_loop3A_396 : i32 to index
        %parallel_loop3A_402 = tpu.vector_load %arg9[%parallel_loop3A_398, %parallel_loop3A_399, %parallel_loop3A_400, %parallel_loop3A_401] {strides = array<i32>} : memref<20x2x8x128xf32, #tpu.memory_space<vmem>>, vector<16xf32>,
        tpu.vector_store %arg9[%parallel_loop3A_398, %parallel_loop3A_399, %parallel_loop3A_400, %parallel_loop3A_401], %parallel_loop3A_394 {strides = array<i32>} : memref<20x2x8x128xf32, #tpu.memory_space<vmem>>, vector<16xf32>,
        %parallel_loop3A_403 = arith.constant 10 : i32
        %parallel_loop3A_404 = vector.broadcast %parallel_loop3A_403 : i32 to vector<16xi32>
        %parallel_loop3A_405 = arith.addi %parallel_loop3A_282, %parallel_loop3A_404 : vector<16xi32>
        %parallel_loop3A_406 = tpu.vector_load_idx %arg5[%parallel_loop3A_405] : memref<60xf32, #tpu.memory_space<vmem>>[vector<16xi32>], vector<16xf32>,
        %parallel_loop3A_407 = arith.constant 16 : i32
        %parallel_loop3A_408 = arith.muli %parallel_loop3A_271, %parallel_loop3A_407 : i32
        %parallel_loop3A_409 = arith.constant 10 : i32
        %parallel_loop3A_410 = arith.index_cast %parallel_loop3A_409 : i32 to index
        %parallel_loop3A_411 = arith.index_cast %parallel_loop3A_269 : i32 to index
        %parallel_loop3A_412 = arith.index_cast %parallel_loop3A_265 : i32 to index
        %parallel_loop3A_413 = arith.index_cast %parallel_loop3A_408 : i32 to index
        %parallel_loop3A_414 = tpu.vector_load %arg9[%parallel_loop3A_410, %parallel_loop3A_411, %parallel_loop3A_412, %parallel_loop3A_413] {strides = array<i32>} : memref<20x2x8x128xf32, #tpu.memory_space<vmem>>, vector<16xf32>,
        tpu.vector_store %arg9[%parallel_loop3A_410, %parallel_loop3A_411, %parallel_loop3A_412, %parallel_loop3A_413], %parallel_loop3A_406 {strides = array<i32>} : memref<20x2x8x128xf32, #tpu.memory_space<vmem>>, vector<16xf32>,
        %parallel_loop3A_415 = arith.constant 11 : i32
        %parallel_loop3A_416 = vector.broadcast %parallel_loop3A_415 : i32 to vector<16xi32>
        %parallel_loop3A_417 = arith.addi %parallel_loop3A_282, %parallel_loop3A_416 : vector<16xi32>
        %parallel_loop3A_418 = tpu.vector_load_idx %arg5[%parallel_loop3A_417] : memref<60xf32, #tpu.memory_space<vmem>>[vector<16xi32>], vector<16xf32>,
        %parallel_loop3A_419 = arith.constant 16 : i32
        %parallel_loop3A_420 = arith.muli %parallel_loop3A_271, %parallel_loop3A_419 : i32
        %parallel_loop3A_421 = arith.constant 11 : i32
        %parallel_loop3A_422 = arith.index_cast %parallel_loop3A_421 : i32 to index
        %parallel_loop3A_423 = arith.index_cast %parallel_loop3A_269 : i32 to index
        %parallel_loop3A_424 = arith.index_cast %parallel_loop3A_265 : i32 to index
        %parallel_loop3A_425 = arith.index_cast %parallel_loop3A_420 : i32 to index
        %parallel_loop3A_426 = tpu.vector_load %arg9[%parallel_loop3A_422, %parallel_loop3A_423, %parallel_loop3A_424, %parallel_loop3A_425] {strides = array<i32>} : memref<20x2x8x128xf32, #tpu.memory_space<vmem>>, vector<16xf32>,
        tpu.vector_store %arg9[%parallel_loop3A_422, %parallel_loop3A_423, %parallel_loop3A_424, %parallel_loop3A_425], %parallel_loop3A_418 {strides = array<i32>} : memref<20x2x8x128xf32, #tpu.memory_space<vmem>>, vector<16xf32>,
        %parallel_loop3A_427 = arith.constant 12 : i32
        %parallel_loop3A_428 = vector.broadcast %parallel_loop3A_427 : i32 to vector<16xi32>
        %parallel_loop3A_429 = arith.addi %parallel_loop3A_282, %parallel_loop3A_428 : vector<16xi32>
        %parallel_loop3A_430 = tpu.vector_load_idx %arg5[%parallel_loop3A_429] : memref<60xf32, #tpu.memory_space<vmem>>[vector<16xi32>], vector<16xf32>,
        %parallel_loop3A_431 = arith.constant 16 : i32
        %parallel_loop3A_432 = arith.muli %parallel_loop3A_271, %parallel_loop3A_431 : i32
        %parallel_loop3A_433 = arith.constant 12 : i32
        %parallel_loop3A_434 = arith.index_cast %parallel_loop3A_433 : i32 to index
        %parallel_loop3A_435 = arith.index_cast %parallel_loop3A_269 : i32 to index
        %parallel_loop3A_436 = arith.index_cast %parallel_loop3A_265 : i32 to index
        %parallel_loop3A_437 = arith.index_cast %parallel_loop3A_432 : i32 to index
        %parallel_loop3A_438 = tpu.vector_load %arg9[%parallel_loop3A_434, %parallel_loop3A_435, %parallel_loop3A_436, %parallel_loop3A_437] {strides = array<i32>} : memref<20x2x8x128xf32, #tpu.memory_space<vmem>>, vector<16xf32>,
        tpu.vector_store %arg9[%parallel_loop3A_434, %parallel_loop3A_435, %parallel_loop3A_436, %parallel_loop3A_437], %parallel_loop3A_430 {strides = array<i32>} : memref<20x2x8x128xf32, #tpu.memory_space<vmem>>, vector<16xf32>,
        %parallel_loop3A_439 = arith.constant 13 : i32
        %parallel_loop3A_440 = vector.broadcast %parallel_loop3A_439 : i32 to vector<16xi32>
        %parallel_loop3A_441 = arith.addi %parallel_loop3A_282, %parallel_loop3A_440 : vector<16xi32>
        %parallel_loop3A_442 = tpu.vector_load_idx %arg5[%parallel_loop3A_441] : memref<60xf32, #tpu.memory_space<vmem>>[vector<16xi32>], vector<16xf32>,
        %parallel_loop3A_443 = arith.constant 16 : i32
        %parallel_loop3A_444 = arith.muli %parallel_loop3A_271, %parallel_loop3A_443 : i32
        %parallel_loop3A_445 = arith.constant 13 : i32
        %parallel_loop3A_446 = arith.index_cast %parallel_loop3A_445 : i32 to index
        %parallel_loop3A_447 = arith.index_cast %parallel_loop3A_269 : i32 to index
        %parallel_loop3A_448 = arith.index_cast %parallel_loop3A_265 : i32 to index
        %parallel_loop3A_449 = arith.index_cast %parallel_loop3A_444 : i32 to index
        %parallel_loop3A_450 = tpu.vector_load %arg9[%parallel_loop3A_446, %parallel_loop3A_447, %parallel_loop3A_448, %parallel_loop3A_449] {strides = array<i32>} : memref<20x2x8x128xf32, #tpu.memory_space<vmem>>, vector<16xf32>,
        tpu.vector_store %arg9[%parallel_loop3A_446, %parallel_loop3A_447, %parallel_loop3A_448, %parallel_loop3A_449], %parallel_loop3A_442 {strides = array<i32>} : memref<20x2x8x128xf32, #tpu.memory_space<vmem>>, vector<16xf32>,
        %parallel_loop3A_451 = arith.constant 14 : i32
        %parallel_loop3A_452 = vector.broadcast %parallel_loop3A_451 : i32 to vector<16xi32>
        %parallel_loop3A_453 = arith.addi %parallel_loop3A_282, %parallel_loop3A_452 : vector<16xi32>
        %parallel_loop3A_454 = tpu.vector_load_idx %arg5[%parallel_loop3A_453] : memref<60xf32, #tpu.memory_space<vmem>>[vector<16xi32>], vector<16xf32>,
        %parallel_loop3A_455 = arith.constant 16 : i32
        %parallel_loop3A_456 = arith.muli %parallel_loop3A_271, %parallel_loop3A_455 : i32
        %parallel_loop3A_457 = arith.constant 14 : i32
        %parallel_loop3A_458 = arith.index_cast %parallel_loop3A_457 : i32 to index
        %parallel_loop3A_459 = arith.index_cast %parallel_loop3A_269 : i32 to index
        %parallel_loop3A_460 = arith.index_cast %parallel_loop3A_265 : i32 to index
        %parallel_loop3A_461 = arith.index_cast %parallel_loop3A_456 : i32 to index
        %parallel_loop3A_462 = tpu.vector_load %arg9[%parallel_loop3A_458, %parallel_loop3A_459, %parallel_loop3A_460, %parallel_loop3A_461] {strides = array<i32>} : memref<20x2x8x128xf32, #tpu.memory_space<vmem>>, vector<16xf32>,
        tpu.vector_store %arg9[%parallel_loop3A_458, %parallel_loop3A_459, %parallel_loop3A_460, %parallel_loop3A_461], %parallel_loop3A_454 {strides = array<i32>} : memref<20x2x8x128xf32, #tpu.memory_space<vmem>>, vector<16xf32>,
        %parallel_loop3A_463 = arith.constant 15 : i32
        %parallel_loop3A_464 = vector.broadcast %parallel_loop3A_463 : i32 to vector<16xi32>
        %parallel_loop3A_465 = arith.addi %parallel_loop3A_282, %parallel_loop3A_464 : vector<16xi32>
        %parallel_loop3A_466 = tpu.vector_load_idx %arg5[%parallel_loop3A_465] : memref<60xf32, #tpu.memory_space<vmem>>[vector<16xi32>], vector<16xf32>,
        %parallel_loop3A_467 = arith.constant 16 : i32
        %parallel_loop3A_468 = arith.muli %parallel_loop3A_271, %parallel_loop3A_467 : i32
        %parallel_loop3A_469 = arith.constant 15 : i32
        %parallel_loop3A_470 = arith.index_cast %parallel_loop3A_469 : i32 to index
        %parallel_loop3A_471 = arith.index_cast %parallel_loop3A_269 : i32 to index
        %parallel_loop3A_472 = arith.index_cast %parallel_loop3A_265 : i32 to index
        %parallel_loop3A_473 = arith.index_cast %parallel_loop3A_468 : i32 to index
        %parallel_loop3A_474 = tpu.vector_load %arg9[%parallel_loop3A_470, %parallel_loop3A_471, %parallel_loop3A_472, %parallel_loop3A_473] {strides = array<i32>} : memref<20x2x8x128xf32, #tpu.memory_space<vmem>>, vector<16xf32>,
        tpu.vector_store %arg9[%parallel_loop3A_470, %parallel_loop3A_471, %parallel_loop3A_472, %parallel_loop3A_473], %parallel_loop3A_466 {strides = array<i32>} : memref<20x2x8x128xf32, #tpu.memory_space<vmem>>, vector<16xf32>,
        %parallel_loop3A_475 = arith.constant 16 : i32
        %parallel_loop3A_476 = vector.broadcast %parallel_loop3A_475 : i32 to vector<16xi32>
        %parallel_loop3A_477 = arith.addi %parallel_loop3A_282, %parallel_loop3A_476 : vector<16xi32>
        %parallel_loop3A_478 = tpu.vector_load_idx %arg5[%parallel_loop3A_477] : memref<60xf32, #tpu.memory_space<vmem>>[vector<16xi32>], vector<16xf32>,
        %parallel_loop3A_479 = arith.constant 16 : i32
        %parallel_loop3A_480 = arith.muli %parallel_loop3A_271, %parallel_loop3A_479 : i32
        %parallel_loop3A_481 = arith.constant 16 : i32
        %parallel_loop3A_482 = arith.index_cast %parallel_loop3A_481 : i32 to index
        %parallel_loop3A_483 = arith.index_cast %parallel_loop3A_269 : i32 to index
        %parallel_loop3A_484 = arith.index_cast %parallel_loop3A_265 : i32 to index
        %parallel_loop3A_485 = arith.index_cast %parallel_loop3A_480 : i32 to index
        %parallel_loop3A_486 = tpu.vector_load %arg9[%parallel_loop3A_482, %parallel_loop3A_483, %parallel_loop3A_484, %parallel_loop3A_485] {strides = array<i32>} : memref<20x2x8x128xf32, #tpu.memory_space<vmem>>, vector<16xf32>,
        tpu.vector_store %arg9[%parallel_loop3A_482, %parallel_loop3A_483, %parallel_loop3A_484, %parallel_loop3A_485], %parallel_loop3A_478 {strides = array<i32>} : memref<20x2x8x128xf32, #tpu.memory_space<vmem>>, vector<16xf32>,
        %parallel_loop3A_487 = arith.constant 17 : i32
        %parallel_loop3A_488 = vector.broadcast %parallel_loop3A_487 : i32 to vector<16xi32>
        %parallel_loop3A_489 = arith.addi %parallel_loop3A_282, %parallel_loop3A_488 : vector<16xi32>
        %parallel_loop3A_490 = tpu.vector_load_idx %arg5[%parallel_loop3A_489] : memref<60xf32, #tpu.memory_space<vmem>>[vector<16xi32>], vector<16xf32>,
        %parallel_loop3A_491 = arith.constant 16 : i32
        %parallel_loop3A_492 = arith.muli %parallel_loop3A_271, %parallel_loop3A_491 : i32
        %parallel_loop3A_493 = arith.constant 17 : i32
        %parallel_loop3A_494 = arith.index_cast %parallel_loop3A_493 : i32 to index
        %parallel_loop3A_495 = arith.index_cast %parallel_loop3A_269 : i32 to index
        %parallel_loop3A_496 = arith.index_cast %parallel_loop3A_265 : i32 to index
        %parallel_loop3A_497 = arith.index_cast %parallel_loop3A_492 : i32 to index
        %parallel_loop3A_498 = tpu.vector_load %arg9[%parallel_loop3A_494, %parallel_loop3A_495, %parallel_loop3A_496, %parallel_loop3A_497] {strides = array<i32>} : memref<20x2x8x128xf32, #tpu.memory_space<vmem>>, vector<16xf32>,
        tpu.vector_store %arg9[%parallel_loop3A_494, %parallel_loop3A_495, %parallel_loop3A_496, %parallel_loop3A_497], %parallel_loop3A_490 {strides = array<i32>} : memref<20x2x8x128xf32, #tpu.memory_space<vmem>>, vector<16xf32>,
        %parallel_loop3A_499 = arith.constant 18 : i32
        %parallel_loop3A_500 = vector.broadcast %parallel_loop3A_499 : i32 to vector<16xi32>
        %parallel_loop3A_501 = arith.addi %parallel_loop3A_282, %parallel_loop3A_500 : vector<16xi32>
        %parallel_loop3A_502 = tpu.vector_load_idx %arg5[%parallel_loop3A_501] : memref<60xf32, #tpu.memory_space<vmem>>[vector<16xi32>], vector<16xf32>,
        %parallel_loop3A_503 = arith.constant 16 : i32
        %parallel_loop3A_504 = arith.muli %parallel_loop3A_271, %parallel_loop3A_503 : i32
        %parallel_loop3A_505 = arith.constant 18 : i32
        %parallel_loop3A_506 = arith.index_cast %parallel_loop3A_505 : i32 to index
        %parallel_loop3A_507 = arith.index_cast %parallel_loop3A_269 : i32 to index
        %parallel_loop3A_508 = arith.index_cast %parallel_loop3A_265 : i32 to index
        %parallel_loop3A_509 = arith.index_cast %parallel_loop3A_504 : i32 to index
        %parallel_loop3A_510 = tpu.vector_load %arg9[%parallel_loop3A_506, %parallel_loop3A_507, %parallel_loop3A_508, %parallel_loop3A_509] {strides = array<i32>} : memref<20x2x8x128xf32, #tpu.memory_space<vmem>>, vector<16xf32>,
        tpu.vector_store %arg9[%parallel_loop3A_506, %parallel_loop3A_507, %parallel_loop3A_508, %parallel_loop3A_509], %parallel_loop3A_502 {strides = array<i32>} : memref<20x2x8x128xf32, #tpu.memory_space<vmem>>, vector<16xf32>,
        %parallel_loop3A_511 = arith.constant 19 : i32
        %parallel_loop3A_512 = vector.broadcast %parallel_loop3A_511 : i32 to vector<16xi32>
        %parallel_loop3A_513 = arith.addi %parallel_loop3A_282, %parallel_loop3A_512 : vector<16xi32>
        %parallel_loop3A_514 = tpu.vector_load_idx %arg5[%parallel_loop3A_513] : memref<60xf32, #tpu.memory_space<vmem>>[vector<16xi32>], vector<16xf32>,
        %parallel_loop3A_515 = arith.constant 16 : i32
        %parallel_loop3A_516 = arith.muli %parallel_loop3A_271, %parallel_loop3A_515 : i32
        %parallel_loop3A_517 = arith.constant 19 : i32
        %parallel_loop3A_518 = arith.index_cast %parallel_loop3A_517 : i32 to index
        %parallel_loop3A_519 = arith.index_cast %parallel_loop3A_269 : i32 to index
        %parallel_loop3A_520 = arith.index_cast %parallel_loop3A_265 : i32 to index
        %parallel_loop3A_521 = arith.index_cast %parallel_loop3A_516 : i32 to index
        %parallel_loop3A_522 = tpu.vector_load %arg9[%parallel_loop3A_518, %parallel_loop3A_519, %parallel_loop3A_520, %parallel_loop3A_521] {strides = array<i32>} : memref<20x2x8x128xf32, #tpu.memory_space<vmem>>, vector<16xf32>,
        tpu.vector_store %arg9[%parallel_loop3A_518, %parallel_loop3A_519, %parallel_loop3A_520, %parallel_loop3A_521], %parallel_loop3A_514 {strides = array<i32>} : memref<20x2x8x128xf32, #tpu.memory_space<vmem>>, vector<16xf32>,
      } {sc.loop_unroll_factor = 1 : i64, sc.parallel_access}
      %add3A_170 = arith.constant 2 : i32
      %add3A_171 = arith.addi %mul3A_2, %add3A_170 : i32
      %dma_start3A_172 = arith.constant 0 : i32
      %dma_start3A_173 = arith.constant 0 : i32
      %dma_start3A_174 = arith.constant 0 : i32
      %dma_start3A_175 = tpu.memref_slice %arg4[%dma_start3A_172, %add3A_104, %add3A_171, %dma_start3A_173, %dma_start3A_174] : memref<20x25x128x8x128xf32, #tpu.memory_space<hbm>> -> memref<20x1x2x8x128xf32, #tpu.memory_space<hbm>>
      %dma_start3A_176 = tpu.memref_squeeze %dma_start3A_175 : memref<20x1x2x8x128xf32, #tpu.memory_space<hbm>> -> memref<20x2x8x128xf32, #tpu.memory_space<hbm>>
      %dma_start3A_177 = arith.constant 0 : i32
      %dma_start3A_178 = arith.constant 0 : i32
      %dma_start3A_179 = arith.constant 0 : i32
      %dma_start3A_180 = tpu.memref_slice %arg4[%dma_start3A_177, %add3A_104, %add3A_171, %dma_start3A_178, %dma_start3A_179] : memref<20x25x128x8x128xf32, #tpu.memory_space<hbm>> -> memref<20x1x2x8x128xf32, #tpu.memory_space<hbm>>
      %dma_start3A_181 = tpu.memref_squeeze %dma_start3A_180 : memref<20x1x2x8x128xf32, #tpu.memory_space<hbm>> -> memref<20x2x8x128xf32, #tpu.memory_space<hbm>>
      tpu.enqueue_dma source(%arg9 : memref<20x2x8x128xf32, #tpu.memory_space<vmem>>) target(%dma_start3A_181 : memref<20x2x8x128xf32, #tpu.memory_space<hbm>>) target_semaphore(%arg13 : memref<!tpu.dma_semaphore, #tpu.memory_space<semaphore_mem>>)
      %mul3A_182 = arith.constant 2 : i32
      %mul3A_183 = arith.muli %mul3A_182, %scan3A_100 : i32
      %add3A_184 = arith.constant 2 : i32
      %add3A_185 = arith.addi %mul3A_183, %add3A_184 : i32
      %dma_wait3A_186 = arith.constant 0 : i32
      %dma_wait3A_187 = arith.constant 0 : i32
      %dma_wait3A_188 = arith.constant 0 : i32
      %dma_wait3A_189 = tpu.memref_slice %arg2[%dma_wait3A_186, %mul3A_2, %dma_wait3A_187, %dma_wait3A_188] : memref<25x128x8x128xi32, #tpu.memory_space<hbm>> -> memref<1x4x8x128xi32, #tpu.memory_space<hbm>>
      %dma_wait3A_190 = tpu.memref_squeeze %dma_wait3A_189 : memref<1x4x8x128xi32, #tpu.memory_space<hbm>> -> memref<4x8x128xi32, #tpu.memory_space<hbm>>
      %dma_wait3A_191 = arith.constant 0 : i32
      %dma_wait3A_192 = arith.constant 0 : i32
      %dma_wait3A_193 = tpu.memref_slice %arg2[%dma_wait3A_186, %mul3A_2, %dma_wait3A_191, %dma_wait3A_192] : memref<25x128x8x128xi32, #tpu.memory_space<hbm>> -> memref<1x4x8x128xi32, #tpu.memory_space<hbm>>
      %dma_wait3A_194 = tpu.memref_squeeze %dma_wait3A_193 : memref<1x4x8x128xi32, #tpu.memory_space<hbm>> -> memref<4x8x128xi32, #tpu.memory_space<hbm>>
      tpu.wait_dma2 semaphore(%arg10 : memref<!tpu.dma_semaphore, #tpu.memory_space<semaphore_mem>>) src(%dma_wait3A_194 : memref<4x8x128xi32, #tpu.memory_space<hbm>>) dst(%arg6 : memref<4x8x128xi32, #tpu.memory_space<vmem>>)
      %add3A_195 = arith.constant 1 : i32
      %add3A_196 = arith.addi %add3A_185, %add3A_195 : i32
      %min3A_197 = arith.constant 24 : i32
      %min3A_198 = arith.minsi %add3A_196, %min3A_197 : i32
      %dma_start3A_199 = arith.constant 0 : i32
      %dma_start3A_200 = arith.constant 0 : i32
      %dma_start3A_201 = tpu.memref_slice %arg2[%min3A_198, %mul3A_2, %dma_start3A_199, %dma_start3A_200] : memref<25x128x8x128xi32, #tpu.memory_space<hbm>> -> memref<1x4x8x128xi32, #tpu.memory_space<hbm>>
      %dma_start3A_202 = tpu.memref_squeeze %dma_start3A_201 : memref<1x4x8x128xi32, #tpu.memory_space<hbm>> -> memref<4x8x128xi32, #tpu.memory_space<hbm>>
      %dma_start3A_203 = arith.constant 0 : i32
      %dma_start3A_204 = arith.constant 0 : i32
      %dma_start3A_205 = tpu.memref_slice %arg2[%min3A_198, %mul3A_2, %dma_start3A_203, %dma_start3A_204] : memref<25x128x8x128xi32, #tpu.memory_space<hbm>> -> memref<1x4x8x128xi32, #tpu.memory_space<hbm>>
      %dma_start3A_206 = tpu.memref_squeeze %dma_start3A_205 : memref<1x4x8x128xi32, #tpu.memory_space<hbm>> -> memref<4x8x128xi32, #tpu.memory_space<hbm>>
      tpu.enqueue_dma source(%dma_start3A_206 : memref<4x8x128xi32, #tpu.memory_space<hbm>>) target(%arg7 : memref<4x8x128xi32, #tpu.memory_space<vmem>>) target_semaphore(%arg11 : memref<!tpu.dma_semaphore, #tpu.memory_space<semaphore_mem>>)
      %dma_wait3A_207 = arith.constant 0 : i32
      %dma_wait3A_208 = arith.constant 0 : i32
      %dma_wait3A_209 = arith.constant 0 : i32
      %dma_wait3A_210 = arith.constant 0 : i32
      %dma_wait3A_211 = arith.constant 0 : i32
      %dma_wait3A_212 = tpu.memref_slice %arg4[%dma_wait3A_208, %dma_wait3A_207, %dma_wait3A_209, %dma_wait3A_210, %dma_wait3A_211] : memref<20x25x128x8x128xf32, #tpu.memory_space<hbm>> -> memref<20x1x2x8x128xf32, #tpu.memory_space<hbm>>
      %dma_wait3A_213 = tpu.memref_squeeze %dma_wait3A_212 : memref<20x1x2x8x128xf32, #tpu.memory_space<hbm>> -> memref<20x2x8x128xf32, #tpu.memory_space<hbm>>
      %dma_wait3A_214 = arith.constant 0 : i32
      %dma_wait3A_215 = arith.constant 0 : i32
      %dma_wait3A_216 = arith.constant 0 : i32
      %dma_wait3A_217 = arith.constant 0 : i32
      %dma_wait3A_218 = tpu.memref_slice %arg4[%dma_wait3A_214, %dma_wait3A_207, %dma_wait3A_215, %dma_wait3A_216, %dma_wait3A_217] : memref<20x25x128x8x128xf32, #tpu.memory_space<hbm>> -> memref<20x1x2x8x128xf32, #tpu.memory_space<hbm>>
      %dma_wait3A_219 = tpu.memref_squeeze %dma_wait3A_218 : memref<20x1x2x8x128xf32, #tpu.memory_space<hbm>> -> memref<20x2x8x128xf32, #tpu.memory_space<hbm>>
      tpu.wait_dma2 semaphore(%arg12 : memref<!tpu.dma_semaphore, #tpu.memory_space<semaphore_mem>>) src(%arg8 : memref<20x2x8x128xf32, #tpu.memory_space<vmem>>) dst(%dma_wait3A_219 : memref<20x2x8x128xf32, #tpu.memory_space<hbm>>)
      %parallel_loop3A_220 = arith.constant 0 : i32
      %parallel_loop3A_221 = arith.constant 128 : i32
      %parallel_loop3A_222 = arith.constant 1 : i32
      scf.for %parallel_loop3A_263 = %parallel_loop3A_220 to %parallel_loop3A_221 step %parallel_loop3A_222  : i32 {
        %parallel_loop3A_264 = arith.constant 4 : i32
        %parallel_loop3A_265 = arith.shrui %parallel_loop3A_263, %parallel_loop3A_264 : i32
        %parallel_loop3A_266 = arith.constant 15 : i32
        %parallel_loop3A_267 = arith.andi %parallel_loop3A_263, %parallel_loop3A_266 : i32
        %parallel_loop3A_268 = arith.constant 3 : i32
        %parallel_loop3A_269 = arith.shrui %parallel_loop3A_267, %parallel_loop3A_268 : i32
        %parallel_loop3A_270 = arith.constant 7 : i32
        %parallel_loop3A_271 = arith.andi %parallel_loop3A_267, %parallel_loop3A_270 : i32
        %parallel_loop3A_272 = arith.constant 0 : i32
        %parallel_loop3A_273 = arith.addi %parallel_loop3A_272, %parallel_loop3A_269 : i32
        %parallel_loop3A_274 = arith.constant 16 : i32
        %parallel_loop3A_275 = arith.muli %parallel_loop3A_271, %parallel_loop3A_274 : i32
        %parallel_loop3A_276 = arith.index_cast %parallel_loop3A_273 : i32 to index
        %parallel_loop3A_277 = arith.index_cast %parallel_loop3A_265 : i32 to index
        %parallel_loop3A_278 = arith.index_cast %parallel_loop3A_275 : i32 to index
        %parallel_loop3A_279 = tpu.vector_load %arg6[%parallel_loop3A_276, %parallel_loop3A_277, %parallel_loop3A_278] {strides = array<i32>} : memref<4x8x128xi32, #tpu.memory_space<vmem>>, vector<16xi32>,
        %parallel_loop3A_280 = arith.constant 20 : i32
        %parallel_loop3A_281 = vector.broadcast %parallel_loop3A_280 : i32 to vector<16xi32>
        %parallel_loop3A_282 = arith.muli %parallel_loop3A_279, %parallel_loop3A_281 : vector<16xi32>
        %parallel_loop3A_283 = arith.constant 0 : i32
        %parallel_loop3A_284 = vector.broadcast %parallel_loop3A_283 : i32 to vector<16xi32>
        %parallel_loop3A_285 = arith.addi %parallel_loop3A_282, %parallel_loop3A_284 : vector<16xi32>
        %parallel_loop3A_286 = tpu.vector_load_idx %arg5[%parallel_loop3A_285] : memref<60xf32, #tpu.memory_space<vmem>>[vector<16xi32>], vector<16xf32>,
        %parallel_loop3A_287 = arith.constant 16 : i32
        %parallel_loop3A_288 = arith.muli %parallel_loop3A_271, %parallel_loop3A_287 : i32
        %parallel_loop3A_289 = arith.constant 0 : i32
        %parallel_loop3A_290 = arith.index_cast %parallel_loop3A_289 : i32 to index
        %parallel_loop3A_291 = arith.index_cast %parallel_loop3A_269 : i32 to index
        %parallel_loop3A_292 = arith.index_cast %parallel_loop3A_265 : i32 to index
        %parallel_loop3A_293 = arith.index_cast %parallel_loop3A_288 : i32 to index
        %parallel_loop3A_294 = tpu.vector_load %arg8[%parallel_loop3A_290, %parallel_loop3A_291, %parallel_loop3A_292, %parallel_loop3A_293] {strides = array<i32>} : memref<20x2x8x128xf32, #tpu.memory_space<vmem>>, vector<16xf32>,
        tpu.vector_store %arg8[%parallel_loop3A_290, %parallel_loop3A_291, %parallel_loop3A_292, %parallel_loop3A_293], %parallel_loop3A_286 {strides = array<i32>} : memref<20x2x8x128xf32, #tpu.memory_space<vmem>>, vector<16xf32>,
        %parallel_loop3A_295 = arith.constant 1 : i32
        %parallel_loop3A_296 = vector.broadcast %parallel_loop3A_295 : i32 to vector<16xi32>
        %parallel_loop3A_297 = arith.addi %parallel_loop3A_282, %parallel_loop3A_296 : vector<16xi32>
        %parallel_loop3A_298 = tpu.vector_load_idx %arg5[%parallel_loop3A_297] : memref<60xf32, #tpu.memory_space<vmem>>[vector<16xi32>], vector<16xf32>,
        %parallel_loop3A_299 = arith.constant 16 : i32
        %parallel_loop3A_300 = arith.muli %parallel_loop3A_271, %parallel_loop3A_299 : i32
        %parallel_loop3A_301 = arith.constant 1 : i32
        %parallel_loop3A_302 = arith.index_cast %parallel_loop3A_301 : i32 to index
        %parallel_loop3A_303 = arith.index_cast %parallel_loop3A_269 : i32 to index
        %parallel_loop3A_304 = arith.index_cast %parallel_loop3A_265 : i32 to index
        %parallel_loop3A_305 = arith.index_cast %parallel_loop3A_300 : i32 to index
        %parallel_loop3A_306 = tpu.vector_load %arg8[%parallel_loop3A_302, %parallel_loop3A_303, %parallel_loop3A_304, %parallel_loop3A_305] {strides = array<i32>} : memref<20x2x8x128xf32, #tpu.memory_space<vmem>>, vector<16xf32>,
        tpu.vector_store %arg8[%parallel_loop3A_302, %parallel_loop3A_303, %parallel_loop3A_304, %parallel_loop3A_305], %parallel_loop3A_298 {strides = array<i32>} : memref<20x2x8x128xf32, #tpu.memory_space<vmem>>, vector<16xf32>,
        %parallel_loop3A_307 = arith.constant 2 : i32
        %parallel_loop3A_308 = vector.broadcast %parallel_loop3A_307 : i32 to vector<16xi32>
        %parallel_loop3A_309 = arith.addi %parallel_loop3A_282, %parallel_loop3A_308 : vector<16xi32>
        %parallel_loop3A_310 = tpu.vector_load_idx %arg5[%parallel_loop3A_309] : memref<60xf32, #tpu.memory_space<vmem>>[vector<16xi32>], vector<16xf32>,
        %parallel_loop3A_311 = arith.constant 16 : i32
        %parallel_loop3A_312 = arith.muli %parallel_loop3A_271, %parallel_loop3A_311 : i32
        %parallel_loop3A_313 = arith.constant 2 : i32
        %parallel_loop3A_314 = arith.index_cast %parallel_loop3A_313 : i32 to index
        %parallel_loop3A_315 = arith.index_cast %parallel_loop3A_269 : i32 to index
        %parallel_loop3A_316 = arith.index_cast %parallel_loop3A_265 : i32 to index
        %parallel_loop3A_317 = arith.index_cast %parallel_loop3A_312 : i32 to index
        %parallel_loop3A_318 = tpu.vector_load %arg8[%parallel_loop3A_314, %parallel_loop3A_315, %parallel_loop3A_316, %parallel_loop3A_317] {strides = array<i32>} : memref<20x2x8x128xf32, #tpu.memory_space<vmem>>, vector<16xf32>,
        tpu.vector_store %arg8[%parallel_loop3A_314, %parallel_loop3A_315, %parallel_loop3A_316, %parallel_loop3A_317], %parallel_loop3A_310 {strides = array<i32>} : memref<20x2x8x128xf32, #tpu.memory_space<vmem>>, vector<16xf32>,
        %parallel_loop3A_319 = arith.constant 3 : i32
        %parallel_loop3A_320 = vector.broadcast %parallel_loop3A_319 : i32 to vector<16xi32>
        %parallel_loop3A_321 = arith.addi %parallel_loop3A_282, %parallel_loop3A_320 : vector<16xi32>
        %parallel_loop3A_322 = tpu.vector_load_idx %arg5[%parallel_loop3A_321] : memref<60xf32, #tpu.memory_space<vmem>>[vector<16xi32>], vector<16xf32>,
        %parallel_loop3A_323 = arith.constant 16 : i32
        %parallel_loop3A_324 = arith.muli %parallel_loop3A_271, %parallel_loop3A_323 : i32
        %parallel_loop3A_325 = arith.constant 3 : i32
        %parallel_loop3A_326 = arith.index_cast %parallel_loop3A_325 : i32 to index
        %parallel_loop3A_327 = arith.index_cast %parallel_loop3A_269 : i32 to index
        %parallel_loop3A_328 = arith.index_cast %parallel_loop3A_265 : i32 to index
        %parallel_loop3A_329 = arith.index_cast %parallel_loop3A_324 : i32 to index
        %parallel_loop3A_330 = tpu.vector_load %arg8[%parallel_loop3A_326, %parallel_loop3A_327, %parallel_loop3A_328, %parallel_loop3A_329] {strides = array<i32>} : memref<20x2x8x128xf32, #tpu.memory_space<vmem>>, vector<16xf32>,
        tpu.vector_store %arg8[%parallel_loop3A_326, %parallel_loop3A_327, %parallel_loop3A_328, %parallel_loop3A_329], %parallel_loop3A_322 {strides = array<i32>} : memref<20x2x8x128xf32, #tpu.memory_space<vmem>>, vector<16xf32>,
        %parallel_loop3A_331 = arith.constant 4 : i32
        %parallel_loop3A_332 = vector.broadcast %parallel_loop3A_331 : i32 to vector<16xi32>
        %parallel_loop3A_333 = arith.addi %parallel_loop3A_282, %parallel_loop3A_332 : vector<16xi32>
        %parallel_loop3A_334 = tpu.vector_load_idx %arg5[%parallel_loop3A_333] : memref<60xf32, #tpu.memory_space<vmem>>[vector<16xi32>], vector<16xf32>,
        %parallel_loop3A_335 = arith.constant 16 : i32
        %parallel_loop3A_336 = arith.muli %parallel_loop3A_271, %parallel_loop3A_335 : i32
        %parallel_loop3A_337 = arith.constant 4 : i32
        %parallel_loop3A_338 = arith.index_cast %parallel_loop3A_337 : i32 to index
        %parallel_loop3A_339 = arith.index_cast %parallel_loop3A_269 : i32 to index
        %parallel_loop3A_340 = arith.index_cast %parallel_loop3A_265 : i32 to index
        %parallel_loop3A_341 = arith.index_cast %parallel_loop3A_336 : i32 to index
        %parallel_loop3A_342 = tpu.vector_load %arg8[%parallel_loop3A_338, %parallel_loop3A_339, %parallel_loop3A_340, %parallel_loop3A_341] {strides = array<i32>} : memref<20x2x8x128xf32, #tpu.memory_space<vmem>>, vector<16xf32>,
        tpu.vector_store %arg8[%parallel_loop3A_338, %parallel_loop3A_339, %parallel_loop3A_340, %parallel_loop3A_341], %parallel_loop3A_334 {strides = array<i32>} : memref<20x2x8x128xf32, #tpu.memory_space<vmem>>, vector<16xf32>,
        %parallel_loop3A_343 = arith.constant 5 : i32
        %parallel_loop3A_344 = vector.broadcast %parallel_loop3A_343 : i32 to vector<16xi32>
        %parallel_loop3A_345 = arith.addi %parallel_loop3A_282, %parallel_loop3A_344 : vector<16xi32>
        %parallel_loop3A_346 = tpu.vector_load_idx %arg5[%parallel_loop3A_345] : memref<60xf32, #tpu.memory_space<vmem>>[vector<16xi32>], vector<16xf32>,
        %parallel_loop3A_347 = arith.constant 16 : i32
        %parallel_loop3A_348 = arith.muli %parallel_loop3A_271, %parallel_loop3A_347 : i32
        %parallel_loop3A_349 = arith.constant 5 : i32
        %parallel_loop3A_350 = arith.index_cast %parallel_loop3A_349 : i32 to index
        %parallel_loop3A_351 = arith.index_cast %parallel_loop3A_269 : i32 to index
        %parallel_loop3A_352 = arith.index_cast %parallel_loop3A_265 : i32 to index
        %parallel_loop3A_353 = arith.index_cast %parallel_loop3A_348 : i32 to index
        %parallel_loop3A_354 = tpu.vector_load %arg8[%parallel_loop3A_350, %parallel_loop3A_351, %parallel_loop3A_352, %parallel_loop3A_353] {strides = array<i32>} : memref<20x2x8x128xf32, #tpu.memory_space<vmem>>, vector<16xf32>,
        tpu.vector_store %arg8[%parallel_loop3A_350, %parallel_loop3A_351, %parallel_loop3A_352, %parallel_loop3A_353], %parallel_loop3A_346 {strides = array<i32>} : memref<20x2x8x128xf32, #tpu.memory_space<vmem>>, vector<16xf32>,
        %parallel_loop3A_355 = arith.constant 6 : i32
        %parallel_loop3A_356 = vector.broadcast %parallel_loop3A_355 : i32 to vector<16xi32>
        %parallel_loop3A_357 = arith.addi %parallel_loop3A_282, %parallel_loop3A_356 : vector<16xi32>
        %parallel_loop3A_358 = tpu.vector_load_idx %arg5[%parallel_loop3A_357] : memref<60xf32, #tpu.memory_space<vmem>>[vector<16xi32>], vector<16xf32>,
        %parallel_loop3A_359 = arith.constant 16 : i32
        %parallel_loop3A_360 = arith.muli %parallel_loop3A_271, %parallel_loop3A_359 : i32
        %parallel_loop3A_361 = arith.constant 6 : i32
        %parallel_loop3A_362 = arith.index_cast %parallel_loop3A_361 : i32 to index
        %parallel_loop3A_363 = arith.index_cast %parallel_loop3A_269 : i32 to index
        %parallel_loop3A_364 = arith.index_cast %parallel_loop3A_265 : i32 to index
        %parallel_loop3A_365 = arith.index_cast %parallel_loop3A_360 : i32 to index
        %parallel_loop3A_366 = tpu.vector_load %arg8[%parallel_loop3A_362, %parallel_loop3A_363, %parallel_loop3A_364, %parallel_loop3A_365] {strides = array<i32>} : memref<20x2x8x128xf32, #tpu.memory_space<vmem>>, vector<16xf32>,
        tpu.vector_store %arg8[%parallel_loop3A_362, %parallel_loop3A_363, %parallel_loop3A_364, %parallel_loop3A_365], %parallel_loop3A_358 {strides = array<i32>} : memref<20x2x8x128xf32, #tpu.memory_space<vmem>>, vector<16xf32>,
        %parallel_loop3A_367 = arith.constant 7 : i32
        %parallel_loop3A_368 = vector.broadcast %parallel_loop3A_367 : i32 to vector<16xi32>
        %parallel_loop3A_369 = arith.addi %parallel_loop3A_282, %parallel_loop3A_368 : vector<16xi32>
        %parallel_loop3A_370 = tpu.vector_load_idx %arg5[%parallel_loop3A_369] : memref<60xf32, #tpu.memory_space<vmem>>[vector<16xi32>], vector<16xf32>,
        %parallel_loop3A_371 = arith.constant 16 : i32
        %parallel_loop3A_372 = arith.muli %parallel_loop3A_271, %parallel_loop3A_371 : i32
        %parallel_loop3A_373 = arith.constant 7 : i32
        %parallel_loop3A_374 = arith.index_cast %parallel_loop3A_373 : i32 to index
        %parallel_loop3A_375 = arith.index_cast %parallel_loop3A_269 : i32 to index
        %parallel_loop3A_376 = arith.index_cast %parallel_loop3A_265 : i32 to index
        %parallel_loop3A_377 = arith.index_cast %parallel_loop3A_372 : i32 to index
        %parallel_loop3A_378 = tpu.vector_load %arg8[%parallel_loop3A_374, %parallel_loop3A_375, %parallel_loop3A_376, %parallel_loop3A_377] {strides = array<i32>} : memref<20x2x8x128xf32, #tpu.memory_space<vmem>>, vector<16xf32>,
        tpu.vector_store %arg8[%parallel_loop3A_374, %parallel_loop3A_375, %parallel_loop3A_376, %parallel_loop3A_377], %parallel_loop3A_370 {strides = array<i32>} : memref<20x2x8x128xf32, #tpu.memory_space<vmem>>, vector<16xf32>,
        %parallel_loop3A_379 = arith.constant 8 : i32
        %parallel_loop3A_380 = vector.broadcast %parallel_loop3A_379 : i32 to vector<16xi32>
        %parallel_loop3A_381 = arith.addi %parallel_loop3A_282, %parallel_loop3A_380 : vector<16xi32>
        %parallel_loop3A_382 = tpu.vector_load_idx %arg5[%parallel_loop3A_381] : memref<60xf32, #tpu.memory_space<vmem>>[vector<16xi32>], vector<16xf32>,
        %parallel_loop3A_383 = arith.constant 16 : i32
        %parallel_loop3A_384 = arith.muli %parallel_loop3A_271, %parallel_loop3A_383 : i32
        %parallel_loop3A_385 = arith.constant 8 : i32
        %parallel_loop3A_386 = arith.index_cast %parallel_loop3A_385 : i32 to index
        %parallel_loop3A_387 = arith.index_cast %parallel_loop3A_269 : i32 to index
        %parallel_loop3A_388 = arith.index_cast %parallel_loop3A_265 : i32 to index
        %parallel_loop3A_389 = arith.index_cast %parallel_loop3A_384 : i32 to index
        %parallel_loop3A_390 = tpu.vector_load %arg8[%parallel_loop3A_386, %parallel_loop3A_387, %parallel_loop3A_388, %parallel_loop3A_389] {strides = array<i32>} : memref<20x2x8x128xf32, #tpu.memory_space<vmem>>, vector<16xf32>,
        tpu.vector_store %arg8[%parallel_loop3A_386, %parallel_loop3A_387, %parallel_loop3A_388, %parallel_loop3A_389], %parallel_loop3A_382 {strides = array<i32>} : memref<20x2x8x128xf32, #tpu.memory_space<vmem>>, vector<16xf32>,
        %parallel_loop3A_391 = arith.constant 9 : i32
        %parallel_loop3A_392 = vector.broadcast %parallel_loop3A_391 : i32 to vector<16xi32>
        %parallel_loop3A_393 = arith.addi %parallel_loop3A_282, %parallel_loop3A_392 : vector<16xi32>
        %parallel_loop3A_394 = tpu.vector_load_idx %arg5[%parallel_loop3A_393] : memref<60xf32, #tpu.memory_space<vmem>>[vector<16xi32>], vector<16xf32>,
        %parallel_loop3A_395 = arith.constant 16 : i32
        %parallel_loop3A_396 = arith.muli %parallel_loop3A_271, %parallel_loop3A_395 : i32
        %parallel_loop3A_397 = arith.constant 9 : i32
        %parallel_loop3A_398 = arith.index_cast %parallel_loop3A_397 : i32 to index
        %parallel_loop3A_399 = arith.index_cast %parallel_loop3A_269 : i32 to index
        %parallel_loop3A_400 = arith.index_cast %parallel_loop3A_265 : i32 to index
        %parallel_loop3A_401 = arith.index_cast %parallel_loop3A_396 : i32 to index
        %parallel_loop3A_402 = tpu.vector_load %arg8[%parallel_loop3A_398, %parallel_loop3A_399, %parallel_loop3A_400, %parallel_loop3A_401] {strides = array<i32>} : memref<20x2x8x128xf32, #tpu.memory_space<vmem>>, vector<16xf32>,
        tpu.vector_store %arg8[%parallel_loop3A_398, %parallel_loop3A_399, %parallel_loop3A_400, %parallel_loop3A_401], %parallel_loop3A_394 {strides = array<i32>} : memref<20x2x8x128xf32, #tpu.memory_space<vmem>>, vector<16xf32>,
        %parallel_loop3A_403 = arith.constant 10 : i32
        %parallel_loop3A_404 = vector.broadcast %parallel_loop3A_403 : i32 to vector<16xi32>
        %parallel_loop3A_405 = arith.addi %parallel_loop3A_282, %parallel_loop3A_404 : vector<16xi32>
        %parallel_loop3A_406 = tpu.vector_load_idx %arg5[%parallel_loop3A_405] : memref<60xf32, #tpu.memory_space<vmem>>[vector<16xi32>], vector<16xf32>,
        %parallel_loop3A_407 = arith.constant 16 : i32
        %parallel_loop3A_408 = arith.muli %parallel_loop3A_271, %parallel_loop3A_407 : i32
        %parallel_loop3A_409 = arith.constant 10 : i32
        %parallel_loop3A_410 = arith.index_cast %parallel_loop3A_409 : i32 to index
        %parallel_loop3A_411 = arith.index_cast %parallel_loop3A_269 : i32 to index
        %parallel_loop3A_412 = arith.index_cast %parallel_loop3A_265 : i32 to index
        %parallel_loop3A_413 = arith.index_cast %parallel_loop3A_408 : i32 to index
        %parallel_loop3A_414 = tpu.vector_load %arg8[%parallel_loop3A_410, %parallel_loop3A_411, %parallel_loop3A_412, %parallel_loop3A_413] {strides = array<i32>} : memref<20x2x8x128xf32, #tpu.memory_space<vmem>>, vector<16xf32>,
        tpu.vector_store %arg8[%parallel_loop3A_410, %parallel_loop3A_411, %parallel_loop3A_412, %parallel_loop3A_413], %parallel_loop3A_406 {strides = array<i32>} : memref<20x2x8x128xf32, #tpu.memory_space<vmem>>, vector<16xf32>,
        %parallel_loop3A_415 = arith.constant 11 : i32
        %parallel_loop3A_416 = vector.broadcast %parallel_loop3A_415 : i32 to vector<16xi32>
        %parallel_loop3A_417 = arith.addi %parallel_loop3A_282, %parallel_loop3A_416 : vector<16xi32>
        %parallel_loop3A_418 = tpu.vector_load_idx %arg5[%parallel_loop3A_417] : memref<60xf32, #tpu.memory_space<vmem>>[vector<16xi32>], vector<16xf32>,
        %parallel_loop3A_419 = arith.constant 16 : i32
        %parallel_loop3A_420 = arith.muli %parallel_loop3A_271, %parallel_loop3A_419 : i32
        %parallel_loop3A_421 = arith.constant 11 : i32
        %parallel_loop3A_422 = arith.index_cast %parallel_loop3A_421 : i32 to index
        %parallel_loop3A_423 = arith.index_cast %parallel_loop3A_269 : i32 to index
        %parallel_loop3A_424 = arith.index_cast %parallel_loop3A_265 : i32 to index
        %parallel_loop3A_425 = arith.index_cast %parallel_loop3A_420 : i32 to index
        %parallel_loop3A_426 = tpu.vector_load %arg8[%parallel_loop3A_422, %parallel_loop3A_423, %parallel_loop3A_424, %parallel_loop3A_425] {strides = array<i32>} : memref<20x2x8x128xf32, #tpu.memory_space<vmem>>, vector<16xf32>,
        tpu.vector_store %arg8[%parallel_loop3A_422, %parallel_loop3A_423, %parallel_loop3A_424, %parallel_loop3A_425], %parallel_loop3A_418 {strides = array<i32>} : memref<20x2x8x128xf32, #tpu.memory_space<vmem>>, vector<16xf32>,
        %parallel_loop3A_427 = arith.constant 12 : i32
        %parallel_loop3A_428 = vector.broadcast %parallel_loop3A_427 : i32 to vector<16xi32>
        %parallel_loop3A_429 = arith.addi %parallel_loop3A_282, %parallel_loop3A_428 : vector<16xi32>
        %parallel_loop3A_430 = tpu.vector_load_idx %arg5[%parallel_loop3A_429] : memref<60xf32, #tpu.memory_space<vmem>>[vector<16xi32>], vector<16xf32>,
        %parallel_loop3A_431 = arith.constant 16 : i32
        %parallel_loop3A_432 = arith.muli %parallel_loop3A_271, %parallel_loop3A_431 : i32
        %parallel_loop3A_433 = arith.constant 12 : i32
        %parallel_loop3A_434 = arith.index_cast %parallel_loop3A_433 : i32 to index
        %parallel_loop3A_435 = arith.index_cast %parallel_loop3A_269 : i32 to index
        %parallel_loop3A_436 = arith.index_cast %parallel_loop3A_265 : i32 to index
        %parallel_loop3A_437 = arith.index_cast %parallel_loop3A_432 : i32 to index
        %parallel_loop3A_438 = tpu.vector_load %arg8[%parallel_loop3A_434, %parallel_loop3A_435, %parallel_loop3A_436, %parallel_loop3A_437] {strides = array<i32>} : memref<20x2x8x128xf32, #tpu.memory_space<vmem>>, vector<16xf32>,
        tpu.vector_store %arg8[%parallel_loop3A_434, %parallel_loop3A_435, %parallel_loop3A_436, %parallel_loop3A_437], %parallel_loop3A_430 {strides = array<i32>} : memref<20x2x8x128xf32, #tpu.memory_space<vmem>>, vector<16xf32>,
        %parallel_loop3A_439 = arith.constant 13 : i32
        %parallel_loop3A_440 = vector.broadcast %parallel_loop3A_439 : i32 to vector<16xi32>
        %parallel_loop3A_441 = arith.addi %parallel_loop3A_282, %parallel_loop3A_440 : vector<16xi32>
        %parallel_loop3A_442 = tpu.vector_load_idx %arg5[%parallel_loop3A_441] : memref<60xf32, #tpu.memory_space<vmem>>[vector<16xi32>], vector<16xf32>,
        %parallel_loop3A_443 = arith.constant 16 : i32
        %parallel_loop3A_444 = arith.muli %parallel_loop3A_271, %parallel_loop3A_443 : i32
        %parallel_loop3A_445 = arith.constant 13 : i32
        %parallel_loop3A_446 = arith.index_cast %parallel_loop3A_445 : i32 to index
        %parallel_loop3A_447 = arith.index_cast %parallel_loop3A_269 : i32 to index
        %parallel_loop3A_448 = arith.index_cast %parallel_loop3A_265 : i32 to index
        %parallel_loop3A_449 = arith.index_cast %parallel_loop3A_444 : i32 to index
        %parallel_loop3A_450 = tpu.vector_load %arg8[%parallel_loop3A_446, %parallel_loop3A_447, %parallel_loop3A_448, %parallel_loop3A_449] {strides = array<i32>} : memref<20x2x8x128xf32, #tpu.memory_space<vmem>>, vector<16xf32>,
        tpu.vector_store %arg8[%parallel_loop3A_446, %parallel_loop3A_447, %parallel_loop3A_448, %parallel_loop3A_449], %parallel_loop3A_442 {strides = array<i32>} : memref<20x2x8x128xf32, #tpu.memory_space<vmem>>, vector<16xf32>,
        %parallel_loop3A_451 = arith.constant 14 : i32
        %parallel_loop3A_452 = vector.broadcast %parallel_loop3A_451 : i32 to vector<16xi32>
        %parallel_loop3A_453 = arith.addi %parallel_loop3A_282, %parallel_loop3A_452 : vector<16xi32>
        %parallel_loop3A_454 = tpu.vector_load_idx %arg5[%parallel_loop3A_453] : memref<60xf32, #tpu.memory_space<vmem>>[vector<16xi32>], vector<16xf32>,
        %parallel_loop3A_455 = arith.constant 16 : i32
        %parallel_loop3A_456 = arith.muli %parallel_loop3A_271, %parallel_loop3A_455 : i32
        %parallel_loop3A_457 = arith.constant 14 : i32
        %parallel_loop3A_458 = arith.index_cast %parallel_loop3A_457 : i32 to index
        %parallel_loop3A_459 = arith.index_cast %parallel_loop3A_269 : i32 to index
        %parallel_loop3A_460 = arith.index_cast %parallel_loop3A_265 : i32 to index
        %parallel_loop3A_461 = arith.index_cast %parallel_loop3A_456 : i32 to index
        %parallel_loop3A_462 = tpu.vector_load %arg8[%parallel_loop3A_458, %parallel_loop3A_459, %parallel_loop3A_460, %parallel_loop3A_461] {strides = array<i32>} : memref<20x2x8x128xf32, #tpu.memory_space<vmem>>, vector<16xf32>,
        tpu.vector_store %arg8[%parallel_loop3A_458, %parallel_loop3A_459, %parallel_loop3A_460, %parallel_loop3A_461], %parallel_loop3A_454 {strides = array<i32>} : memref<20x2x8x128xf32, #tpu.memory_space<vmem>>, vector<16xf32>,
        %parallel_loop3A_463 = arith.constant 15 : i32
        %parallel_loop3A_464 = vector.broadcast %parallel_loop3A_463 : i32 to vector<16xi32>
        %parallel_loop3A_465 = arith.addi %parallel_loop3A_282, %parallel_loop3A_464 : vector<16xi32>
        %parallel_loop3A_466 = tpu.vector_load_idx %arg5[%parallel_loop3A_465] : memref<60xf32, #tpu.memory_space<vmem>>[vector<16xi32>], vector<16xf32>,
        %parallel_loop3A_467 = arith.constant 16 : i32
        %parallel_loop3A_468 = arith.muli %parallel_loop3A_271, %parallel_loop3A_467 : i32
        %parallel_loop3A_469 = arith.constant 15 : i32
        %parallel_loop3A_470 = arith.index_cast %parallel_loop3A_469 : i32 to index
        %parallel_loop3A_471 = arith.index_cast %parallel_loop3A_269 : i32 to index
        %parallel_loop3A_472 = arith.index_cast %parallel_loop3A_265 : i32 to index
        %parallel_loop3A_473 = arith.index_cast %parallel_loop3A_468 : i32 to index
        %parallel_loop3A_474 = tpu.vector_load %arg8[%parallel_loop3A_470, %parallel_loop3A_471, %parallel_loop3A_472, %parallel_loop3A_473] {strides = array<i32>} : memref<20x2x8x128xf32, #tpu.memory_space<vmem>>, vector<16xf32>,
        tpu.vector_store %arg8[%parallel_loop3A_470, %parallel_loop3A_471, %parallel_loop3A_472, %parallel_loop3A_473], %parallel_loop3A_466 {strides = array<i32>} : memref<20x2x8x128xf32, #tpu.memory_space<vmem>>, vector<16xf32>,
        %parallel_loop3A_475 = arith.constant 16 : i32
        %parallel_loop3A_476 = vector.broadcast %parallel_loop3A_475 : i32 to vector<16xi32>
        %parallel_loop3A_477 = arith.addi %parallel_loop3A_282, %parallel_loop3A_476 : vector<16xi32>
        %parallel_loop3A_478 = tpu.vector_load_idx %arg5[%parallel_loop3A_477] : memref<60xf32, #tpu.memory_space<vmem>>[vector<16xi32>], vector<16xf32>,
        %parallel_loop3A_479 = arith.constant 16 : i32
        %parallel_loop3A_480 = arith.muli %parallel_loop3A_271, %parallel_loop3A_479 : i32
        %parallel_loop3A_481 = arith.constant 16 : i32
        %parallel_loop3A_482 = arith.index_cast %parallel_loop3A_481 : i32 to index
        %parallel_loop3A_483 = arith.index_cast %parallel_loop3A_269 : i32 to index
        %parallel_loop3A_484 = arith.index_cast %parallel_loop3A_265 : i32 to index
        %parallel_loop3A_485 = arith.index_cast %parallel_loop3A_480 : i32 to index
        %parallel_loop3A_486 = tpu.vector_load %arg8[%parallel_loop3A_482, %parallel_loop3A_483, %parallel_loop3A_484, %parallel_loop3A_485] {strides = array<i32>} : memref<20x2x8x128xf32, #tpu.memory_space<vmem>>, vector<16xf32>,
        tpu.vector_store %arg8[%parallel_loop3A_482, %parallel_loop3A_483, %parallel_loop3A_484, %parallel_loop3A_485], %parallel_loop3A_478 {strides = array<i32>} : memref<20x2x8x128xf32, #tpu.memory_space<vmem>>, vector<16xf32>,
        %parallel_loop3A_487 = arith.constant 17 : i32
        %parallel_loop3A_488 = vector.broadcast %parallel_loop3A_487 : i32 to vector<16xi32>
        %parallel_loop3A_489 = arith.addi %parallel_loop3A_282, %parallel_loop3A_488 : vector<16xi32>
        %parallel_loop3A_490 = tpu.vector_load_idx %arg5[%parallel_loop3A_489] : memref<60xf32, #tpu.memory_space<vmem>>[vector<16xi32>], vector<16xf32>,
        %parallel_loop3A_491 = arith.constant 16 : i32
        %parallel_loop3A_492 = arith.muli %parallel_loop3A_271, %parallel_loop3A_491 : i32
        %parallel_loop3A_493 = arith.constant 17 : i32
        %parallel_loop3A_494 = arith.index_cast %parallel_loop3A_493 : i32 to index
        %parallel_loop3A_495 = arith.index_cast %parallel_loop3A_269 : i32 to index
        %parallel_loop3A_496 = arith.index_cast %parallel_loop3A_265 : i32 to index
        %parallel_loop3A_497 = arith.index_cast %parallel_loop3A_492 : i32 to index
        %parallel_loop3A_498 = tpu.vector_load %arg8[%parallel_loop3A_494, %parallel_loop3A_495, %parallel_loop3A_496, %parallel_loop3A_497] {strides = array<i32>} : memref<20x2x8x128xf32, #tpu.memory_space<vmem>>, vector<16xf32>,
        tpu.vector_store %arg8[%parallel_loop3A_494, %parallel_loop3A_495, %parallel_loop3A_496, %parallel_loop3A_497], %parallel_loop3A_490 {strides = array<i32>} : memref<20x2x8x128xf32, #tpu.memory_space<vmem>>, vector<16xf32>,
        %parallel_loop3A_499 = arith.constant 18 : i32
        %parallel_loop3A_500 = vector.broadcast %parallel_loop3A_499 : i32 to vector<16xi32>
        %parallel_loop3A_501 = arith.addi %parallel_loop3A_282, %parallel_loop3A_500 : vector<16xi32>
        %parallel_loop3A_502 = tpu.vector_load_idx %arg5[%parallel_loop3A_501] : memref<60xf32, #tpu.memory_space<vmem>>[vector<16xi32>], vector<16xf32>,
        %parallel_loop3A_503 = arith.constant 16 : i32
        %parallel_loop3A_504 = arith.muli %parallel_loop3A_271, %parallel_loop3A_503 : i32
        %parallel_loop3A_505 = arith.constant 18 : i32
        %parallel_loop3A_506 = arith.index_cast %parallel_loop3A_505 : i32 to index
        %parallel_loop3A_507 = arith.index_cast %parallel_loop3A_269 : i32 to index
        %parallel_loop3A_508 = arith.index_cast %parallel_loop3A_265 : i32 to index
        %parallel_loop3A_509 = arith.index_cast %parallel_loop3A_504 : i32 to index
        %parallel_loop3A_510 = tpu.vector_load %arg8[%parallel_loop3A_506, %parallel_loop3A_507, %parallel_loop3A_508, %parallel_loop3A_509] {strides = array<i32>} : memref<20x2x8x128xf32, #tpu.memory_space<vmem>>, vector<16xf32>,
        tpu.vector_store %arg8[%parallel_loop3A_506, %parallel_loop3A_507, %parallel_loop3A_508, %parallel_loop3A_509], %parallel_loop3A_502 {strides = array<i32>} : memref<20x2x8x128xf32, #tpu.memory_space<vmem>>, vector<16xf32>,
        %parallel_loop3A_511 = arith.constant 19 : i32
        %parallel_loop3A_512 = vector.broadcast %parallel_loop3A_511 : i32 to vector<16xi32>
        %parallel_loop3A_513 = arith.addi %parallel_loop3A_282, %parallel_loop3A_512 : vector<16xi32>
        %parallel_loop3A_514 = tpu.vector_load_idx %arg5[%parallel_loop3A_513] : memref<60xf32, #tpu.memory_space<vmem>>[vector<16xi32>], vector<16xf32>,
        %parallel_loop3A_515 = arith.constant 16 : i32
        %parallel_loop3A_516 = arith.muli %parallel_loop3A_271, %parallel_loop3A_515 : i32
        %parallel_loop3A_517 = arith.constant 19 : i32
        %parallel_loop3A_518 = arith.index_cast %parallel_loop3A_517 : i32 to index
        %parallel_loop3A_519 = arith.index_cast %parallel_loop3A_269 : i32 to index
        %parallel_loop3A_520 = arith.index_cast %parallel_loop3A_265 : i32 to index
        %parallel_loop3A_521 = arith.index_cast %parallel_loop3A_516 : i32 to index
        %parallel_loop3A_522 = tpu.vector_load %arg8[%parallel_loop3A_518, %parallel_loop3A_519, %parallel_loop3A_520, %parallel_loop3A_521] {strides = array<i32>} : memref<20x2x8x128xf32, #tpu.memory_space<vmem>>, vector<16xf32>,
        tpu.vector_store %arg8[%parallel_loop3A_518, %parallel_loop3A_519, %parallel_loop3A_520, %parallel_loop3A_521], %parallel_loop3A_514 {strides = array<i32>} : memref<20x2x8x128xf32, #tpu.memory_space<vmem>>, vector<16xf32>,
      } {sc.loop_unroll_factor = 1 : i64, sc.parallel_access}
      %add3A_223 = arith.constant 0 : i32
      %add3A_224 = arith.addi %mul3A_2, %add3A_223 : i32
      %dma_start3A_225 = arith.constant 0 : i32
      %dma_start3A_226 = arith.constant 0 : i32
      %dma_start3A_227 = arith.constant 0 : i32
      %dma_start3A_228 = tpu.memref_slice %arg4[%dma_start3A_225, %add3A_185, %add3A_224, %dma_start3A_226, %dma_start3A_227] : memref<20x25x128x8x128xf32, #tpu.memory_space<hbm>> -> memref<20x1x2x8x128xf32, #tpu.memory_space<hbm>>
      %dma_start3A_229 = tpu.memref_squeeze %dma_start3A_228 : memref<20x1x2x8x128xf32, #tpu.memory_space<hbm>> -> memref<20x2x8x128xf32, #tpu.memory_space<hbm>>
      %dma_start3A_230 = arith.constant 0 : i32
      %dma_start3A_231 = arith.constant 0 : i32
      %dma_start3A_232 = arith.constant 0 : i32
      %dma_start3A_233 = tpu.memref_slice %arg4[%dma_start3A_230, %add3A_185, %add3A_224, %dma_start3A_231, %dma_start3A_232] : memref<20x25x128x8x128xf32, #tpu.memory_space<hbm>> -> memref<20x1x2x8x128xf32, #tpu.memory_space<hbm>>
      %dma_start3A_234 = tpu.memref_squeeze %dma_start3A_233 : memref<20x1x2x8x128xf32, #tpu.memory_space<hbm>> -> memref<20x2x8x128xf32, #tpu.memory_space<hbm>>
      tpu.enqueue_dma source(%arg8 : memref<20x2x8x128xf32, #tpu.memory_space<vmem>>) target(%dma_start3A_234 : memref<20x2x8x128xf32, #tpu.memory_space<hbm>>) target_semaphore(%arg12 : memref<!tpu.dma_semaphore, #tpu.memory_space<semaphore_mem>>)
      %dma_wait3A_235 = arith.constant 0 : i32
      %dma_wait3A_236 = arith.constant 0 : i32
      %dma_wait3A_237 = arith.constant 0 : i32
      %dma_wait3A_238 = arith.constant 0 : i32
      %dma_wait3A_239 = arith.constant 0 : i32
      %dma_wait3A_240 = tpu.memref_slice %arg4[%dma_wait3A_236, %dma_wait3A_235, %dma_wait3A_237, %dma_wait3A_238, %dma_wait3A_239] : memref<20x25x128x8x128xf32, #tpu.memory_space<hbm>> -> memref<20x1x2x8x128xf32, #tpu.memory_space<hbm>>
      %dma_wait3A_241 = tpu.memref_squeeze %dma_wait3A_240 : memref<20x1x2x8x128xf32, #tpu.memory_space<hbm>> -> memref<20x2x8x128xf32, #tpu.memory_space<hbm>>
      %dma_wait3A_242 = arith.constant 0 : i32
      %dma_wait3A_243 = arith.constant 0 : i32
      %dma_wait3A_244 = arith.constant 0 : i32
      %dma_wait3A_245 = arith.constant 0 : i32
      %dma_wait3A_246 = tpu.memref_slice %arg4[%dma_wait3A_242, %dma_wait3A_235, %dma_wait3A_243, %dma_wait3A_244, %dma_wait3A_245] : memref<20x25x128x8x128xf32, #tpu.memory_space<hbm>> -> memref<20x1x2x8x128xf32, #tpu.memory_space<hbm>>
      %dma_wait3A_247 = tpu.memref_squeeze %dma_wait3A_246 : memref<20x1x2x8x128xf32, #tpu.memory_space<hbm>> -> memref<20x2x8x128xf32, #tpu.memory_space<hbm>>
      tpu.wait_dma2 semaphore(%arg13 : memref<!tpu.dma_semaphore, #tpu.memory_space<semaphore_mem>>) src(%arg9 : memref<20x2x8x128xf32, #tpu.memory_space<vmem>>) dst(%dma_wait3A_247 : memref<20x2x8x128xf32, #tpu.memory_space<hbm>>)
      %parallel_loop3A_248 = arith.constant 0 : i32
      %parallel_loop3A_249 = arith.constant 128 : i32
      %parallel_loop3A_250 = arith.constant 1 : i32
      scf.for %parallel_loop3A_263 = %parallel_loop3A_248 to %parallel_loop3A_249 step %parallel_loop3A_250  : i32 {
        %parallel_loop3A_264 = arith.constant 4 : i32
        %parallel_loop3A_265 = arith.shrui %parallel_loop3A_263, %parallel_loop3A_264 : i32
        %parallel_loop3A_266 = arith.constant 15 : i32
        %parallel_loop3A_267 = arith.andi %parallel_loop3A_263, %parallel_loop3A_266 : i32
        %parallel_loop3A_268 = arith.constant 3 : i32
        %parallel_loop3A_269 = arith.shrui %parallel_loop3A_267, %parallel_loop3A_268 : i32
        %parallel_loop3A_270 = arith.constant 7 : i32
        %parallel_loop3A_271 = arith.andi %parallel_loop3A_267, %parallel_loop3A_270 : i32
        %parallel_loop3A_272 = arith.constant 2 : i32
        %parallel_loop3A_273 = arith.addi %parallel_loop3A_272, %parallel_loop3A_269 : i32
        %parallel_loop3A_274 = arith.constant 16 : i32
        %parallel_loop3A_275 = arith.muli %parallel_loop3A_271, %parallel_loop3A_274 : i32
        %parallel_loop3A_276 = arith.index_cast %parallel_loop3A_273 : i32 to index
        %parallel_loop3A_277 = arith.index_cast %parallel_loop3A_265 : i32 to index
        %parallel_loop3A_278 = arith.index_cast %parallel_loop3A_275 : i32 to index
        %parallel_loop3A_279 = tpu.vector_load %arg6[%parallel_loop3A_276, %parallel_loop3A_277, %parallel_loop3A_278] {strides = array<i32>} : memref<4x8x128xi32, #tpu.memory_space<vmem>>, vector<16xi32>,
        %parallel_loop3A_280 = arith.constant 20 : i32
        %parallel_loop3A_281 = vector.broadcast %parallel_loop3A_280 : i32 to vector<16xi32>
        %parallel_loop3A_282 = arith.muli %parallel_loop3A_279, %parallel_loop3A_281 : vector<16xi32>
        %parallel_loop3A_283 = arith.constant 0 : i32
        %parallel_loop3A_284 = vector.broadcast %parallel_loop3A_283 : i32 to vector<16xi32>
        %parallel_loop3A_285 = arith.addi %parallel_loop3A_282, %parallel_loop3A_284 : vector<16xi32>
        %parallel_loop3A_286 = tpu.vector_load_idx %arg5[%parallel_loop3A_285] : memref<60xf32, #tpu.memory_space<vmem>>[vector<16xi32>], vector<16xf32>,
        %parallel_loop3A_287 = arith.constant 16 : i32
        %parallel_loop3A_288 = arith.muli %parallel_loop3A_271, %parallel_loop3A_287 : i32
        %parallel_loop3A_289 = arith.constant 0 : i32
        %parallel_loop3A_290 = arith.index_cast %parallel_loop3A_289 : i32 to index
        %parallel_loop3A_291 = arith.index_cast %parallel_loop3A_269 : i32 to index
        %parallel_loop3A_292 = arith.index_cast %parallel_loop3A_265 : i32 to index
        %parallel_loop3A_293 = arith.index_cast %parallel_loop3A_288 : i32 to index
        %parallel_loop3A_294 = tpu.vector_load %arg9[%parallel_loop3A_290, %parallel_loop3A_291, %parallel_loop3A_292, %parallel_loop3A_293] {strides = array<i32>} : memref<20x2x8x128xf32, #tpu.memory_space<vmem>>, vector<16xf32>,
        tpu.vector_store %arg9[%parallel_loop3A_290, %parallel_loop3A_291, %parallel_loop3A_292, %parallel_loop3A_293], %parallel_loop3A_286 {strides = array<i32>} : memref<20x2x8x128xf32, #tpu.memory_space<vmem>>, vector<16xf32>,
        %parallel_loop3A_295 = arith.constant 1 : i32
        %parallel_loop3A_296 = vector.broadcast %parallel_loop3A_295 : i32 to vector<16xi32>
        %parallel_loop3A_297 = arith.addi %parallel_loop3A_282, %parallel_loop3A_296 : vector<16xi32>
        %parallel_loop3A_298 = tpu.vector_load_idx %arg5[%parallel_loop3A_297] : memref<60xf32, #tpu.memory_space<vmem>>[vector<16xi32>], vector<16xf32>,
        %parallel_loop3A_299 = arith.constant 16 : i32
        %parallel_loop3A_300 = arith.muli %parallel_loop3A_271, %parallel_loop3A_299 : i32
        %parallel_loop3A_301 = arith.constant 1 : i32
        %parallel_loop3A_302 = arith.index_cast %parallel_loop3A_301 : i32 to index
        %parallel_loop3A_303 = arith.index_cast %parallel_loop3A_269 : i32 to index
        %parallel_loop3A_304 = arith.index_cast %parallel_loop3A_265 : i32 to index
        %parallel_loop3A_305 = arith.index_cast %parallel_loop3A_300 : i32 to index
        %parallel_loop3A_306 = tpu.vector_load %arg9[%parallel_loop3A_302, %parallel_loop3A_303, %parallel_loop3A_304, %parallel_loop3A_305] {strides = array<i32>} : memref<20x2x8x128xf32, #tpu.memory_space<vmem>>, vector<16xf32>,
        tpu.vector_store %arg9[%parallel_loop3A_302, %parallel_loop3A_303, %parallel_loop3A_304, %parallel_loop3A_305], %parallel_loop3A_298 {strides = array<i32>} : memref<20x2x8x128xf32, #tpu.memory_space<vmem>>, vector<16xf32>,
        %parallel_loop3A_307 = arith.constant 2 : i32
        %parallel_loop3A_308 = vector.broadcast %parallel_loop3A_307 : i32 to vector<16xi32>
        %parallel_loop3A_309 = arith.addi %parallel_loop3A_282, %parallel_loop3A_308 : vector<16xi32>
        %parallel_loop3A_310 = tpu.vector_load_idx %arg5[%parallel_loop3A_309] : memref<60xf32, #tpu.memory_space<vmem>>[vector<16xi32>], vector<16xf32>,
        %parallel_loop3A_311 = arith.constant 16 : i32
        %parallel_loop3A_312 = arith.muli %parallel_loop3A_271, %parallel_loop3A_311 : i32
        %parallel_loop3A_313 = arith.constant 2 : i32
        %parallel_loop3A_314 = arith.index_cast %parallel_loop3A_313 : i32 to index
        %parallel_loop3A_315 = arith.index_cast %parallel_loop3A_269 : i32 to index
        %parallel_loop3A_316 = arith.index_cast %parallel_loop3A_265 : i32 to index
        %parallel_loop3A_317 = arith.index_cast %parallel_loop3A_312 : i32 to index
        %parallel_loop3A_318 = tpu.vector_load %arg9[%parallel_loop3A_314, %parallel_loop3A_315, %parallel_loop3A_316, %parallel_loop3A_317] {strides = array<i32>} : memref<20x2x8x128xf32, #tpu.memory_space<vmem>>, vector<16xf32>,
        tpu.vector_store %arg9[%parallel_loop3A_314, %parallel_loop3A_315, %parallel_loop3A_316, %parallel_loop3A_317], %parallel_loop3A_310 {strides = array<i32>} : memref<20x2x8x128xf32, #tpu.memory_space<vmem>>, vector<16xf32>,
        %parallel_loop3A_319 = arith.constant 3 : i32
        %parallel_loop3A_320 = vector.broadcast %parallel_loop3A_319 : i32 to vector<16xi32>
        %parallel_loop3A_321 = arith.addi %parallel_loop3A_282, %parallel_loop3A_320 : vector<16xi32>
        %parallel_loop3A_322 = tpu.vector_load_idx %arg5[%parallel_loop3A_321] : memref<60xf32, #tpu.memory_space<vmem>>[vector<16xi32>], vector<16xf32>,
        %parallel_loop3A_323 = arith.constant 16 : i32
        %parallel_loop3A_324 = arith.muli %parallel_loop3A_271, %parallel_loop3A_323 : i32
        %parallel_loop3A_325 = arith.constant 3 : i32
        %parallel_loop3A_326 = arith.index_cast %parallel_loop3A_325 : i32 to index
        %parallel_loop3A_327 = arith.index_cast %parallel_loop3A_269 : i32 to index
        %parallel_loop3A_328 = arith.index_cast %parallel_loop3A_265 : i32 to index
        %parallel_loop3A_329 = arith.index_cast %parallel_loop3A_324 : i32 to index
        %parallel_loop3A_330 = tpu.vector_load %arg9[%parallel_loop3A_326, %parallel_loop3A_327, %parallel_loop3A_328, %parallel_loop3A_329] {strides = array<i32>} : memref<20x2x8x128xf32, #tpu.memory_space<vmem>>, vector<16xf32>,
        tpu.vector_store %arg9[%parallel_loop3A_326, %parallel_loop3A_327, %parallel_loop3A_328, %parallel_loop3A_329], %parallel_loop3A_322 {strides = array<i32>} : memref<20x2x8x128xf32, #tpu.memory_space<vmem>>, vector<16xf32>,
        %parallel_loop3A_331 = arith.constant 4 : i32
        %parallel_loop3A_332 = vector.broadcast %parallel_loop3A_331 : i32 to vector<16xi32>
        %parallel_loop3A_333 = arith.addi %parallel_loop3A_282, %parallel_loop3A_332 : vector<16xi32>
        %parallel_loop3A_334 = tpu.vector_load_idx %arg5[%parallel_loop3A_333] : memref<60xf32, #tpu.memory_space<vmem>>[vector<16xi32>], vector<16xf32>,
        %parallel_loop3A_335 = arith.constant 16 : i32
        %parallel_loop3A_336 = arith.muli %parallel_loop3A_271, %parallel_loop3A_335 : i32
        %parallel_loop3A_337 = arith.constant 4 : i32
        %parallel_loop3A_338 = arith.index_cast %parallel_loop3A_337 : i32 to index
        %parallel_loop3A_339 = arith.index_cast %parallel_loop3A_269 : i32 to index
        %parallel_loop3A_340 = arith.index_cast %parallel_loop3A_265 : i32 to index
        %parallel_loop3A_341 = arith.index_cast %parallel_loop3A_336 : i32 to index
        %parallel_loop3A_342 = tpu.vector_load %arg9[%parallel_loop3A_338, %parallel_loop3A_339, %parallel_loop3A_340, %parallel_loop3A_341] {strides = array<i32>} : memref<20x2x8x128xf32, #tpu.memory_space<vmem>>, vector<16xf32>,
        tpu.vector_store %arg9[%parallel_loop3A_338, %parallel_loop3A_339, %parallel_loop3A_340, %parallel_loop3A_341], %parallel_loop3A_334 {strides = array<i32>} : memref<20x2x8x128xf32, #tpu.memory_space<vmem>>, vector<16xf32>,
        %parallel_loop3A_343 = arith.constant 5 : i32
        %parallel_loop3A_344 = vector.broadcast %parallel_loop3A_343 : i32 to vector<16xi32>
        %parallel_loop3A_345 = arith.addi %parallel_loop3A_282, %parallel_loop3A_344 : vector<16xi32>
        %parallel_loop3A_346 = tpu.vector_load_idx %arg5[%parallel_loop3A_345] : memref<60xf32, #tpu.memory_space<vmem>>[vector<16xi32>], vector<16xf32>,
        %parallel_loop3A_347 = arith.constant 16 : i32
        %parallel_loop3A_348 = arith.muli %parallel_loop3A_271, %parallel_loop3A_347 : i32
        %parallel_loop3A_349 = arith.constant 5 : i32
        %parallel_loop3A_350 = arith.index_cast %parallel_loop3A_349 : i32 to index
        %parallel_loop3A_351 = arith.index_cast %parallel_loop3A_269 : i32 to index
        %parallel_loop3A_352 = arith.index_cast %parallel_loop3A_265 : i32 to index
        %parallel_loop3A_353 = arith.index_cast %parallel_loop3A_348 : i32 to index
        %parallel_loop3A_354 = tpu.vector_load %arg9[%parallel_loop3A_350, %parallel_loop3A_351, %parallel_loop3A_352, %parallel_loop3A_353] {strides = array<i32>} : memref<20x2x8x128xf32, #tpu.memory_space<vmem>>, vector<16xf32>,
        tpu.vector_store %arg9[%parallel_loop3A_350, %parallel_loop3A_351, %parallel_loop3A_352, %parallel_loop3A_353], %parallel_loop3A_346 {strides = array<i32>} : memref<20x2x8x128xf32, #tpu.memory_space<vmem>>, vector<16xf32>,
        %parallel_loop3A_355 = arith.constant 6 : i32
        %parallel_loop3A_356 = vector.broadcast %parallel_loop3A_355 : i32 to vector<16xi32>
        %parallel_loop3A_357 = arith.addi %parallel_loop3A_282, %parallel_loop3A_356 : vector<16xi32>
        %parallel_loop3A_358 = tpu.vector_load_idx %arg5[%parallel_loop3A_357] : memref<60xf32, #tpu.memory_space<vmem>>[vector<16xi32>], vector<16xf32>,
        %parallel_loop3A_359 = arith.constant 16 : i32
        %parallel_loop3A_360 = arith.muli %parallel_loop3A_271, %parallel_loop3A_359 : i32
        %parallel_loop3A_361 = arith.constant 6 : i32
        %parallel_loop3A_362 = arith.index_cast %parallel_loop3A_361 : i32 to index
        %parallel_loop3A_363 = arith.index_cast %parallel_loop3A_269 : i32 to index
        %parallel_loop3A_364 = arith.index_cast %parallel_loop3A_265 : i32 to index
        %parallel_loop3A_365 = arith.index_cast %parallel_loop3A_360 : i32 to index
        %parallel_loop3A_366 = tpu.vector_load %arg9[%parallel_loop3A_362, %parallel_loop3A_363, %parallel_loop3A_364, %parallel_loop3A_365] {strides = array<i32>} : memref<20x2x8x128xf32, #tpu.memory_space<vmem>>, vector<16xf32>,
        tpu.vector_store %arg9[%parallel_loop3A_362, %parallel_loop3A_363, %parallel_loop3A_364, %parallel_loop3A_365], %parallel_loop3A_358 {strides = array<i32>} : memref<20x2x8x128xf32, #tpu.memory_space<vmem>>, vector<16xf32>,
        %parallel_loop3A_367 = arith.constant 7 : i32
        %parallel_loop3A_368 = vector.broadcast %parallel_loop3A_367 : i32 to vector<16xi32>
        %parallel_loop3A_369 = arith.addi %parallel_loop3A_282, %parallel_loop3A_368 : vector<16xi32>
        %parallel_loop3A_370 = tpu.vector_load_idx %arg5[%parallel_loop3A_369] : memref<60xf32, #tpu.memory_space<vmem>>[vector<16xi32>], vector<16xf32>,
        %parallel_loop3A_371 = arith.constant 16 : i32
        %parallel_loop3A_372 = arith.muli %parallel_loop3A_271, %parallel_loop3A_371 : i32
        %parallel_loop3A_373 = arith.constant 7 : i32
        %parallel_loop3A_374 = arith.index_cast %parallel_loop3A_373 : i32 to index
        %parallel_loop3A_375 = arith.index_cast %parallel_loop3A_269 : i32 to index
        %parallel_loop3A_376 = arith.index_cast %parallel_loop3A_265 : i32 to index
        %parallel_loop3A_377 = arith.index_cast %parallel_loop3A_372 : i32 to index
        %parallel_loop3A_378 = tpu.vector_load %arg9[%parallel_loop3A_374, %parallel_loop3A_375, %parallel_loop3A_376, %parallel_loop3A_377] {strides = array<i32>} : memref<20x2x8x128xf32, #tpu.memory_space<vmem>>, vector<16xf32>,
        tpu.vector_store %arg9[%parallel_loop3A_374, %parallel_loop3A_375, %parallel_loop3A_376, %parallel_loop3A_377], %parallel_loop3A_370 {strides = array<i32>} : memref<20x2x8x128xf32, #tpu.memory_space<vmem>>, vector<16xf32>,
        %parallel_loop3A_379 = arith.constant 8 : i32
        %parallel_loop3A_380 = vector.broadcast %parallel_loop3A_379 : i32 to vector<16xi32>
        %parallel_loop3A_381 = arith.addi %parallel_loop3A_282, %parallel_loop3A_380 : vector<16xi32>
        %parallel_loop3A_382 = tpu.vector_load_idx %arg5[%parallel_loop3A_381] : memref<60xf32, #tpu.memory_space<vmem>>[vector<16xi32>], vector<16xf32>,
        %parallel_loop3A_383 = arith.constant 16 : i32
        %parallel_loop3A_384 = arith.muli %parallel_loop3A_271, %parallel_loop3A_383 : i32
        %parallel_loop3A_385 = arith.constant 8 : i32
        %parallel_loop3A_386 = arith.index_cast %parallel_loop3A_385 : i32 to index
        %parallel_loop3A_387 = arith.index_cast %parallel_loop3A_269 : i32 to index
        %parallel_loop3A_388 = arith.index_cast %parallel_loop3A_265 : i32 to index
        %parallel_loop3A_389 = arith.index_cast %parallel_loop3A_384 : i32 to index
        %parallel_loop3A_390 = tpu.vector_load %arg9[%parallel_loop3A_386, %parallel_loop3A_387, %parallel_loop3A_388, %parallel_loop3A_389] {strides = array<i32>} : memref<20x2x8x128xf32, #tpu.memory_space<vmem>>, vector<16xf32>,
        tpu.vector_store %arg9[%parallel_loop3A_386, %parallel_loop3A_387, %parallel_loop3A_388, %parallel_loop3A_389], %parallel_loop3A_382 {strides = array<i32>} : memref<20x2x8x128xf32, #tpu.memory_space<vmem>>, vector<16xf32>,
        %parallel_loop3A_391 = arith.constant 9 : i32
        %parallel_loop3A_392 = vector.broadcast %parallel_loop3A_391 : i32 to vector<16xi32>
        %parallel_loop3A_393 = arith.addi %parallel_loop3A_282, %parallel_loop3A_392 : vector<16xi32>
        %parallel_loop3A_394 = tpu.vector_load_idx %arg5[%parallel_loop3A_393] : memref<60xf32, #tpu.memory_space<vmem>>[vector<16xi32>], vector<16xf32>,
        %parallel_loop3A_395 = arith.constant 16 : i32
        %parallel_loop3A_396 = arith.muli %parallel_loop3A_271, %parallel_loop3A_395 : i32
        %parallel_loop3A_397 = arith.constant 9 : i32
        %parallel_loop3A_398 = arith.index_cast %parallel_loop3A_397 : i32 to index
        %parallel_loop3A_399 = arith.index_cast %parallel_loop3A_269 : i32 to index
        %parallel_loop3A_400 = arith.index_cast %parallel_loop3A_265 : i32 to index
        %parallel_loop3A_401 = arith.index_cast %parallel_loop3A_396 : i32 to index
        %parallel_loop3A_402 = tpu.vector_load %arg9[%parallel_loop3A_398, %parallel_loop3A_399, %parallel_loop3A_400, %parallel_loop3A_401] {strides = array<i32>} : memref<20x2x8x128xf32, #tpu.memory_space<vmem>>, vector<16xf32>,
        tpu.vector_store %arg9[%parallel_loop3A_398, %parallel_loop3A_399, %parallel_loop3A_400, %parallel_loop3A_401], %parallel_loop3A_394 {strides = array<i32>} : memref<20x2x8x128xf32, #tpu.memory_space<vmem>>, vector<16xf32>,
        %parallel_loop3A_403 = arith.constant 10 : i32
        %parallel_loop3A_404 = vector.broadcast %parallel_loop3A_403 : i32 to vector<16xi32>
        %parallel_loop3A_405 = arith.addi %parallel_loop3A_282, %parallel_loop3A_404 : vector<16xi32>
        %parallel_loop3A_406 = tpu.vector_load_idx %arg5[%parallel_loop3A_405] : memref<60xf32, #tpu.memory_space<vmem>>[vector<16xi32>], vector<16xf32>,
        %parallel_loop3A_407 = arith.constant 16 : i32
        %parallel_loop3A_408 = arith.muli %parallel_loop3A_271, %parallel_loop3A_407 : i32
        %parallel_loop3A_409 = arith.constant 10 : i32
        %parallel_loop3A_410 = arith.index_cast %parallel_loop3A_409 : i32 to index
        %parallel_loop3A_411 = arith.index_cast %parallel_loop3A_269 : i32 to index
        %parallel_loop3A_412 = arith.index_cast %parallel_loop3A_265 : i32 to index
        %parallel_loop3A_413 = arith.index_cast %parallel_loop3A_408 : i32 to index
        %parallel_loop3A_414 = tpu.vector_load %arg9[%parallel_loop3A_410, %parallel_loop3A_411, %parallel_loop3A_412, %parallel_loop3A_413] {strides = array<i32>} : memref<20x2x8x128xf32, #tpu.memory_space<vmem>>, vector<16xf32>,
        tpu.vector_store %arg9[%parallel_loop3A_410, %parallel_loop3A_411, %parallel_loop3A_412, %parallel_loop3A_413], %parallel_loop3A_406 {strides = array<i32>} : memref<20x2x8x128xf32, #tpu.memory_space<vmem>>, vector<16xf32>,
        %parallel_loop3A_415 = arith.constant 11 : i32
        %parallel_loop3A_416 = vector.broadcast %parallel_loop3A_415 : i32 to vector<16xi32>
        %parallel_loop3A_417 = arith.addi %parallel_loop3A_282, %parallel_loop3A_416 : vector<16xi32>
        %parallel_loop3A_418 = tpu.vector_load_idx %arg5[%parallel_loop3A_417] : memref<60xf32, #tpu.memory_space<vmem>>[vector<16xi32>], vector<16xf32>,
        %parallel_loop3A_419 = arith.constant 16 : i32
        %parallel_loop3A_420 = arith.muli %parallel_loop3A_271, %parallel_loop3A_419 : i32
        %parallel_loop3A_421 = arith.constant 11 : i32
        %parallel_loop3A_422 = arith.index_cast %parallel_loop3A_421 : i32 to index
        %parallel_loop3A_423 = arith.index_cast %parallel_loop3A_269 : i32 to index
        %parallel_loop3A_424 = arith.index_cast %parallel_loop3A_265 : i32 to index
        %parallel_loop3A_425 = arith.index_cast %parallel_loop3A_420 : i32 to index
        %parallel_loop3A_426 = tpu.vector_load %arg9[%parallel_loop3A_422, %parallel_loop3A_423, %parallel_loop3A_424, %parallel_loop3A_425] {strides = array<i32>} : memref<20x2x8x128xf32, #tpu.memory_space<vmem>>, vector<16xf32>,
        tpu.vector_store %arg9[%parallel_loop3A_422, %parallel_loop3A_423, %parallel_loop3A_424, %parallel_loop3A_425], %parallel_loop3A_418 {strides = array<i32>} : memref<20x2x8x128xf32, #tpu.memory_space<vmem>>, vector<16xf32>,
        %parallel_loop3A_427 = arith.constant 12 : i32
        %parallel_loop3A_428 = vector.broadcast %parallel_loop3A_427 : i32 to vector<16xi32>
        %parallel_loop3A_429 = arith.addi %parallel_loop3A_282, %parallel_loop3A_428 : vector<16xi32>
        %parallel_loop3A_430 = tpu.vector_load_idx %arg5[%parallel_loop3A_429] : memref<60xf32, #tpu.memory_space<vmem>>[vector<16xi32>], vector<16xf32>,
        %parallel_loop3A_431 = arith.constant 16 : i32
        %parallel_loop3A_432 = arith.muli %parallel_loop3A_271, %parallel_loop3A_431 : i32
        %parallel_loop3A_433 = arith.constant 12 : i32
        %parallel_loop3A_434 = arith.index_cast %parallel_loop3A_433 : i32 to index
        %parallel_loop3A_435 = arith.index_cast %parallel_loop3A_269 : i32 to index
        %parallel_loop3A_436 = arith.index_cast %parallel_loop3A_265 : i32 to index
        %parallel_loop3A_437 = arith.index_cast %parallel_loop3A_432 : i32 to index
        %parallel_loop3A_438 = tpu.vector_load %arg9[%parallel_loop3A_434, %parallel_loop3A_435, %parallel_loop3A_436, %parallel_loop3A_437] {strides = array<i32>} : memref<20x2x8x128xf32, #tpu.memory_space<vmem>>, vector<16xf32>,
        tpu.vector_store %arg9[%parallel_loop3A_434, %parallel_loop3A_435, %parallel_loop3A_436, %parallel_loop3A_437], %parallel_loop3A_430 {strides = array<i32>} : memref<20x2x8x128xf32, #tpu.memory_space<vmem>>, vector<16xf32>,
        %parallel_loop3A_439 = arith.constant 13 : i32
        %parallel_loop3A_440 = vector.broadcast %parallel_loop3A_439 : i32 to vector<16xi32>
        %parallel_loop3A_441 = arith.addi %parallel_loop3A_282, %parallel_loop3A_440 : vector<16xi32>
        %parallel_loop3A_442 = tpu.vector_load_idx %arg5[%parallel_loop3A_441] : memref<60xf32, #tpu.memory_space<vmem>>[vector<16xi32>], vector<16xf32>,
        %parallel_loop3A_443 = arith.constant 16 : i32
        %parallel_loop3A_444 = arith.muli %parallel_loop3A_271, %parallel_loop3A_443 : i32
        %parallel_loop3A_445 = arith.constant 13 : i32
        %parallel_loop3A_446 = arith.index_cast %parallel_loop3A_445 : i32 to index
        %parallel_loop3A_447 = arith.index_cast %parallel_loop3A_269 : i32 to index
        %parallel_loop3A_448 = arith.index_cast %parallel_loop3A_265 : i32 to index
        %parallel_loop3A_449 = arith.index_cast %parallel_loop3A_444 : i32 to index
        %parallel_loop3A_450 = tpu.vector_load %arg9[%parallel_loop3A_446, %parallel_loop3A_447, %parallel_loop3A_448, %parallel_loop3A_449] {strides = array<i32>} : memref<20x2x8x128xf32, #tpu.memory_space<vmem>>, vector<16xf32>,
        tpu.vector_store %arg9[%parallel_loop3A_446, %parallel_loop3A_447, %parallel_loop3A_448, %parallel_loop3A_449], %parallel_loop3A_442 {strides = array<i32>} : memref<20x2x8x128xf32, #tpu.memory_space<vmem>>, vector<16xf32>,
        %parallel_loop3A_451 = arith.constant 14 : i32
        %parallel_loop3A_452 = vector.broadcast %parallel_loop3A_451 : i32 to vector<16xi32>
        %parallel_loop3A_453 = arith.addi %parallel_loop3A_282, %parallel_loop3A_452 : vector<16xi32>
        %parallel_loop3A_454 = tpu.vector_load_idx %arg5[%parallel_loop3A_453] : memref<60xf32, #tpu.memory_space<vmem>>[vector<16xi32>], vector<16xf32>,
        %parallel_loop3A_455 = arith.constant 16 : i32
        %parallel_loop3A_456 = arith.muli %parallel_loop3A_271, %parallel_loop3A_455 : i32
        %parallel_loop3A_457 = arith.constant 14 : i32
        %parallel_loop3A_458 = arith.index_cast %parallel_loop3A_457 : i32 to index
        %parallel_loop3A_459 = arith.index_cast %parallel_loop3A_269 : i32 to index
        %parallel_loop3A_460 = arith.index_cast %parallel_loop3A_265 : i32 to index
        %parallel_loop3A_461 = arith.index_cast %parallel_loop3A_456 : i32 to index
        %parallel_loop3A_462 = tpu.vector_load %arg9[%parallel_loop3A_458, %parallel_loop3A_459, %parallel_loop3A_460, %parallel_loop3A_461] {strides = array<i32>} : memref<20x2x8x128xf32, #tpu.memory_space<vmem>>, vector<16xf32>,
        tpu.vector_store %arg9[%parallel_loop3A_458, %parallel_loop3A_459, %parallel_loop3A_460, %parallel_loop3A_461], %parallel_loop3A_454 {strides = array<i32>} : memref<20x2x8x128xf32, #tpu.memory_space<vmem>>, vector<16xf32>,
        %parallel_loop3A_463 = arith.constant 15 : i32
        %parallel_loop3A_464 = vector.broadcast %parallel_loop3A_463 : i32 to vector<16xi32>
        %parallel_loop3A_465 = arith.addi %parallel_loop3A_282, %parallel_loop3A_464 : vector<16xi32>
        %parallel_loop3A_466 = tpu.vector_load_idx %arg5[%parallel_loop3A_465] : memref<60xf32, #tpu.memory_space<vmem>>[vector<16xi32>], vector<16xf32>,
        %parallel_loop3A_467 = arith.constant 16 : i32
        %parallel_loop3A_468 = arith.muli %parallel_loop3A_271, %parallel_loop3A_467 : i32
        %parallel_loop3A_469 = arith.constant 15 : i32
        %parallel_loop3A_470 = arith.index_cast %parallel_loop3A_469 : i32 to index
        %parallel_loop3A_471 = arith.index_cast %parallel_loop3A_269 : i32 to index
        %parallel_loop3A_472 = arith.index_cast %parallel_loop3A_265 : i32 to index
        %parallel_loop3A_473 = arith.index_cast %parallel_loop3A_468 : i32 to index
        %parallel_loop3A_474 = tpu.vector_load %arg9[%parallel_loop3A_470, %parallel_loop3A_471, %parallel_loop3A_472, %parallel_loop3A_473] {strides = array<i32>} : memref<20x2x8x128xf32, #tpu.memory_space<vmem>>, vector<16xf32>,
        tpu.vector_store %arg9[%parallel_loop3A_470, %parallel_loop3A_471, %parallel_loop3A_472, %parallel_loop3A_473], %parallel_loop3A_466 {strides = array<i32>} : memref<20x2x8x128xf32, #tpu.memory_space<vmem>>, vector<16xf32>,
        %parallel_loop3A_475 = arith.constant 16 : i32
        %parallel_loop3A_476 = vector.broadcast %parallel_loop3A_475 : i32 to vector<16xi32>
        %parallel_loop3A_477 = arith.addi %parallel_loop3A_282, %parallel_loop3A_476 : vector<16xi32>
        %parallel_loop3A_478 = tpu.vector_load_idx %arg5[%parallel_loop3A_477] : memref<60xf32, #tpu.memory_space<vmem>>[vector<16xi32>], vector<16xf32>,
        %parallel_loop3A_479 = arith.constant 16 : i32
        %parallel_loop3A_480 = arith.muli %parallel_loop3A_271, %parallel_loop3A_479 : i32
        %parallel_loop3A_481 = arith.constant 16 : i32
        %parallel_loop3A_482 = arith.index_cast %parallel_loop3A_481 : i32 to index
        %parallel_loop3A_483 = arith.index_cast %parallel_loop3A_269 : i32 to index
        %parallel_loop3A_484 = arith.index_cast %parallel_loop3A_265 : i32 to index
        %parallel_loop3A_485 = arith.index_cast %parallel_loop3A_480 : i32 to index
        %parallel_loop3A_486 = tpu.vector_load %arg9[%parallel_loop3A_482, %parallel_loop3A_483, %parallel_loop3A_484, %parallel_loop3A_485] {strides = array<i32>} : memref<20x2x8x128xf32, #tpu.memory_space<vmem>>, vector<16xf32>,
        tpu.vector_store %arg9[%parallel_loop3A_482, %parallel_loop3A_483, %parallel_loop3A_484, %parallel_loop3A_485], %parallel_loop3A_478 {strides = array<i32>} : memref<20x2x8x128xf32, #tpu.memory_space<vmem>>, vector<16xf32>,
        %parallel_loop3A_487 = arith.constant 17 : i32
        %parallel_loop3A_488 = vector.broadcast %parallel_loop3A_487 : i32 to vector<16xi32>
        %parallel_loop3A_489 = arith.addi %parallel_loop3A_282, %parallel_loop3A_488 : vector<16xi32>
        %parallel_loop3A_490 = tpu.vector_load_idx %arg5[%parallel_loop3A_489] : memref<60xf32, #tpu.memory_space<vmem>>[vector<16xi32>], vector<16xf32>,
        %parallel_loop3A_491 = arith.constant 16 : i32
        %parallel_loop3A_492 = arith.muli %parallel_loop3A_271, %parallel_loop3A_491 : i32
        %parallel_loop3A_493 = arith.constant 17 : i32
        %parallel_loop3A_494 = arith.index_cast %parallel_loop3A_493 : i32 to index
        %parallel_loop3A_495 = arith.index_cast %parallel_loop3A_269 : i32 to index
        %parallel_loop3A_496 = arith.index_cast %parallel_loop3A_265 : i32 to index
        %parallel_loop3A_497 = arith.index_cast %parallel_loop3A_492 : i32 to index
        %parallel_loop3A_498 = tpu.vector_load %arg9[%parallel_loop3A_494, %parallel_loop3A_495, %parallel_loop3A_496, %parallel_loop3A_497] {strides = array<i32>} : memref<20x2x8x128xf32, #tpu.memory_space<vmem>>, vector<16xf32>,
        tpu.vector_store %arg9[%parallel_loop3A_494, %parallel_loop3A_495, %parallel_loop3A_496, %parallel_loop3A_497], %parallel_loop3A_490 {strides = array<i32>} : memref<20x2x8x128xf32, #tpu.memory_space<vmem>>, vector<16xf32>,
        %parallel_loop3A_499 = arith.constant 18 : i32
        %parallel_loop3A_500 = vector.broadcast %parallel_loop3A_499 : i32 to vector<16xi32>
        %parallel_loop3A_501 = arith.addi %parallel_loop3A_282, %parallel_loop3A_500 : vector<16xi32>
        %parallel_loop3A_502 = tpu.vector_load_idx %arg5[%parallel_loop3A_501] : memref<60xf32, #tpu.memory_space<vmem>>[vector<16xi32>], vector<16xf32>,
        %parallel_loop3A_503 = arith.constant 16 : i32
        %parallel_loop3A_504 = arith.muli %parallel_loop3A_271, %parallel_loop3A_503 : i32
        %parallel_loop3A_505 = arith.constant 18 : i32
        %parallel_loop3A_506 = arith.index_cast %parallel_loop3A_505 : i32 to index
        %parallel_loop3A_507 = arith.index_cast %parallel_loop3A_269 : i32 to index
        %parallel_loop3A_508 = arith.index_cast %parallel_loop3A_265 : i32 to index
        %parallel_loop3A_509 = arith.index_cast %parallel_loop3A_504 : i32 to index
        %parallel_loop3A_510 = tpu.vector_load %arg9[%parallel_loop3A_506, %parallel_loop3A_507, %parallel_loop3A_508, %parallel_loop3A_509] {strides = array<i32>} : memref<20x2x8x128xf32, #tpu.memory_space<vmem>>, vector<16xf32>,
        tpu.vector_store %arg9[%parallel_loop3A_506, %parallel_loop3A_507, %parallel_loop3A_508, %parallel_loop3A_509], %parallel_loop3A_502 {strides = array<i32>} : memref<20x2x8x128xf32, #tpu.memory_space<vmem>>, vector<16xf32>,
        %parallel_loop3A_511 = arith.constant 19 : i32
        %parallel_loop3A_512 = vector.broadcast %parallel_loop3A_511 : i32 to vector<16xi32>
        %parallel_loop3A_513 = arith.addi %parallel_loop3A_282, %parallel_loop3A_512 : vector<16xi32>
        %parallel_loop3A_514 = tpu.vector_load_idx %arg5[%parallel_loop3A_513] : memref<60xf32, #tpu.memory_space<vmem>>[vector<16xi32>], vector<16xf32>,
        %parallel_loop3A_515 = arith.constant 16 : i32
        %parallel_loop3A_516 = arith.muli %parallel_loop3A_271, %parallel_loop3A_515 : i32
        %parallel_loop3A_517 = arith.constant 19 : i32
        %parallel_loop3A_518 = arith.index_cast %parallel_loop3A_517 : i32 to index
        %parallel_loop3A_519 = arith.index_cast %parallel_loop3A_269 : i32 to index
        %parallel_loop3A_520 = arith.index_cast %parallel_loop3A_265 : i32 to index
        %parallel_loop3A_521 = arith.index_cast %parallel_loop3A_516 : i32 to index
        %parallel_loop3A_522 = tpu.vector_load %arg9[%parallel_loop3A_518, %parallel_loop3A_519, %parallel_loop3A_520, %parallel_loop3A_521] {strides = array<i32>} : memref<20x2x8x128xf32, #tpu.memory_space<vmem>>, vector<16xf32>,
        tpu.vector_store %arg9[%parallel_loop3A_518, %parallel_loop3A_519, %parallel_loop3A_520, %parallel_loop3A_521], %parallel_loop3A_514 {strides = array<i32>} : memref<20x2x8x128xf32, #tpu.memory_space<vmem>>, vector<16xf32>,
      } {sc.loop_unroll_factor = 1 : i64, sc.parallel_access}
      %add3A_251 = arith.constant 2 : i32
      %add3A_252 = arith.addi %mul3A_2, %add3A_251 : i32
      %dma_start3A_253 = arith.constant 0 : i32
      %dma_start3A_254 = arith.constant 0 : i32
      %dma_start3A_255 = arith.constant 0 : i32
      %dma_start3A_256 = tpu.memref_slice %arg4[%dma_start3A_253, %add3A_185, %add3A_252, %dma_start3A_254, %dma_start3A_255] : memref<20x25x128x8x128xf32, #tpu.memory_space<hbm>> -> memref<20x1x2x8x128xf32, #tpu.memory_space<hbm>>
      %dma_start3A_257 = tpu.memref_squeeze %dma_start3A_256 : memref<20x1x2x8x128xf32, #tpu.memory_space<hbm>> -> memref<20x2x8x128xf32, #tpu.memory_space<hbm>>
      %dma_start3A_258 = arith.constant 0 : i32
      %dma_start3A_259 = arith.constant 0 : i32
      %dma_start3A_260 = arith.constant 0 : i32
      %dma_start3A_261 = tpu.memref_slice %arg4[%dma_start3A_258, %add3A_185, %add3A_252, %dma_start3A_259, %dma_start3A_260] : memref<20x25x128x8x128xf32, #tpu.memory_space<hbm>> -> memref<20x1x2x8x128xf32, #tpu.memory_space<hbm>>
      %dma_start3A_262 = tpu.memref_squeeze %dma_start3A_261 : memref<20x1x2x8x128xf32, #tpu.memory_space<hbm>> -> memref<20x2x8x128xf32, #tpu.memory_space<hbm>>
      tpu.enqueue_dma source(%arg9 : memref<20x2x8x128xf32, #tpu.memory_space<vmem>>) target(%dma_start3A_262 : memref<20x2x8x128xf32, #tpu.memory_space<hbm>>) target_semaphore(%arg13 : memref<!tpu.dma_semaphore, #tpu.memory_space<semaphore_mem>>)
    }
    %scan3A_64 = arith.constant 12 : i32
    %dma_wait3A_65 = arith.constant 0 : i32
    %dma_wait3A_66 = arith.constant 0 : i32
    %dma_wait3A_67 = arith.constant 0 : i32
    %dma_wait3A_68 = tpu.memref_slice %arg2[%dma_wait3A_65, %mul3A_2, %dma_wait3A_66, %dma_wait3A_67] : memref<25x128x8x128xi32, #tpu.memory_space<hbm>> -> memref<1x4x8x128xi32, #tpu.memory_space<hbm>>
    %dma_wait3A_69 = tpu.memref_squeeze %dma_wait3A_68 : memref<1x4x8x128xi32, #tpu.memory_space<hbm>> -> memref<4x8x128xi32, #tpu.memory_space<hbm>>
    %dma_wait3A_70 = arith.constant 0 : i32
    %dma_wait3A_71 = arith.constant 0 : i32
    %dma_wait3A_72 = tpu.memref_slice %arg2[%dma_wait3A_65, %mul3A_2, %dma_wait3A_70, %dma_wait3A_71] : memref<25x128x8x128xi32, #tpu.memory_space<hbm>> -> memref<1x4x8x128xi32, #tpu.memory_space<hbm>>
    %dma_wait3A_73 = tpu.memref_squeeze %dma_wait3A_72 : memref<1x4x8x128xi32, #tpu.memory_space<hbm>> -> memref<4x8x128xi32, #tpu.memory_space<hbm>>
    tpu.wait_dma2 semaphore(%arg11 : memref<!tpu.dma_semaphore, #tpu.memory_space<semaphore_mem>>) src(%dma_wait3A_73 : memref<4x8x128xi32, #tpu.memory_space<hbm>>) dst(%arg7 : memref<4x8x128xi32, #tpu.memory_space<vmem>>)
    %dma_wait3A_74 = arith.constant 0 : i32
    %dma_wait3A_75 = arith.constant 0 : i32
    %dma_wait3A_76 = arith.constant 0 : i32
    %dma_wait3A_77 = arith.constant 0 : i32
    %dma_wait3A_78 = arith.constant 0 : i32
    %dma_wait3A_79 = tpu.memref_slice %arg4[%dma_wait3A_75, %dma_wait3A_74, %dma_wait3A_76, %dma_wait3A_77, %dma_wait3A_78] : memref<20x25x128x8x128xf32, #tpu.memory_space<hbm>> -> memref<20x1x2x8x128xf32, #tpu.memory_space<hbm>>
    %dma_wait3A_80 = tpu.memref_squeeze %dma_wait3A_79 : memref<20x1x2x8x128xf32, #tpu.memory_space<hbm>> -> memref<20x2x8x128xf32, #tpu.memory_space<hbm>>
    %dma_wait3A_81 = arith.constant 0 : i32
    %dma_wait3A_82 = arith.constant 0 : i32
    %dma_wait3A_83 = arith.constant 0 : i32
    %dma_wait3A_84 = arith.constant 0 : i32
    %dma_wait3A_85 = tpu.memref_slice %arg4[%dma_wait3A_81, %dma_wait3A_74, %dma_wait3A_82, %dma_wait3A_83, %dma_wait3A_84] : memref<20x25x128x8x128xf32, #tpu.memory_space<hbm>> -> memref<20x1x2x8x128xf32, #tpu.memory_space<hbm>>
    %dma_wait3A_86 = tpu.memref_squeeze %dma_wait3A_85 : memref<20x1x2x8x128xf32, #tpu.memory_space<hbm>> -> memref<20x2x8x128xf32, #tpu.memory_space<hbm>>
    tpu.wait_dma2 semaphore(%arg12 : memref<!tpu.dma_semaphore, #tpu.memory_space<semaphore_mem>>) src(%arg8 : memref<20x2x8x128xf32, #tpu.memory_space<vmem>>) dst(%dma_wait3A_86 : memref<20x2x8x128xf32, #tpu.memory_space<hbm>>)
    %dma_wait3A_87 = arith.constant 0 : i32
    %dma_wait3A_88 = arith.constant 0 : i32
    %dma_wait3A_89 = arith.constant 0 : i32
    %dma_wait3A_90 = arith.constant 0 : i32
    %dma_wait3A_91 = arith.constant 0 : i32
    %dma_wait3A_92 = tpu.memref_slice %arg4[%dma_wait3A_88, %dma_wait3A_87, %dma_wait3A_89, %dma_wait3A_90, %dma_wait3A_91] : memref<20x25x128x8x128xf32, #tpu.memory_space<hbm>> -> memref<20x1x2x8x128xf32, #tpu.memory_space<hbm>>
    %dma_wait3A_93 = tpu.memref_squeeze %dma_wait3A_92 : memref<20x1x2x8x128xf32, #tpu.memory_space<hbm>> -> memref<20x2x8x128xf32, #tpu.memory_space<hbm>>
    %dma_wait3A_94 = arith.constant 0 : i32
    %dma_wait3A_95 = arith.constant 0 : i32
    %dma_wait3A_96 = arith.constant 0 : i32
    %dma_wait3A_97 = arith.constant 0 : i32
    %dma_wait3A_98 = tpu.memref_slice %arg4[%dma_wait3A_94, %dma_wait3A_87, %dma_wait3A_95, %dma_wait3A_96, %dma_wait3A_97] : memref<20x25x128x8x128xf32, #tpu.memory_space<hbm>> -> memref<20x1x2x8x128xf32, #tpu.memory_space<hbm>>
    %dma_wait3A_99 = tpu.memref_squeeze %dma_wait3A_98 : memref<20x1x2x8x128xf32, #tpu.memory_space<hbm>> -> memref<20x2x8x128xf32, #tpu.memory_space<hbm>>
    tpu.wait_dma2 semaphore(%arg13 : memref<!tpu.dma_semaphore, #tpu.memory_space<semaphore_mem>>) src(%arg9 : memref<20x2x8x128xf32, #tpu.memory_space<vmem>>) dst(%dma_wait3A_99 : memref<20x2x8x128xf32, #tpu.memory_space<hbm>>)
    return
  }
}

</mosaic_0001>

<sc_bundles>
// kernel: kernel.3.cloned.1.call-start
scs
__scs_entry_jumppad:
0x0: {  	(pc) =	sbr.rel $0x88, $3  }
0x1: {  	(tag) =	ssettag $0x0;
	lr =	simm.s32 $0x1  }
0x2: {  	[smem:$0x3F9F] =	sst lr;
	_ =	strace $0xD0000000  }
0x3: {  	_ = 	snop  }
0x4: {  	_ = 	snop  }
0x5: {  	_ = 	snop  }
0x6: {  	_ = 	snop  }
0x7: {  	_ = 	snop  }
__scs_overlays_trampoline_lowered:
0x8: {  	[smem:$0x3FAE] =	sst s0  }
0x9: {  	[smem:$0x3FAF] =	sst s1  }
0xa: {  	[smem:$0x3FB0] =	sst s2  }
0xb: {  	[smem:$0x3FB1] =	sst s3  }
0xc: {  	[smem:$0x3FB2] =	sst s4  }
0xd: {  	[smem:$0x3FB3] =	sst s5  }
0xe: {  	[smem:$0x3FB4] =	sst s6  }
0xf: {  	[smem:$0x3FB5] =	sst s7  }
0x10: {  	[smem:$0x3FB6] =	sst s8  }
0x11: {  	[smem:$0x3FB7] =	sst s9;
	s0 =	simm.s32 @!p0 $0x0  }
0x12: {  	s1 =	sld [smem:$0x3F9D];
	s0 =	simm.s32 @p0 $0x1  }
0x13: {  	[smem:$0x3FB8] =	sst s0;
	s0 =	simm.s32 @!p1 $0x0  }
0x14: {  	s2 =	sld [smem:$0x3F9C];
	s0 =	simm.s32 @p1 $0x1  }
0x15: {  	[smem:$0x3FB9] =	sst s0;
	s0 =	simm.s32 @!p2 $0x0  }
0x16: {  	s3 =	sld [smem:$0x3FDB];
	s0 =	simm.s32 @p2 $0x1  }
0x17: {  	s4 =	simm.s32 $0x1BF5;
	[smem:$0x3FBB] =	sst s0  }
0x18: {  	s0 =	sld [smem:$0x3F9E];
	_ =	swait.ge [sflag:s4], $0x0  }
0x19: {  	s7 =	sld [smem:$0x3F9F]  }
0x1a: {  	s8 =	sadd.s32 $0xFFFFE003, lr  }
0x1b: {  	s9 =	sadd.s32 $0xFFFFFEF7, lr;
	s5 =	simm.s32 $0xFFFFFFFF;
	p2 =	slt.u32 s8, $0xFFFFF086  }
0x1c: {  	p1 =	slt.u32 s9, $0xF7A;
	s5 =	simm.s32 @!p2 $0x0  }
0x1d: {  	s5 =	simm.s32 @p1 $0x1;
	p0 =	seq.s32 s7, s2  }
0x1e: {  	s7 =	smul.u32 @!p0 $0xF7A, s2;
	p2 =	seq.s32 @!p0 s5, $0x0  }
0x1f: {  	s9 =	smul.u32 $0xF7A, s1;
	s8 =	simm.s32 @!p0 $0x1BF5;
	p2 =	por !p2, p0  }
0x20: {  	[sflag:s8] =	ssyncset.s32 @!p0 $0xFFFFF086;
	s6 =	sadd.s32 @!p0 s3, s7;
	s7 =	simm.s32 @!p0 $0x108  }
0x21: {  	s3 =	sadd.s32 s3, s9;
	s6 =	sadd.s32 @!p0 $0x88, s6;
	s7 =	simm.s32 @p2 $0x1082  }
0x22: {  	[simem:s7], [sflag:s8] =	dma.local @!p0 [hbm:s6], $0xF7A  }
0x23: {  	s9 =	sor.u32 $0xD0000000, s2;
	s6 =	simm.s32 $0x108;
	_ =	swait.ge @!p0 [sflag:s8], $0x0  }
0x24: {  	s3 =	sadd.s32 $0x88, s3;
	s6 =	simm.s32 @!p1 $0x1082;
	[sflag:s4] =	ssyncset.s32 $0xFFFFF086  }
0x25: {  	[simem:s6], [sflag:s4] =	dma.local [hbm:s3], $0xF7A  }
0x26: {  	[smem:$0x3F9F] =	sst s1;
	(tag) =	ssettag s2;
	_ =	strace s9  }
0x27: {  	s1 =	sld [smem:$0x3FAF]  }
0x28: {  	s2 =	sld [smem:$0x3FB0]  }
0x29: {  	s4 =	sld [smem:$0x3FB2]  }
0x2a: {  	p0 =	seq.s32 s5, $0x0;
	s5 =	sld [smem:$0x3FB3]  }
0x2b: {  	s6 =	sld [smem:$0x3FB4]  }
0x2c: {  	s7 =	sld [smem:$0x3FB5]  }
0x2d: {  	s3 =	simm.s32 $0x108;
	s8 =	sld [smem:$0x3FB6]  }
0x2e: {  	s3 =	simm.s32 @!p0 $0x1082;
	s9 =	sld [smem:$0x3FB7]  }
0x2f: {  	lr =	sadd.s32 s0, s3;
	s0 =	sld [smem:$0x3FAE]  }
0x30: {  	s3 =	sld [smem:$0x3FB1]  }
0x31: {  	[smem:$0x3FBA] =	sst s10  }
0x32: {  	s10 =	sld [smem:$0x3FB8];
	_ =	sdelay $0x3  }
0x33: {  	p0 =	seq.s32 s10, $0x1;
	s10 =	sld [smem:$0x3FBA];
	_ =	sdelay $0x3  }
0x34: {  	[smem:$0x3FBA] =	sst s10  }
0x35: {  	s10 =	sld [smem:$0x3FB9];
	_ =	sdelay $0x3  }
0x36: {  	p1 =	seq.s32 s10, $0x1;
	s10 =	sld [smem:$0x3FBA];
	_ =	sdelay $0x3  }
0x37: {  	[smem:$0x3FBA] =	sst s10  }
0x38: {  	s10 =	sld [smem:$0x3FBB]  }
0x39: {  	_ = 	snop;
	(pc) =	sbr.ind lr, $3  }
0x3a: {  	_ = 	snop  }
0x3b: {  	_ = 	snop  }
0x3c: {  	p2 =	seq.s32 s10, $0x1;
	s10 =	sld [smem:$0x3FBA]  }
0x3d: {  	_ =	shalt  }
0x3e: {  	_ =	shalt  }
0x3f: {  	_ =	shalt  }
0x40: {  	_ =	shalt  }
0x41: {  	_ =	shalt  }
0x42: {  	_ =	shalt  }
0x43: {  	_ =	shalt  }
0x44: {  	_ =	shalt  }
0x45: {  	_ =	shalt  }
0x46: {  	_ =	shalt  }
0x47: {  	_ =	shalt  }
0x48: {  	_ =	shalt  }
0x49: {  	_ =	shalt  }
0x4a: {  	_ =	shalt  }
0x4b: {  	_ =	shalt  }
0x4c: {  	_ =	shalt  }
0x4d: {  	_ =	shalt  }
0x4e: {  	_ =	shalt  }
0x4f: {  	_ =	shalt  }
0x50: {  	_ =	shalt  }
0x51: {  	_ =	shalt  }
0x52: {  	_ =	shalt  }
0x53: {  	_ =	shalt  }
0x54: {  	_ =	shalt  }
0x55: {  	_ =	shalt  }
0x56: {  	_ =	shalt  }
0x57: {  	_ =	shalt  }
0x58: {  	_ =	shalt  }
0x59: {  	_ =	shalt  }
0x5a: {  	_ =	shalt  }
0x5b: {  	_ =	shalt  }
0x5c: {  	_ =	shalt  }
0x5d: {  	_ =	shalt  }
0x5e: {  	_ =	shalt  }
0x5f: {  	_ =	shalt  }
0x60: {  	_ =	shalt  }
0x61: {  	_ =	shalt  }
0x62: {  	_ =	shalt  }
0x63: {  	_ =	shalt  }
0x64: {  	_ =	shalt  }
0x65: {  	_ =	shalt  }
0x66: {  	_ =	shalt  }
0x67: {  	_ =	shalt  }
0x68: {  	_ =	shalt  }
0x69: {  	_ =	shalt  }
0x6a: {  	_ =	shalt  }
0x6b: {  	_ =	shalt  }
0x6c: {  	_ =	shalt  }
0x6d: {  	_ =	shalt  }
0x6e: {  	_ =	shalt  }
0x6f: {  	_ =	shalt  }
0x70: {  	_ =	shalt  }
0x71: {  	_ =	shalt  }
0x72: {  	_ =	shalt  }
0x73: {  	_ =	shalt  }
0x74: {  	_ =	shalt  }
0x75: {  	_ =	shalt  }
0x76: {  	_ =	shalt  }
0x77: {  	_ =	shalt  }
0x78: {  	_ =	shalt  }
0x79: {  	_ =	shalt  }
0x7a: {  	_ =	shalt  }
0x7b: {  	_ =	shalt  }
0x7c: {  	_ =	shalt  }
0x7d: {  	_ =	shalt  }
0x7e: {  	_ =	shalt  }
0x7f: {  	_ =	shalt  }
0x80: {  	_ =	shalt  }
0x81: {  	_ =	shalt  }
0x82: {  	_ =	shalt  }
0x83: {  	_ =	shalt  }
0x84: {  	_ =	shalt  }
0x85: {  	_ =	shalt  }
0x86: {  	_ =	shalt  }
0x87: {  	_ =	shalt  }
.Lfunc_end0:
.L_simem_size_0:
called_computation_lowered:
.L_overlay_start_0:
0x88: {  	s2 =	sld [smem:$0x3FD9]  }
0x89: {  	s3 =	sld [smem:$0x3FFE];
	_ =	sdelay $0x1  }
0x8a: {  	s1 =	srdreg.scid  }
0x8b: {  	s0 =	sand.u32 $0x1, s1  }
0x8c: {  	s17 =	sshll.u32 s0, $0xA;
	s2 =	sadd.s32 s3, s2  }
0x8d: {  	s2 =	sadd.s32 s2, s17  }
0x8e: {  	[smem:$0x3FC6] =	sst s2  }
0x8f: {  	_ = 	snop  }
0x90: {  	s2 =	sld [smem:$0x3FC9]  }
0x91: {  	s18 =	sld [smem:$0x3FD0];
	(tm) =	ssettm $0x1  }
0x92: {  	s4 =	sld [smem:$0x3FFB];
	_ =	sdelay $0x3  }
0x93: {  	_ =	strace s4  }
0x94: {  	s4 =	sld [smem:$0x3FFC];
	_ =	sdelay $0x3  }
0x95: {  	_ =	strace s4  }
0x96: {  	s4 =	sld [smem:$0x3FFD];
	_ =	sdelay $0x3  }
0x97: {  	_ =	strace s4  }
0x98: {  	_ =	strace $0x8FFFFFFF  }
0x99: {  	s19 =	sld [smem:$0x3FDB];
	_ =	sdelay $0x1  }
0x9a: {  	s5 =	simm.s32 $_scs_section_size  }
0x9b: {  	s6 =	simm.s32 $_size__tile_overlayer_lowered;
	s7 =	simm.s32 $_tile_overlayer_lowered  }
0x9c: {  	s22 =	simm.s32 $0x1BFF;
	s21 =	sshll.u32 s7, $0x1;
	s4 =	sadd.s32 s5, s19  }
0x9d: {  	s8 =	simm.s32 $0x0;
	s20 =	sshll.u32 s6, $0x1;
	s6 =	sadd.s32 s21, s4  }
0x9e: {  	[timem:s8], [sflag:s22] =	dma.local [hbm:s6], s20  }
0x9f: {  	_ =	swait.ge [sflag:s22], s20  }
0xa0: {  	s5 =	ssub.s32 $0x0, s20;
	[sflag:s22] =	ssyncset.done $0x0  }
0xa1: {  	[sflag:s22] =	ssyncadd.s32 s5;
	_ =	sdelay $0x1  }
0xa2: {  	s23 =	simm.s32 $0x1B8B  }
0xa3: {  	_ =	swait.ge [sflag:s23], $0x1  }
0xa4: {  	[sflag:s23] =	ssyncset.done $0x0  }
0xa5: {  	s25 =	simm.s32 $0x1B8E;
	s24 =	sld [smem:$0x3FFE];
	[sflag:s23] =	ssyncadd.s32 $0xFFFFFFFF  }
0xa6: {  	s26 =	simm.s32 $execute0_lowered;
	[smem:$0x3FD2] =	sst s25  }
0xa7: {  	s6 =	sshll.u32 s26, $0x1;
	_ =	strace $0x80000046;
	[dreg:$0x1] =	wrdreg $0xFFFFFFFF  }
0xa8: {  	s28 =	simm.s32 $_size_execute0_lowered;
	s4 =	sadd.s32 s4, s6;
	[dreg:$0x0] =	wrdreg $0x0  }
0xa9: {  	s6 =	sshll.u32 s28, $0x1;
	[dreg:$0x2] =	wrdreg s4  }
0xaa: {  	[dreg:$0x3] =	wrdreg s6  }
0xab: {  	[dreg:$0x4] =	wrdreg $0xC0  }
0xac: {  	_ =	task [dreg:s8], $0x5FFFF  }
0xad: {  	[dreg:$0x1] =	wrdreg $0xFFFFFFFF  }
0xae: {  	[dreg:$0x0] =	wrdreg $0x60  }
0xaf: {  	[dreg:$0x2] =	wrdreg s2  }
0xb0: {  	[dreg:$0x3] =	wrdreg s24  }
0xb1: {  	[dreg:$0x4] =	wrdreg s18  }
0xb2: {  	[dreg:$0x5] =	wrdreg $0x9  }
0xb3: {  	_ =	task.clear_ibuf [dreg:s8], $0x6FFFF;
	_ =	strace $0x90000046  }
0xb4: {  	s29 =	simm.s32 $0x9;
	_ =	strace $0x80000048  }
0xb5: {  	_ =	swait.ge [sflag:s29], $0x1  }
0xb6: {  	[sflag:s29] =	ssyncadd.s32 $0xFFFFFFFF  }
0xb7: {  	_ =	strace $0x90000048  }
0xb8: {  	_ =	sfence  }
0xb9: {  	s30 =	sld [smem:$0x0];
	_ =	sdelay $0x2  }
0xba: {  	s31 =	sshll.u32 s1, $0xD;
	s1 =	sshrl.u32 s1, $0x2  }
0xbb: {  	s3 =	sand.u32 $0x4000, s31;
	s1 =	sadd.s32 s1, s30  }
0xbc: {  	s0 =	sor.u32 s3, s0;
	s1 =	sshll.u32 s1, $0x11  }
0xbd: {  	s0 =	sor.u32 s1, s0  }
0xbe: {  	s0 =	sadd.s32 $0x8F2B, s0  }
0xbf: {  	[sflag:s0] =	ssyncadd.remote.s32 $0x1  }
0xc0: {  	_ =	sfence.sel $0xFFFF  }
0xc1: {  	[dreg:$0x0] =	wrdreg $0xFFFFFFFF;
	(pc) =	sbr.abs _section_cstart, $3  }
0xc2: {  	[dreg:$0x1] =	wrdreg $0xFFFFFFFF  }
0xc3: {  	_ =	task.clear_ibuf [dreg:s8], $0x2FFFF;
	_ =	strace $0x9FFFFFFF  }
0xc4: {  	(tm) =	ssettm $0x7FFFFFFF  }
0xc5: {  	_ =	shalt  }
tec
execute0_lowered:
.L_overlay_start_1:
0x0: {  	(tag) =	ssettag $0x1  }
0x1: {  	s31 =	rddreg [dreg:$0x0]  }
0x2: {  	s0 =	rddreg [dreg:$0x1]  }
0x3: {  	s2 =	rddreg [dreg:$0x2]  }
0x4: {  	s4 =	simm.s32 $0x0;
	s1 =	srdreg.scid;
	s3 =	stileid.u32  }
0x5: {  	s18 =	simm.s32 $0x800;
	s19 =	simm.s32 $0x320000;
	s1 =	sand.u32 $0x1, s1  }
0x6: {  	s22 =	simm.s32 $0x2;
	s3 =	sshll.u32 s3, $0x3;
	s5 =	sshll.u32 s1, $0x2  }
0x7: {  	[smem:$0x7FF] =	sst s4;
	s0 =	sadd.s32 $0x400, s0;
	s25 =	sor.u32 s5, s3  }
0x8: {  	_ =	strace $0x80000047;
	s24 =	ssub.s32 $0x2, s1;
	s1 =	sshll.u32 s25, $0x7  }
0x9: {  	[dreg:$0x4] =	wrdreg s0;
	s26 =	sshrl.u32 s24, $0x1;
	s28 =	sadd.s32 s31, s1  }
0xa: {  	s6 =	sshll.u32 s25, $0xA;
	s1 =	sadd.s32 s2, s1;
	[dreg:$0x5] =	wrdreg s28  }
0xb: {  	s0 =	ssub.s32 s24, s26;
	s30 =	sor.u32 $0x60000, s6;
	[dreg:$0x7] =	wrdreg s1  }
0xc: {  	s8 =	sor.u32 $0x800, s6;
	s0 =	smax.u32 s0, $0x1;
	[dreg:$0x9] =	wrdreg s30  }
0xd: {  	s3 =	sadd.s32 $0x4000, s28;
	s29 =	sshrl.u32 s8, $0x3;
	[dreg:$0xa] =	wrdreg s0  }
0xe: {  	s23 =	simm.s32 $0x3;
	[dreg:$0x6] =	wrdreg s3;
	s1 =	sadd.s32 s2, s29  }
0xf: {  	s24 =	simm.s32 $0x4;
	[dreg:$0x8] =	wrdreg s1;
	s1 =	simm.s32 $0x0  }
.LBB2_1:
0x10: {  	[dreg:$0xb] =	wrdreg s1  }
0x11: {  	s0 =	rddreg [dreg:$0x4];
	s26 =	simm.s32 $0x5  }
0x12: {  	[tilespmem:s4], [sflag:$0x5] =	stream.linear.gather [hbm4b:s0+s4], $0x40, $0x38;
	[tilespmem:$0x16040] =	vst v63  }
0x13: {  	_ =	swait.ge [sflag:s26], $0x40  }
0x14: {  	s29 =	simm.s32 $0x40;
	[sflag:s26] =	ssyncset.done $0x0  }
0x15: {  	s30 =	simm.s32 $0x1;
	s28 =	rddreg [dreg:$0x5];
	[sflag:s26] =	ssyncadd.s32 $0xFFFFFFC0  }
0x16: {  	[tilespmem:s29], [sflag:$0x1] =	stream.linear.gather [hbm4b:s28+s4], $0x1000, $0x38;
	[tilespmem:$0x16040] =	vst v63  }
0x17: {  	_ =	swait.ge [sflag:s30], $0x1000  }
0x18: {  	s3 =	simm.s32 $0x1040;
	s5 =	sand.u32 $0x400, s4;
	[sflag:s30] =	ssyncset.done $0x0  }
0x19: {  	s7 =	sand.u32 $0x380, s4;
	s1 =	rddreg [dreg:$0x6];
	[sflag:s30] =	ssyncadd.s32 $0xFFFFF000  }
0x1a: {  	[tilespmem:s3], [sflag:$0x2] =	stream.linear.gather [hbm4b:s1+s4], $0x1000, $0x38;
	[tilespmem:$0x16040] =	vst v63  }
0x1b: {  	s0 =	sor.u32 s7, s5;
	s3 =	sand.u32 $0x70, s4  }
0x1c: {  	s11 =	sor.u32 s3, s0  }
0x1d: {  	v0 =	vld [tilespmem:s11+$0x40];
	_ =	sdelay $0x4  }
0x1e: {  	v7 =	vmul.u32 $0x14, v0;
	_ =	sdelay $0x5  }
0x1f: {  	v0 =	vld.idx.msk [tilespmem:v7+s4+$0x0], $0xffff  }
0x20: {  	s9 =	simm.s32 $0x8;
	s10 =	simm.s32 $0x80;
	v1 =	vor.u32 $0x1, v7  }
0x21: {  	s12 =	simm.s32 $0x10;
	s1 =	sand.u32 $0x400, s10;
	s0 =	sand.u32 $0x380, s9  }
0x22: {  	s3 =	sand.u32 $0x70, s12;
	s0 =	sor.u32 s0, s1  }
0x23: {  	s3 =	sor.u32 s3, s0  }
0x24: {  	[tilespmem:s11+$0x2040] =	vst v0;
	v0 =	vld [tilespmem:s3+$0x40]  }
0x25: {  	v2 =	vld.idx.msk [tilespmem:v1+s4+$0x0], $0xffff  }
0x26: {  	v3 =	vor.u32 $0x2, v7;
	_ =	sdelay $0x3  }
0x27: {  	v1 =	vmul.u32 $0x14, v0;
	[tilespmem:s11+$0x2840] =	vst v2  }
0x28: {  	v0 =	vld.idx.msk [tilespmem:v3+s4+$0x0], $0xffff  }
0x29: {  	v2 =	vor.u32 $0x3, v7;
	_ =	sdelay $0x3  }
0x2a: {  	v3 =	vld.idx.msk [tilespmem:v1+s4+$0x0], $0xffff;
	[tilespmem:s11+$0x3040] =	vst v0  }
0x2b: {  	s13 =	simm.s32 $0x10;
	s14 =	simm.s32 $0x100;
	v0 =	vor.u32 $0x1, v1;
	v2 =	vld.idx.msk [tilespmem:v2+s4+$0x0], $0xffff  }
0x2c: {  	s5 =	simm.s32 $0x20;
	s1 =	sand.u32 $0x400, s14;
	s0 =	sand.u32 $0x380, s13;
	v4 =	vadd.s32 $0x4, v7  }
0x2d: {  	s5 =	sand.u32 $0x70, s5;
	s0 =	sor.u32 s0, s1  }
0x2e: {  	s0 =	sor.u32 s5, s0  }
0x2f: {  	[tilespmem:s3+$0x2040] =	vst v3;
	v3 =	vld [tilespmem:s0+$0x40]  }
0x30: {  	v5 =	vld.idx.msk [tilespmem:v0+s4+$0x0], $0xffff;
	[tilespmem:s11+$0x3840] =	vst v2  }
0x31: {  	v2 =	vor.u32 $0x2, v1;
	v4 =	vld.idx.msk [tilespmem:v4+s4+$0x0], $0xffff  }
0x32: {  	v6 =	vadd.s32 $0x5, v7;
	_ =	sdelay $0x2  }
0x33: {  	v0 =	vmul.u32 $0x14, v3;
	[tilespmem:s3+$0x2840] =	vst v5  }
0x34: {  	v2 =	vld.idx.msk [tilespmem:v2+s4+$0x0], $0xffff;
	[tilespmem:s11+$0x4040] =	vst v4  }
0x35: {  	v4 =	vor.u32 $0x3, v1;
	v3 =	vld.idx.msk [tilespmem:v6+s4+$0x0], $0xffff  }
0x36: {  	v5 =	vadd.s32 $0x6, v7;
	_ =	sdelay $0x2  }
0x37: {  	v6 =	vld.idx.msk [tilespmem:v0+s4+$0x0], $0xffff;
	[tilespmem:s3+$0x3040] =	vst v2  }
0x38: {  	s15 =	simm.s32 $0x18;
	s16 =	simm.s32 $0x180;
	v2 =	vor.u32 $0x1, v0;
	[tilespmem:s11+$0x4840] =	vst v3;
	v3 =	vld.idx.msk [tilespmem:v4+s4+$0x0], $0xffff  }
0x39: {  	s7 =	simm.s32 $0x30;
	s1 =	sand.u32 $0x380, s15;
	s5 =	sand.u32 $0x400, s16;
	v4 =	vld.idx.msk [tilespmem:v5+s4+$0x0], $0xffff;
	v5 =	vadd.s32 $0x4, v1  }
0x3a: {  	s7 =	sand.u32 $0x70, s7;
	s1 =	sor.u32 s1, s5;
	v8 =	vadd.s32 $0x7, v7  }
0x3b: {  	s5 =	sor.u32 s7, s1  }
0x3c: {  	[tilespmem:s0+$0x2040] =	vst v6;
	v6 =	vld [tilespmem:s5+$0x40]  }
0x3d: {  	v9 =	vld.idx.msk [tilespmem:v2+s4+$0x0], $0xffff;
	[tilespmem:s3+$0x3840] =	vst v3  }
0x3e: {  	v3 =	vor.u32 $0x2, v0;
	v5 =	vld.idx.msk [tilespmem:v5+s4+$0x0], $0xffff;
	[tilespmem:s11+$0x5040] =	vst v4  }
0x3f: {  	v4 =	vld.idx.msk [tilespmem:v8+s4+$0x0], $0xffff;
	v8 =	vadd.s32 $0x5, v1  }
0x40: {  	v10 =	vadd.s32 $0x8, v7  }
0x41: {  	v2 =	vmul.u32 $0x14, v6  }
0x42: {  	[tilespmem:s0+$0x2840] =	vst v9  }
0x43: {  	v3 =	vld.idx.msk [tilespmem:v3+s4+$0x0], $0xffff;
	[tilespmem:s3+$0x4040] =	vst v5  }
0x44: {  	v5 =	vld.idx.msk [tilespmem:v8+s4+$0x0], $0xffff;
	[tilespmem:s11+$0x5840] =	vst v4;
	v4 =	vor.u32 $0x3, v0  }
0x45: {  	v8 =	vadd.s32 $0x6, v1;
	v6 =	vld.idx.msk [tilespmem:v10+s4+$0x0], $0xffff  }
0x46: {  	v9 =	vadd.s32 $0x9, v7  }
0x47: {  	v10 =	vld.idx.msk [tilespmem:v2+s4+$0x0], $0xffff  }
0x48: {  	s17 =	simm.s32 $0x20;
	s20 =	simm.s32 $0x200;
	v11 =	vor.u32 $0x1, v2;
	[tilespmem:s0+$0x3040] =	vst v3  }
0x49: {  	s9 =	simm.s32 $0x40;
	s7 =	sand.u32 $0x400, s20;
	s1 =	sand.u32 $0x380, s17;
	[tilespmem:s3+$0x4840] =	vst v5;
	v3 =	vld.idx.msk [tilespmem:v4+s4+$0x0], $0xffff  }
0x4a: {  	s9 =	sand.u32 $0x70, s9;
	s1 =	sor.u32 s1, s7;
	v5 =	vadd.s32 $0x4, v0;
	v4 =	vld.idx.msk [tilespmem:v8+s4+$0x0], $0xffff;
	[tilespmem:s11+$0x6040] =	vst v6  }
0x4b: {  	s9 =	sor.u32 s9, s1;
	v8 =	vadd.s32 $0x7, v1;
	v6 =	vld.idx.msk [tilespmem:v9+s4+$0x0], $0xffff  }
0x4c: {  	[tilespmem:s5+$0x2040] =	vst v10;
	v10 =	vadd.s32 $0xA, v7;
	v9 =	vld [tilespmem:s9+$0x40]  }
0x4d: {  	v11 =	vld.idx.msk [tilespmem:v11+s4+$0x0], $0xffff  }
0x4e: {  	v12 =	vor.u32 $0x2, v2;
	[tilespmem:s0+$0x3840] =	vst v3  }
0x4f: {  	v5 =	vld.idx.msk [tilespmem:v5+s4+$0x0], $0xffff;
	[tilespmem:s3+$0x5040] =	vst v4  }
0x50: {  	s21 =	simm.s32 $0x28;
	s25 =	simm.s32 $0x280;
	v4 =	vld.idx.msk [tilespmem:v8+s4+$0x0], $0xffff;
	[tilespmem:s11+$0x6840] =	vst v6;
	v6 =	vadd.s32 $0x5, v0  }
0x51: {  	s10 =	simm.s32 $0x50;
	s7 =	sand.u32 $0x400, s25;
	s1 =	sand.u32 $0x380, s21;
	v8 =	vld.idx.msk [tilespmem:v10+s4+$0x0], $0xffff;
	v10 =	vadd.s32 $0x8, v1  }
0x52: {  	s10 =	sand.u32 $0x70, s10;
	v13 =	vadd.s32 $0xB, v7;
	s1 =	sor.u32 s1, s7;
	v3 =	vmul.u32 $0x14, v9;
	[tilespmem:s5+$0x2840] =	vst v11  }
0x53: {  	s10 =	sor.u32 s10, s1;
	v9 =	vld.idx.msk [tilespmem:v12+s4+$0x0], $0xffff  }
0x54: {  	[tilespmem:s0+$0x4040] =	vst v5;
	v5 =	vld [tilespmem:s10+$0x40]  }
0x55: {  	v11 =	vor.u32 $0x3, v2;
	v6 =	vld.idx.msk [tilespmem:v6+s4+$0x0], $0xffff;
	[tilespmem:s3+$0x5840] =	vst v4  }
0x56: {  	[tilespmem:s11+$0x7040] =	vst v8;
	v8 =	vld.idx.msk [tilespmem:v10+s4+$0x0], $0xffff;
	v10 =	vadd.s32 $0x6, v0  }
0x57: {  	v12 =	vld.idx.msk [tilespmem:v13+s4+$0x0], $0xffff;
	v13 =	vadd.s32 $0x9, v1  }
0x58: {  	v15 =	vadd.s32 $0xC, v7;
	v14 =	vld.idx.msk [tilespmem:v3+s4+$0x0], $0xffff  }
0x59: {  	v16 =	vor.u32 $0x1, v3;
	[tilespmem:s5+$0x3040] =	vst v9;
	v4 =	vmul.u32 $0x14, v5  }
0x5a: {  	v5 =	vld.idx.msk [tilespmem:v11+s4+$0x0], $0xffff;
	[tilespmem:s0+$0x4840] =	vst v6  }
0x5b: {  	v6 =	vld.idx.msk [tilespmem:v10+s4+$0x0], $0xffff;
	[tilespmem:s3+$0x6040] =	vst v8;
	v8 =	vadd.s32 $0x4, v2  }
0x5c: {  	v10 =	vadd.s32 $0x7, v0;
	v9 =	vld.idx.msk [tilespmem:v13+s4+$0x0], $0xffff;
	[tilespmem:s11+$0x7840] =	vst v12  }
0x5d: {  	[tilespmem:s9+$0x2040] =	vst v14;
	v12 =	vadd.s32 $0xA, v1;
	v11 =	vld.idx.msk [tilespmem:v15+s4+$0x0], $0xffff  }
0x5e: {  	v14 =	vadd.s32 $0xD, v7;
	v13 =	vld.idx.msk [tilespmem:v16+s4+$0x0], $0xffff  }
0x5f: {  	[tilespmem:s5+$0x3840] =	vst v5;
	v5 =	vor.u32 $0x2, v3;
	v15 =	vld.idx.msk [tilespmem:v4+s4+$0x0], $0xffff  }
0x60: {  	v8 =	vld.idx.msk [tilespmem:v8+s4+$0x0], $0xffff;
	[tilespmem:s0+$0x5040] =	vst v6  }
0x61: {  	s26 =	simm.s32 $0x30;
	s28 =	simm.s32 $0x300;
	v6 =	vld.idx.msk [tilespmem:v10+s4+$0x0], $0xffff;
	[tilespmem:s3+$0x6840] =	vst v9;
	v9 =	vadd.s32 $0x5, v2  }
0x62: {  	s13 =	simm.s32 $0x60;
	s7 =	sand.u32 $0x400, s28;
	s1 =	sand.u32 $0x380, s26;
	v10 =	vld.idx.msk [tilespmem:v12+s4+$0x0], $0xffff;
	[tilespmem:s11+$0x8040] =	vst v11;
	v11 =	vadd.s32 $0x8, v0  }
0x63: {  	s13 =	sand.u32 $0x70, s13;
	s1 =	sor.u32 s1, s7;
	[tilespmem:s9+$0x2840] =	vst v13;
	v12 =	vadd.s32 $0xB, v1;
	v13 =	vld.idx.msk [tilespmem:v14+s4+$0x0], $0xffff  }
0x64: {  	s7 =	sor.u32 s13, s1;
	v5 =	vld.idx.msk [tilespmem:v5+s4+$0x0], $0xffff;
	v14 =	vadd.s32 $0xE, v7  }
0x65: {  	v16 =	vor.u32 $0x1, v4;
	[tilespmem:s5+$0x4040] =	vst v8;
	v8 =	vld [tilespmem:s7+$0x40]  }
0x66: {  	v9 =	vld.idx.msk [tilespmem:v9+s4+$0x0], $0xffff;
	[tilespmem:s0+$0x5840] =	vst v6;
	v6 =	vor.u32 $0x3, v3  }
0x67: {  	[tilespmem:s3+$0x7040] =	vst v10;
	v10 =	vld.idx.msk [tilespmem:v11+s4+$0x0], $0xffff;
	v11 =	vadd.s32 $0x6, v2  }
0x68: {  	[tilespmem:s11+$0x8840] =	vst v13;
	v12 =	vld.idx.msk [tilespmem:v12+s4+$0x0], $0xffff;
	v13 =	vadd.s32 $0x9, v0  }
0x69: {  	[tilespmem:s10+$0x2040] =	vst v15;
	v15 =	vadd.s32 $0xC, v1;
	v14 =	vld.idx.msk [tilespmem:v14+s4+$0x0], $0xffff  }
0x6a: {  	[tilespmem:s9+$0x3040] =	vst v5;
	v5 =	vmul.u32 $0x14, v8;
	v8 =	vld.idx.msk [tilespmem:v16+s4+$0x0], $0xffff;
	v16 =	vadd.s32 $0xF, v7  }
0x6b: {  	[tilespmem:s5+$0x4840] =	vst v9;
	v6 =	vld.idx.msk [tilespmem:v6+s4+$0x0], $0xffff  }
0x6c: {  	v18 =	vor.u32 $0x2, v4;
	v9 =	vld.idx.msk [tilespmem:v11+s4+$0x0], $0xffff;
	[tilespmem:s0+$0x6040] =	vst v10  }
0x6d: {  	v10 =	vadd.s32 $0x4, v3;
	v11 =	vld.idx.msk [tilespmem:v13+s4+$0x0], $0xffff;
	[tilespmem:s3+$0x7840] =	vst v12  }
0x6e: {  	v12 =	vadd.s32 $0x7, v2;
	v13 =	vld.idx.msk [tilespmem:v15+s4+$0x0], $0xffff;
	[tilespmem:s11+$0x9040] =	vst v14  }
0x6f: {  	v14 =	vadd.s32 $0xA, v0;
	v15 =	vld.idx.msk [tilespmem:v16+s4+$0x0], $0xffff;
	[tilespmem:s10+$0x2840] =	vst v8  }
0x70: {  	v16 =	vadd.s32 $0xD, v1;
	v17 =	vld.idx.msk [tilespmem:v5+s4+$0x0], $0xffff;
	[tilespmem:s9+$0x3840] =	vst v6  }
0x71: {  	v6 =	vadd.s32 $0x10, v7;
	v8 =	vld.idx.msk [tilespmem:v18+s4+$0x0], $0xffff;
	[tilespmem:s5+$0x5040] =	vst v9  }
0x72: {  	v18 =	vor.u32 $0x1, v5;
	v10 =	vld.idx.msk [tilespmem:v10+s4+$0x0], $0xffff;
	[tilespmem:s0+$0x6840] =	vst v11  }
0x73: {  	v9 =	vld.idx.msk [tilespmem:v12+s4+$0x0], $0xffff;
	[tilespmem:s3+$0x8040] =	vst v13  }
0x74: {  	s29 =	simm.s32 $0x38;
	s30 =	simm.s32 $0x380;
	v11 =	vadd.s32 $0x5, v3;
	v12 =	vld.idx.msk [tilespmem:v14+s4+$0x0], $0xffff;
	[tilespmem:s11+$0x9840] =	vst v15  }
0x75: {  	s14 =	simm.s32 $0x70;
	s13 =	sand.u32 $0x400, s30;
	s1 =	sand.u32 $0x380, s29;
	v14 =	vadd.s32 $0x8, v2;
	v13 =	vld.idx.msk [tilespmem:v16+s4+$0x0], $0xffff;
	[tilespmem:s7+$0x2040] =	vst v17  }
0x76: {  	s14 =	sand.u32 $0x70, s14;
	s1 =	sor.u32 s1, s13;
	v15 =	vadd.s32 $0xB, v0;
	v6 =	vld.idx.msk [tilespmem:v6+s4+$0x0], $0xffff;
	[tilespmem:s10+$0x3040] =	vst v8  }
0x77: {  	s13 =	sor.u32 s14, s1;
	[tilespmem:s9+$0x4040] =	vst v10;
	v10 =	vadd.s32 $0xE, v1;
	v8 =	vld.idx.msk [tilespmem:v18+s4+$0x0], $0xffff  }
0x78: {  	v16 =	vadd.s32 $0x11, v7;
	[tilespmem:s5+$0x5840] =	vst v9;
	v9 =	vld [tilespmem:s13+$0x40]  }
0x79: {  	v11 =	vld.idx.msk [tilespmem:v11+s4+$0x0], $0xffff;
	[tilespmem:s0+$0x7040] =	vst v12;
	v12 =	vor.u32 $0x3, v4  }
0x7a: {  	v14 =	vld.idx.msk [tilespmem:v14+s4+$0x0], $0xffff;
	[tilespmem:s3+$0x8840] =	vst v13;
	v13 =	vadd.s32 $0x6, v3  }
0x7b: {  	v19 =	vadd.s32 $0x9, v2;
	v15 =	vld.idx.msk [tilespmem:v15+s4+$0x0], $0xffff  }
0x7c: {  	v17 =	vadd.s32 $0xC, v0;
	[tilespmem:s11+$0xA040] =	vst v6;
	v10 =	vld.idx.msk [tilespmem:v10+s4+$0x0], $0xffff  }
0x7d: {  	v16 =	vld.idx.msk [tilespmem:v16+s4+$0x0], $0xffff;
	v6 =	vmul.u32 $0x14, v9;
	v9 =	vadd.s32 $0xF, v1  }
0x7e: {  	[tilespmem:s9+$0x4840] =	vst v11;
	v11 =	vld.idx.msk [tilespmem:v12+s4+$0x0], $0xffff  }
0x7f: {  	v12 =	vadd.s32 $0x12, v7;
	[tilespmem:s5+$0x6040] =	vst v14;
	v13 =	vld.idx.msk [tilespmem:v13+s4+$0x0], $0xffff  }
0x80: {  	v14 =	vadd.s32 $0x4, v4;
	v18 =	vld.idx.msk [tilespmem:v19+s4+$0x0], $0xffff;
	[tilespmem:s0+$0x7840] =	vst v15  }
0x81: {  	v21 =	vadd.s32 $0xA, v2;
	v20 =	vld.idx.msk [tilespmem:v17+s4+$0x0], $0xffff;
	[tilespmem:s3+$0x9040] =	vst v10  }
0x82: {  	[tilespmem:s7+$0x2840] =	vst v8;
	v15 =	vadd.s32 $0x7, v3;
	v22 =	vld.idx.msk [tilespmem:v9+s4+$0x0], $0xffff  }
0x83: {  	v24 =	vadd.s32 $0xD, v0;
	[tilespmem:s11+$0xA840] =	vst v16;
	v23 =	vld.idx.msk [tilespmem:v6+s4+$0x0], $0xffff  }
0x84: {  	v25 =	vadd.s32 $0x10, v1;
	[tilespmem:s10+$0x3840] =	vst v11;
	v16 =	vld.idx.msk [tilespmem:v12+s4+$0x0], $0xffff  }
0x85: {  	v19 =	vld.idx.msk [tilespmem:v14+s4+$0x0], $0xffff;
	[tilespmem:s5+$0x6840] =	vst v18  }
0x86: {  	[tilespmem:s9+$0x5040] =	vst v13;
	v13 =	vld.idx.msk [tilespmem:v21+s4+$0x0], $0xffff;
	v21 =	vor.u32 $0x2, v5  }
0x87: {  	v8 =	vadd.s32 $0xB, v4;
	v7 =	vadd.s32 $0x13, v7;
	v17 =	vld.idx.msk [tilespmem:v15+s4+$0x0], $0xffff;
	[tilespmem:s0+$0x8040] =	vst v20  }
0x88: {  	v10 =	vadd.s32 $0xB, v3;
	v9 =	vadd.s32 $0xB, v5;
	v20 =	vadd.s32 $0x5, v4;
	v14 =	vld.idx.msk [tilespmem:v24+s4+$0x0], $0xffff;
	[tilespmem:s3+$0x9840] =	vst v22  }
0x89: {  	s15 =	simm.s32 $0x400;
	s1 =	simm.s32 $0x80;
	s14 =	simm.s32 $0x40;
	v11 =	vadd.s32 $0xB, v2;
	v12 =	vadd.s32 $0xB, v6;
	v18 =	vadd.s32 $0x8, v3;
	[tilespmem:s13+$0x2040] =	vst v23;
	v15 =	vld.idx.msk [tilespmem:v25+s4+$0x0], $0xffff  }
.LBB2_2:
0x8a: {  	s25 =	sand.u32 $0x400, s15  }
0x8b: {  	s26 =	sand.u32 $0x380, s14;
	v21 =	vld.idx.msk [tilespmem:v21+s4+$0x0], $0xffff;
	[tilespmem:s11+$0xB040] =	vst v16;
	s28 =	smov.u32 s1;
	s17 =	sadd.s32 $0x10, s1  }
0x8c: {  	p0 =	sne.s32 s1, $0x7F0;
	v16 =	vadd.s32 $0xE, v0;
	s28 =	sand.u32 $0x70, s28;
	s25 =	sor.u32 s26, s25;
	[tilespmem:s10+$0x4040] =	vst v19;
	v7 =	vld.idx.msk [tilespmem:v7+s4+$0x0], $0xffff  }
0x8d: {  	s1 =	sor.u32 s28, s25;
	v19 =	vld.idx.msk [tilespmem:v20+s4+$0x0], $0xffff;
	[tilespmem:s9+$0x5840] =	vst v17;
	v17 =	vadd.s32 $0x11, v1  }
0x8e: {  	v22 =	vor.u32 $0x1, v6;
	v20 =	vld [tilespmem:s1+$0x40];
	[tilespmem:s5+$0x7040] =	vst v13  }
0x8f: {  	v13 =	vor.u32 $0x3, v5;
	v18 =	vld.idx.msk [tilespmem:v18+s4+$0x0], $0xffff;
	[tilespmem:s0+$0x8840] =	vst v14  }
0x90: {  	v14 =	vadd.s32 $0x6, v4;
	v23 =	vld.idx.msk [tilespmem:v11+s4+$0x0], $0xffff;
	[tilespmem:s3+$0xA040] =	vst v15;
	v11 =	vmovc v10;
	v10 =	vmovc v8;
	v8 =	vmov v9;
	v9 =	vmov v12  }
0x91: {  	v15 =	vadd.s32 $0x9, v3;
	[tilespmem:s7+$0x3040] =	vst v21;
	v16 =	vld.idx.msk [tilespmem:v16+s4+$0x0], $0xffff  }
0x92: {  	v21 =	vadd.s32 $0xC, v2;
	v17 =	vld.idx.msk [tilespmem:v17+s4+$0x0], $0xffff;
	[tilespmem:s11+$0xB840] =	vst v7;
	s11 =	smov.u32 s3;
	s3 =	smov.u32 s0;
	s0 =	smov.u32 s5  }
0x93: {  	s5 =	smov.u32 s9;
	s9 =	smov.u32 s10;
	v20 =	vmul.u32 $0x14, v20;
	v7 =	vld.idx.msk [tilespmem:v22+s4+$0x0], $0xffff;
	[tilespmem:s10+$0x4840] =	vst v19;
	v19 =	vadd.s32 $0xF, v0;
	v22 =	vadd.s32 $0x12, v1;
	s10 =	smov.u32 s7  }
0x94: {  	s7 =	smov.u32 s13;
	s13 =	smov.u32 s1;
	v13 =	vld.idx.msk [tilespmem:v13+s4+$0x0], $0xffff  }
0x95: {  	v12 =	vadd.s32 $0xB, v20;
	v14 =	vld.idx.msk [tilespmem:v14+s4+$0x0], $0xffff;
	[tilespmem:s5+$0x6040] =	vst v18  }
0x96: {  	v18 =	vadd.s32 $0x4, v5;
	v15 =	vld.idx.msk [tilespmem:v15+s4+$0x0], $0xffff;
	[tilespmem:s0+$0x7840] =	vst v23  }
0x97: {  	v23 =	vadd.s32 $0x7, v4;
	v24 =	vld.idx.msk [tilespmem:v21+s4+$0x0], $0xffff;
	[tilespmem:s3+$0x9040] =	vst v16  }
0x98: {  	v25 =	vadd.s32 $0xA, v3;
	v26 =	vld.idx.msk [tilespmem:v19+s4+$0x0], $0xffff;
	[tilespmem:s11+$0xA840] =	vst v17  }
0x99: {  	v28 =	vadd.s32 $0xD, v2;
	v27 =	vld.idx.msk [tilespmem:v20+s4+$0x0], $0xffff;
	[tilespmem:s7+$0x2840] =	vst v7  }
0x9a: {  	v29 =	vadd.s32 $0x10, v0;
	v7 =	vadd.s32 $0x13, v1;
	v1 =	vmovc v0;
	v0 =	vmovc v2;
	v2 =	vmov v3;
	[tilespmem:s10+$0x3840] =	vst v13;
	v16 =	vld.idx.msk [tilespmem:v22+s4+$0x0], $0xffff  }
.Ltmp0:
0x9b: {  	v21 =	vor.u32 $0x2, v6;
	v3 =	vmovc v4;
	v4 =	vmovc v5;
	v5 =	vmov v6;
	v6 =	vmov v20;
	v19 =	vld.idx.msk [tilespmem:v18+s4+$0x0], $0xffff;
	[tilespmem:s9+$0x5040] =	vst v14;
	(pc) =	sbr.rel @p0 .LBB2_2-.Ltmp0, $4  }
0x9c: {  	v17 =	vld.idx.msk [tilespmem:v23+s4+$0x0], $0xffff;
	[tilespmem:s5+$0x6840] =	vst v15  }
0x9d: {  	v20 =	vadd.s32 $0x5, v4;
	v13 =	vld.idx.msk [tilespmem:v25+s4+$0x0], $0xffff;
	[tilespmem:s0+$0x8040] =	vst v24  }
0x9e: {  	v14 =	vld.idx.msk [tilespmem:v28+s4+$0x0], $0xffff;
	[tilespmem:s3+$0x9840] =	vst v26  }
0x9f: {  	s14 =	sadd.s32 $0x8, s14;
	s15 =	sadd.s32 $0x80, s15;
	s1 =	smov.u32 s17;
	v18 =	vadd.s32 $0x8, v3;
	[tilespmem:s13+$0x2040] =	vst v27;
	v15 =	vld.idx.msk [tilespmem:v29+s4+$0x0], $0xffff  }
0xa0: {  	v22 =	vor.u32 $0x1, v6;
	_ =	sdelay $0x4  }
0xa1: {  	v22 =	vld.idx.msk [tilespmem:v22+s4+$0x0], $0xffff  }
0xa2: {  	v23 =	vor.u32 $0x2, v6;
	_ =	sdelay $0x2  }
0xa3: {  	v21 =	vld.idx.msk [tilespmem:v21+s4+$0x0], $0xffff  }
0xa4: {  	[tilespmem:s13+$0x2840] =	vst v22;
	v22 =	vor.u32 $0x3, v5  }
0xa5: {  	v23 =	vld.idx.msk [tilespmem:v23+s4+$0x0], $0xffff  }
0xa6: {  	v24 =	vor.u32 $0x3, v6;
	_ =	sdelay $0x1  }
0xa7: {  	[tilespmem:s7+$0x3040] =	vst v21  }
0xa8: {  	v21 =	vld.idx.msk [tilespmem:v22+s4+$0x0], $0xffff  }
0xa9: {  	v22 =	vadd.s32 $0x4, v5;
	[tilespmem:s13+$0x3040] =	vst v23  }
0xaa: {  	v23 =	vld.idx.msk [tilespmem:v24+s4+$0x0], $0xffff  }
0xab: {  	v58 =	vadd.s32 $0x4, v6;
	_ =	sdelay $0x1  }
0xac: {  	[tilespmem:s7+$0x3840] =	vst v21  }
0xad: {  	v21 =	vld.idx.msk [tilespmem:v22+s4+$0x0], $0xffff  }
0xae: {  	v22 =	vadd.s32 $0x5, v5;
	[tilespmem:s13+$0x3840] =	vst v23  }
0xaf: {  	v23 =	vld.idx.msk [tilespmem:v58+s4+$0x0], $0xffff  }
0xb0: {  	v59 =	vadd.s32 $0x5, v6  }
0xb1: {  	[tilespmem:s10+$0x4040] =	vst v19  }
0xb2: {  	v19 =	vld.idx.msk [tilespmem:v20+s4+$0x0], $0xffff;
	[tilespmem:s7+$0x4040] =	vst v21  }
0xb3: {  	v20 =	vadd.s32 $0x6, v4;
	v21 =	vld.idx.msk [tilespmem:v22+s4+$0x0], $0xffff  }
0xb4: {  	v22 =	vadd.s32 $0x6, v5;
	[tilespmem:s13+$0x4040] =	vst v23  }
0xb5: {  	v23 =	vld.idx.msk [tilespmem:v59+s4+$0x0], $0xffff  }
0xb6: {  	v60 =	vadd.s32 $0x6, v6  }
0xb7: {  	[tilespmem:s10+$0x4840] =	vst v19  }
0xb8: {  	v19 =	vld.idx.msk [tilespmem:v20+s4+$0x0], $0xffff;
	[tilespmem:s7+$0x4840] =	vst v21  }
0xb9: {  	v20 =	vadd.s32 $0x7, v4;
	v21 =	vld.idx.msk [tilespmem:v22+s4+$0x0], $0xffff  }
0xba: {  	v22 =	vadd.s32 $0x7, v5;
	[tilespmem:s13+$0x4840] =	vst v23  }
0xbb: {  	v23 =	vld.idx.msk [tilespmem:v60+s4+$0x0], $0xffff  }
0xbc: {  	v61 =	vadd.s32 $0x7, v6  }
0xbd: {  	[tilespmem:s10+$0x5040] =	vst v19  }
0xbe: {  	v19 =	vld.idx.msk [tilespmem:v20+s4+$0x0], $0xffff;
	[tilespmem:s7+$0x5040] =	vst v21  }
0xbf: {  	v20 =	vadd.s32 $0x8, v4;
	v21 =	vld.idx.msk [tilespmem:v22+s4+$0x0], $0xffff  }
0xc0: {  	v22 =	vadd.s32 $0x8, v5;
	[tilespmem:s13+$0x5040] =	vst v23  }
0xc1: {  	[tilespmem:s9+$0x5840] =	vst v17;
	v23 =	vld.idx.msk [tilespmem:v61+s4+$0x0], $0xffff  }
0xc2: {  	v62 =	vadd.s32 $0x8, v6;
	v17 =	vld.idx.msk [tilespmem:v18+s4+$0x0], $0xffff  }
0xc3: {  	v18 =	vadd.s32 $0x9, v3;
	[tilespmem:s10+$0x5840] =	vst v19  }
0xc4: {  	v19 =	vld.idx.msk [tilespmem:v20+s4+$0x0], $0xffff;
	[tilespmem:s7+$0x5840] =	vst v21  }
0xc5: {  	v20 =	vadd.s32 $0x9, v4;
	v21 =	vld.idx.msk [tilespmem:v22+s4+$0x0], $0xffff  }
0xc6: {  	v22 =	vadd.s32 $0x9, v5;
	[tilespmem:s13+$0x5840] =	vst v23  }
0xc7: {  	[tilespmem:s9+$0x6040] =	vst v17;
	v23 =	vld.idx.msk [tilespmem:v62+s4+$0x0], $0xffff  }
0xc8: {  	[tilespmem:s11+$0xB040] =	vst v16;
	v16 =	vadd.s32 $0x9, v6;
	v17 =	vld.idx.msk [tilespmem:v18+s4+$0x0], $0xffff  }
0xc9: {  	v18 =	vadd.s32 $0xA, v3;
	[tilespmem:s10+$0x6040] =	vst v19  }
0xca: {  	v19 =	vld.idx.msk [tilespmem:v20+s4+$0x0], $0xffff;
	[tilespmem:s7+$0x6040] =	vst v21  }
0xcb: {  	[tilespmem:s5+$0x7040] =	vst v13;
	v20 =	vadd.s32 $0xA, v4;
	v21 =	vld.idx.msk [tilespmem:v22+s4+$0x0], $0xffff  }
0xcc: {  	v13 =	vadd.s32 $0xA, v5;
	[tilespmem:s13+$0x6040] =	vst v23  }
0xcd: {  	[tilespmem:s9+$0x6840] =	vst v17;
	v16 =	vld.idx.msk [tilespmem:v16+s4+$0x0], $0xffff  }
0xce: {  	[tilespmem:s0+$0x8840] =	vst v14;
	v14 =	vadd.s32 $0xA, v6;
	v18 =	vld.idx.msk [tilespmem:v18+s4+$0x0], $0xffff  }
0xcf: {  	v7 =	vld.idx.msk [tilespmem:v7+s4+$0x0], $0xffff;
	[tilespmem:s10+$0x6840] =	vst v19  }
0xd0: {  	v17 =	vadd.s32 $0xE, v0;
	v19 =	vld.idx.msk [tilespmem:v20+s4+$0x0], $0xffff;
	[tilespmem:s7+$0x6840] =	vst v21  }
0xd1: {  	[tilespmem:s3+$0xA040] =	vst v15;
	v13 =	vld.idx.msk [tilespmem:v13+s4+$0x0], $0xffff  }
0xd2: {  	v11 =	vld.idx.msk [tilespmem:v11+s4+$0x0], $0xffff;
	[tilespmem:s13+$0x6840] =	vst v16  }
0xd3: {  	[tilespmem:s9+$0x7040] =	vst v18;
	v16 =	vadd.s32 $0xC, v2;
	v14 =	vld.idx.msk [tilespmem:v14+s4+$0x0], $0xffff  }
0xd4: {  	[tilespmem:s11+$0xB840] =	vst v7;
	v10 =	vld.idx.msk [tilespmem:v10+s4+$0x0], $0xffff  }
0xd5: {  	v7 =	vadd.s32 $0x11, v1;
	v15 =	vld.idx.msk [tilespmem:v17+s4+$0x0], $0xffff;
	[tilespmem:s10+$0x7040] =	vst v19  }
0xd6: {  	v17 =	vadd.s32 $0xC, v3;
	v8 =	vld.idx.msk [tilespmem:v8+s4+$0x0], $0xffff;
	[tilespmem:s7+$0x7040] =	vst v13  }
0xd7: {  	[tilespmem:s5+$0x7840] =	vst v11;
	v13 =	vadd.s32 $0xC, v4;
	v9 =	vld.idx.msk [tilespmem:v9+s4+$0x0], $0xffff  }
0xd8: {  	v11 =	vadd.s32 $0xC, v5;
	v16 =	vld.idx.msk [tilespmem:v16+s4+$0x0], $0xffff;
	[tilespmem:s13+$0x7040] =	vst v14  }
0xd9: {  	[tilespmem:s9+$0x7840] =	vst v10;
	v10 =	vadd.s32 $0xD, v2;
	v12 =	vld.idx.msk [tilespmem:v12+s4+$0x0], $0xffff  }
0xda: {  	v7 =	vld.idx.msk [tilespmem:v7+s4+$0x0], $0xffff;
	[tilespmem:s0+$0x9040] =	vst v15;
	v14 =	vadd.s32 $0xC, v6  }
0xdb: {  	v15 =	vadd.s32 $0xF, v0;
	v17 =	vld.idx.msk [tilespmem:v17+s4+$0x0], $0xffff;
	[tilespmem:s10+$0x7840] =	vst v8  }
0xdc: {  	v13 =	vld.idx.msk [tilespmem:v13+s4+$0x0], $0xffff;
	[tilespmem:s7+$0x7840] =	vst v9  }
0xdd: {  	v8 =	vadd.s32 $0xD, v3;
	[tilespmem:s5+$0x8040] =	vst v16;
	v11 =	vld.idx.msk [tilespmem:v11+s4+$0x0], $0xffff  }
0xde: {  	v9 =	vadd.s32 $0xD, v4;
	v10 =	vld.idx.msk [tilespmem:v10+s4+$0x0], $0xffff;
	[tilespmem:s13+$0x7840] =	vst v12  }
0xdf: {  	[tilespmem:s3+$0xA840] =	vst v7;
	v7 =	vadd.s32 $0xD, v5;
	v12 =	vld.idx.msk [tilespmem:v14+s4+$0x0], $0xffff  }
0xe0: {  	[tilespmem:s9+$0x8040] =	vst v17;
	v14 =	vld.idx.msk [tilespmem:v15+s4+$0x0], $0xffff;
	v15 =	vadd.s32 $0xD, v6  }
0xe1: {  	v17 =	vadd.s32 $0xE, v2;
	[tilespmem:s10+$0x8040] =	vst v13  }
0xe2: {  	v8 =	vld.idx.msk [tilespmem:v8+s4+$0x0], $0xffff;
	v16 =	vadd.s32 $0x12, v1;
	[tilespmem:s7+$0x8040] =	vst v11  }
0xe3: {  	v13 =	vadd.s32 $0xE, v3;
	v9 =	vld.idx.msk [tilespmem:v9+s4+$0x0], $0xffff;
	[tilespmem:s5+$0x8840] =	vst v10  }
0xe4: {  	v11 =	vadd.s32 $0xE, v4;
	v7 =	vld.idx.msk [tilespmem:v7+s4+$0x0], $0xffff;
	[tilespmem:s13+$0x8040] =	vst v12  }
0xe5: {  	[tilespmem:s0+$0x9840] =	vst v14;
	v12 =	vadd.s32 $0xE, v5;
	v14 =	vld.idx.msk [tilespmem:v15+s4+$0x0], $0xffff  }
0xe6: {  	v10 =	vadd.s32 $0xE, v6;
	v17 =	vld.idx.msk [tilespmem:v17+s4+$0x0], $0xffff  }
0xe7: {  	[tilespmem:s9+$0x8840] =	vst v8;
	v15 =	vld.idx.msk [tilespmem:v16+s4+$0x0], $0xffff;
	v16 =	vadd.s32 $0x10, v0  }
0xe8: {  	v8 =	vadd.s32 $0xF, v2;
	v13 =	vld.idx.msk [tilespmem:v13+s4+$0x0], $0xffff;
	[tilespmem:s10+$0x8840] =	vst v9  }
0xe9: {  	v9 =	vadd.s32 $0xF, v3;
	v11 =	vld.idx.msk [tilespmem:v11+s4+$0x0], $0xffff;
	[tilespmem:s7+$0x8840] =	vst v7  }
0xea: {  	v7 =	vadd.s32 $0xF, v4;
	v12 =	vld.idx.msk [tilespmem:v12+s4+$0x0], $0xffff;
	[tilespmem:s13+$0x8840] =	vst v14  }
0xeb: {  	[tilespmem:s5+$0x9040] =	vst v17;
	v14 =	vadd.s32 $0xF, v5;
	v10 =	vld.idx.msk [tilespmem:v10+s4+$0x0], $0xffff  }
0xec: {  	[tilespmem:s3+$0xB040] =	vst v15;
	v15 =	vld.idx.msk [tilespmem:v16+s4+$0x0], $0xffff;
	v16 =	vadd.s32 $0xF, v6  }
0xed: {  	v1 =	vadd.s32 $0x13, v1;
	v8 =	vld.idx.msk [tilespmem:v8+s4+$0x0], $0xffff;
	[tilespmem:s9+$0x9040] =	vst v13  }
0xee: {  	v13 =	vadd.s32 $0x10, v2;
	v9 =	vld.idx.msk [tilespmem:v9+s4+$0x0], $0xffff;
	[tilespmem:s10+$0x9040] =	vst v11  }
0xef: {  	v11 =	vadd.s32 $0x10, v3;
	v7 =	vld.idx.msk [tilespmem:v7+s4+$0x0], $0xffff;
	[tilespmem:s7+$0x9040] =	vst v12  }
0xf0: {  	v12 =	vadd.s32 $0x10, v4;
	v14 =	vld.idx.msk [tilespmem:v14+s4+$0x0], $0xffff;
	[tilespmem:s13+$0x9040] =	vst v10  }
0xf1: {  	[tilespmem:s0+$0xA040] =	vst v15;
	v10 =	vadd.s32 $0x10, v5;
	v15 =	vld.idx.msk [tilespmem:v16+s4+$0x0], $0xffff  }
0xf2: {  	v1 =	vld.idx.msk [tilespmem:v1+s4+$0x0], $0xffff;
	[tilespmem:s5+$0x9840] =	vst v8;
	v8 =	vadd.s32 $0x10, v6  }
0xf3: {  	v13 =	vld.idx.msk [tilespmem:v13+s4+$0x0], $0xffff;
	[tilespmem:s9+$0x9840] =	vst v9;
	v16 =	vadd.s32 $0x11, v0  }
0xf4: {  	v9 =	vadd.s32 $0x11, v2;
	v11 =	vld.idx.msk [tilespmem:v11+s4+$0x0], $0xffff;
	[tilespmem:s10+$0x9840] =	vst v7  }
0xf5: {  	v7 =	vadd.s32 $0x11, v3;
	v12 =	vld.idx.msk [tilespmem:v12+s4+$0x0], $0xffff;
	[tilespmem:s7+$0x9840] =	vst v14  }
0xf6: {  	v14 =	vadd.s32 $0x11, v4;
	v10 =	vld.idx.msk [tilespmem:v10+s4+$0x0], $0xffff;
	[tilespmem:s13+$0x9840] =	vst v15  }
0xf7: {  	[tilespmem:s3+$0xB840] =	vst v1;
	v1 =	vadd.s32 $0x11, v5;
	v8 =	vld.idx.msk [tilespmem:v8+s4+$0x0], $0xffff  }
0xf8: {  	[tilespmem:s5+$0xA040] =	vst v13;
	v13 =	vadd.s32 $0x11, v6;
	v15 =	vld.idx.msk [tilespmem:v16+s4+$0x0], $0xffff  }
0xf9: {  	v9 =	vld.idx.msk [tilespmem:v9+s4+$0x0], $0xffff;
	v16 =	vadd.s32 $0x12, v0;
	[tilespmem:s9+$0xA040] =	vst v11  }
0xfa: {  	v11 =	vadd.s32 $0x12, v2;
	v7 =	vld.idx.msk [tilespmem:v7+s4+$0x0], $0xffff;
	[tilespmem:s10+$0xA040] =	vst v12  }
0xfb: {  	v12 =	vadd.s32 $0x12, v3;
	v14 =	vld.idx.msk [tilespmem:v14+s4+$0x0], $0xffff;
	[tilespmem:s7+$0xA040] =	vst v10  }
0xfc: {  	v10 =	vadd.s32 $0x12, v4;
	v1 =	vld.idx.msk [tilespmem:v1+s4+$0x0], $0xffff;
	[tilespmem:s13+$0xA040] =	vst v8  }
0xfd: {  	[tilespmem:s0+$0xA840] =	vst v15;
	v8 =	vadd.s32 $0x12, v5;
	v13 =	vld.idx.msk [tilespmem:v13+s4+$0x0], $0xffff  }
0xfe: {  	[tilespmem:s5+$0xA840] =	vst v9;
	v9 =	vadd.s32 $0x12, v6;
	v15 =	vld.idx.msk [tilespmem:v16+s4+$0x0], $0xffff  }
0xff: {  	v0 =	vadd.s32 $0x13, v0;
	v11 =	vld.idx.msk [tilespmem:v11+s4+$0x0], $0xffff;
	[tilespmem:s9+$0xA840] =	vst v7  }
0x100: {  	v2 =	vadd.s32 $0x13, v2;
	v7 =	vld.idx.msk [tilespmem:v12+s4+$0x0], $0xffff;
	[tilespmem:s10+$0xA840] =	vst v14  }
0x101: {  	v3 =	vadd.s32 $0x13, v3;
	v10 =	vld.idx.msk [tilespmem:v10+s4+$0x0], $0xffff;
	[tilespmem:s7+$0xA840] =	vst v1  }
0x102: {  	v1 =	vadd.s32 $0x13, v4;
	v4 =	vld.idx.msk [tilespmem:v8+s4+$0x0], $0xffff;
	[tilespmem:s13+$0xA840] =	vst v13  }
0x103: {  	v5 =	vadd.s32 $0x13, v5;
	[tilespmem:s0+$0xB040] =	vst v15;
	v8 =	vld.idx.msk [tilespmem:v9+s4+$0x0], $0xffff  }
0x104: {  	v6 =	vadd.s32 $0x13, v6;
	[tilespmem:s5+$0xB040] =	vst v11;
	v0 =	vld.idx.msk [tilespmem:v0+s4+$0x0], $0xffff  }
0x105: {  	v2 =	vld.idx.msk [tilespmem:v2+s4+$0x0], $0xffff;
	[tilespmem:s9+$0xB040] =	vst v7  }
0x106: {  	v3 =	vld.idx.msk [tilespmem:v3+s4+$0x0], $0xffff;
	[tilespmem:s10+$0xB040] =	vst v10  }
0x107: {  	v1 =	vld.idx.msk [tilespmem:v1+s4+$0x0], $0xffff;
	[tilespmem:s7+$0xB040] =	vst v4  }
0x108: {  	v4 =	vld.idx.msk [tilespmem:v5+s4+$0x0], $0xffff;
	[tilespmem:s13+$0xB040] =	vst v8  }
0x109: {  	[tilespmem:s0+$0xB840] =	vst v0;
	v0 =	vld.idx.msk [tilespmem:v6+s4+$0x0], $0xffff  }
0x10a: {  	[tilespmem:s5+$0xB840] =	vst v2  }
0x10b: {  	[tilespmem:s9+$0xB840] =	vst v3  }
0x10c: {  	[tilespmem:s10+$0xB840] =	vst v1  }
0x10d: {  	[tilespmem:s7+$0xB840] =	vst v4  }
0x10e: {  	s1 =	simm.s32 $0x2040;
	[tilespmem:s13+$0xB840] =	vst v0  }
0x10f: {  	s21 =	simm.s32 $0x0;
	s25 =	simm.s32 $0x0;
	s0 =	rddreg [dreg:$0x7]  }
0x110: {  	[hbm4b:s0+s18] =	stream.strided.scatter [tilespmem:s1], [sflag:$0x3], $0xA000, s19, s18, $0x38;
	[tilespmem:$0x16040] =	vst v63  }
0x111: {  	s26 =	sand.u32 $0x380, s21;
	s1 =	sand.u32 $0x400, s25  }
0x112: {  	s0 =	sand.u32 $0x70, s21;
	s1 =	sor.u32 s26, s1  }
0x113: {  	s11 =	sor.u32 s1, s0  }
0x114: {  	v0 =	vld [tilespmem:s11+$0x840];
	_ =	sdelay $0x4  }
0x115: {  	v7 =	vmul.u32 $0x14, v0;
	_ =	sdelay $0x5  }
0x116: {  	v0 =	vld.idx.msk [tilespmem:v7+s4+$0x0], $0xffff  }
0x117: {  	s28 =	simm.s32 $0x80;
	s29 =	simm.s32 $0x8;
	v1 =	vor.u32 $0x1, v7  }
0x118: {  	s30 =	simm.s32 $0x10;
	s1 =	sand.u32 $0x380, s29;
	s0 =	sand.u32 $0x400, s28  }
0x119: {  	s3 =	sand.u32 $0x70, s30;
	s0 =	sor.u32 s1, s0  }
0x11a: {  	s3 =	sor.u32 s0, s3  }
0x11b: {  	v2 =	vld [tilespmem:s3+$0x840];
	[tilespmem:s11+$0xC040] =	vst v0  }
0x11c: {  	v0 =	vld.idx.msk [tilespmem:v1+s4+$0x0], $0xffff  }
0x11d: {  	v3 =	vor.u32 $0x2, v7;
	_ =	sdelay $0x3  }
0x11e: {  	v1 =	vmul.u32 $0x14, v2;
	[tilespmem:s11+$0xC840] =	vst v0  }
0x11f: {  	v0 =	vld.idx.msk [tilespmem:v3+s4+$0x0], $0xffff  }
0x120: {  	v2 =	vor.u32 $0x3, v7;
	_ =	sdelay $0x3  }
0x121: {  	v3 =	vld.idx.msk [tilespmem:v1+s4+$0x0], $0xffff;
	[tilespmem:s11+$0xD040] =	vst v0  }
0x122: {  	s5 =	simm.s32 $0x100;
	s7 =	simm.s32 $0x10;
	v0 =	vor.u32 $0x1, v1;
	v2 =	vld.idx.msk [tilespmem:v2+s4+$0x0], $0xffff  }
0x123: {  	s9 =	simm.s32 $0x20;
	s1 =	sand.u32 $0x380, s7;
	s0 =	sand.u32 $0x400, s5;
	v4 =	vadd.s32 $0x4, v7  }
0x124: {  	s5 =	sand.u32 $0x70, s9;
	s0 =	sor.u32 s1, s0  }
0x125: {  	s0 =	sor.u32 s0, s5  }
0x126: {  	v5 =	vld [tilespmem:s0+$0x840];
	[tilespmem:s3+$0xC040] =	vst v3  }
0x127: {  	v3 =	vld.idx.msk [tilespmem:v0+s4+$0x0], $0xffff;
	[tilespmem:s11+$0xD840] =	vst v2  }
0x128: {  	v2 =	vld.idx.msk [tilespmem:v4+s4+$0x0], $0xffff;
	v4 =	vor.u32 $0x2, v1  }
0x129: {  	v6 =	vadd.s32 $0x5, v7;
	_ =	sdelay $0x1  }
0x12a: {  	v0 =	vmul.u32 $0x14, v5  }
0x12b: {  	[tilespmem:s3+$0xC840] =	vst v3  }
0x12c: {  	v3 =	vld.idx.msk [tilespmem:v4+s4+$0x0], $0xffff;
	[tilespmem:s11+$0xE040] =	vst v2  }
0x12d: {  	v4 =	vor.u32 $0x3, v1;
	v2 =	vld.idx.msk [tilespmem:v6+s4+$0x0], $0xffff  }
0x12e: {  	v5 =	vadd.s32 $0x6, v7;
	_ =	sdelay $0x1  }
0x12f: {  	v6 =	vld.idx.msk [tilespmem:v0+s4+$0x0], $0xffff  }
0x130: {  	s12 =	simm.s32 $0x18;
	s10 =	simm.s32 $0x180;
	v8 =	vor.u32 $0x1, v0;
	[tilespmem:s3+$0xD040] =	vst v3  }
0x131: {  	s13 =	simm.s32 $0x30;
	s1 =	sand.u32 $0x400, s10;
	s5 =	sand.u32 $0x380, s12;
	v3 =	vld.idx.msk [tilespmem:v4+s4+$0x0], $0xffff;
	[tilespmem:s11+$0xE840] =	vst v2  }
0x132: {  	s7 =	sand.u32 $0x70, s13;
	s1 =	sor.u32 s5, s1;
	v4 =	vadd.s32 $0x4, v1;
	v2 =	vld.idx.msk [tilespmem:v5+s4+$0x0], $0xffff  }
0x133: {  	s5 =	sor.u32 s1, s7;
	v5 =	vadd.s32 $0x7, v7  }
0x134: {  	v9 =	vld [tilespmem:s5+$0x840];
	[tilespmem:s0+$0xC040] =	vst v6  }
0x135: {  	v6 =	vld.idx.msk [tilespmem:v8+s4+$0x0], $0xffff  }
0x136: {  	[tilespmem:s3+$0xD840] =	vst v3;
	v3 =	vor.u32 $0x2, v0  }
0x137: {  	v4 =	vld.idx.msk [tilespmem:v4+s4+$0x0], $0xffff;
	[tilespmem:s11+$0xF040] =	vst v2  }
0x138: {  	v8 =	vadd.s32 $0x5, v1;
	v5 =	vld.idx.msk [tilespmem:v5+s4+$0x0], $0xffff  }
0x139: {  	v10 =	vadd.s32 $0x8, v7  }
0x13a: {  	v2 =	vmul.u32 $0x14, v9;
	[tilespmem:s0+$0xC840] =	vst v6  }
0x13b: {  	v3 =	vld.idx.msk [tilespmem:v3+s4+$0x0], $0xffff  }
0x13c: {  	[tilespmem:s3+$0xE040] =	vst v4;
	v4 =	vor.u32 $0x3, v0  }
0x13d: {  	v6 =	vld.idx.msk [tilespmem:v8+s4+$0x0], $0xffff;
	[tilespmem:s11+$0xF840] =	vst v5  }
0x13e: {  	v8 =	vadd.s32 $0x6, v1;
	v5 =	vld.idx.msk [tilespmem:v10+s4+$0x0], $0xffff  }
0x13f: {  	v9 =	vadd.s32 $0x9, v7  }
0x140: {  	v10 =	vld.idx.msk [tilespmem:v2+s4+$0x0], $0xffff;
	[tilespmem:s0+$0xD040] =	vst v3  }
0x141: {  	s14 =	simm.s32 $0x200;
	s15 =	simm.s32 $0x20;
	v3 =	vor.u32 $0x1, v2;
	v4 =	vld.idx.msk [tilespmem:v4+s4+$0x0], $0xffff  }
0x142: {  	s16 =	simm.s32 $0x40;
	s7 =	sand.u32 $0x380, s15;
	s1 =	sand.u32 $0x400, s14;
	[tilespmem:s3+$0xE840] =	vst v6;
	v6 =	vadd.s32 $0x4, v0  }
0x143: {  	s9 =	sand.u32 $0x70, s16;
	s1 =	sor.u32 s7, s1;
	v8 =	vld.idx.msk [tilespmem:v8+s4+$0x0], $0xffff;
	[tilespmem:s11+$0x10040] =	vst v5  }
0x144: {  	s9 =	sor.u32 s1, s9;
	v5 =	vld.idx.msk [tilespmem:v9+s4+$0x0], $0xffff;
	v9 =	vadd.s32 $0x7, v1  }
0x145: {  	v11 =	vld [tilespmem:s9+$0x840];
	[tilespmem:s5+$0xC040] =	vst v10;
	v10 =	vadd.s32 $0xA, v7  }
0x146: {  	v12 =	vld.idx.msk [tilespmem:v3+s4+$0x0], $0xffff;
	[tilespmem:s0+$0xD840] =	vst v4  }
0x147: {  	v4 =	vld.idx.msk [tilespmem:v6+s4+$0x0], $0xffff;
	v6 =	vor.u32 $0x2, v2  }
0x148: {  	[tilespmem:s3+$0xF040] =	vst v8;
	v8 =	vadd.s32 $0x5, v0  }
0x149: {  	[tilespmem:s11+$0x10840] =	vst v5;
	v5 =	vld.idx.msk [tilespmem:v9+s4+$0x0], $0xffff  }
0x14a: {  	v9 =	vld.idx.msk [tilespmem:v10+s4+$0x0], $0xffff;
	v10 =	vadd.s32 $0x8, v1  }
0x14b: {  	v13 =	vadd.s32 $0xB, v7;
	v3 =	vmul.u32 $0x14, v11;
	[tilespmem:s5+$0xC840] =	vst v12  }
0x14c: {  	v6 =	vld.idx.msk [tilespmem:v6+s4+$0x0], $0xffff;
	[tilespmem:s0+$0xE040] =	vst v4  }
0x14d: {  	v4 =	vld.idx.msk [tilespmem:v8+s4+$0x0], $0xffff;
	v8 =	vor.u32 $0x3, v2  }
0x14e: {  	[tilespmem:s3+$0xF840] =	vst v5;
	v5 =	vadd.s32 $0x6, v0  }
0x14f: {  	v10 =	vld.idx.msk [tilespmem:v10+s4+$0x0], $0xffff;
	[tilespmem:s11+$0x11040] =	vst v9  }
0x150: {  	s17 =	simm.s32 $0x280;
	s20 =	simm.s32 $0x28;
	v9 =	vadd.s32 $0x9, v1;
	v11 =	vld.idx.msk [tilespmem:v13+s4+$0x0], $0xffff  }
0x151: {  	s21 =	simm.s32 $0x50;
	s7 =	sand.u32 $0x380, s20;
	s1 =	sand.u32 $0x400, s17;
	v12 =	vld.idx.msk [tilespmem:v3+s4+$0x0], $0xffff;
	[tilespmem:s5+$0xD040] =	vst v6;
	v6 =	vadd.s32 $0xC, v7  }
0x152: {  	s10 =	sand.u32 $0x70, s21;
	s1 =	sor.u32 s7, s1;
	v13 =	vor.u32 $0x1, v3;
	v8 =	vld.idx.msk [tilespmem:v8+s4+$0x0], $0xffff;
	[tilespmem:s0+$0xE840] =	vst v4  }
0x153: {  	s10 =	sor.u32 s1, s10;
	v4 =	vld.idx.msk [tilespmem:v5+s4+$0x0], $0xffff;
	v5 =	vadd.s32 $0x4, v2  }
0x154: {  	v14 =	vld [tilespmem:s10+$0x840];
	[tilespmem:s3+$0x10040] =	vst v10;
	v10 =	vadd.s32 $0x7, v0  }
0x155: {  	v9 =	vld.idx.msk [tilespmem:v9+s4+$0x0], $0xffff;
	[tilespmem:s11+$0x11840] =	vst v11  }
0x156: {  	s25 =	simm.s32 $0x300;
	s26 =	simm.s32 $0x30;
	[tilespmem:s9+$0xC040] =	vst v12;
	v11 =	vadd.s32 $0xA, v1;
	v6 =	vld.idx.msk [tilespmem:v6+s4+$0x0], $0xffff  }
0x157: {  	s28 =	simm.s32 $0x60;
	s7 =	sand.u32 $0x380, s26;
	s1 =	sand.u32 $0x400, s25;
	v12 =	vld.idx.msk [tilespmem:v13+s4+$0x0], $0xffff;
	[tilespmem:s5+$0xD840] =	vst v8;
	v8 =	vadd.s32 $0xD, v7  }
0x158: {  	s13 =	sand.u32 $0x70, s28;
	s1 =	sor.u32 s7, s1;
	v13 =	vor.u32 $0x2, v3;
	v5 =	vld.idx.msk [tilespmem:v5+s4+$0x0], $0xffff;
	[tilespmem:s0+$0xF040] =	vst v4  }
0x159: {  	s7 =	sor.u32 s1, s13;
	v15 =	vadd.s32 $0x5, v2;
	v10 =	vld.idx.msk [tilespmem:v10+s4+$0x0], $0xffff  }
0x15a: {  	v4 =	vmul.u32 $0x14, v14;
	v14 =	vld [tilespmem:s7+$0x840];
	[tilespmem:s3+$0x10840] =	vst v9;
	v9 =	vadd.s32 $0x8, v0  }
0x15b: {  	v11 =	vld.idx.msk [tilespmem:v11+s4+$0x0], $0xffff;
	[tilespmem:s11+$0x12040] =	vst v6  }
0x15c: {  	[tilespmem:s9+$0xC840] =	vst v12;
	v6 =	vld.idx.msk [tilespmem:v8+s4+$0x0], $0xffff;
	v8 =	vadd.s32 $0xB, v1  }
0x15d: {  	v12 =	vld.idx.msk [tilespmem:v13+s4+$0x0], $0xffff;
	[tilespmem:s5+$0xE040] =	vst v5;
	v5 =	vadd.s32 $0xE, v7  }
0x15e: {  	v13 =	vld.idx.msk [tilespmem:v15+s4+$0x0], $0xffff;
	[tilespmem:s0+$0xF840] =	vst v10;
	v10 =	vor.u32 $0x3, v3  }
0x15f: {  	v15 =	vadd.s32 $0x6, v2;
	v9 =	vld.idx.msk [tilespmem:v9+s4+$0x0], $0xffff  }
0x160: {  	v16 =	vld.idx.msk [tilespmem:v4+s4+$0x0], $0xffff;
	[tilespmem:s3+$0x11040] =	vst v11;
	v11 =	vadd.s32 $0x9, v0  }
0x161: {  	[tilespmem:s11+$0x12840] =	vst v6;
	v6 =	vld.idx.msk [tilespmem:v8+s4+$0x0], $0xffff;
	v8 =	vor.u32 $0x1, v4  }
0x162: {  	v17 =	vadd.s32 $0xC, v1;
	[tilespmem:s9+$0xD040] =	vst v12;
	v12 =	vld.idx.msk [tilespmem:v5+s4+$0x0], $0xffff  }
0x163: {  	v10 =	vld.idx.msk [tilespmem:v10+s4+$0x0], $0xffff;
	[tilespmem:s5+$0xE840] =	vst v13;
	v13 =	vadd.s32 $0xF, v7  }
0x164: {  	v5 =	vmul.u32 $0x14, v14;
	v15 =	vld.idx.msk [tilespmem:v15+s4+$0x0], $0xffff;
	[tilespmem:s0+$0x10040] =	vst v9;
	v9 =	vadd.s32 $0x4, v3  }
0x165: {  	[tilespmem:s10+$0xC040] =	vst v16;
	v11 =	vld.idx.msk [tilespmem:v11+s4+$0x0], $0xffff  }
0x166: {  	v8 =	vld.idx.msk [tilespmem:v8+s4+$0x0], $0xffff;
	[tilespmem:s3+$0x11840] =	vst v6;
	v6 =	vadd.s32 $0x7, v2  }
0x167: {  	v14 =	vld.idx.msk [tilespmem:v17+s4+$0x0], $0xffff;
	[tilespmem:s11+$0x13040] =	vst v12;
	v12 =	vadd.s32 $0xA, v0  }
0x168: {  	v13 =	vld.idx.msk [tilespmem:v13+s4+$0x0], $0xffff;
	[tilespmem:s9+$0xD840] =	vst v10;
	v10 =	vadd.s32 $0xD, v1  }
0x169: {  	v16 =	vadd.s32 $0x10, v7;
	v9 =	vld.idx.msk [tilespmem:v9+s4+$0x0], $0xffff  }
0x16a: {  	v17 =	vor.u32 $0x2, v4;
	[tilespmem:s5+$0xF040] =	vst v15;
	v15 =	vld.idx.msk [tilespmem:v5+s4+$0x0], $0xffff  }
0x16b: {  	[tilespmem:s0+$0x10840] =	vst v11;
	v11 =	vadd.s32 $0x5, v3;
	v6 =	vld.idx.msk [tilespmem:v6+s4+$0x0], $0xffff  }
0x16c: {  	v12 =	vld.idx.msk [tilespmem:v12+s4+$0x0], $0xffff;
	[tilespmem:s3+$0x12040] =	vst v14;
	v14 =	vadd.s32 $0x8, v2  }
0x16d: {  	v10 =	vld.idx.msk [tilespmem:v10+s4+$0x0], $0xffff;
	[tilespmem:s11+$0x13840] =	vst v13  }
0x16e: {  	s29 =	simm.s32 $0x380;
	s14 =	simm.s32 $0x38;
	[tilespmem:s10+$0xC840] =	vst v8;
	v13 =	vadd.s32 $0xB, v0;
	v8 =	vld.idx.msk [tilespmem:v16+s4+$0x0], $0xffff  }
0x16f: {  	s30 =	sand.u32 $0x380, s14;
	s25 =	simm.s32 $0x70;
	s1 =	sand.u32 $0x400, s29;
	v16 =	vld.idx.msk [tilespmem:v17+s4+$0x0], $0xffff;
	[tilespmem:s9+$0xE040] =	vst v9;
	v9 =	vadd.s32 $0xE, v1  }
0x170: {  	s15 =	sand.u32 $0x70, s25;
	s1 =	sor.u32 s30, s1;
	v17 =	vor.u32 $0x3, v4;
	v11 =	vld.idx.msk [tilespmem:v11+s4+$0x0], $0xffff;
	[tilespmem:s5+$0xF840] =	vst v6  }
0x171: {  	s13 =	sor.u32 s1, s15;
	v6 =	vadd.s32 $0x11, v7;
	v14 =	vld.idx.msk [tilespmem:v14+s4+$0x0], $0xffff;
	[tilespmem:s0+$0x11040] =	vst v12  }
0x172: {  	v18 =	vadd.s32 $0x6, v3;
	v12 =	vld [tilespmem:s13+$0x840];
	[tilespmem:s3+$0x12840] =	vst v10  }
0x173: {  	v10 =	vadd.s32 $0x9, v2;
	v13 =	vld.idx.msk [tilespmem:v13+s4+$0x0], $0xffff;
	[tilespmem:s11+$0x14040] =	vst v8  }
0x174: {  	v8 =	vor.u32 $0x1, v5;
	v9 =	vld.idx.msk [tilespmem:v9+s4+$0x0], $0xffff;
	[tilespmem:s10+$0xD040] =	vst v16  }
0x175: {  	v16 =	vadd.s32 $0xC, v0;
	v17 =	vld.idx.msk [tilespmem:v17+s4+$0x0], $0xffff  }
0x176: {  	[tilespmem:s9+$0xE840] =	vst v11;
	v11 =	vadd.s32 $0xF, v1;
	v19 =	vld.idx.msk [tilespmem:v6+s4+$0x0], $0xffff  }
0x177: {  	v18 =	vld.idx.msk [tilespmem:v18+s4+$0x0], $0xffff;
	[tilespmem:s5+$0x10040] =	vst v14;
	v14 =	vadd.s32 $0x12, v7  }
0x178: {  	[tilespmem:s7+$0xC040] =	vst v15;
	v6 =	vmul.u32 $0x14, v12;
	v12 =	vadd.s32 $0x4, v4;
	v10 =	vld.idx.msk [tilespmem:v10+s4+$0x0], $0xffff  }
0x179: {  	[tilespmem:s0+$0x11840] =	vst v13;
	v8 =	vld.idx.msk [tilespmem:v8+s4+$0x0], $0xffff  }
0x17a: {  	v13 =	vadd.s32 $0x7, v3;
	v15 =	vld.idx.msk [tilespmem:v16+s4+$0x0], $0xffff;
	[tilespmem:s3+$0x13040] =	vst v9  }
0x17b: {  	v9 =	vadd.s32 $0xA, v2;
	v20 =	vld.idx.msk [tilespmem:v11+s4+$0x0], $0xffff;
	[tilespmem:s11+$0x14840] =	vst v19  }
0x17c: {  	v22 =	vadd.s32 $0xD, v0;
	[tilespmem:s10+$0xD840] =	vst v17;
	v23 =	vld.idx.msk [tilespmem:v14+s4+$0x0], $0xffff  }
0x17d: {  	v63 =	vadd.s32 $0x10, v1;
	[tilespmem:s9+$0xF040] =	vst v18;
	v19 =	vld.idx.msk [tilespmem:v12+s4+$0x0], $0xffff  }
0x17e: {  	v16 =	vld.idx.msk [tilespmem:v6+s4+$0x0], $0xffff;
	[tilespmem:s5+$0x10840] =	vst v10  }
0x17f: {  	v21 =	vor.u32 $0x2, v5;
	v17 =	vld.idx.msk [tilespmem:v13+s4+$0x0], $0xffff;
	[tilespmem:s7+$0xC840] =	vst v8  }
0x180: {  	v11 =	vadd.s32 $0xB, v2;
	v13 =	vld.idx.msk [tilespmem:v9+s4+$0x0], $0xffff;
	[tilespmem:s0+$0x12040] =	vst v15;
	v15 =	vadd.s32 $0x13, v7  }
0x181: {  	v18 =	vadd.s32 $0x8, v3;
	v12 =	vadd.s32 $0xB, v6;
	v14 =	vld.idx.msk [tilespmem:v22+s4+$0x0], $0xffff;
	[tilespmem:s3+$0x13840] =	vst v20;
	v20 =	vadd.s32 $0x5, v4  }
0x182: {  	s17 =	simm.s32 $0x1000;
	v10 =	vadd.s32 $0xB, v3;
	v8 =	vadd.s32 $0xB, v4;
	v9 =	vadd.s32 $0xB, v5;
	v7 =	vld.idx.msk [tilespmem:v63+s4+$0x0], $0xffff;
	[tilespmem:s11+$0x15040] =	vst v23  }
.LBB2_4:
0x183: {  	s15 =	smov.u32 s17  }
0x184: {  	s1 =	sshrl.u32 s17, $0x2;
	s14 =	sadd.s32 $0x8, s14;
	v21 =	vld.idx.msk [tilespmem:v21+s4+$0x0], $0xffff;
	[tilespmem:s10+$0xE040] =	vst v19;
	s15 =	sadd.s32 $0x200, s17  }
0x185: {  	s25 =	sadd.s32 $0x10, s25;
	v19 =	vadd.s32 $0xE, v0;
	s26 =	sand.u32 $0x380, s14;
	s1 =	sand.u32 $0x400, s1;
	v15 =	vld.idx.msk [tilespmem:v15+s4+$0x0], $0xffff  }
0x186: {  	p0 =	sne.s32 s17, $0xFE00;
	s28 =	sand.u32 $0x70, s25;
	s1 =	sor.u32 s26, s1;
	v20 =	vld.idx.msk [tilespmem:v20+s4+$0x0], $0xffff;
	[tilespmem:s9+$0xF840] =	vst v17;
	v17 =	vadd.s32 $0x11, v1  }
0x187: {  	v22 =	vor.u32 $0x3, v5;
	s1 =	sor.u32 s1, s28;
	v18 =	vld.idx.msk [tilespmem:v18+s4+$0x0], $0xffff;
	[tilespmem:s5+$0x11040] =	vst v13  }
0x188: {  	v23 =	vadd.s32 $0x6, v4;
	v13 =	vld [tilespmem:s1+$0x840];
	[tilespmem:s0+$0x12840] =	vst v14  }
0x189: {  	v14 =	vadd.s32 $0x9, v3;
	v24 =	vld.idx.msk [tilespmem:v11+s4+$0x0], $0xffff;
	[tilespmem:s3+$0x14040] =	vst v7;
	v11 =	vmovc v10;
	v10 =	vmovc v8;
	v8 =	vmov v9;
	v9 =	vmov v12  }
0x18a: {  	v7 =	vor.u32 $0x1, v6;
	[tilespmem:s7+$0xD040] =	vst v21;
	v19 =	vld.idx.msk [tilespmem:v19+s4+$0x0], $0xffff  }
0x18b: {  	v21 =	vadd.s32 $0xC, v2;
	v17 =	vld.idx.msk [tilespmem:v17+s4+$0x0], $0xffff;
	[tilespmem:s11+$0x15840] =	vst v15;
	s11 =	smov.u32 s3;
	s3 =	smov.u32 s0;
	s0 =	smov.u32 s5  }
0x18c: {  	s5 =	smov.u32 s9;
	s9 =	smov.u32 s10;
	v15 =	vld.idx.msk [tilespmem:v22+s4+$0x0], $0xffff;
	[tilespmem:s10+$0xE840] =	vst v20;
	v20 =	vadd.s32 $0xF, v0;
	s10 =	smov.u32 s7  }
0x18d: {  	s7 =	smov.u32 s13;
	s13 =	smov.u32 s1;
	v22 =	vld.idx.msk [tilespmem:v23+s4+$0x0], $0xffff;
	[tilespmem:s5+$0x10040] =	vst v18;
	v18 =	vadd.s32 $0x12, v1  }
0x18e: {  	v23 =	vmul.u32 $0x14, v13;
	v13 =	vadd.s32 $0x4, v5;
	[tilespmem:s7+$0xC040] =	vst v16;
	v14 =	vld.idx.msk [tilespmem:v14+s4+$0x0], $0xffff  }
0x18f: {  	v7 =	vld.idx.msk [tilespmem:v7+s4+$0x0], $0xffff;
	[tilespmem:s0+$0x11840] =	vst v24  }
0x190: {  	v12 =	vadd.s32 $0xB, v23;
	v24 =	vadd.s32 $0x7, v4;
	v25 =	vld.idx.msk [tilespmem:v21+s4+$0x0], $0xffff;
	[tilespmem:s3+$0x13040] =	vst v19  }
0x191: {  	v26 =	vadd.s32 $0xA, v3;
	v27 =	vld.idx.msk [tilespmem:v20+s4+$0x0], $0xffff;
	[tilespmem:s11+$0x14840] =	vst v17  }
0x192: {  	v28 =	vadd.s32 $0xD, v2;
	[tilespmem:s10+$0xD840] =	vst v15;
	v29 =	vld.idx.msk [tilespmem:v18+s4+$0x0], $0xffff  }
0x193: {  	v19 =	vld.idx.msk [tilespmem:v13+s4+$0x0], $0xffff;
	[tilespmem:s9+$0xF040] =	vst v22;
	v22 =	vadd.s32 $0x10, v0  }
.Ltmp1:
0x194: {  	v21 =	vor.u32 $0x2, v6;
	v16 =	vld.idx.msk [tilespmem:v23+s4+$0x0], $0xffff;
	[tilespmem:s5+$0x10840] =	vst v14;
	(pc) =	sbr.rel @p0 .LBB2_4-.Ltmp1, $4  }
0x195: {  	v15 =	vadd.s32 $0x13, v1;
	v1 =	vmovc v0;
	v0 =	vmovc v2;
	v2 =	vmov v3;
	v3 =	vmov v4;
	[tilespmem:s7+$0xC840] =	vst v7;
	v17 =	vld.idx.msk [tilespmem:v24+s4+$0x0], $0xffff  }
0x196: {  	v20 =	vadd.s32 $0x5, v5;
	v4 =	vmovc v5;
	v5 =	vmov v6;
	v6 =	vmov v23;
	v13 =	vld.idx.msk [tilespmem:v26+s4+$0x0], $0xffff;
	[tilespmem:s0+$0x12040] =	vst v25  }
0x197: {  	v18 =	vadd.s32 $0x8, v3;
	v14 =	vld.idx.msk [tilespmem:v28+s4+$0x0], $0xffff;
	[tilespmem:s3+$0x13840] =	vst v27  }
0x198: {  	s17 =	smov.u32 s15;
	v7 =	vld.idx.msk [tilespmem:v22+s4+$0x0], $0xffff;
	[tilespmem:s11+$0x15040] =	vst v29  }
0x199: {  	v22 =	vor.u32 $0x1, v6;
	_ =	sdelay $0x3  }
0x19a: {  	[tilespmem:s13+$0xC040] =	vst v16  }
0x19b: {  	v16 =	vld.idx.msk [tilespmem:v22+s4+$0x0], $0xffff  }
0x19c: {  	v59 =	vor.u32 $0x2, v6;
	_ =	sdelay $0x3  }
0x19d: {  	v21 =	vld.idx.msk [tilespmem:v21+s4+$0x0], $0xffff;
	[tilespmem:s13+$0xC840] =	vst v16  }
0x19e: {  	v60 =	vor.u32 $0x3, v5;
	v22 =	vld.idx.msk [tilespmem:v59+s4+$0x0], $0xffff  }
0x19f: {  	v23 =	vor.u32 $0x3, v6;
	_ =	sdelay $0x2  }
0x1a0: {  	[tilespmem:s7+$0xD040] =	vst v21  }
0x1a1: {  	v16 =	vld.idx.msk [tilespmem:v60+s4+$0x0], $0xffff;
	[tilespmem:s13+$0xD040] =	vst v22  }
0x1a2: {  	v61 =	vadd.s32 $0x4, v5;
	v22 =	vld.idx.msk [tilespmem:v23+s4+$0x0], $0xffff  }
0x1a3: {  	v62 =	vadd.s32 $0x4, v6;
	_ =	sdelay $0x2  }
0x1a4: {  	[tilespmem:s7+$0xD840] =	vst v16  }
0x1a5: {  	v16 =	vld.idx.msk [tilespmem:v61+s4+$0x0], $0xffff;
	[tilespmem:s13+$0xD840] =	vst v22  }
0x1a6: {  	v63 =	vadd.s32 $0x5, v5;
	v22 =	vld.idx.msk [tilespmem:v62+s4+$0x0], $0xffff  }
0x1a7: {  	v24 =	vadd.s32 $0x5, v6;
	_ =	sdelay $0x1  }
0x1a8: {  	[tilespmem:s10+$0xE040] =	vst v19  }
0x1a9: {  	v19 =	vld.idx.msk [tilespmem:v20+s4+$0x0], $0xffff;
	[tilespmem:s7+$0xE040] =	vst v16  }
0x1aa: {  	v25 =	vadd.s32 $0x6, v4;
	v26 =	vld.idx.msk [tilespmem:v63+s4+$0x0], $0xffff;
	[tilespmem:s13+$0xE040] =	vst v22  }
0x1ab: {  	v27 =	vadd.s32 $0x6, v5;
	v22 =	vld.idx.msk [tilespmem:v24+s4+$0x0], $0xffff  }
0x1ac: {  	v28 =	vadd.s32 $0x6, v6;
	_ =	sdelay $0x1  }
0x1ad: {  	[tilespmem:s10+$0xE840] =	vst v19  }
0x1ae: {  	v16 =	vld.idx.msk [tilespmem:v25+s4+$0x0], $0xffff;
	[tilespmem:s7+$0xE840] =	vst v26  }
0x1af: {  	v29 =	vadd.s32 $0x7, v4;
	v20 =	vld.idx.msk [tilespmem:v27+s4+$0x0], $0xffff;
	[tilespmem:s13+$0xE840] =	vst v22  }
0x1b0: {  	v30 =	vadd.s32 $0x7, v5;
	v22 =	vld.idx.msk [tilespmem:v28+s4+$0x0], $0xffff  }
0x1b1: {  	v31 =	vadd.s32 $0x7, v6;
	_ =	sdelay $0x1  }
0x1b2: {  	[tilespmem:s10+$0xF040] =	vst v16  }
0x1b3: {  	v16 =	vld.idx.msk [tilespmem:v29+s4+$0x0], $0xffff;
	[tilespmem:s7+$0xF040] =	vst v20  }
0x1b4: {  	v32 =	vadd.s32 $0x8, v4;
	v20 =	vld.idx.msk [tilespmem:v30+s4+$0x0], $0xffff;
	[tilespmem:s13+$0xF040] =	vst v22  }
0x1b5: {  	v33 =	vadd.s32 $0x8, v5;
	v22 =	vld.idx.msk [tilespmem:v31+s4+$0x0], $0xffff  }
0x1b6: {  	v34 =	vadd.s32 $0x8, v6  }
0x1b7: {  	[tilespmem:s9+$0xF840] =	vst v17  }
0x1b8: {  	v17 =	vld.idx.msk [tilespmem:v18+s4+$0x0], $0xffff;
	[tilespmem:s10+$0xF840] =	vst v16  }
0x1b9: {  	v35 =	vadd.s32 $0x9, v3;
	v36 =	vld.idx.msk [tilespmem:v32+s4+$0x0], $0xffff;
	[tilespmem:s7+$0xF840] =	vst v20  }
0x1ba: {  	v37 =	vadd.s32 $0x9, v4;
	v20 =	vld.idx.msk [tilespmem:v33+s4+$0x0], $0xffff;
	[tilespmem:s13+$0xF840] =	vst v22  }
0x1bb: {  	v38 =	vadd.s32 $0x9, v5;
	v22 =	vld.idx.msk [tilespmem:v34+s4+$0x0], $0xffff  }
0x1bc: {  	v39 =	vadd.s32 $0x9, v6  }
0x1bd: {  	[tilespmem:s9+$0x10040] =	vst v17  }
0x1be: {  	v16 =	vld.idx.msk [tilespmem:v35+s4+$0x0], $0xffff;
	[tilespmem:s10+$0x10040] =	vst v36  }
0x1bf: {  	v40 =	vadd.s32 $0xA, v3;
	v18 =	vld.idx.msk [tilespmem:v37+s4+$0x0], $0xffff;
	[tilespmem:s7+$0x10040] =	vst v20  }
0x1c0: {  	v41 =	vadd.s32 $0xA, v4;
	v20 =	vld.idx.msk [tilespmem:v38+s4+$0x0], $0xffff;
	[tilespmem:s13+$0x10040] =	vst v22  }
0x1c1: {  	v42 =	vadd.s32 $0xA, v5;
	[tilespmem:s5+$0x11040] =	vst v13;
	v43 =	vld.idx.msk [tilespmem:v39+s4+$0x0], $0xffff  }
0x1c2: {  	v44 =	vadd.s32 $0xA, v6;
	[tilespmem:s0+$0x12840] =	vst v14  }
0x1c3: {  	v15 =	vld.idx.msk [tilespmem:v15+s4+$0x0], $0xffff;
	[tilespmem:s9+$0x10840] =	vst v16  }
0x1c4: {  	v45 =	vadd.s32 $0xE, v0;
	v17 =	vld.idx.msk [tilespmem:v40+s4+$0x0], $0xffff;
	[tilespmem:s10+$0x10840] =	vst v18  }
0x1c5: {  	v18 =	vld.idx.msk [tilespmem:v41+s4+$0x0], $0xffff;
	[tilespmem:s7+$0x10840] =	vst v20  }
0x1c6: {  	v13 =	vld.idx.msk [tilespmem:v42+s4+$0x0], $0xffff;
	[tilespmem:s13+$0x10840] =	vst v43  }
0x1c7: {  	[tilespmem:s3+$0x14040] =	vst v7;
	v46 =	vld.idx.msk [tilespmem:v44+s4+$0x0], $0xffff  }
0x1c8: {  	v11 =	vld.idx.msk [tilespmem:v11+s4+$0x0], $0xffff;
	[tilespmem:s11+$0x15840] =	vst v15  }
0x1c9: {  	v47 =	vadd.s32 $0x11, v1;
	v48 =	vld.idx.msk [tilespmem:v45+s4+$0x0], $0xffff;
	[tilespmem:s9+$0x11040] =	vst v17  }
0x1ca: {  	v49 =	vadd.s32 $0xC, v2;
	v10 =	vld.idx.msk [tilespmem:v10+s4+$0x0], $0xffff;
	[tilespmem:s10+$0x11040] =	vst v18  }
0x1cb: {  	v50 =	vadd.s32 $0xC, v3;
	v8 =	vld.idx.msk [tilespmem:v8+s4+$0x0], $0xffff;
	[tilespmem:s7+$0x11040] =	vst v13  }
0x1cc: {  	v51 =	vadd.s32 $0xC, v4;
	v9 =	vld.idx.msk [tilespmem:v9+s4+$0x0], $0xffff;
	[tilespmem:s13+$0x11040] =	vst v46  }
0x1cd: {  	v52 =	vadd.s32 $0xC, v5;
	[tilespmem:s5+$0x11840] =	vst v11;
	v53 =	vld.idx.msk [tilespmem:v12+s4+$0x0], $0xffff  }
0x1ce: {  	v55 =	vadd.s32 $0xC, v6;
	v54 =	vld.idx.msk [tilespmem:v47+s4+$0x0], $0xffff;
	[tilespmem:s0+$0x13040] =	vst v48  }
0x1cf: {  	v56 =	vadd.s32 $0xF, v0;
	v16 =	vld.idx.msk [tilespmem:v49+s4+$0x0], $0xffff;
	[tilespmem:s9+$0x11840] =	vst v10  }
0x1d0: {  	v57 =	vadd.s32 $0xD, v2;
	v17 =	vld.idx.msk [tilespmem:v50+s4+$0x0], $0xffff;
	[tilespmem:s10+$0x11840] =	vst v8  }
0x1d1: {  	v58 =	vadd.s32 $0xD, v3;
	v13 =	vld.idx.msk [tilespmem:v51+s4+$0x0], $0xffff;
	[tilespmem:s7+$0x11840] =	vst v9  }
0x1d2: {  	v59 =	vadd.s32 $0xD, v4;
	v7 =	vld.idx.msk [tilespmem:v52+s4+$0x0], $0xffff;
	[tilespmem:s13+$0x11840] =	vst v53  }
0x1d3: {  	[tilespmem:s3+$0x14840] =	vst v54;
	v60 =	vadd.s32 $0xD, v5;
	v61 =	vld.idx.msk [tilespmem:v55+s4+$0x0], $0xffff  }
0x1d4: {  	v63 =	vadd.s32 $0xD, v6;
	v62 =	vld.idx.msk [tilespmem:v56+s4+$0x0], $0xffff;
	[tilespmem:s5+$0x12040] =	vst v16  }
0x1d5: {  	v28 =	vadd.s32 $0x10, v0;
	v10 =	vld.idx.msk [tilespmem:v57+s4+$0x0], $0xffff;
	[tilespmem:s9+$0x12040] =	vst v17  }
0x1d6: {  	v21 =	vadd.s32 $0xE, v2;
	v8 =	vld.idx.msk [tilespmem:v58+s4+$0x0], $0xffff;
	[tilespmem:s10+$0x12040] =	vst v13  }
0x1d7: {  	v22 =	vadd.s32 $0xE, v3;
	v9 =	vld.idx.msk [tilespmem:v59+s4+$0x0], $0xffff;
	[tilespmem:s7+$0x12040] =	vst v7  }
0x1d8: {  	v23 =	vadd.s32 $0xE, v4;
	v11 =	vld.idx.msk [tilespmem:v60+s4+$0x0], $0xffff;
	[tilespmem:s13+$0x12040] =	vst v61  }
0x1d9: {  	[tilespmem:s0+$0x13840] =	vst v62;
	v24 =	vadd.s32 $0xE, v5;
	v25 =	vld.idx.msk [tilespmem:v63+s4+$0x0], $0xffff  }
0x1da: {  	v27 =	vadd.s32 $0xE, v6;
	v33 =	vld.idx.msk [tilespmem:v28+s4+$0x0], $0xffff;
	[tilespmem:s5+$0x12840] =	vst v10  }
0x1db: {  	v20 =	vadd.s32 $0x12, v1;
	v17 =	vld.idx.msk [tilespmem:v21+s4+$0x0], $0xffff;
	[tilespmem:s9+$0x12840] =	vst v8  }
0x1dc: {  	v29 =	vadd.s32 $0xF, v2;
	v13 =	vld.idx.msk [tilespmem:v22+s4+$0x0], $0xffff;
	[tilespmem:s10+$0x12840] =	vst v9  }
0x1dd: {  	v30 =	vadd.s32 $0xF, v3;
	v7 =	vld.idx.msk [tilespmem:v23+s4+$0x0], $0xffff;
	[tilespmem:s7+$0x12840] =	vst v11  }
0x1de: {  	v31 =	vadd.s32 $0xF, v4;
	v12 =	vld.idx.msk [tilespmem:v24+s4+$0x0], $0xffff;
	[tilespmem:s13+$0x12840] =	vst v25  }
0x1df: {  	v32 =	vadd.s32 $0xF, v5;
	[tilespmem:s0+$0x14040] =	vst v33;
	v10 =	vld.idx.msk [tilespmem:v27+s4+$0x0], $0xffff  }
0x1e0: {  	v34 =	vadd.s32 $0xF, v6;
	v26 =	vld.idx.msk [tilespmem:v20+s4+$0x0], $0xffff;
	[tilespmem:s5+$0x13040] =	vst v17  }
0x1e1: {  	v35 =	vadd.s32 $0x13, v1;
	v8 =	vld.idx.msk [tilespmem:v29+s4+$0x0], $0xffff;
	[tilespmem:s9+$0x13040] =	vst v13  }
0x1e2: {  	v36 =	vadd.s32 $0x10, v2;
	v9 =	vld.idx.msk [tilespmem:v30+s4+$0x0], $0xffff;
	[tilespmem:s10+$0x13040] =	vst v7  }
0x1e3: {  	v37 =	vadd.s32 $0x10, v3;
	v11 =	vld.idx.msk [tilespmem:v31+s4+$0x0], $0xffff;
	[tilespmem:s7+$0x13040] =	vst v12  }
0x1e4: {  	v38 =	vadd.s32 $0x10, v4;
	v14 =	vld.idx.msk [tilespmem:v32+s4+$0x0], $0xffff;
	[tilespmem:s13+$0x13040] =	vst v10  }
0x1e5: {  	v39 =	vadd.s32 $0x10, v5;
	[tilespmem:s3+$0x15040] =	vst v26;
	v40 =	vld.idx.msk [tilespmem:v34+s4+$0x0], $0xffff  }
0x1e6: {  	v41 =	vadd.s32 $0x10, v6;
	v1 =	vld.idx.msk [tilespmem:v35+s4+$0x0], $0xffff;
	[tilespmem:s5+$0x13840] =	vst v8  }
0x1e7: {  	v42 =	vadd.s32 $0x11, v0;
	v13 =	vld.idx.msk [tilespmem:v36+s4+$0x0], $0xffff;
	[tilespmem:s9+$0x13840] =	vst v9  }
0x1e8: {  	v43 =	vadd.s32 $0x11, v2;
	v7 =	vld.idx.msk [tilespmem:v37+s4+$0x0], $0xffff;
	[tilespmem:s10+$0x13840] =	vst v11  }
0x1e9: {  	v44 =	vadd.s32 $0x11, v3;
	v12 =	vld.idx.msk [tilespmem:v38+s4+$0x0], $0xffff;
	[tilespmem:s7+$0x13840] =	vst v14  }
0x1ea: {  	v45 =	vadd.s32 $0x11, v4;
	v10 =	vld.idx.msk [tilespmem:v39+s4+$0x0], $0xffff;
	[tilespmem:s13+$0x13840] =	vst v40  }
0x1eb: {  	v46 =	vadd.s32 $0x11, v5;
	[tilespmem:s3+$0x15840] =	vst v1;
	v8 =	vld.idx.msk [tilespmem:v41+s4+$0x0], $0xffff  }
0x1ec: {  	v48 =	vadd.s32 $0x11, v6;
	v47 =	vld.idx.msk [tilespmem:v42+s4+$0x0], $0xffff;
	[tilespmem:s5+$0x14040] =	vst v13  }
0x1ed: {  	v49 =	vadd.s32 $0x12, v0;
	v9 =	vld.idx.msk [tilespmem:v43+s4+$0x0], $0xffff;
	[tilespmem:s9+$0x14040] =	vst v7  }
0x1ee: {  	v50 =	vadd.s32 $0x12, v2;
	v11 =	vld.idx.msk [tilespmem:v44+s4+$0x0], $0xffff;
	[tilespmem:s10+$0x14040] =	vst v12  }
0x1ef: {  	v51 =	vadd.s32 $0x12, v3;
	v14 =	vld.idx.msk [tilespmem:v45+s4+$0x0], $0xffff;
	[tilespmem:s7+$0x14040] =	vst v10  }
0x1f0: {  	v52 =	vadd.s32 $0x12, v4;
	v1 =	vld.idx.msk [tilespmem:v46+s4+$0x0], $0xffff;
	[tilespmem:s13+$0x14040] =	vst v8  }
0x1f1: {  	[tilespmem:s0+$0x14840] =	vst v47;
	v53 =	vadd.s32 $0x12, v5;
	v13 =	vld.idx.msk [tilespmem:v48+s4+$0x0], $0xffff  }
0x1f2: {  	v54 =	vadd.s32 $0x12, v6;
	v15 =	vld.idx.msk [tilespmem:v49+s4+$0x0], $0xffff;
	[tilespmem:s5+$0x14840] =	vst v9  }
0x1f3: {  	v55 =	vadd.s32 $0x13, v0;
	v7 =	vld.idx.msk [tilespmem:v50+s4+$0x0], $0xffff;
	[tilespmem:s9+$0x14840] =	vst v11  }
0x1f4: {  	v56 =	vadd.s32 $0x13, v2;
	v11 =	vld.idx.msk [tilespmem:v51+s4+$0x0], $0xffff;
	[tilespmem:s10+$0x14840] =	vst v14  }
0x1f5: {  	v57 =	vadd.s32 $0x13, v3;
	v10 =	vld.idx.msk [tilespmem:v52+s4+$0x0], $0xffff;
	[tilespmem:s7+$0x14840] =	vst v1  }
0x1f6: {  	v58 =	vadd.s32 $0x13, v4;
	v59 =	vld.idx.msk [tilespmem:v53+s4+$0x0], $0xffff;
	[tilespmem:s13+$0x14840] =	vst v13  }
0x1f7: {  	[tilespmem:s0+$0x15040] =	vst v15;
	v60 =	vadd.s32 $0x13, v5;
	v61 =	vld.idx.msk [tilespmem:v54+s4+$0x0], $0xffff  }
0x1f8: {  	v62 =	vadd.s32 $0x13, v6;
	v0 =	vld.idx.msk [tilespmem:v55+s4+$0x0], $0xffff;
	[tilespmem:s5+$0x15040] =	vst v7  }
0x1f9: {  	v2 =	vld.idx.msk [tilespmem:v56+s4+$0x0], $0xffff;
	[tilespmem:s9+$0x15040] =	vst v11  }
0x1fa: {  	v3 =	vld.idx.msk [tilespmem:v57+s4+$0x0], $0xffff;
	[tilespmem:s10+$0x15040] =	vst v10  }
0x1fb: {  	v1 =	vld.idx.msk [tilespmem:v58+s4+$0x0], $0xffff;
	[tilespmem:s7+$0x15040] =	vst v59  }
0x1fc: {  	v4 =	vld.idx.msk [tilespmem:v60+s4+$0x0], $0xffff;
	[tilespmem:s13+$0x15040] =	vst v61  }
0x1fd: {  	[tilespmem:s0+$0x15840] =	vst v0;
	v63 =	vld.idx.msk [tilespmem:v62+s4+$0x0], $0xffff  }
0x1fe: {  	[tilespmem:s5+$0x15840] =	vst v2  }
0x1ff: {  	[tilespmem:s9+$0x15840] =	vst v3  }
0x200: {  	[tilespmem:s10+$0x15840] =	vst v1  }
0x201: {  	[tilespmem:s7+$0x15840] =	vst v4  }
0x202: {  	s1 =	simm.s32 $0xC040;
	[tilespmem:s13+$0x15840] =	vst v63  }
0x203: {  	s26 =	simm.s32 $0x0;
	s28 =	simm.s32 $0x0;
	s0 =	rddreg [dreg:$0x8]  }
0x204: {  	[hbm4b:s0+s18] =	stream.strided.scatter [tilespmem:s1], [sflag:$0x4], $0xA000, s19, s18, $0x38;
	[tilespmem:$0x16040] =	vst v63  }
.LBB2_6:
0x205: {  	s0 =	sshll.u32 s28, $0x12  }
0x206: {  	s29 =	sadd.s32 $0x40000, s0  }
0x207: {  	_ =	swait.ge [sflag:s22], $0x1000;
	s1 =	sor.u32 s6, s29  }
0x208: {  	[sflag:s22] =	ssyncset.done $0x0;
	s30 =	sshrl.u32 s1, $0x3  }
0x209: {  	s3 =	simm.s32 $0x40;
	[sflag:s22] =	ssyncadd.s32 $0xFFFFF000;
	s1 =	sadd.s32 s31, s30  }
0x20a: {  	[tilespmem:s3], [sflag:$0x1] =	stream.linear.gather [hbm4b:s1+s26], $0x1000, $0x38;
	[tilespmem:$0x16040] =	vst v63  }
0x20b: {  	s12 =	sand.u32 $0x400, s26;
	s13 =	sand.u32 $0x380, s26;
	_ =	swait.ge [sflag:s23], $0xA000  }
0x20c: {  	s5 =	sand.u32 $0x70, s26;
	s1 =	sor.u32 s13, s12;
	[sflag:s23] =	ssyncset.done $0x0  }
0x20d: {  	s13 =	sor.u32 s5, s1;
	[sflag:s23] =	ssyncadd.s32 $0xFFFF6000  }
0x20e: {  	v0 =	vld [tilespmem:s13+$0x1040];
	_ =	sdelay $0x4  }
0x20f: {  	v7 =	vmul.u32 $0x14, v0;
	_ =	sdelay $0x5  }
0x210: {  	v0 =	vld.idx.msk [tilespmem:v7+s4+$0x0], $0xffff  }
0x211: {  	s14 =	simm.s32 $0x8;
	s15 =	simm.s32 $0x80;
	v1 =	vor.u32 $0x1, v7  }
0x212: {  	s17 =	simm.s32 $0x10;
	s3 =	sand.u32 $0x400, s15;
	s1 =	sand.u32 $0x380, s14  }
0x213: {  	s5 =	sand.u32 $0x70, s17;
	s1 =	sor.u32 s1, s3  }
0x214: {  	s5 =	sor.u32 s5, s1  }
0x215: {  	[tilespmem:s13+$0x2040] =	vst v0;
	v0 =	vld [tilespmem:s5+$0x1040]  }
0x216: {  	v2 =	vld.idx.msk [tilespmem:v1+s4+$0x0], $0xffff  }
0x217: {  	v3 =	vor.u32 $0x2, v7;
	_ =	sdelay $0x3  }
0x218: {  	v1 =	vmul.u32 $0x14, v0;
	[tilespmem:s13+$0x2840] =	vst v2  }
0x219: {  	v0 =	vld.idx.msk [tilespmem:v3+s4+$0x0], $0xffff  }
0x21a: {  	v2 =	vor.u32 $0x3, v7;
	_ =	sdelay $0x3  }
0x21b: {  	v3 =	vld.idx.msk [tilespmem:v1+s4+$0x0], $0xffff;
	[tilespmem:s13+$0x3040] =	vst v0  }
0x21c: {  	s20 =	simm.s32 $0x10;
	s21 =	simm.s32 $0x100;
	v0 =	vor.u32 $0x1, v1;
	v2 =	vld.idx.msk [tilespmem:v2+s4+$0x0], $0xffff  }
0x21d: {  	s7 =	simm.s32 $0x20;
	s3 =	sand.u32 $0x400, s21;
	s1 =	sand.u32 $0x380, s20;
	v4 =	vadd.s32 $0x4, v7  }
0x21e: {  	s7 =	sand.u32 $0x70, s7;
	s1 =	sor.u32 s1, s3  }
0x21f: {  	s3 =	sor.u32 s7, s1  }
0x220: {  	[tilespmem:s5+$0x2040] =	vst v3;
	v3 =	vld [tilespmem:s3+$0x1040]  }
0x221: {  	v5 =	vld.idx.msk [tilespmem:v0+s4+$0x0], $0xffff;
	[tilespmem:s13+$0x3840] =	vst v2  }
0x222: {  	v2 =	vor.u32 $0x2, v1;
	v4 =	vld.idx.msk [tilespmem:v4+s4+$0x0], $0xffff  }
0x223: {  	v6 =	vadd.s32 $0x5, v7;
	_ =	sdelay $0x2  }
0x224: {  	v0 =	vmul.u32 $0x14, v3;
	[tilespmem:s5+$0x2840] =	vst v5  }
0x225: {  	v2 =	vld.idx.msk [tilespmem:v2+s4+$0x0], $0xffff;
	[tilespmem:s13+$0x4040] =	vst v4  }
0x226: {  	v4 =	vor.u32 $0x3, v1;
	v3 =	vld.idx.msk [tilespmem:v6+s4+$0x0], $0xffff  }
0x227: {  	v5 =	vadd.s32 $0x6, v7;
	_ =	sdelay $0x2  }
0x228: {  	v6 =	vld.idx.msk [tilespmem:v0+s4+$0x0], $0xffff;
	[tilespmem:s5+$0x3040] =	vst v2  }
0x229: {  	s25 =	simm.s32 $0x18;
	s10 =	simm.s32 $0x180;
	v2 =	vor.u32 $0x1, v0;
	[tilespmem:s13+$0x4840] =	vst v3;
	v3 =	vld.idx.msk [tilespmem:v4+s4+$0x0], $0xffff  }
0x22a: {  	s9 =	simm.s32 $0x30;
	s7 =	sand.u32 $0x400, s10;
	s1 =	sand.u32 $0x380, s25;
	v4 =	vld.idx.msk [tilespmem:v5+s4+$0x0], $0xffff;
	v5 =	vadd.s32 $0x4, v1  }
0x22b: {  	s9 =	sand.u32 $0x70, s9;
	s1 =	sor.u32 s1, s7;
	v8 =	vadd.s32 $0x7, v7  }
0x22c: {  	s9 =	sor.u32 s9, s1  }
0x22d: {  	[tilespmem:s3+$0x2040] =	vst v6;
	v6 =	vld [tilespmem:s9+$0x1040]  }
0x22e: {  	v9 =	vld.idx.msk [tilespmem:v2+s4+$0x0], $0xffff;
	[tilespmem:s5+$0x3840] =	vst v3  }
0x22f: {  	v3 =	vor.u32 $0x2, v0;
	v5 =	vld.idx.msk [tilespmem:v5+s4+$0x0], $0xffff;
	[tilespmem:s13+$0x5040] =	vst v4  }
0x230: {  	v4 =	vld.idx.msk [tilespmem:v8+s4+$0x0], $0xffff;
	v8 =	vadd.s32 $0x5, v1  }
0x231: {  	v10 =	vadd.s32 $0x8, v7  }
0x232: {  	v2 =	vmul.u32 $0x14, v6  }
0x233: {  	[tilespmem:s3+$0x2840] =	vst v9  }
0x234: {  	v3 =	vld.idx.msk [tilespmem:v3+s4+$0x0], $0xffff;
	[tilespmem:s5+$0x4040] =	vst v5  }
0x235: {  	v5 =	vld.idx.msk [tilespmem:v8+s4+$0x0], $0xffff;
	[tilespmem:s13+$0x5840] =	vst v4;
	v4 =	vor.u32 $0x3, v0  }
0x236: {  	v8 =	vadd.s32 $0x6, v1;
	v6 =	vld.idx.msk [tilespmem:v10+s4+$0x0], $0xffff  }
0x237: {  	v9 =	vadd.s32 $0x9, v7  }
0x238: {  	v10 =	vld.idx.msk [tilespmem:v2+s4+$0x0], $0xffff  }
0x239: {  	s11 =	simm.s32 $0x20;
	s12 =	simm.s32 $0x200;
	v11 =	vor.u32 $0x1, v2;
	[tilespmem:s3+$0x3040] =	vst v3  }
0x23a: {  	s10 =	simm.s32 $0x40;
	s7 =	sand.u32 $0x400, s12;
	s1 =	sand.u32 $0x380, s11;
	[tilespmem:s5+$0x4840] =	vst v5;
	v3 =	vld.idx.msk [tilespmem:v4+s4+$0x0], $0xffff  }
0x23b: {  	s10 =	sand.u32 $0x70, s10;
	s1 =	sor.u32 s1, s7;
	v5 =	vadd.s32 $0x4, v0;
	v4 =	vld.idx.msk [tilespmem:v8+s4+$0x0], $0xffff;
	[tilespmem:s13+$0x6040] =	vst v6  }
0x23c: {  	s10 =	sor.u32 s10, s1;
	v8 =	vadd.s32 $0x7, v1;
	v6 =	vld.idx.msk [tilespmem:v9+s4+$0x0], $0xffff  }
0x23d: {  	[tilespmem:s9+$0x2040] =	vst v10;
	v10 =	vadd.s32 $0xA, v7;
	v9 =	vld [tilespmem:s10+$0x1040]  }
0x23e: {  	v11 =	vld.idx.msk [tilespmem:v11+s4+$0x0], $0xffff  }
0x23f: {  	v12 =	vor.u32 $0x2, v2;
	[tilespmem:s3+$0x3840] =	vst v3  }
0x240: {  	v5 =	vld.idx.msk [tilespmem:v5+s4+$0x0], $0xffff;
	[tilespmem:s5+$0x5040] =	vst v4  }
0x241: {  	s15 =	simm.s32 $0x280;
	s14 =	simm.s32 $0x28;
	v4 =	vld.idx.msk [tilespmem:v8+s4+$0x0], $0xffff;
	[tilespmem:s13+$0x6840] =	vst v6;
	v6 =	vadd.s32 $0x5, v0  }
0x242: {  	s11 =	simm.s32 $0x50;
	s7 =	sand.u32 $0x400, s15;
	s1 =	sand.u32 $0x380, s14;
	v8 =	vld.idx.msk [tilespmem:v10+s4+$0x0], $0xffff;
	v10 =	vadd.s32 $0x8, v1  }
0x243: {  	s11 =	sand.u32 $0x70, s11;
	s1 =	sor.u32 s1, s7;
	v13 =	vadd.s32 $0xB, v7;
	v3 =	vmul.u32 $0x14, v9;
	[tilespmem:s9+$0x2840] =	vst v11  }
0x244: {  	s11 =	sor.u32 s11, s1;
	v9 =	vld.idx.msk [tilespmem:v12+s4+$0x0], $0xffff  }
0x245: {  	[tilespmem:s3+$0x4040] =	vst v5;
	v5 =	vld [tilespmem:s11+$0x1040]  }
0x246: {  	v11 =	vor.u32 $0x3, v2;
	v6 =	vld.idx.msk [tilespmem:v6+s4+$0x0], $0xffff;
	[tilespmem:s5+$0x5840] =	vst v4  }
0x247: {  	[tilespmem:s13+$0x7040] =	vst v8;
	v8 =	vld.idx.msk [tilespmem:v10+s4+$0x0], $0xffff;
	v10 =	vadd.s32 $0x6, v0  }
0x248: {  	v12 =	vld.idx.msk [tilespmem:v13+s4+$0x0], $0xffff;
	v13 =	vadd.s32 $0x9, v1  }
0x249: {  	v15 =	vadd.s32 $0xC, v7;
	v14 =	vld.idx.msk [tilespmem:v3+s4+$0x0], $0xffff  }
0x24a: {  	v16 =	vor.u32 $0x1, v3;
	[tilespmem:s9+$0x3040] =	vst v9;
	v4 =	vmul.u32 $0x14, v5  }
0x24b: {  	v5 =	vld.idx.msk [tilespmem:v11+s4+$0x0], $0xffff;
	[tilespmem:s3+$0x4840] =	vst v6  }
0x24c: {  	v6 =	vld.idx.msk [tilespmem:v10+s4+$0x0], $0xffff;
	[tilespmem:s5+$0x6040] =	vst v8;
	v8 =	vadd.s32 $0x4, v2  }
0x24d: {  	v10 =	vadd.s32 $0x7, v0;
	v9 =	vld.idx.msk [tilespmem:v13+s4+$0x0], $0xffff;
	[tilespmem:s13+$0x7840] =	vst v12  }
0x24e: {  	[tilespmem:s10+$0x2040] =	vst v14;
	v12 =	vadd.s32 $0xA, v1;
	v11 =	vld.idx.msk [tilespmem:v15+s4+$0x0], $0xffff  }
0x24f: {  	v14 =	vadd.s32 $0xD, v7;
	v13 =	vld.idx.msk [tilespmem:v16+s4+$0x0], $0xffff  }
0x250: {  	[tilespmem:s9+$0x3840] =	vst v5;
	v5 =	vor.u32 $0x2, v3;
	v15 =	vld.idx.msk [tilespmem:v4+s4+$0x0], $0xffff  }
0x251: {  	v8 =	vld.idx.msk [tilespmem:v8+s4+$0x0], $0xffff;
	[tilespmem:s3+$0x5040] =	vst v6  }
0x252: {  	s17 =	simm.s32 $0x30;
	s20 =	simm.s32 $0x300;
	v6 =	vld.idx.msk [tilespmem:v10+s4+$0x0], $0xffff;
	[tilespmem:s5+$0x6840] =	vst v9;
	v9 =	vadd.s32 $0x5, v2  }
0x253: {  	s14 =	simm.s32 $0x60;
	s7 =	sand.u32 $0x400, s20;
	s1 =	sand.u32 $0x380, s17;
	v10 =	vld.idx.msk [tilespmem:v12+s4+$0x0], $0xffff;
	[tilespmem:s13+$0x8040] =	vst v11;
	v11 =	vadd.s32 $0x8, v0  }
0x254: {  	s14 =	sand.u32 $0x70, s14;
	s1 =	sor.u32 s1, s7;
	[tilespmem:s10+$0x2840] =	vst v13;
	v12 =	vadd.s32 $0xB, v1;
	v13 =	vld.idx.msk [tilespmem:v14+s4+$0x0], $0xffff  }
0x255: {  	s7 =	sor.u32 s14, s1;
	v5 =	vld.idx.msk [tilespmem:v5+s4+$0x0], $0xffff;
	v14 =	vadd.s32 $0xE, v7  }
0x256: {  	v16 =	vor.u32 $0x1, v4;
	[tilespmem:s9+$0x4040] =	vst v8;
	v8 =	vld [tilespmem:s7+$0x1040]  }
0x257: {  	v9 =	vld.idx.msk [tilespmem:v9+s4+$0x0], $0xffff;
	[tilespmem:s3+$0x5840] =	vst v6;
	v6 =	vor.u32 $0x3, v3  }
0x258: {  	[tilespmem:s5+$0x7040] =	vst v10;
	v10 =	vld.idx.msk [tilespmem:v11+s4+$0x0], $0xffff;
	v11 =	vadd.s32 $0x6, v2  }
0x259: {  	[tilespmem:s13+$0x8840] =	vst v13;
	v12 =	vld.idx.msk [tilespmem:v12+s4+$0x0], $0xffff;
	v13 =	vadd.s32 $0x9, v0  }
0x25a: {  	[tilespmem:s11+$0x2040] =	vst v15;
	v15 =	vadd.s32 $0xC, v1;
	v14 =	vld.idx.msk [tilespmem:v14+s4+$0x0], $0xffff  }
0x25b: {  	[tilespmem:s10+$0x3040] =	vst v5;
	v5 =	vmul.u32 $0x14, v8;
	v8 =	vld.idx.msk [tilespmem:v16+s4+$0x0], $0xffff;
	v16 =	vadd.s32 $0xF, v7  }
0x25c: {  	[tilespmem:s9+$0x4840] =	vst v9;
	v6 =	vld.idx.msk [tilespmem:v6+s4+$0x0], $0xffff  }
0x25d: {  	v18 =	vor.u32 $0x2, v4;
	v9 =	vld.idx.msk [tilespmem:v11+s4+$0x0], $0xffff;
	[tilespmem:s3+$0x6040] =	vst v10  }
0x25e: {  	v10 =	vadd.s32 $0x4, v3;
	v11 =	vld.idx.msk [tilespmem:v13+s4+$0x0], $0xffff;
	[tilespmem:s5+$0x7840] =	vst v12  }
0x25f: {  	v12 =	vadd.s32 $0x7, v2;
	v13 =	vld.idx.msk [tilespmem:v15+s4+$0x0], $0xffff;
	[tilespmem:s13+$0x9040] =	vst v14  }
0x260: {  	v14 =	vadd.s32 $0xA, v0;
	v15 =	vld.idx.msk [tilespmem:v16+s4+$0x0], $0xffff;
	[tilespmem:s11+$0x2840] =	vst v8  }
0x261: {  	v16 =	vadd.s32 $0xD, v1;
	v17 =	vld.idx.msk [tilespmem:v5+s4+$0x0], $0xffff;
	[tilespmem:s10+$0x3840] =	vst v6  }
0x262: {  	v6 =	vadd.s32 $0x10, v7;
	v8 =	vld.idx.msk [tilespmem:v18+s4+$0x0], $0xffff;
	[tilespmem:s9+$0x5040] =	vst v9  }
0x263: {  	v18 =	vor.u32 $0x1, v5;
	v10 =	vld.idx.msk [tilespmem:v10+s4+$0x0], $0xffff;
	[tilespmem:s3+$0x6840] =	vst v11  }
0x264: {  	v9 =	vld.idx.msk [tilespmem:v12+s4+$0x0], $0xffff;
	[tilespmem:s5+$0x8040] =	vst v13  }
0x265: {  	s21 =	simm.s32 $0x38;
	s25 =	simm.s32 $0x380;
	v11 =	vadd.s32 $0x5, v3;
	v12 =	vld.idx.msk [tilespmem:v14+s4+$0x0], $0xffff;
	[tilespmem:s13+$0x9840] =	vst v15  }
0x266: {  	s15 =	simm.s32 $0x70;
	s14 =	sand.u32 $0x400, s25;
	s1 =	sand.u32 $0x380, s21;
	v14 =	vadd.s32 $0x8, v2;
	v13 =	vld.idx.msk [tilespmem:v16+s4+$0x0], $0xffff;
	[tilespmem:s7+$0x2040] =	vst v17  }
0x267: {  	s15 =	sand.u32 $0x70, s15;
	s1 =	sor.u32 s1, s14;
	v15 =	vadd.s32 $0xB, v0;
	v6 =	vld.idx.msk [tilespmem:v6+s4+$0x0], $0xffff;
	[tilespmem:s11+$0x3040] =	vst v8  }
0x268: {  	s14 =	sor.u32 s15, s1;
	[tilespmem:s10+$0x4040] =	vst v10;
	v10 =	vadd.s32 $0xE, v1;
	v8 =	vld.idx.msk [tilespmem:v18+s4+$0x0], $0xffff  }
0x269: {  	v16 =	vadd.s32 $0x11, v7;
	[tilespmem:s9+$0x5840] =	vst v9;
	v9 =	vld [tilespmem:s14+$0x1040]  }
0x26a: {  	v11 =	vld.idx.msk [tilespmem:v11+s4+$0x0], $0xffff;
	[tilespmem:s3+$0x7040] =	vst v12;
	v12 =	vor.u32 $0x3, v4  }
0x26b: {  	v14 =	vld.idx.msk [tilespmem:v14+s4+$0x0], $0xffff;
	[tilespmem:s5+$0x8840] =	vst v13;
	v13 =	vadd.s32 $0x6, v3  }
0x26c: {  	v19 =	vadd.s32 $0x9, v2;
	v15 =	vld.idx.msk [tilespmem:v15+s4+$0x0], $0xffff  }
0x26d: {  	v17 =	vadd.s32 $0xC, v0;
	[tilespmem:s13+$0xA040] =	vst v6;
	v10 =	vld.idx.msk [tilespmem:v10+s4+$0x0], $0xffff  }
0x26e: {  	v16 =	vld.idx.msk [tilespmem:v16+s4+$0x0], $0xffff;
	v6 =	vmul.u32 $0x14, v9;
	v9 =	vadd.s32 $0xF, v1  }
0x26f: {  	[tilespmem:s10+$0x4840] =	vst v11;
	v11 =	vld.idx.msk [tilespmem:v12+s4+$0x0], $0xffff  }
0x270: {  	v12 =	vadd.s32 $0x12, v7;
	[tilespmem:s9+$0x6040] =	vst v14;
	v13 =	vld.idx.msk [tilespmem:v13+s4+$0x0], $0xffff  }
0x271: {  	v14 =	vadd.s32 $0x4, v4;
	v18 =	vld.idx.msk [tilespmem:v19+s4+$0x0], $0xffff;
	[tilespmem:s3+$0x7840] =	vst v15  }
0x272: {  	v20 =	vadd.s32 $0x7, v3;
	v21 =	vld.idx.msk [tilespmem:v17+s4+$0x0], $0xffff;
	[tilespmem:s5+$0x9040] =	vst v10  }
0x273: {  	v22 =	vadd.s32 $0xA, v2;
	[tilespmem:s13+$0xA840] =	vst v16;
	v23 =	vld.idx.msk [tilespmem:v9+s4+$0x0], $0xffff  }
0x274: {  	v24 =	vadd.s32 $0xD, v0;
	v16 =	vld.idx.msk [tilespmem:v6+s4+$0x0], $0xffff;
	[tilespmem:s11+$0x3840] =	vst v11  }
0x275: {  	v25 =	vadd.s32 $0x10, v1;
	v15 =	vld.idx.msk [tilespmem:v12+s4+$0x0], $0xffff;
	[tilespmem:s10+$0x5040] =	vst v13  }
0x276: {  	v19 =	vld.idx.msk [tilespmem:v14+s4+$0x0], $0xffff;
	[tilespmem:s9+$0x6840] =	vst v18  }
0x277: {  	v17 =	vld.idx.msk [tilespmem:v20+s4+$0x0], $0xffff;
	[tilespmem:s3+$0x8040] =	vst v21;
	v21 =	vor.u32 $0x2, v5  }
0x278: {  	[tilespmem:s7+$0x2840] =	vst v8;
	v8 =	vadd.s32 $0xB, v4;
	v7 =	vadd.s32 $0x13, v7;
	v13 =	vld.idx.msk [tilespmem:v22+s4+$0x0], $0xffff  }
0x279: {  	s16 =	smov.u32 s31;
	s31 =	sshll.u32 s28, $0x1;
	v10 =	vadd.s32 $0xB, v3;
	v9 =	vadd.s32 $0xB, v5;
	v20 =	vadd.s32 $0x5, v4;
	v14 =	vld.idx.msk [tilespmem:v24+s4+$0x0], $0xffff;
	[tilespmem:s5+$0x9840] =	vst v23  }
0x27a: {  	s25 =	simm.s32 $0x400;
	s1 =	simm.s32 $0x80;
	s15 =	simm.s32 $0x40;
	v11 =	vadd.s32 $0xB, v2;
	v12 =	vadd.s32 $0xB, v6;
	v18 =	vadd.s32 $0x8, v3;
	[tilespmem:s14+$0x2040] =	vst v16;
	v16 =	vld.idx.msk [tilespmem:v25+s4+$0x0], $0xffff  }
.LBB2_7:
0x27b: {  	s12 =	sand.u32 $0x400, s25  }
0x27c: {  	s20 =	sand.u32 $0x380, s15;
	v21 =	vld.idx.msk [tilespmem:v21+s4+$0x0], $0xffff;
	[tilespmem:s13+$0xB040] =	vst v15;
	s21 =	smov.u32 s1;
	s17 =	sadd.s32 $0x10, s1  }
0x27d: {  	p0 =	sne.s32 s1, $0x7F0;
	v15 =	vadd.s32 $0xE, v0;
	s21 =	sand.u32 $0x70, s21;
	s12 =	sor.u32 s20, s12;
	[tilespmem:s11+$0x4040] =	vst v19;
	v7 =	vld.idx.msk [tilespmem:v7+s4+$0x0], $0xffff  }
0x27e: {  	s1 =	sor.u32 s21, s12;
	v19 =	vld.idx.msk [tilespmem:v20+s4+$0x0], $0xffff;
	[tilespmem:s10+$0x5840] =	vst v17;
	v17 =	vadd.s32 $0x11, v1  }
0x27f: {  	v22 =	vor.u32 $0x1, v6;
	v20 =	vld [tilespmem:s1+$0x1040];
	[tilespmem:s9+$0x7040] =	vst v13  }
0x280: {  	v13 =	vor.u32 $0x3, v5;
	v18 =	vld.idx.msk [tilespmem:v18+s4+$0x0], $0xffff;
	[tilespmem:s3+$0x8840] =	vst v14  }
0x281: {  	v14 =	vadd.s32 $0x6, v4;
	v23 =	vld.idx.msk [tilespmem:v11+s4+$0x0], $0xffff;
	[tilespmem:s5+$0xA040] =	vst v16;
	v11 =	vmovc v10;
	v10 =	vmovc v8;
	v8 =	vmov v9;
	v9 =	vmov v12  }
0x282: {  	v16 =	vadd.s32 $0x9, v3;
	[tilespmem:s7+$0x3040] =	vst v21;
	v15 =	vld.idx.msk [tilespmem:v15+s4+$0x0], $0xffff  }
0x283: {  	v21 =	vadd.s32 $0xC, v2;
	v17 =	vld.idx.msk [tilespmem:v17+s4+$0x0], $0xffff;
	[tilespmem:s13+$0xB840] =	vst v7;
	s13 =	smov.u32 s5;
	s5 =	smov.u32 s3;
	s3 =	smov.u32 s9  }
0x284: {  	s9 =	smov.u32 s10;
	s10 =	smov.u32 s11;
	v20 =	vmul.u32 $0x14, v20;
	v7 =	vld.idx.msk [tilespmem:v22+s4+$0x0], $0xffff;
	[tilespmem:s11+$0x4840] =	vst v19;
	v19 =	vadd.s32 $0xF, v0;
	v22 =	vadd.s32 $0x12, v1;
	s11 =	smov.u32 s7  }
0x285: {  	s7 =	smov.u32 s14;
	s14 =	smov.u32 s1;
	v13 =	vld.idx.msk [tilespmem:v13+s4+$0x0], $0xffff  }
0x286: {  	v12 =	vadd.s32 $0xB, v20;
	v14 =	vld.idx.msk [tilespmem:v14+s4+$0x0], $0xffff;
	[tilespmem:s9+$0x6040] =	vst v18  }
0x287: {  	v18 =	vadd.s32 $0x4, v5;
	v16 =	vld.idx.msk [tilespmem:v16+s4+$0x0], $0xffff;
	[tilespmem:s3+$0x7840] =	vst v23  }
0x288: {  	v23 =	vadd.s32 $0x7, v4;
	v24 =	vld.idx.msk [tilespmem:v21+s4+$0x0], $0xffff;
	[tilespmem:s5+$0x9040] =	vst v15  }
0x289: {  	v25 =	vadd.s32 $0xA, v3;
	v26 =	vld.idx.msk [tilespmem:v19+s4+$0x0], $0xffff;
	[tilespmem:s13+$0xA840] =	vst v17  }
0x28a: {  	v28 =	vadd.s32 $0xD, v2;
	v27 =	vld.idx.msk [tilespmem:v20+s4+$0x0], $0xffff;
	[tilespmem:s7+$0x2840] =	vst v7  }
0x28b: {  	v29 =	vadd.s32 $0x10, v0;
	v7 =	vadd.s32 $0x13, v1;
	v1 =	vmovc v0;
	v0 =	vmovc v2;
	v2 =	vmov v3;
	[tilespmem:s11+$0x3840] =	vst v13;
	v15 =	vld.idx.msk [tilespmem:v22+s4+$0x0], $0xffff  }
.Ltmp2:
0x28c: {  	v21 =	vor.u32 $0x2, v6;
	v3 =	vmovc v4;
	v4 =	vmovc v5;
	v5 =	vmov v6;
	v6 =	vmov v20;
	v19 =	vld.idx.msk [tilespmem:v18+s4+$0x0], $0xffff;
	[tilespmem:s10+$0x5040] =	vst v14;
	(pc) =	sbr.rel @p0 .LBB2_7-.Ltmp2, $4  }
0x28d: {  	v17 =	vld.idx.msk [tilespmem:v23+s4+$0x0], $0xffff;
	[tilespmem:s9+$0x6840] =	vst v16  }
0x28e: {  	v20 =	vadd.s32 $0x5, v4;
	v13 =	vld.idx.msk [tilespmem:v25+s4+$0x0], $0xffff;
	[tilespmem:s3+$0x8040] =	vst v24  }
0x28f: {  	v14 =	vld.idx.msk [tilespmem:v28+s4+$0x0], $0xffff;
	[tilespmem:s5+$0x9840] =	vst v26  }
0x290: {  	s15 =	sadd.s32 $0x8, s15;
	s25 =	sadd.s32 $0x80, s25;
	s1 =	smov.u32 s17;
	v18 =	vadd.s32 $0x8, v3;
	[tilespmem:s14+$0x2040] =	vst v27;
	v16 =	vld.idx.msk [tilespmem:v29+s4+$0x0], $0xffff  }
0x291: {  	v22 =	vor.u32 $0x1, v6;
	_ =	sdelay $0x4  }
0x292: {  	v22 =	vld.idx.msk [tilespmem:v22+s4+$0x0], $0xffff  }
0x293: {  	v23 =	vor.u32 $0x2, v6;
	_ =	sdelay $0x3  }
0x294: {  	v21 =	vld.idx.msk [tilespmem:v21+s4+$0x0], $0xffff;
	[tilespmem:s14+$0x2840] =	vst v22  }
0x295: {  	v22 =	vor.u32 $0x3, v5;
	v23 =	vld.idx.msk [tilespmem:v23+s4+$0x0], $0xffff  }
0x296: {  	v24 =	vor.u32 $0x3, v6;
	_ =	sdelay $0x2  }
0x297: {  	[tilespmem:s7+$0x3040] =	vst v21  }
0x298: {  	v21 =	vld.idx.msk [tilespmem:v22+s4+$0x0], $0xffff;
	[tilespmem:s14+$0x3040] =	vst v23  }
0x299: {  	v22 =	vadd.s32 $0x4, v5;
	v23 =	vld.idx.msk [tilespmem:v24+s4+$0x0], $0xffff  }
0x29a: {  	v58 =	vadd.s32 $0x4, v6;
	_ =	sdelay $0x2  }
0x29b: {  	[tilespmem:s7+$0x3840] =	vst v21  }
0x29c: {  	v21 =	vld.idx.msk [tilespmem:v22+s4+$0x0], $0xffff;
	[tilespmem:s14+$0x3840] =	vst v23  }
0x29d: {  	v22 =	vadd.s32 $0x5, v5;
	v23 =	vld.idx.msk [tilespmem:v58+s4+$0x0], $0xffff  }
0x29e: {  	v59 =	vadd.s32 $0x5, v6;
	_ =	sdelay $0x1  }
0x29f: {  	[tilespmem:s11+$0x4040] =	vst v19  }
0x2a0: {  	v19 =	vld.idx.msk [tilespmem:v20+s4+$0x0], $0xffff;
	[tilespmem:s7+$0x4040] =	vst v21  }
0x2a1: {  	v20 =	vadd.s32 $0x6, v4;
	v21 =	vld.idx.msk [tilespmem:v22+s4+$0x0], $0xffff;
	[tilespmem:s14+$0x4040] =	vst v23  }
0x2a2: {  	v22 =	vadd.s32 $0x6, v5;
	v23 =	vld.idx.msk [tilespmem:v59+s4+$0x0], $0xffff  }
0x2a3: {  	v60 =	vadd.s32 $0x6, v6;
	_ =	sdelay $0x1  }
0x2a4: {  	[tilespmem:s11+$0x4840] =	vst v19  }
0x2a5: {  	v19 =	vld.idx.msk [tilespmem:v20+s4+$0x0], $0xffff;
	[tilespmem:s7+$0x4840] =	vst v21  }
0x2a6: {  	v20 =	vadd.s32 $0x7, v4;
	v21 =	vld.idx.msk [tilespmem:v22+s4+$0x0], $0xffff;
	[tilespmem:s14+$0x4840] =	vst v23  }
0x2a7: {  	v22 =	vadd.s32 $0x7, v5;
	v23 =	vld.idx.msk [tilespmem:v60+s4+$0x0], $0xffff  }
0x2a8: {  	v61 =	vadd.s32 $0x7, v6  }
0x2a9: {  	[tilespmem:s10+$0x5840] =	vst v17  }
0x2aa: {  	v17 =	vld.idx.msk [tilespmem:v18+s4+$0x0], $0xffff;
	[tilespmem:s11+$0x5040] =	vst v19  }
0x2ab: {  	v18 =	vadd.s32 $0x9, v3;
	v19 =	vld.idx.msk [tilespmem:v20+s4+$0x0], $0xffff;
	[tilespmem:s7+$0x5040] =	vst v21  }
0x2ac: {  	v20 =	vadd.s32 $0x8, v4;
	v21 =	vld.idx.msk [tilespmem:v22+s4+$0x0], $0xffff;
	[tilespmem:s14+$0x5040] =	vst v23  }
0x2ad: {  	v22 =	vadd.s32 $0x8, v5;
	v23 =	vld.idx.msk [tilespmem:v61+s4+$0x0], $0xffff  }
0x2ae: {  	v62 =	vadd.s32 $0x8, v6  }
0x2af: {  	[tilespmem:s10+$0x6040] =	vst v17  }
0x2b0: {  	v17 =	vld.idx.msk [tilespmem:v18+s4+$0x0], $0xffff;
	[tilespmem:s11+$0x5840] =	vst v19  }
0x2b1: {  	v18 =	vadd.s32 $0xA, v3;
	v19 =	vld.idx.msk [tilespmem:v20+s4+$0x0], $0xffff;
	[tilespmem:s7+$0x5840] =	vst v21  }
0x2b2: {  	v20 =	vadd.s32 $0x9, v4;
	v21 =	vld.idx.msk [tilespmem:v22+s4+$0x0], $0xffff;
	[tilespmem:s14+$0x5840] =	vst v23  }
0x2b3: {  	[tilespmem:s13+$0xB040] =	vst v15;
	v22 =	vadd.s32 $0x9, v5;
	v23 =	vld.idx.msk [tilespmem:v62+s4+$0x0], $0xffff  }
0x2b4: {  	v15 =	vadd.s32 $0x9, v6;
	[tilespmem:s9+$0x7040] =	vst v13  }
0x2b5: {  	[tilespmem:s10+$0x6840] =	vst v17  }
0x2b6: {  	v18 =	vld.idx.msk [tilespmem:v18+s4+$0x0], $0xffff;
	[tilespmem:s11+$0x6040] =	vst v19  }
0x2b7: {  	v19 =	vld.idx.msk [tilespmem:v20+s4+$0x0], $0xffff;
	[tilespmem:s7+$0x6040] =	vst v21  }
0x2b8: {  	v20 =	vadd.s32 $0xA, v4;
	v21 =	vld.idx.msk [tilespmem:v22+s4+$0x0], $0xffff;
	[tilespmem:s14+$0x6040] =	vst v23  }
0x2b9: {  	v13 =	vadd.s32 $0xA, v5;
	[tilespmem:s3+$0x8840] =	vst v14;
	v15 =	vld.idx.msk [tilespmem:v15+s4+$0x0], $0xffff  }
0x2ba: {  	v7 =	vld.idx.msk [tilespmem:v7+s4+$0x0], $0xffff;
	v14 =	vadd.s32 $0xA, v6;
	[tilespmem:s5+$0xA040] =	vst v16  }
0x2bb: {  	v11 =	vld.idx.msk [tilespmem:v11+s4+$0x0], $0xffff;
	[tilespmem:s10+$0x7040] =	vst v18  }
0x2bc: {  	v16 =	vadd.s32 $0xC, v2;
	v10 =	vld.idx.msk [tilespmem:v10+s4+$0x0], $0xffff;
	[tilespmem:s11+$0x6840] =	vst v19  }
0x2bd: {  	v17 =	vadd.s32 $0xE, v0;
	v19 =	vld.idx.msk [tilespmem:v20+s4+$0x0], $0xffff;
	[tilespmem:s7+$0x6840] =	vst v21  }
0x2be: {  	v13 =	vld.idx.msk [tilespmem:v13+s4+$0x0], $0xffff;
	[tilespmem:s14+$0x6840] =	vst v15  }
0x2bf: {  	[tilespmem:s13+$0xB840] =	vst v7;
	v14 =	vld.idx.msk [tilespmem:v14+s4+$0x0], $0xffff  }
0x2c0: {  	[tilespmem:s9+$0x7840] =	vst v11  }
0x2c1: {  	v7 =	vadd.s32 $0x11, v1;
	v16 =	vld.idx.msk [tilespmem:v16+s4+$0x0], $0xffff;
	[tilespmem:s10+$0x7840] =	vst v10  }
0x2c2: {  	v10 =	vadd.s32 $0xD, v2;
	[tilespmem:s11+$0x7040] =	vst v19;
	v15 =	vld.idx.msk [tilespmem:v17+s4+$0x0], $0xffff  }
0x2c3: {  	v8 =	vld.idx.msk [tilespmem:v8+s4+$0x0], $0xffff;
	v17 =	vadd.s32 $0xC, v3;
	[tilespmem:s7+$0x7040] =	vst v13  }
0x2c4: {  	v13 =	vadd.s32 $0xC, v4;
	v9 =	vld.idx.msk [tilespmem:v9+s4+$0x0], $0xffff;
	[tilespmem:s14+$0x7040] =	vst v14  }
0x2c5: {  	v11 =	vadd.s32 $0xC, v5;
	v12 =	vld.idx.msk [tilespmem:v12+s4+$0x0], $0xffff  }
0x2c6: {  	v7 =	vld.idx.msk [tilespmem:v7+s4+$0x0], $0xffff;
	[tilespmem:s9+$0x8040] =	vst v16;
	v14 =	vadd.s32 $0xC, v6  }
0x2c7: {  	v10 =	vld.idx.msk [tilespmem:v10+s4+$0x0], $0xffff;
	[tilespmem:s3+$0x9040] =	vst v15;
	v15 =	vadd.s32 $0xF, v0  }
0x2c8: {  	[tilespmem:s11+$0x7840] =	vst v8;
	v17 =	vld.idx.msk [tilespmem:v17+s4+$0x0], $0xffff  }
0x2c9: {  	v8 =	vadd.s32 $0xD, v3;
	v13 =	vld.idx.msk [tilespmem:v13+s4+$0x0], $0xffff;
	[tilespmem:s7+$0x7840] =	vst v9  }
0x2ca: {  	v9 =	vadd.s32 $0xD, v4;
	v11 =	vld.idx.msk [tilespmem:v11+s4+$0x0], $0xffff;
	[tilespmem:s14+$0x7840] =	vst v12  }
0x2cb: {  	[tilespmem:s5+$0xA840] =	vst v7;
	v7 =	vadd.s32 $0xD, v5;
	v12 =	vld.idx.msk [tilespmem:v14+s4+$0x0], $0xffff  }
0x2cc: {  	[tilespmem:s9+$0x8840] =	vst v10;
	v14 =	vld.idx.msk [tilespmem:v15+s4+$0x0], $0xffff;
	v15 =	vadd.s32 $0xD, v6  }
0x2cd: {  	[tilespmem:s10+$0x8040] =	vst v17;
	v17 =	vadd.s32 $0xE, v2  }
0x2ce: {  	v16 =	vadd.s32 $0x12, v1;
	v8 =	vld.idx.msk [tilespmem:v8+s4+$0x0], $0xffff;
	[tilespmem:s11+$0x8040] =	vst v13  }
0x2cf: {  	v13 =	vadd.s32 $0xE, v3;
	v9 =	vld.idx.msk [tilespmem:v9+s4+$0x0], $0xffff;
	[tilespmem:s7+$0x8040] =	vst v11  }
0x2d0: {  	v11 =	vadd.s32 $0xE, v4;
	v7 =	vld.idx.msk [tilespmem:v7+s4+$0x0], $0xffff;
	[tilespmem:s14+$0x8040] =	vst v12  }
0x2d1: {  	[tilespmem:s3+$0x9840] =	vst v14;
	v12 =	vadd.s32 $0xE, v5;
	v14 =	vld.idx.msk [tilespmem:v15+s4+$0x0], $0xffff  }
0x2d2: {  	v10 =	vadd.s32 $0xE, v6;
	v17 =	vld.idx.msk [tilespmem:v17+s4+$0x0], $0xffff  }
0x2d3: {  	[tilespmem:s10+$0x8840] =	vst v8;
	v15 =	vld.idx.msk [tilespmem:v16+s4+$0x0], $0xffff;
	v16 =	vadd.s32 $0x10, v0  }
0x2d4: {  	v8 =	vadd.s32 $0xF, v2;
	v13 =	vld.idx.msk [tilespmem:v13+s4+$0x0], $0xffff;
	[tilespmem:s11+$0x8840] =	vst v9  }
0x2d5: {  	v9 =	vadd.s32 $0xF, v3;
	v11 =	vld.idx.msk [tilespmem:v11+s4+$0x0], $0xffff;
	[tilespmem:s7+$0x8840] =	vst v7  }
0x2d6: {  	v7 =	vadd.s32 $0xF, v4;
	v12 =	vld.idx.msk [tilespmem:v12+s4+$0x0], $0xffff;
	[tilespmem:s14+$0x8840] =	vst v14  }
0x2d7: {  	[tilespmem:s9+$0x9040] =	vst v17;
	v14 =	vadd.s32 $0xF, v5;
	v10 =	vld.idx.msk [tilespmem:v10+s4+$0x0], $0xffff  }
0x2d8: {  	[tilespmem:s5+$0xB040] =	vst v15;
	v15 =	vld.idx.msk [tilespmem:v16+s4+$0x0], $0xffff;
	v16 =	vadd.s32 $0xF, v6  }
0x2d9: {  	v1 =	vadd.s32 $0x13, v1;
	v8 =	vld.idx.msk [tilespmem:v8+s4+$0x0], $0xffff;
	[tilespmem:s10+$0x9040] =	vst v13  }
0x2da: {  	v13 =	vadd.s32 $0x10, v2;
	v9 =	vld.idx.msk [tilespmem:v9+s4+$0x0], $0xffff;
	[tilespmem:s11+$0x9040] =	vst v11  }
0x2db: {  	v11 =	vadd.s32 $0x10, v3;
	v7 =	vld.idx.msk [tilespmem:v7+s4+$0x0], $0xffff;
	[tilespmem:s7+$0x9040] =	vst v12  }
0x2dc: {  	v12 =	vadd.s32 $0x10, v4;
	v14 =	vld.idx.msk [tilespmem:v14+s4+$0x0], $0xffff;
	[tilespmem:s14+$0x9040] =	vst v10  }
0x2dd: {  	[tilespmem:s3+$0xA040] =	vst v15;
	v10 =	vadd.s32 $0x10, v5;
	v15 =	vld.idx.msk [tilespmem:v16+s4+$0x0], $0xffff  }
0x2de: {  	v1 =	vld.idx.msk [tilespmem:v1+s4+$0x0], $0xffff;
	[tilespmem:s9+$0x9840] =	vst v8;
	v8 =	vadd.s32 $0x10, v6  }
0x2df: {  	v13 =	vld.idx.msk [tilespmem:v13+s4+$0x0], $0xffff;
	[tilespmem:s10+$0x9840] =	vst v9;
	v16 =	vadd.s32 $0x11, v0  }
0x2e0: {  	v9 =	vadd.s32 $0x11, v2;
	v11 =	vld.idx.msk [tilespmem:v11+s4+$0x0], $0xffff;
	[tilespmem:s11+$0x9840] =	vst v7  }
0x2e1: {  	v7 =	vadd.s32 $0x11, v3;
	v12 =	vld.idx.msk [tilespmem:v12+s4+$0x0], $0xffff;
	[tilespmem:s7+$0x9840] =	vst v14  }
0x2e2: {  	v14 =	vadd.s32 $0x11, v4;
	v10 =	vld.idx.msk [tilespmem:v10+s4+$0x0], $0xffff;
	[tilespmem:s14+$0x9840] =	vst v15  }
0x2e3: {  	[tilespmem:s5+$0xB840] =	vst v1;
	v1 =	vadd.s32 $0x11, v5;
	v8 =	vld.idx.msk [tilespmem:v8+s4+$0x0], $0xffff  }
0x2e4: {  	[tilespmem:s9+$0xA040] =	vst v13;
	v13 =	vadd.s32 $0x11, v6;
	v15 =	vld.idx.msk [tilespmem:v16+s4+$0x0], $0xffff  }
0x2e5: {  	v9 =	vld.idx.msk [tilespmem:v9+s4+$0x0], $0xffff;
	v16 =	vadd.s32 $0x12, v0;
	[tilespmem:s10+$0xA040] =	vst v11  }
0x2e6: {  	v11 =	vadd.s32 $0x12, v2;
	v7 =	vld.idx.msk [tilespmem:v7+s4+$0x0], $0xffff;
	[tilespmem:s11+$0xA040] =	vst v12  }
0x2e7: {  	v12 =	vadd.s32 $0x12, v3;
	v14 =	vld.idx.msk [tilespmem:v14+s4+$0x0], $0xffff;
	[tilespmem:s7+$0xA040] =	vst v10  }
0x2e8: {  	v10 =	vadd.s32 $0x12, v4;
	v1 =	vld.idx.msk [tilespmem:v1+s4+$0x0], $0xffff;
	[tilespmem:s14+$0xA040] =	vst v8  }
0x2e9: {  	[tilespmem:s3+$0xA840] =	vst v15;
	v8 =	vadd.s32 $0x12, v5;
	v13 =	vld.idx.msk [tilespmem:v13+s4+$0x0], $0xffff  }
0x2ea: {  	[tilespmem:s9+$0xA840] =	vst v9;
	v9 =	vadd.s32 $0x12, v6;
	v15 =	vld.idx.msk [tilespmem:v16+s4+$0x0], $0xffff  }
0x2eb: {  	v0 =	vadd.s32 $0x13, v0;
	v11 =	vld.idx.msk [tilespmem:v11+s4+$0x0], $0xffff;
	[tilespmem:s10+$0xA840] =	vst v7  }
0x2ec: {  	v2 =	vadd.s32 $0x13, v2;
	v7 =	vld.idx.msk [tilespmem:v12+s4+$0x0], $0xffff;
	[tilespmem:s11+$0xA840] =	vst v14  }
0x2ed: {  	v3 =	vadd.s32 $0x13, v3;
	v10 =	vld.idx.msk [tilespmem:v10+s4+$0x0], $0xffff;
	[tilespmem:s7+$0xA840] =	vst v1  }
0x2ee: {  	v1 =	vadd.s32 $0x13, v4;
	v4 =	vld.idx.msk [tilespmem:v8+s4+$0x0], $0xffff;
	[tilespmem:s14+$0xA840] =	vst v13  }
0x2ef: {  	v5 =	vadd.s32 $0x13, v5;
	[tilespmem:s3+$0xB040] =	vst v15;
	v8 =	vld.idx.msk [tilespmem:v9+s4+$0x0], $0xffff  }
0x2f0: {  	v6 =	vadd.s32 $0x13, v6;
	[tilespmem:s9+$0xB040] =	vst v11;
	v0 =	vld.idx.msk [tilespmem:v0+s4+$0x0], $0xffff  }
0x2f1: {  	v2 =	vld.idx.msk [tilespmem:v2+s4+$0x0], $0xffff;
	[tilespmem:s10+$0xB040] =	vst v7  }
0x2f2: {  	v3 =	vld.idx.msk [tilespmem:v3+s4+$0x0], $0xffff;
	[tilespmem:s11+$0xB040] =	vst v10  }
0x2f3: {  	v1 =	vld.idx.msk [tilespmem:v1+s4+$0x0], $0xffff;
	[tilespmem:s7+$0xB040] =	vst v4  }
0x2f4: {  	v4 =	vld.idx.msk [tilespmem:v5+s4+$0x0], $0xffff;
	[tilespmem:s14+$0xB040] =	vst v8  }
0x2f5: {  	[tilespmem:s3+$0xB840] =	vst v0;
	v0 =	vld.idx.msk [tilespmem:v6+s4+$0x0], $0xffff  }
0x2f6: {  	[tilespmem:s9+$0xB840] =	vst v2  }
0x2f7: {  	s0 =	sor.u32 $0x20000, s0;
	[tilespmem:s10+$0xB840] =	vst v3  }
0x2f8: {  	s1 =	sor.u32 s6, s0;
	[tilespmem:s11+$0xB840] =	vst v1  }
0x2f9: {  	s15 =	simm.s32 $0x2040;
	s1 =	sshrl.u32 s1, $0x3;
	[tilespmem:s7+$0xB840] =	vst v4  }
0x2fa: {  	s17 =	simm.s32 $0x0;
	s20 =	simm.s32 $0x0;
	s1 =	sadd.s32 s2, s1;
	[tilespmem:s14+$0xB840] =	vst v0  }
0x2fb: {  	[hbm4b:s1+s18] =	stream.strided.scatter [tilespmem:s15], [sflag:$0x3], $0xA000, s19, s18, $0x38;
	[tilespmem:$0x16040] =	vst v63  }
0x2fc: {  	s21 =	sand.u32 $0x380, s17;
	s3 =	sand.u32 $0x400, s20;
	_ =	swait.ge [sflag:s24], $0xA000  }
0x2fd: {  	s3 =	sor.u32 s21, s3;
	s1 =	sand.u32 $0x70, s17;
	[sflag:s24] =	ssyncset.done $0x0  }
0x2fe: {  	s13 =	sor.u32 s3, s1;
	[sflag:s24] =	ssyncadd.s32 $0xFFFF6000  }
0x2ff: {  	v0 =	vld [tilespmem:s13+$0x1840];
	_ =	sdelay $0x4  }
0x300: {  	v7 =	vmul.u32 $0x14, v0;
	_ =	sdelay $0x5  }
0x301: {  	v0 =	vld.idx.msk [tilespmem:v7+s4+$0x0], $0xffff  }
0x302: {  	s25 =	simm.s32 $0x80;
	s5 =	simm.s32 $0x8;
	v1 =	vor.u32 $0x1, v7  }
0x303: {  	s7 =	simm.s32 $0x10;
	s3 =	sand.u32 $0x380, s5;
	s1 =	sand.u32 $0x400, s25  }
0x304: {  	s5 =	sand.u32 $0x70, s7;
	s1 =	sor.u32 s3, s1  }
0x305: {  	s5 =	sor.u32 s1, s5  }
0x306: {  	v2 =	vld [tilespmem:s5+$0x1840];
	[tilespmem:s13+$0xC040] =	vst v0  }
0x307: {  	v0 =	vld.idx.msk [tilespmem:v1+s4+$0x0], $0xffff  }
0x308: {  	v3 =	vor.u32 $0x2, v7;
	_ =	sdelay $0x3  }
0x309: {  	v1 =	vmul.u32 $0x14, v2;
	[tilespmem:s13+$0xC840] =	vst v0  }
0x30a: {  	v0 =	vld.idx.msk [tilespmem:v3+s4+$0x0], $0xffff  }
0x30b: {  	v2 =	vor.u32 $0x3, v7;
	_ =	sdelay $0x3  }
0x30c: {  	v3 =	vld.idx.msk [tilespmem:v1+s4+$0x0], $0xffff;
	[tilespmem:s13+$0xD040] =	vst v0  }
0x30d: {  	s9 =	simm.s32 $0x100;
	s10 =	simm.s32 $0x10;
	v0 =	vor.u32 $0x1, v1;
	v2 =	vld.idx.msk [tilespmem:v2+s4+$0x0], $0xffff  }
0x30e: {  	s11 =	simm.s32 $0x20;
	s3 =	sand.u32 $0x380, s10;
	s1 =	sand.u32 $0x400, s9;
	v4 =	vadd.s32 $0x4, v7  }
0x30f: {  	s7 =	sand.u32 $0x70, s11;
	s1 =	sor.u32 s3, s1  }
0x310: {  	s3 =	sor.u32 s1, s7  }
0x311: {  	v5 =	vld [tilespmem:s3+$0x1840];
	[tilespmem:s5+$0xC040] =	vst v3  }
0x312: {  	v3 =	vld.idx.msk [tilespmem:v0+s4+$0x0], $0xffff;
	[tilespmem:s13+$0xD840] =	vst v2  }
0x313: {  	v2 =	vld.idx.msk [tilespmem:v4+s4+$0x0], $0xffff;
	v4 =	vor.u32 $0x2, v1  }
0x314: {  	v6 =	vadd.s32 $0x5, v7;
	_ =	sdelay $0x1  }
0x315: {  	v0 =	vmul.u32 $0x14, v5  }
0x316: {  	[tilespmem:s5+$0xC840] =	vst v3  }
0x317: {  	v3 =	vld.idx.msk [tilespmem:v4+s4+$0x0], $0xffff;
	[tilespmem:s13+$0xE040] =	vst v2  }
0x318: {  	v4 =	vor.u32 $0x3, v1;
	v2 =	vld.idx.msk [tilespmem:v6+s4+$0x0], $0xffff  }
0x319: {  	v5 =	vadd.s32 $0x6, v7;
	_ =	sdelay $0x1  }
0x31a: {  	v6 =	vld.idx.msk [tilespmem:v0+s4+$0x0], $0xffff  }
0x31b: {  	s12 =	simm.s32 $0x180;
	s14 =	simm.s32 $0x18;
	v8 =	vor.u32 $0x1, v0;
	[tilespmem:s5+$0xD040] =	vst v3  }
0x31c: {  	s15 =	simm.s32 $0x30;
	s7 =	sand.u32 $0x380, s14;
	s1 =	sand.u32 $0x400, s12;
	v3 =	vld.idx.msk [tilespmem:v4+s4+$0x0], $0xffff;
	[tilespmem:s13+$0xE840] =	vst v2  }
0x31d: {  	s9 =	sand.u32 $0x70, s15;
	s1 =	sor.u32 s7, s1;
	v4 =	vadd.s32 $0x4, v1;
	v2 =	vld.idx.msk [tilespmem:v5+s4+$0x0], $0xffff  }
0x31e: {  	s9 =	sor.u32 s1, s9;
	v5 =	vadd.s32 $0x7, v7  }
0x31f: {  	v9 =	vld [tilespmem:s9+$0x1840];
	[tilespmem:s3+$0xC040] =	vst v6  }
0x320: {  	v6 =	vld.idx.msk [tilespmem:v8+s4+$0x0], $0xffff  }
0x321: {  	[tilespmem:s5+$0xD840] =	vst v3;
	v3 =	vor.u32 $0x2, v0  }
0x322: {  	v4 =	vld.idx.msk [tilespmem:v4+s4+$0x0], $0xffff;
	[tilespmem:s13+$0xF040] =	vst v2  }
0x323: {  	v8 =	vadd.s32 $0x5, v1;
	v5 =	vld.idx.msk [tilespmem:v5+s4+$0x0], $0xffff  }
0x324: {  	v10 =	vadd.s32 $0x8, v7  }
0x325: {  	v2 =	vmul.u32 $0x14, v9;
	[tilespmem:s3+$0xC840] =	vst v6  }
0x326: {  	v3 =	vld.idx.msk [tilespmem:v3+s4+$0x0], $0xffff  }
0x327: {  	[tilespmem:s5+$0xE040] =	vst v4;
	v4 =	vor.u32 $0x3, v0  }
0x328: {  	v6 =	vld.idx.msk [tilespmem:v8+s4+$0x0], $0xffff;
	[tilespmem:s13+$0xF840] =	vst v5  }
0x329: {  	v8 =	vadd.s32 $0x6, v1;
	v5 =	vld.idx.msk [tilespmem:v10+s4+$0x0], $0xffff  }
0x32a: {  	v9 =	vadd.s32 $0x9, v7  }
0x32b: {  	v10 =	vld.idx.msk [tilespmem:v2+s4+$0x0], $0xffff;
	[tilespmem:s3+$0xD040] =	vst v3  }
0x32c: {  	s20 =	simm.s32 $0x20;
	s17 =	simm.s32 $0x200;
	v3 =	vor.u32 $0x1, v2;
	v4 =	vld.idx.msk [tilespmem:v4+s4+$0x0], $0xffff  }
0x32d: {  	s21 =	simm.s32 $0x40;
	s7 =	sand.u32 $0x380, s20;
	s1 =	sand.u32 $0x400, s17;
	[tilespmem:s5+$0xE840] =	vst v6;
	v6 =	vadd.s32 $0x4, v0  }
0x32e: {  	s10 =	sand.u32 $0x70, s21;
	s1 =	sor.u32 s7, s1;
	v8 =	vld.idx.msk [tilespmem:v8+s4+$0x0], $0xffff;
	[tilespmem:s13+$0x10040] =	vst v5  }
0x32f: {  	s10 =	sor.u32 s1, s10;
	v5 =	vld.idx.msk [tilespmem:v9+s4+$0x0], $0xffff;
	v9 =	vadd.s32 $0x7, v1  }
0x330: {  	v11 =	vld [tilespmem:s10+$0x1840];
	[tilespmem:s9+$0xC040] =	vst v10;
	v10 =	vadd.s32 $0xA, v7  }
0x331: {  	v12 =	vld.idx.msk [tilespmem:v3+s4+$0x0], $0xffff;
	[tilespmem:s3+$0xD840] =	vst v4  }
0x332: {  	v4 =	vld.idx.msk [tilespmem:v6+s4+$0x0], $0xffff;
	v6 =	vor.u32 $0x2, v2  }
0x333: {  	[tilespmem:s5+$0xF040] =	vst v8;
	v8 =	vadd.s32 $0x5, v0  }
0x334: {  	[tilespmem:s13+$0x10840] =	vst v5;
	v5 =	vld.idx.msk [tilespmem:v9+s4+$0x0], $0xffff  }
0x335: {  	v9 =	vld.idx.msk [tilespmem:v10+s4+$0x0], $0xffff;
	v10 =	vadd.s32 $0x8, v1  }
0x336: {  	v13 =	vadd.s32 $0xB, v7;
	v3 =	vmul.u32 $0x14, v11;
	[tilespmem:s9+$0xC840] =	vst v12  }
0x337: {  	v6 =	vld.idx.msk [tilespmem:v6+s4+$0x0], $0xffff;
	[tilespmem:s3+$0xE040] =	vst v4  }
0x338: {  	v4 =	vld.idx.msk [tilespmem:v8+s4+$0x0], $0xffff;
	v8 =	vor.u32 $0x3, v2  }
0x339: {  	[tilespmem:s5+$0xF840] =	vst v5;
	v5 =	vadd.s32 $0x6, v0  }
0x33a: {  	v10 =	vld.idx.msk [tilespmem:v10+s4+$0x0], $0xffff;
	[tilespmem:s13+$0x11040] =	vst v9  }
0x33b: {  	s25 =	simm.s32 $0x280;
	s11 =	simm.s32 $0x28;
	v9 =	vadd.s32 $0x9, v1;
	v11 =	vld.idx.msk [tilespmem:v13+s4+$0x0], $0xffff  }
0x33c: {  	s12 =	simm.s32 $0x50;
	s7 =	sand.u32 $0x380, s11;
	s1 =	sand.u32 $0x400, s25;
	v12 =	vld.idx.msk [tilespmem:v3+s4+$0x0], $0xffff;
	[tilespmem:s9+$0xD040] =	vst v6;
	v6 =	vadd.s32 $0xC, v7  }
0x33d: {  	s11 =	sand.u32 $0x70, s12;
	s1 =	sor.u32 s7, s1;
	v13 =	vor.u32 $0x1, v3;
	v8 =	vld.idx.msk [tilespmem:v8+s4+$0x0], $0xffff;
	[tilespmem:s3+$0xE840] =	vst v4  }
0x33e: {  	s11 =	sor.u32 s1, s11;
	v4 =	vld.idx.msk [tilespmem:v5+s4+$0x0], $0xffff;
	v5 =	vadd.s32 $0x4, v2  }
0x33f: {  	v14 =	vld [tilespmem:s11+$0x1840];
	[tilespmem:s5+$0x10040] =	vst v10;
	v10 =	vadd.s32 $0x7, v0  }
0x340: {  	v9 =	vld.idx.msk [tilespmem:v9+s4+$0x0], $0xffff;
	[tilespmem:s13+$0x11840] =	vst v11  }
0x341: {  	s15 =	simm.s32 $0x30;
	s14 =	simm.s32 $0x300;
	[tilespmem:s10+$0xC040] =	vst v12;
	v11 =	vadd.s32 $0xA, v1;
	v6 =	vld.idx.msk [tilespmem:v6+s4+$0x0], $0xffff  }
0x342: {  	s12 =	simm.s32 $0x60;
	s7 =	sand.u32 $0x380, s15;
	s1 =	sand.u32 $0x400, s14;
	v12 =	vld.idx.msk [tilespmem:v13+s4+$0x0], $0xffff;
	[tilespmem:s9+$0xD840] =	vst v8;
	v8 =	vadd.s32 $0xD, v7  }
0x343: {  	s12 =	sand.u32 $0x70, s12;
	s1 =	sor.u32 s7, s1;
	v13 =	vor.u32 $0x2, v3;
	v5 =	vld.idx.msk [tilespmem:v5+s4+$0x0], $0xffff;
	[tilespmem:s3+$0xF040] =	vst v4  }
0x344: {  	s7 =	sor.u32 s1, s12;
	v15 =	vadd.s32 $0x5, v2;
	v10 =	vld.idx.msk [tilespmem:v10+s4+$0x0], $0xffff  }
0x345: {  	v4 =	vmul.u32 $0x14, v14;
	v14 =	vld [tilespmem:s7+$0x1840];
	[tilespmem:s5+$0x10840] =	vst v9;
	v9 =	vadd.s32 $0x8, v0  }
0x346: {  	v11 =	vld.idx.msk [tilespmem:v11+s4+$0x0], $0xffff;
	[tilespmem:s13+$0x12040] =	vst v6  }
0x347: {  	[tilespmem:s10+$0xC840] =	vst v12;
	v6 =	vld.idx.msk [tilespmem:v8+s4+$0x0], $0xffff;
	v8 =	vadd.s32 $0xB, v1  }
0x348: {  	v12 =	vld.idx.msk [tilespmem:v13+s4+$0x0], $0xffff;
	[tilespmem:s9+$0xE040] =	vst v5;
	v5 =	vadd.s32 $0xE, v7  }
0x349: {  	v13 =	vld.idx.msk [tilespmem:v15+s4+$0x0], $0xffff;
	[tilespmem:s3+$0xF840] =	vst v10;
	v10 =	vor.u32 $0x3, v3  }
0x34a: {  	v15 =	vadd.s32 $0x6, v2;
	v9 =	vld.idx.msk [tilespmem:v9+s4+$0x0], $0xffff  }
0x34b: {  	v16 =	vld.idx.msk [tilespmem:v4+s4+$0x0], $0xffff;
	[tilespmem:s5+$0x11040] =	vst v11;
	v11 =	vadd.s32 $0x9, v0  }
0x34c: {  	[tilespmem:s13+$0x12840] =	vst v6;
	v6 =	vld.idx.msk [tilespmem:v8+s4+$0x0], $0xffff;
	v8 =	vor.u32 $0x1, v4  }
0x34d: {  	v17 =	vadd.s32 $0xC, v1;
	[tilespmem:s10+$0xD040] =	vst v12;
	v12 =	vld.idx.msk [tilespmem:v5+s4+$0x0], $0xffff  }
0x34e: {  	v10 =	vld.idx.msk [tilespmem:v10+s4+$0x0], $0xffff;
	[tilespmem:s9+$0xE840] =	vst v13;
	v13 =	vadd.s32 $0xF, v7  }
0x34f: {  	v5 =	vmul.u32 $0x14, v14;
	v15 =	vld.idx.msk [tilespmem:v15+s4+$0x0], $0xffff;
	[tilespmem:s3+$0x10040] =	vst v9;
	v9 =	vadd.s32 $0x4, v3  }
0x350: {  	[tilespmem:s11+$0xC040] =	vst v16;
	v11 =	vld.idx.msk [tilespmem:v11+s4+$0x0], $0xffff  }
0x351: {  	v8 =	vld.idx.msk [tilespmem:v8+s4+$0x0], $0xffff;
	[tilespmem:s5+$0x11840] =	vst v6;
	v6 =	vadd.s32 $0x7, v2  }
0x352: {  	v14 =	vld.idx.msk [tilespmem:v17+s4+$0x0], $0xffff;
	[tilespmem:s13+$0x13040] =	vst v12;
	v12 =	vadd.s32 $0xA, v0  }
0x353: {  	v13 =	vld.idx.msk [tilespmem:v13+s4+$0x0], $0xffff;
	[tilespmem:s10+$0xD840] =	vst v10;
	v10 =	vadd.s32 $0xD, v1  }
0x354: {  	v16 =	vadd.s32 $0x10, v7;
	v9 =	vld.idx.msk [tilespmem:v9+s4+$0x0], $0xffff  }
0x355: {  	v17 =	vor.u32 $0x2, v4;
	[tilespmem:s9+$0xF040] =	vst v15;
	v15 =	vld.idx.msk [tilespmem:v5+s4+$0x0], $0xffff  }
0x356: {  	[tilespmem:s3+$0x10840] =	vst v11;
	v11 =	vadd.s32 $0x5, v3;
	v6 =	vld.idx.msk [tilespmem:v6+s4+$0x0], $0xffff  }
0x357: {  	v12 =	vld.idx.msk [tilespmem:v12+s4+$0x0], $0xffff;
	[tilespmem:s5+$0x12040] =	vst v14;
	v14 =	vadd.s32 $0x8, v2  }
0x358: {  	v10 =	vld.idx.msk [tilespmem:v10+s4+$0x0], $0xffff;
	[tilespmem:s13+$0x13840] =	vst v13  }
0x359: {  	s17 =	simm.s32 $0x380;
	s25 =	simm.s32 $0x38;
	[tilespmem:s11+$0xC840] =	vst v8;
	v13 =	vadd.s32 $0xB, v0;
	v8 =	vld.idx.msk [tilespmem:v16+s4+$0x0], $0xffff  }
0x35a: {  	s20 =	sand.u32 $0x380, s25;
	s15 =	simm.s32 $0x70;
	s1 =	sand.u32 $0x400, s17;
	v16 =	vld.idx.msk [tilespmem:v17+s4+$0x0], $0xffff;
	[tilespmem:s10+$0xE040] =	vst v9;
	v9 =	vadd.s32 $0xE, v1  }
0x35b: {  	s21 =	sand.u32 $0x70, s15;
	s1 =	sor.u32 s20, s1;
	v17 =	vor.u32 $0x3, v4;
	v11 =	vld.idx.msk [tilespmem:v11+s4+$0x0], $0xffff;
	[tilespmem:s9+$0xF840] =	vst v6  }
0x35c: {  	s14 =	sor.u32 s1, s21;
	v6 =	vadd.s32 $0x11, v7;
	v14 =	vld.idx.msk [tilespmem:v14+s4+$0x0], $0xffff;
	[tilespmem:s3+$0x11040] =	vst v12  }
0x35d: {  	v18 =	vadd.s32 $0x6, v3;
	v12 =	vld [tilespmem:s14+$0x1840];
	[tilespmem:s5+$0x12840] =	vst v10  }
0x35e: {  	v10 =	vadd.s32 $0x9, v2;
	v13 =	vld.idx.msk [tilespmem:v13+s4+$0x0], $0xffff;
	[tilespmem:s13+$0x14040] =	vst v8  }
0x35f: {  	v8 =	vor.u32 $0x1, v5;
	v9 =	vld.idx.msk [tilespmem:v9+s4+$0x0], $0xffff;
	[tilespmem:s11+$0xD040] =	vst v16  }
0x360: {  	v16 =	vadd.s32 $0xC, v0;
	v17 =	vld.idx.msk [tilespmem:v17+s4+$0x0], $0xffff  }
0x361: {  	[tilespmem:s10+$0xE840] =	vst v11;
	v11 =	vadd.s32 $0xF, v1;
	v19 =	vld.idx.msk [tilespmem:v6+s4+$0x0], $0xffff  }
0x362: {  	v18 =	vld.idx.msk [tilespmem:v18+s4+$0x0], $0xffff;
	[tilespmem:s9+$0x10040] =	vst v14;
	v14 =	vadd.s32 $0x12, v7  }
0x363: {  	[tilespmem:s7+$0xC040] =	vst v15;
	v6 =	vmul.u32 $0x14, v12;
	v12 =	vadd.s32 $0x4, v4;
	v10 =	vld.idx.msk [tilespmem:v10+s4+$0x0], $0xffff  }
0x364: {  	[tilespmem:s3+$0x11840] =	vst v13;
	v8 =	vld.idx.msk [tilespmem:v8+s4+$0x0], $0xffff  }
0x365: {  	v13 =	vadd.s32 $0x7, v3;
	v15 =	vld.idx.msk [tilespmem:v16+s4+$0x0], $0xffff;
	[tilespmem:s5+$0x13040] =	vst v9  }
0x366: {  	v9 =	vadd.s32 $0xA, v2;
	v20 =	vld.idx.msk [tilespmem:v11+s4+$0x0], $0xffff;
	[tilespmem:s13+$0x14840] =	vst v19  }
0x367: {  	v22 =	vadd.s32 $0xD, v0;
	[tilespmem:s11+$0xD840] =	vst v17;
	v23 =	vld.idx.msk [tilespmem:v14+s4+$0x0], $0xffff  }
0x368: {  	v63 =	vadd.s32 $0x10, v1;
	[tilespmem:s10+$0xF040] =	vst v18;
	v19 =	vld.idx.msk [tilespmem:v12+s4+$0x0], $0xffff  }
0x369: {  	v16 =	vld.idx.msk [tilespmem:v6+s4+$0x0], $0xffff;
	[tilespmem:s9+$0x10840] =	vst v10  }
0x36a: {  	v21 =	vor.u32 $0x2, v5;
	v17 =	vld.idx.msk [tilespmem:v13+s4+$0x0], $0xffff;
	[tilespmem:s7+$0xC840] =	vst v8  }
0x36b: {  	v11 =	vadd.s32 $0xB, v2;
	v13 =	vld.idx.msk [tilespmem:v9+s4+$0x0], $0xffff;
	[tilespmem:s3+$0x12040] =	vst v15;
	v15 =	vadd.s32 $0x13, v7  }
0x36c: {  	v18 =	vadd.s32 $0x8, v3;
	v12 =	vadd.s32 $0xB, v6;
	v14 =	vld.idx.msk [tilespmem:v22+s4+$0x0], $0xffff;
	[tilespmem:s5+$0x13840] =	vst v20;
	v20 =	vadd.s32 $0x5, v4  }
0x36d: {  	s17 =	simm.s32 $0x1000;
	v10 =	vadd.s32 $0xB, v3;
	v8 =	vadd.s32 $0xB, v4;
	v9 =	vadd.s32 $0xB, v5;
	v7 =	vld.idx.msk [tilespmem:v63+s4+$0x0], $0xffff;
	[tilespmem:s13+$0x15040] =	vst v23  }
.LBB2_9:
0x36e: {  	s1 =	smov.u32 s17  }
0x36f: {  	s12 =	sshrl.u32 s17, $0x2;
	s25 =	sadd.s32 $0x8, s25;
	v21 =	vld.idx.msk [tilespmem:v21+s4+$0x0], $0xffff;
	[tilespmem:s11+$0xE040] =	vst v19;
	s1 =	sadd.s32 $0x200, s17  }
0x370: {  	s15 =	sadd.s32 $0x10, s15;
	v19 =	vadd.s32 $0xE, v0;
	s20 =	sand.u32 $0x380, s25;
	s12 =	sand.u32 $0x400, s12;
	v15 =	vld.idx.msk [tilespmem:v15+s4+$0x0], $0xffff  }
0x371: {  	p0 =	sne.s32 s17, $0xFE00;
	s21 =	sand.u32 $0x70, s15;
	s12 =	sor.u32 s20, s12;
	v20 =	vld.idx.msk [tilespmem:v20+s4+$0x0], $0xffff;
	[tilespmem:s10+$0xF840] =	vst v17;
	v17 =	vadd.s32 $0x11, v1  }
0x372: {  	v22 =	vor.u32 $0x3, v5;
	s12 =	sor.u32 s12, s21;
	v18 =	vld.idx.msk [tilespmem:v18+s4+$0x0], $0xffff;
	[tilespmem:s9+$0x11040] =	vst v13  }
0x373: {  	v23 =	vadd.s32 $0x6, v4;
	v13 =	vld [tilespmem:s12+$0x1840];
	[tilespmem:s3+$0x12840] =	vst v14  }
0x374: {  	v14 =	vadd.s32 $0x9, v3;
	v24 =	vld.idx.msk [tilespmem:v11+s4+$0x0], $0xffff;
	[tilespmem:s5+$0x14040] =	vst v7;
	v11 =	vmovc v10;
	v10 =	vmovc v8;
	v8 =	vmov v9;
	v9 =	vmov v12  }
0x375: {  	v7 =	vor.u32 $0x1, v6;
	[tilespmem:s7+$0xD040] =	vst v21;
	v19 =	vld.idx.msk [tilespmem:v19+s4+$0x0], $0xffff  }
0x376: {  	v21 =	vadd.s32 $0xC, v2;
	v17 =	vld.idx.msk [tilespmem:v17+s4+$0x0], $0xffff;
	[tilespmem:s13+$0x15840] =	vst v15;
	s13 =	smov.u32 s5;
	s5 =	smov.u32 s3;
	s3 =	smov.u32 s9  }
0x377: {  	s9 =	smov.u32 s10;
	s10 =	smov.u32 s11;
	v15 =	vld.idx.msk [tilespmem:v22+s4+$0x0], $0xffff;
	[tilespmem:s11+$0xE840] =	vst v20;
	v20 =	vadd.s32 $0xF, v0;
	s11 =	smov.u32 s7  }
0x378: {  	s7 =	smov.u32 s14;
	s14 =	smov.u32 s12;
	v22 =	vld.idx.msk [tilespmem:v23+s4+$0x0], $0xffff;
	[tilespmem:s9+$0x10040] =	vst v18;
	v18 =	vadd.s32 $0x12, v1  }
0x379: {  	v23 =	vmul.u32 $0x14, v13;
	v13 =	vadd.s32 $0x4, v5;
	[tilespmem:s7+$0xC040] =	vst v16;
	v14 =	vld.idx.msk [tilespmem:v14+s4+$0x0], $0xffff  }
0x37a: {  	v7 =	vld.idx.msk [tilespmem:v7+s4+$0x0], $0xffff;
	[tilespmem:s3+$0x11840] =	vst v24  }
0x37b: {  	v12 =	vadd.s32 $0xB, v23;
	v24 =	vadd.s32 $0x7, v4;
	v25 =	vld.idx.msk [tilespmem:v21+s4+$0x0], $0xffff;
	[tilespmem:s5+$0x13040] =	vst v19  }
0x37c: {  	v26 =	vadd.s32 $0xA, v3;
	v27 =	vld.idx.msk [tilespmem:v20+s4+$0x0], $0xffff;
	[tilespmem:s13+$0x14840] =	vst v17  }
0x37d: {  	v28 =	vadd.s32 $0xD, v2;
	[tilespmem:s11+$0xD840] =	vst v15;
	v29 =	vld.idx.msk [tilespmem:v18+s4+$0x0], $0xffff  }
0x37e: {  	v19 =	vld.idx.msk [tilespmem:v13+s4+$0x0], $0xffff;
	[tilespmem:s10+$0xF040] =	vst v22;
	v22 =	vadd.s32 $0x10, v0  }
.Ltmp3:
0x37f: {  	v21 =	vor.u32 $0x2, v6;
	v16 =	vld.idx.msk [tilespmem:v23+s4+$0x0], $0xffff;
	[tilespmem:s9+$0x10840] =	vst v14;
	(pc) =	sbr.rel @p0 .LBB2_9-.Ltmp3, $4  }
0x380: {  	v15 =	vadd.s32 $0x13, v1;
	v1 =	vmovc v0;
	v0 =	vmovc v2;
	v2 =	vmov v3;
	v3 =	vmov v4;
	[tilespmem:s7+$0xC840] =	vst v7;
	v17 =	vld.idx.msk [tilespmem:v24+s4+$0x0], $0xffff  }
0x381: {  	v20 =	vadd.s32 $0x5, v5;
	v4 =	vmovc v5;
	v5 =	vmov v6;
	v6 =	vmov v23;
	v13 =	vld.idx.msk [tilespmem:v26+s4+$0x0], $0xffff;
	[tilespmem:s3+$0x12040] =	vst v25  }
0x382: {  	v18 =	vadd.s32 $0x8, v3;
	v14 =	vld.idx.msk [tilespmem:v28+s4+$0x0], $0xffff;
	[tilespmem:s5+$0x13840] =	vst v27  }
0x383: {  	s17 =	smov.u32 s1;
	v7 =	vld.idx.msk [tilespmem:v22+s4+$0x0], $0xffff;
	[tilespmem:s13+$0x15040] =	vst v29  }
0x384: {  	v22 =	vor.u32 $0x1, v6;
	_ =	sdelay $0x3  }
0x385: {  	[tilespmem:s14+$0xC040] =	vst v16  }
0x386: {  	v16 =	vld.idx.msk [tilespmem:v22+s4+$0x0], $0xffff  }
0x387: {  	v22 =	vor.u32 $0x2, v6;
	_ =	sdelay $0x2  }
0x388: {  	v21 =	vld.idx.msk [tilespmem:v21+s4+$0x0], $0xffff  }
0x389: {  	[tilespmem:s14+$0xC840] =	vst v16;
	v16 =	vor.u32 $0x3, v5  }
0x38a: {  	v22 =	vld.idx.msk [tilespmem:v22+s4+$0x0], $0xffff  }
0x38b: {  	v23 =	vor.u32 $0x3, v6;
	_ =	sdelay $0x1  }
0x38c: {  	[tilespmem:s7+$0xD040] =	vst v21  }
0x38d: {  	v16 =	vld.idx.msk [tilespmem:v16+s4+$0x0], $0xffff  }
0x38e: {  	v21 =	vadd.s32 $0x4, v5;
	[tilespmem:s14+$0xD040] =	vst v22  }
0x38f: {  	v22 =	vld.idx.msk [tilespmem:v23+s4+$0x0], $0xffff  }
0x390: {  	v23 =	vadd.s32 $0x4, v6;
	_ =	sdelay $0x1  }
0x391: {  	[tilespmem:s7+$0xD840] =	vst v16  }
0x392: {  	v16 =	vld.idx.msk [tilespmem:v21+s4+$0x0], $0xffff  }
0x393: {  	v21 =	vadd.s32 $0x5, v5;
	[tilespmem:s14+$0xD840] =	vst v22  }
0x394: {  	v22 =	vld.idx.msk [tilespmem:v23+s4+$0x0], $0xffff  }
0x395: {  	v23 =	vadd.s32 $0x5, v6  }
0x396: {  	[tilespmem:s11+$0xE040] =	vst v19  }
0x397: {  	v19 =	vld.idx.msk [tilespmem:v20+s4+$0x0], $0xffff;
	[tilespmem:s7+$0xE040] =	vst v16  }
0x398: {  	v16 =	vadd.s32 $0x6, v4;
	v20 =	vld.idx.msk [tilespmem:v21+s4+$0x0], $0xffff  }
0x399: {  	v21 =	vadd.s32 $0x6, v5;
	[tilespmem:s14+$0xE040] =	vst v22  }
0x39a: {  	v22 =	vld.idx.msk [tilespmem:v23+s4+$0x0], $0xffff  }
0x39b: {  	v23 =	vadd.s32 $0x6, v6  }
0x39c: {  	[tilespmem:s11+$0xE840] =	vst v19  }
0x39d: {  	v16 =	vld.idx.msk [tilespmem:v16+s4+$0x0], $0xffff;
	[tilespmem:s7+$0xE840] =	vst v20  }
0x39e: {  	v19 =	vadd.s32 $0x7, v4;
	v20 =	vld.idx.msk [tilespmem:v21+s4+$0x0], $0xffff  }
0x39f: {  	v21 =	vadd.s32 $0x7, v5;
	[tilespmem:s14+$0xE840] =	vst v22  }
0x3a0: {  	v22 =	vld.idx.msk [tilespmem:v23+s4+$0x0], $0xffff  }
0x3a1: {  	v23 =	vadd.s32 $0x7, v6  }
0x3a2: {  	[tilespmem:s11+$0xF040] =	vst v16  }
0x3a3: {  	v16 =	vld.idx.msk [tilespmem:v19+s4+$0x0], $0xffff;
	[tilespmem:s7+$0xF040] =	vst v20  }
0x3a4: {  	v19 =	vadd.s32 $0x8, v4;
	v20 =	vld.idx.msk [tilespmem:v21+s4+$0x0], $0xffff  }
0x3a5: {  	v21 =	vadd.s32 $0x8, v5;
	[tilespmem:s14+$0xF040] =	vst v22  }
0x3a6: {  	[tilespmem:s10+$0xF840] =	vst v17;
	v22 =	vld.idx.msk [tilespmem:v23+s4+$0x0], $0xffff  }
0x3a7: {  	v17 =	vld.idx.msk [tilespmem:v18+s4+$0x0], $0xffff;
	v23 =	vadd.s32 $0x8, v6  }
0x3a8: {  	[tilespmem:s11+$0xF840] =	vst v16;
	v16 =	vadd.s32 $0x9, v3  }
0x3a9: {  	v18 =	vld.idx.msk [tilespmem:v19+s4+$0x0], $0xffff;
	[tilespmem:s7+$0xF840] =	vst v20  }
0x3aa: {  	v19 =	vadd.s32 $0x9, v4;
	v20 =	vld.idx.msk [tilespmem:v21+s4+$0x0], $0xffff  }
0x3ab: {  	v21 =	vadd.s32 $0x9, v5;
	[tilespmem:s14+$0xF840] =	vst v22  }
0x3ac: {  	[tilespmem:s10+$0x10040] =	vst v17;
	v22 =	vld.idx.msk [tilespmem:v23+s4+$0x0], $0xffff  }
0x3ad: {  	[tilespmem:s9+$0x11040] =	vst v13;
	v23 =	vadd.s32 $0x9, v6;
	v16 =	vld.idx.msk [tilespmem:v16+s4+$0x0], $0xffff  }
0x3ae: {  	v17 =	vadd.s32 $0xA, v3;
	[tilespmem:s11+$0x10040] =	vst v18  }
0x3af: {  	v18 =	vld.idx.msk [tilespmem:v19+s4+$0x0], $0xffff;
	[tilespmem:s7+$0x10040] =	vst v20  }
0x3b0: {  	[tilespmem:s3+$0x12840] =	vst v14;
	v19 =	vadd.s32 $0xA, v4;
	v20 =	vld.idx.msk [tilespmem:v21+s4+$0x0], $0xffff  }
0x3b1: {  	v15 =	vld.idx.msk [tilespmem:v15+s4+$0x0], $0xffff;
	v13 =	vadd.s32 $0xA, v5;
	[tilespmem:s14+$0x10040] =	vst v22  }
0x3b2: {  	[tilespmem:s10+$0x10840] =	vst v16;
	v16 =	vadd.s32 $0xE, v0;
	v21 =	vld.idx.msk [tilespmem:v23+s4+$0x0], $0xffff  }
0x3b3: {  	v14 =	vadd.s32 $0xA, v6;
	[tilespmem:s5+$0x14040] =	vst v7;
	v17 =	vld.idx.msk [tilespmem:v17+s4+$0x0], $0xffff  }
0x3b4: {  	v11 =	vld.idx.msk [tilespmem:v11+s4+$0x0], $0xffff;
	[tilespmem:s11+$0x10840] =	vst v18  }
0x3b5: {  	v18 =	vld.idx.msk [tilespmem:v19+s4+$0x0], $0xffff;
	[tilespmem:s7+$0x10840] =	vst v20  }
0x3b6: {  	[tilespmem:s13+$0x15840] =	vst v15;
	v13 =	vld.idx.msk [tilespmem:v13+s4+$0x0], $0xffff  }
0x3b7: {  	v15 =	vld.idx.msk [tilespmem:v16+s4+$0x0], $0xffff;
	[tilespmem:s14+$0x10840] =	vst v21  }
0x3b8: {  	v16 =	vadd.s32 $0xC, v2;
	[tilespmem:s10+$0x11040] =	vst v17;
	v7 =	vld.idx.msk [tilespmem:v14+s4+$0x0], $0xffff  }
0x3b9: {  	v10 =	vld.idx.msk [tilespmem:v10+s4+$0x0], $0xffff  }
0x3ba: {  	v14 =	vadd.s32 $0x11, v1;
	[tilespmem:s11+$0x11040] =	vst v18  }
0x3bb: {  	v17 =	vadd.s32 $0xC, v3;
	v8 =	vld.idx.msk [tilespmem:v8+s4+$0x0], $0xffff;
	[tilespmem:s7+$0x11040] =	vst v13  }
0x3bc: {  	[tilespmem:s9+$0x11840] =	vst v11;
	v13 =	vadd.s32 $0xC, v4;
	v9 =	vld.idx.msk [tilespmem:v9+s4+$0x0], $0xffff  }
0x3bd: {  	v16 =	vld.idx.msk [tilespmem:v16+s4+$0x0], $0xffff;
	[tilespmem:s14+$0x11040] =	vst v7;
	v7 =	vadd.s32 $0xC, v5  }
0x3be: {  	[tilespmem:s10+$0x11840] =	vst v10;
	v10 =	vadd.s32 $0xD, v2;
	v11 =	vld.idx.msk [tilespmem:v12+s4+$0x0], $0xffff  }
0x3bf: {  	[tilespmem:s3+$0x13040] =	vst v15;
	v12 =	vld.idx.msk [tilespmem:v14+s4+$0x0], $0xffff;
	v14 =	vadd.s32 $0xC, v6  }
0x3c0: {  	v15 =	vadd.s32 $0xF, v0;
	v17 =	vld.idx.msk [tilespmem:v17+s4+$0x0], $0xffff;
	[tilespmem:s11+$0x11840] =	vst v8  }
0x3c1: {  	v13 =	vld.idx.msk [tilespmem:v13+s4+$0x0], $0xffff;
	[tilespmem:s7+$0x11840] =	vst v9  }
0x3c2: {  	v8 =	vadd.s32 $0xD, v3;
	[tilespmem:s9+$0x12040] =	vst v16;
	v7 =	vld.idx.msk [tilespmem:v7+s4+$0x0], $0xffff  }
0x3c3: {  	v9 =	vadd.s32 $0xD, v4;
	v10 =	vld.idx.msk [tilespmem:v10+s4+$0x0], $0xffff;
	[tilespmem:s14+$0x11840] =	vst v11  }
0x3c4: {  	[tilespmem:s5+$0x14840] =	vst v12;
	v11 =	vadd.s32 $0xD, v5;
	v12 =	vld.idx.msk [tilespmem:v14+s4+$0x0], $0xffff  }
0x3c5: {  	[tilespmem:s10+$0x12040] =	vst v17;
	v14 =	vld.idx.msk [tilespmem:v15+s4+$0x0], $0xffff;
	v15 =	vadd.s32 $0xD, v6  }
0x3c6: {  	v17 =	vadd.s32 $0xE, v2;
	[tilespmem:s11+$0x12040] =	vst v13  }
0x3c7: {  	v16 =	vadd.s32 $0x12, v1;
	v8 =	vld.idx.msk [tilespmem:v8+s4+$0x0], $0xffff;
	[tilespmem:s7+$0x12040] =	vst v7  }
0x3c8: {  	v13 =	vadd.s32 $0xE, v3;
	v9 =	vld.idx.msk [tilespmem:v9+s4+$0x0], $0xffff;
	[tilespmem:s9+$0x12840] =	vst v10  }
0x3c9: {  	v7 =	vadd.s32 $0xE, v4;
	v11 =	vld.idx.msk [tilespmem:v11+s4+$0x0], $0xffff;
	[tilespmem:s14+$0x12040] =	vst v12  }
0x3ca: {  	[tilespmem:s3+$0x13840] =	vst v14;
	v12 =	vadd.s32 $0xE, v5;
	v14 =	vld.idx.msk [tilespmem:v15+s4+$0x0], $0xffff  }
0x3cb: {  	v10 =	vadd.s32 $0xE, v6;
	v17 =	vld.idx.msk [tilespmem:v17+s4+$0x0], $0xffff  }
0x3cc: {  	[tilespmem:s10+$0x12840] =	vst v8;
	v15 =	vld.idx.msk [tilespmem:v16+s4+$0x0], $0xffff;
	v16 =	vadd.s32 $0x10, v0  }
0x3cd: {  	v8 =	vadd.s32 $0xF, v2;
	v13 =	vld.idx.msk [tilespmem:v13+s4+$0x0], $0xffff;
	[tilespmem:s11+$0x12840] =	vst v9  }
0x3ce: {  	v9 =	vadd.s32 $0xF, v3;
	v7 =	vld.idx.msk [tilespmem:v7+s4+$0x0], $0xffff;
	[tilespmem:s7+$0x12840] =	vst v11  }
0x3cf: {  	v11 =	vadd.s32 $0xF, v4;
	v12 =	vld.idx.msk [tilespmem:v12+s4+$0x0], $0xffff;
	[tilespmem:s14+$0x12840] =	vst v14  }
0x3d0: {  	[tilespmem:s9+$0x13040] =	vst v17;
	v14 =	vadd.s32 $0xF, v5;
	v10 =	vld.idx.msk [tilespmem:v10+s4+$0x0], $0xffff  }
0x3d1: {  	[tilespmem:s5+$0x15040] =	vst v15;
	v15 =	vld.idx.msk [tilespmem:v16+s4+$0x0], $0xffff;
	v16 =	vadd.s32 $0xF, v6  }
0x3d2: {  	v1 =	vadd.s32 $0x13, v1;
	v8 =	vld.idx.msk [tilespmem:v8+s4+$0x0], $0xffff;
	[tilespmem:s10+$0x13040] =	vst v13  }
0x3d3: {  	v13 =	vadd.s32 $0x10, v2;
	v9 =	vld.idx.msk [tilespmem:v9+s4+$0x0], $0xffff;
	[tilespmem:s11+$0x13040] =	vst v7  }
0x3d4: {  	v7 =	vadd.s32 $0x10, v3;
	v11 =	vld.idx.msk [tilespmem:v11+s4+$0x0], $0xffff;
	[tilespmem:s7+$0x13040] =	vst v12  }
0x3d5: {  	v12 =	vadd.s32 $0x10, v4;
	v14 =	vld.idx.msk [tilespmem:v14+s4+$0x0], $0xffff;
	[tilespmem:s14+$0x13040] =	vst v10  }
0x3d6: {  	[tilespmem:s3+$0x14040] =	vst v15;
	v10 =	vadd.s32 $0x10, v5;
	v15 =	vld.idx.msk [tilespmem:v16+s4+$0x0], $0xffff  }
0x3d7: {  	v1 =	vld.idx.msk [tilespmem:v1+s4+$0x0], $0xffff;
	[tilespmem:s9+$0x13840] =	vst v8;
	v8 =	vadd.s32 $0x10, v6  }
0x3d8: {  	v13 =	vld.idx.msk [tilespmem:v13+s4+$0x0], $0xffff;
	[tilespmem:s10+$0x13840] =	vst v9;
	v16 =	vadd.s32 $0x11, v0  }
0x3d9: {  	v9 =	vadd.s32 $0x11, v2;
	v7 =	vld.idx.msk [tilespmem:v7+s4+$0x0], $0xffff;
	[tilespmem:s11+$0x13840] =	vst v11  }
0x3da: {  	v11 =	vadd.s32 $0x11, v3;
	v12 =	vld.idx.msk [tilespmem:v12+s4+$0x0], $0xffff;
	[tilespmem:s7+$0x13840] =	vst v14  }
0x3db: {  	v14 =	vadd.s32 $0x11, v4;
	v10 =	vld.idx.msk [tilespmem:v10+s4+$0x0], $0xffff;
	[tilespmem:s14+$0x13840] =	vst v15  }
0x3dc: {  	[tilespmem:s5+$0x15840] =	vst v1;
	v1 =	vadd.s32 $0x11, v5;
	v8 =	vld.idx.msk [tilespmem:v8+s4+$0x0], $0xffff  }
0x3dd: {  	[tilespmem:s9+$0x14040] =	vst v13;
	v13 =	vadd.s32 $0x11, v6;
	v15 =	vld.idx.msk [tilespmem:v16+s4+$0x0], $0xffff  }
0x3de: {  	v9 =	vld.idx.msk [tilespmem:v9+s4+$0x0], $0xffff;
	v16 =	vadd.s32 $0x12, v0;
	[tilespmem:s10+$0x14040] =	vst v7  }
0x3df: {  	v7 =	vadd.s32 $0x12, v2;
	v11 =	vld.idx.msk [tilespmem:v11+s4+$0x0], $0xffff;
	[tilespmem:s11+$0x14040] =	vst v12  }
0x3e0: {  	v12 =	vadd.s32 $0x12, v3;
	v14 =	vld.idx.msk [tilespmem:v14+s4+$0x0], $0xffff;
	[tilespmem:s7+$0x14040] =	vst v10  }
0x3e1: {  	v10 =	vadd.s32 $0x12, v4;
	v1 =	vld.idx.msk [tilespmem:v1+s4+$0x0], $0xffff;
	[tilespmem:s14+$0x14040] =	vst v8  }
0x3e2: {  	[tilespmem:s3+$0x14840] =	vst v15;
	v8 =	vadd.s32 $0x12, v5;
	v13 =	vld.idx.msk [tilespmem:v13+s4+$0x0], $0xffff  }
0x3e3: {  	[tilespmem:s9+$0x14840] =	vst v9;
	v9 =	vadd.s32 $0x12, v6;
	v15 =	vld.idx.msk [tilespmem:v16+s4+$0x0], $0xffff  }
0x3e4: {  	v0 =	vadd.s32 $0x13, v0;
	v7 =	vld.idx.msk [tilespmem:v7+s4+$0x0], $0xffff;
	[tilespmem:s10+$0x14840] =	vst v11  }
0x3e5: {  	v2 =	vadd.s32 $0x13, v2;
	v11 =	vld.idx.msk [tilespmem:v12+s4+$0x0], $0xffff;
	[tilespmem:s11+$0x14840] =	vst v14  }
0x3e6: {  	v3 =	vadd.s32 $0x13, v3;
	v10 =	vld.idx.msk [tilespmem:v10+s4+$0x0], $0xffff;
	[tilespmem:s7+$0x14840] =	vst v1  }
0x3e7: {  	v1 =	vadd.s32 $0x13, v4;
	v4 =	vld.idx.msk [tilespmem:v8+s4+$0x0], $0xffff;
	[tilespmem:s14+$0x14840] =	vst v13  }
0x3e8: {  	v5 =	vadd.s32 $0x13, v5;
	[tilespmem:s3+$0x15040] =	vst v15;
	v8 =	vld.idx.msk [tilespmem:v9+s4+$0x0], $0xffff  }
0x3e9: {  	v6 =	vadd.s32 $0x13, v6;
	[tilespmem:s9+$0x15040] =	vst v7;
	v0 =	vld.idx.msk [tilespmem:v0+s4+$0x0], $0xffff  }
0x3ea: {  	v2 =	vld.idx.msk [tilespmem:v2+s4+$0x0], $0xffff;
	[tilespmem:s10+$0x15040] =	vst v11  }
0x3eb: {  	v3 =	vld.idx.msk [tilespmem:v3+s4+$0x0], $0xffff;
	[tilespmem:s11+$0x15040] =	vst v10  }
0x3ec: {  	v1 =	vld.idx.msk [tilespmem:v1+s4+$0x0], $0xffff;
	[tilespmem:s7+$0x15040] =	vst v4  }
0x3ed: {  	v4 =	vld.idx.msk [tilespmem:v5+s4+$0x0], $0xffff;
	[tilespmem:s14+$0x15040] =	vst v8  }
0x3ee: {  	[tilespmem:s3+$0x15840] =	vst v0;
	v0 =	vld.idx.msk [tilespmem:v6+s4+$0x0], $0xffff  }
0x3ef: {  	[tilespmem:s9+$0x15840] =	vst v2  }
0x3f0: {  	[tilespmem:s10+$0x15840] =	vst v3  }
0x3f1: {  	s0 =	sor.u32 s8, s0;
	[tilespmem:s11+$0x15840] =	vst v1  }
0x3f2: {  	s0 =	sshrl.u32 s0, $0x3;
	[tilespmem:s7+$0x15840] =	vst v4  }
0x3f3: {  	s1 =	simm.s32 $0xC040;
	s25 =	simm.s32 $0x1;
	s0 =	sadd.s32 s2, s0;
	[tilespmem:s14+$0x15840] =	vst v0  }
0x3f4: {  	[hbm4b:s0+s18] =	stream.strided.scatter [tilespmem:s1], [sflag:$0x4], $0xA000, s19, s18, $0x38;
	[tilespmem:$0x16040] =	vst v63  }
0x3f5: {  	s21 =	smin.u32 s31, $0x15;
	_ =	swait.ge [sflag:s25], $0x1000  }
0x3f6: {  	s0 =	sshll.u32 s21, $0x11;
	s5 =	rddreg [dreg:$0x9]  }
0x3f7: {  	s0 =	sadd.s32 s5, s0  }
0x3f8: {  	s9 =	simm.s32 $0x1040;
	[sflag:s25] =	ssyncset.done $0x0;
	s0 =	sshrl.u32 s0, $0x3  }
0x3f9: {  	s7 =	simm.s32 $0x0;
	[sflag:s25] =	ssyncadd.s32 $0xFFFFF000;
	s0 =	sadd.s32 s16, s0  }
0x3fa: {  	[tilespmem:s9], [sflag:$0x2] =	stream.linear.gather [hbm4b:s0+s7], $0x1000, $0x38;
	[tilespmem:$0x16040] =	vst v63  }
0x3fb: {  	s10 =	sand.u32 $0x400, s7;
	s11 =	sand.u32 $0x380, s7;
	_ =	swait.ge [sflag:s23], $0xA000  }
0x3fc: {  	s1 =	sand.u32 $0x70, s7;
	s0 =	sor.u32 s11, s10;
	[sflag:s23] =	ssyncset.done $0x0  }
0x3fd: {  	s11 =	sor.u32 s1, s0;
	[sflag:s23] =	ssyncadd.s32 $0xFFFF6000  }
0x3fe: {  	v0 =	vld [tilespmem:s11+$0x40];
	_ =	sdelay $0x4  }
0x3ff: {  	v7 =	vmul.u32 $0x14, v0;
	_ =	sdelay $0x5  }
0x400: {  	v0 =	vld.idx.msk [tilespmem:v7+s4+$0x0], $0xffff  }
0x401: {  	s12 =	simm.s32 $0x8;
	s13 =	simm.s32 $0x80;
	v1 =	vor.u32 $0x1, v7  }
0x402: {  	s14 =	simm.s32 $0x10;
	s1 =	sand.u32 $0x400, s13;
	s0 =	sand.u32 $0x380, s12  }
0x403: {  	s3 =	sand.u32 $0x70, s14;
	s0 =	sor.u32 s0, s1  }
0x404: {  	s3 =	sor.u32 s3, s0  }
0x405: {  	[tilespmem:s11+$0x2040] =	vst v0;
	v0 =	vld [tilespmem:s3+$0x40]  }
0x406: {  	v2 =	vld.idx.msk [tilespmem:v1+s4+$0x0], $0xffff  }
0x407: {  	v3 =	vor.u32 $0x2, v7;
	_ =	sdelay $0x3  }
0x408: {  	v1 =	vmul.u32 $0x14, v0;
	[tilespmem:s11+$0x2840] =	vst v2  }
0x409: {  	v0 =	vld.idx.msk [tilespmem:v3+s4+$0x0], $0xffff  }
0x40a: {  	v2 =	vor.u32 $0x3, v7;
	_ =	sdelay $0x3  }
0x40b: {  	v3 =	vld.idx.msk [tilespmem:v1+s4+$0x0], $0xffff;
	[tilespmem:s11+$0x3040] =	vst v0  }
0x40c: {  	s31 =	smov.u32 s16;
	s15 =	simm.s32 $0x10;
	s16 =	simm.s32 $0x100;
	v0 =	vor.u32 $0x1, v1;
	v2 =	vld.idx.msk [tilespmem:v2+s4+$0x0], $0xffff  }
0x40d: {  	s17 =	simm.s32 $0x20;
	s1 =	sand.u32 $0x400, s16;
	s0 =	sand.u32 $0x380, s15;
	v4 =	vadd.s32 $0x4, v7  }
0x40e: {  	s5 =	sand.u32 $0x70, s17;
	s0 =	sor.u32 s0, s1  }
0x40f: {  	s0 =	sor.u32 s5, s0  }
0x410: {  	[tilespmem:s3+$0x2040] =	vst v3;
	v3 =	vld [tilespmem:s0+$0x40]  }
0x411: {  	v5 =	vld.idx.msk [tilespmem:v0+s4+$0x0], $0xffff;
	[tilespmem:s11+$0x3840] =	vst v2  }
0x412: {  	v2 =	vor.u32 $0x2, v1;
	v4 =	vld.idx.msk [tilespmem:v4+s4+$0x0], $0xffff  }
0x413: {  	v6 =	vadd.s32 $0x5, v7;
	_ =	sdelay $0x2  }
0x414: {  	v0 =	vmul.u32 $0x14, v3;
	[tilespmem:s3+$0x2840] =	vst v5  }
0x415: {  	v2 =	vld.idx.msk [tilespmem:v2+s4+$0x0], $0xffff;
	[tilespmem:s11+$0x4040] =	vst v4  }
0x416: {  	v4 =	vor.u32 $0x3, v1;
	v3 =	vld.idx.msk [tilespmem:v6+s4+$0x0], $0xffff  }
0x417: {  	v5 =	vadd.s32 $0x6, v7;
	_ =	sdelay $0x2  }
0x418: {  	v6 =	vld.idx.msk [tilespmem:v0+s4+$0x0], $0xffff;
	[tilespmem:s3+$0x3040] =	vst v2  }
0x419: {  	s20 =	simm.s32 $0x18;
	s21 =	simm.s32 $0x180;
	v2 =	vor.u32 $0x1, v0;
	[tilespmem:s11+$0x4840] =	vst v3;
	v3 =	vld.idx.msk [tilespmem:v4+s4+$0x0], $0xffff  }
0x41a: {  	s25 =	simm.s32 $0x30;
	s1 =	sand.u32 $0x380, s20;
	s5 =	sand.u32 $0x400, s21;
	v4 =	vld.idx.msk [tilespmem:v5+s4+$0x0], $0xffff;
	v5 =	vadd.s32 $0x4, v1  }
0x41b: {  	s7 =	sand.u32 $0x70, s25;
	s1 =	sor.u32 s1, s5;
	v8 =	vadd.s32 $0x7, v7  }
0x41c: {  	s5 =	sor.u32 s7, s1  }
0x41d: {  	[tilespmem:s0+$0x2040] =	vst v6;
	v6 =	vld [tilespmem:s5+$0x40]  }
0x41e: {  	v9 =	vld.idx.msk [tilespmem:v2+s4+$0x0], $0xffff;
	[tilespmem:s3+$0x3840] =	vst v3  }
0x41f: {  	v3 =	vor.u32 $0x2, v0;
	v5 =	vld.idx.msk [tilespmem:v5+s4+$0x0], $0xffff;
	[tilespmem:s11+$0x5040] =	vst v4  }
0x420: {  	v4 =	vld.idx.msk [tilespmem:v8+s4+$0x0], $0xffff;
	v8 =	vadd.s32 $0x5, v1  }
0x421: {  	v10 =	vadd.s32 $0x8, v7  }
0x422: {  	v2 =	vmul.u32 $0x14, v6  }
0x423: {  	[tilespmem:s0+$0x2840] =	vst v9  }
0x424: {  	v3 =	vld.idx.msk [tilespmem:v3+s4+$0x0], $0xffff;
	[tilespmem:s3+$0x4040] =	vst v5  }
0x425: {  	v5 =	vld.idx.msk [tilespmem:v8+s4+$0x0], $0xffff;
	[tilespmem:s11+$0x5840] =	vst v4;
	v4 =	vor.u32 $0x3, v0  }
0x426: {  	v8 =	vadd.s32 $0x6, v1;
	v6 =	vld.idx.msk [tilespmem:v10+s4+$0x0], $0xffff  }
0x427: {  	v9 =	vadd.s32 $0x9, v7  }
0x428: {  	v10 =	vld.idx.msk [tilespmem:v2+s4+$0x0], $0xffff  }
0x429: {  	s9 =	simm.s32 $0x20;
	s10 =	simm.s32 $0x200;
	v11 =	vor.u32 $0x1, v2;
	[tilespmem:s0+$0x3040] =	vst v3  }
0x42a: {  	s12 =	simm.s32 $0x40;
	s7 =	sand.u32 $0x400, s10;
	s1 =	sand.u32 $0x380, s9;
	[tilespmem:s3+$0x4840] =	vst v5;
	v3 =	vld.idx.msk [tilespmem:v4+s4+$0x0], $0xffff  }
0x42b: {  	s9 =	sand.u32 $0x70, s12;
	s1 =	sor.u32 s1, s7;
	v5 =	vadd.s32 $0x4, v0;
	v4 =	vld.idx.msk [tilespmem:v8+s4+$0x0], $0xffff;
	[tilespmem:s11+$0x6040] =	vst v6  }
0x42c: {  	s9 =	sor.u32 s9, s1;
	v8 =	vadd.s32 $0x7, v1;
	v6 =	vld.idx.msk [tilespmem:v9+s4+$0x0], $0xffff  }
0x42d: {  	[tilespmem:s5+$0x2040] =	vst v10;
	v10 =	vadd.s32 $0xA, v7;
	v9 =	vld [tilespmem:s9+$0x40]  }
0x42e: {  	v11 =	vld.idx.msk [tilespmem:v11+s4+$0x0], $0xffff  }
0x42f: {  	v12 =	vor.u32 $0x2, v2;
	[tilespmem:s0+$0x3840] =	vst v3  }
0x430: {  	v5 =	vld.idx.msk [tilespmem:v5+s4+$0x0], $0xffff;
	[tilespmem:s3+$0x5040] =	vst v4  }
0x431: {  	s14 =	simm.s32 $0x280;
	s13 =	simm.s32 $0x28;
	v4 =	vld.idx.msk [tilespmem:v8+s4+$0x0], $0xffff;
	[tilespmem:s11+$0x6840] =	vst v6;
	v6 =	vadd.s32 $0x5, v0  }
0x432: {  	s15 =	simm.s32 $0x50;
	s7 =	sand.u32 $0x400, s14;
	s1 =	sand.u32 $0x380, s13;
	v8 =	vld.idx.msk [tilespmem:v10+s4+$0x0], $0xffff;
	v10 =	vadd.s32 $0x8, v1  }
0x433: {  	s10 =	sand.u32 $0x70, s15;
	s1 =	sor.u32 s1, s7;
	v13 =	vadd.s32 $0xB, v7;
	v3 =	vmul.u32 $0x14, v9;
	[tilespmem:s5+$0x2840] =	vst v11  }
0x434: {  	s10 =	sor.u32 s10, s1;
	v9 =	vld.idx.msk [tilespmem:v12+s4+$0x0], $0xffff  }
0x435: {  	[tilespmem:s0+$0x4040] =	vst v5;
	v5 =	vld [tilespmem:s10+$0x40]  }
0x436: {  	v11 =	vor.u32 $0x3, v2;
	v6 =	vld.idx.msk [tilespmem:v6+s4+$0x0], $0xffff;
	[tilespmem:s3+$0x5840] =	vst v4  }
0x437: {  	[tilespmem:s11+$0x7040] =	vst v8;
	v8 =	vld.idx.msk [tilespmem:v10+s4+$0x0], $0xffff;
	v10 =	vadd.s32 $0x6, v0  }
0x438: {  	v12 =	vld.idx.msk [tilespmem:v13+s4+$0x0], $0xffff;
	v13 =	vadd.s32 $0x9, v1  }
0x439: {  	v15 =	vadd.s32 $0xC, v7;
	v14 =	vld.idx.msk [tilespmem:v3+s4+$0x0], $0xffff  }
0x43a: {  	v16 =	vor.u32 $0x1, v3;
	[tilespmem:s5+$0x3040] =	vst v9;
	v4 =	vmul.u32 $0x14, v5  }
0x43b: {  	v5 =	vld.idx.msk [tilespmem:v11+s4+$0x0], $0xffff;
	[tilespmem:s0+$0x4840] =	vst v6  }
0x43c: {  	v6 =	vld.idx.msk [tilespmem:v10+s4+$0x0], $0xffff;
	[tilespmem:s3+$0x6040] =	vst v8;
	v8 =	vadd.s32 $0x4, v2  }
0x43d: {  	v10 =	vadd.s32 $0x7, v0;
	v9 =	vld.idx.msk [tilespmem:v13+s4+$0x0], $0xffff;
	[tilespmem:s11+$0x7840] =	vst v12  }
0x43e: {  	[tilespmem:s9+$0x2040] =	vst v14;
	v12 =	vadd.s32 $0xA, v1;
	v11 =	vld.idx.msk [tilespmem:v15+s4+$0x0], $0xffff  }
0x43f: {  	v14 =	vadd.s32 $0xD, v7;
	v13 =	vld.idx.msk [tilespmem:v16+s4+$0x0], $0xffff  }
0x440: {  	[tilespmem:s5+$0x3840] =	vst v5;
	v5 =	vor.u32 $0x2, v3;
	v15 =	vld.idx.msk [tilespmem:v4+s4+$0x0], $0xffff  }
0x441: {  	v8 =	vld.idx.msk [tilespmem:v8+s4+$0x0], $0xffff;
	[tilespmem:s0+$0x5040] =	vst v6  }
0x442: {  	s17 =	simm.s32 $0x300;
	s16 =	simm.s32 $0x30;
	v6 =	vld.idx.msk [tilespmem:v10+s4+$0x0], $0xffff;
	[tilespmem:s3+$0x6840] =	vst v9;
	v9 =	vadd.s32 $0x5, v2  }
0x443: {  	s12 =	simm.s32 $0x60;
	s7 =	sand.u32 $0x400, s17;
	s1 =	sand.u32 $0x380, s16;
	v10 =	vld.idx.msk [tilespmem:v12+s4+$0x0], $0xffff;
	[tilespmem:s11+$0x8040] =	vst v11;
	v11 =	vadd.s32 $0x8, v0  }
0x444: {  	s12 =	sand.u32 $0x70, s12;
	s1 =	sor.u32 s1, s7;
	[tilespmem:s9+$0x2840] =	vst v13;
	v12 =	vadd.s32 $0xB, v1;
	v13 =	vld.idx.msk [tilespmem:v14+s4+$0x0], $0xffff  }
0x445: {  	s7 =	sor.u32 s12, s1;
	v5 =	vld.idx.msk [tilespmem:v5+s4+$0x0], $0xffff;
	v14 =	vadd.s32 $0xE, v7  }
0x446: {  	v16 =	vor.u32 $0x1, v4;
	[tilespmem:s5+$0x4040] =	vst v8;
	v8 =	vld [tilespmem:s7+$0x40]  }
0x447: {  	v9 =	vld.idx.msk [tilespmem:v9+s4+$0x0], $0xffff;
	[tilespmem:s0+$0x5840] =	vst v6;
	v6 =	vor.u32 $0x3, v3  }
0x448: {  	[tilespmem:s3+$0x7040] =	vst v10;
	v10 =	vld.idx.msk [tilespmem:v11+s4+$0x0], $0xffff;
	v11 =	vadd.s32 $0x6, v2  }
0x449: {  	[tilespmem:s11+$0x8840] =	vst v13;
	v12 =	vld.idx.msk [tilespmem:v12+s4+$0x0], $0xffff;
	v13 =	vadd.s32 $0x9, v0  }
0x44a: {  	[tilespmem:s10+$0x2040] =	vst v15;
	v15 =	vadd.s32 $0xC, v1;
	v14 =	vld.idx.msk [tilespmem:v14+s4+$0x0], $0xffff  }
0x44b: {  	[tilespmem:s9+$0x3040] =	vst v5;
	v5 =	vmul.u32 $0x14, v8;
	v8 =	vld.idx.msk [tilespmem:v16+s4+$0x0], $0xffff;
	v16 =	vadd.s32 $0xF, v7  }
0x44c: {  	[tilespmem:s5+$0x4840] =	vst v9;
	v6 =	vld.idx.msk [tilespmem:v6+s4+$0x0], $0xffff  }
0x44d: {  	v18 =	vor.u32 $0x2, v4;
	v9 =	vld.idx.msk [tilespmem:v11+s4+$0x0], $0xffff;
	[tilespmem:s0+$0x6040] =	vst v10  }
0x44e: {  	v10 =	vadd.s32 $0x4, v3;
	v11 =	vld.idx.msk [tilespmem:v13+s4+$0x0], $0xffff;
	[tilespmem:s3+$0x7840] =	vst v12  }
0x44f: {  	v12 =	vadd.s32 $0x7, v2;
	v13 =	vld.idx.msk [tilespmem:v15+s4+$0x0], $0xffff;
	[tilespmem:s11+$0x9040] =	vst v14  }
0x450: {  	v14 =	vadd.s32 $0xA, v0;
	v15 =	vld.idx.msk [tilespmem:v16+s4+$0x0], $0xffff;
	[tilespmem:s10+$0x2840] =	vst v8  }
0x451: {  	v16 =	vadd.s32 $0xD, v1;
	v17 =	vld.idx.msk [tilespmem:v5+s4+$0x0], $0xffff;
	[tilespmem:s9+$0x3840] =	vst v6  }
0x452: {  	v6 =	vadd.s32 $0x10, v7;
	v8 =	vld.idx.msk [tilespmem:v18+s4+$0x0], $0xffff;
	[tilespmem:s5+$0x5040] =	vst v9  }
0x453: {  	v18 =	vor.u32 $0x1, v5;
	v10 =	vld.idx.msk [tilespmem:v10+s4+$0x0], $0xffff;
	[tilespmem:s0+$0x6840] =	vst v11  }
0x454: {  	v9 =	vld.idx.msk [tilespmem:v12+s4+$0x0], $0xffff;
	[tilespmem:s3+$0x8040] =	vst v13  }
0x455: {  	s20 =	simm.s32 $0x38;
	s21 =	simm.s32 $0x380;
	v11 =	vadd.s32 $0x5, v3;
	v12 =	vld.idx.msk [tilespmem:v14+s4+$0x0], $0xffff;
	[tilespmem:s11+$0x9840] =	vst v15  }
0x456: {  	s25 =	simm.s32 $0x70;
	s12 =	sand.u32 $0x400, s21;
	s1 =	sand.u32 $0x380, s20;
	v14 =	vadd.s32 $0x8, v2;
	v13 =	vld.idx.msk [tilespmem:v16+s4+$0x0], $0xffff;
	[tilespmem:s7+$0x2040] =	vst v17  }
0x457: {  	s13 =	sand.u32 $0x70, s25;
	s1 =	sor.u32 s1, s12;
	v15 =	vadd.s32 $0xB, v0;
	v6 =	vld.idx.msk [tilespmem:v6+s4+$0x0], $0xffff;
	[tilespmem:s10+$0x3040] =	vst v8  }
0x458: {  	s13 =	sor.u32 s13, s1;
	[tilespmem:s9+$0x4040] =	vst v10;
	v10 =	vadd.s32 $0xE, v1;
	v8 =	vld.idx.msk [tilespmem:v18+s4+$0x0], $0xffff  }
0x459: {  	v16 =	vadd.s32 $0x11, v7;
	[tilespmem:s5+$0x5840] =	vst v9;
	v9 =	vld [tilespmem:s13+$0x40]  }
0x45a: {  	v11 =	vld.idx.msk [tilespmem:v11+s4+$0x0], $0xffff;
	[tilespmem:s0+$0x7040] =	vst v12;
	v12 =	vor.u32 $0x3, v4  }
0x45b: {  	v14 =	vld.idx.msk [tilespmem:v14+s4+$0x0], $0xffff;
	[tilespmem:s3+$0x8840] =	vst v13;
	v13 =	vadd.s32 $0x6, v3  }
0x45c: {  	v19 =	vadd.s32 $0x9, v2;
	v15 =	vld.idx.msk [tilespmem:v15+s4+$0x0], $0xffff  }
0x45d: {  	v17 =	vadd.s32 $0xC, v0;
	[tilespmem:s11+$0xA040] =	vst v6;
	v10 =	vld.idx.msk [tilespmem:v10+s4+$0x0], $0xffff  }
0x45e: {  	v16 =	vld.idx.msk [tilespmem:v16+s4+$0x0], $0xffff;
	v6 =	vmul.u32 $0x14, v9;
	v9 =	vadd.s32 $0xF, v1  }
0x45f: {  	[tilespmem:s9+$0x4840] =	vst v11;
	v11 =	vld.idx.msk [tilespmem:v12+s4+$0x0], $0xffff  }
0x460: {  	v12 =	vadd.s32 $0x12, v7;
	[tilespmem:s5+$0x6040] =	vst v14;
	v13 =	vld.idx.msk [tilespmem:v13+s4+$0x0], $0xffff  }
0x461: {  	v14 =	vadd.s32 $0x4, v4;
	v18 =	vld.idx.msk [tilespmem:v19+s4+$0x0], $0xffff;
	[tilespmem:s0+$0x7840] =	vst v15  }
0x462: {  	v21 =	vadd.s32 $0xA, v2;
	v20 =	vld.idx.msk [tilespmem:v17+s4+$0x0], $0xffff;
	[tilespmem:s3+$0x9040] =	vst v10  }
0x463: {  	[tilespmem:s7+$0x2840] =	vst v8;
	v15 =	vadd.s32 $0x7, v3;
	v22 =	vld.idx.msk [tilespmem:v9+s4+$0x0], $0xffff  }
0x464: {  	v24 =	vadd.s32 $0xD, v0;
	[tilespmem:s11+$0xA840] =	vst v16;
	v23 =	vld.idx.msk [tilespmem:v6+s4+$0x0], $0xffff  }
0x465: {  	v25 =	vadd.s32 $0x10, v1;
	[tilespmem:s10+$0x3840] =	vst v11;
	v16 =	vld.idx.msk [tilespmem:v12+s4+$0x0], $0xffff  }
0x466: {  	v19 =	vld.idx.msk [tilespmem:v14+s4+$0x0], $0xffff;
	[tilespmem:s5+$0x6840] =	vst v18  }
0x467: {  	[tilespmem:s9+$0x5040] =	vst v13;
	v13 =	vld.idx.msk [tilespmem:v21+s4+$0x0], $0xffff;
	v21 =	vor.u32 $0x2, v5  }
0x468: {  	v8 =	vadd.s32 $0xB, v4;
	v7 =	vadd.s32 $0x13, v7;
	v17 =	vld.idx.msk [tilespmem:v15+s4+$0x0], $0xffff;
	[tilespmem:s0+$0x8040] =	vst v20  }
0x469: {  	v10 =	vadd.s32 $0xB, v3;
	v9 =	vadd.s32 $0xB, v5;
	v20 =	vadd.s32 $0x5, v4;
	v14 =	vld.idx.msk [tilespmem:v24+s4+$0x0], $0xffff;
	[tilespmem:s3+$0x9840] =	vst v22  }
0x46a: {  	s15 =	simm.s32 $0x400;
	s14 =	simm.s32 $0x40;
	s1 =	simm.s32 $0x80;
	v11 =	vadd.s32 $0xB, v2;
	v12 =	vadd.s32 $0xB, v6;
	v18 =	vadd.s32 $0x8, v3;
	[tilespmem:s13+$0x2040] =	vst v23;
	v15 =	vld.idx.msk [tilespmem:v25+s4+$0x0], $0xffff  }
.LBB2_11:
0x46b: {  	s12 =	sand.u32 $0x400, s15  }
0x46c: {  	s20 =	sand.u32 $0x380, s14;
	v21 =	vld.idx.msk [tilespmem:v21+s4+$0x0], $0xffff;
	[tilespmem:s11+$0xB040] =	vst v16;
	s21 =	smov.u32 s1;
	s17 =	sadd.s32 $0x10, s1  }
0x46d: {  	p0 =	sne.s32 s1, $0x7F0;
	v16 =	vadd.s32 $0xE, v0;
	s21 =	sand.u32 $0x70, s21;
	s12 =	sor.u32 s20, s12;
	[tilespmem:s10+$0x4040] =	vst v19;
	v7 =	vld.idx.msk [tilespmem:v7+s4+$0x0], $0xffff  }
0x46e: {  	s1 =	sor.u32 s21, s12;
	v19 =	vld.idx.msk [tilespmem:v20+s4+$0x0], $0xffff;
	[tilespmem:s9+$0x5840] =	vst v17;
	v17 =	vadd.s32 $0x11, v1  }
0x46f: {  	v22 =	vor.u32 $0x1, v6;
	v20 =	vld [tilespmem:s1+$0x40];
	[tilespmem:s5+$0x7040] =	vst v13  }
0x470: {  	v13 =	vor.u32 $0x3, v5;
	v18 =	vld.idx.msk [tilespmem:v18+s4+$0x0], $0xffff;
	[tilespmem:s0+$0x8840] =	vst v14  }
0x471: {  	v14 =	vadd.s32 $0x6, v4;
	v23 =	vld.idx.msk [tilespmem:v11+s4+$0x0], $0xffff;
	[tilespmem:s3+$0xA040] =	vst v15;
	v11 =	vmovc v10;
	v10 =	vmovc v8;
	v8 =	vmov v9;
	v9 =	vmov v12  }
0x472: {  	v15 =	vadd.s32 $0x9, v3;
	[tilespmem:s7+$0x3040] =	vst v21;
	v16 =	vld.idx.msk [tilespmem:v16+s4+$0x0], $0xffff  }
0x473: {  	v21 =	vadd.s32 $0xC, v2;
	v17 =	vld.idx.msk [tilespmem:v17+s4+$0x0], $0xffff;
	[tilespmem:s11+$0xB840] =	vst v7;
	s11 =	smov.u32 s3;
	s3 =	smov.u32 s0;
	s0 =	smov.u32 s5  }
0x474: {  	s5 =	smov.u32 s9;
	s9 =	smov.u32 s10;
	v20 =	vmul.u32 $0x14, v20;
	v7 =	vld.idx.msk [tilespmem:v22+s4+$0x0], $0xffff;
	[tilespmem:s10+$0x4840] =	vst v19;
	v19 =	vadd.s32 $0xF, v0;
	v22 =	vadd.s32 $0x12, v1;
	s10 =	smov.u32 s7  }
0x475: {  	s7 =	smov.u32 s13;
	s13 =	smov.u32 s1;
	v13 =	vld.idx.msk [tilespmem:v13+s4+$0x0], $0xffff  }
0x476: {  	v12 =	vadd.s32 $0xB, v20;
	v14 =	vld.idx.msk [tilespmem:v14+s4+$0x0], $0xffff;
	[tilespmem:s5+$0x6040] =	vst v18  }
0x477: {  	v18 =	vadd.s32 $0x4, v5;
	v15 =	vld.idx.msk [tilespmem:v15+s4+$0x0], $0xffff;
	[tilespmem:s0+$0x7840] =	vst v23  }
0x478: {  	v23 =	vadd.s32 $0x7, v4;
	v24 =	vld.idx.msk [tilespmem:v21+s4+$0x0], $0xffff;
	[tilespmem:s3+$0x9040] =	vst v16  }
0x479: {  	v25 =	vadd.s32 $0xA, v3;
	v26 =	vld.idx.msk [tilespmem:v19+s4+$0x0], $0xffff;
	[tilespmem:s11+$0xA840] =	vst v17  }
0x47a: {  	v28 =	vadd.s32 $0xD, v2;
	v27 =	vld.idx.msk [tilespmem:v20+s4+$0x0], $0xffff;
	[tilespmem:s7+$0x2840] =	vst v7  }
0x47b: {  	v29 =	vadd.s32 $0x10, v0;
	v7 =	vadd.s32 $0x13, v1;
	v1 =	vmovc v0;
	v0 =	vmovc v2;
	v2 =	vmov v3;
	[tilespmem:s10+$0x3840] =	vst v13;
	v16 =	vld.idx.msk [tilespmem:v22+s4+$0x0], $0xffff  }
.Ltmp4:
0x47c: {  	v21 =	vor.u32 $0x2, v6;
	v3 =	vmovc v4;
	v4 =	vmovc v5;
	v5 =	vmov v6;
	v6 =	vmov v20;
	v19 =	vld.idx.msk [tilespmem:v18+s4+$0x0], $0xffff;
	[tilespmem:s9+$0x5040] =	vst v14;
	(pc) =	sbr.rel @p0 .LBB2_11-.Ltmp4, $4  }
0x47d: {  	v17 =	vld.idx.msk [tilespmem:v23+s4+$0x0], $0xffff;
	[tilespmem:s5+$0x6840] =	vst v15  }
0x47e: {  	v20 =	vadd.s32 $0x5, v4;
	v13 =	vld.idx.msk [tilespmem:v25+s4+$0x0], $0xffff;
	[tilespmem:s0+$0x8040] =	vst v24  }
0x47f: {  	v14 =	vld.idx.msk [tilespmem:v28+s4+$0x0], $0xffff;
	[tilespmem:s3+$0x9840] =	vst v26  }
0x480: {  	s14 =	sadd.s32 $0x8, s14;
	s15 =	sadd.s32 $0x80, s15;
	s1 =	smov.u32 s17;
	v18 =	vadd.s32 $0x8, v3;
	[tilespmem:s13+$0x2040] =	vst v27;
	v15 =	vld.idx.msk [tilespmem:v29+s4+$0x0], $0xffff  }
0x481: {  	v22 =	vor.u32 $0x1, v6;
	_ =	sdelay $0x4  }
0x482: {  	v22 =	vld.idx.msk [tilespmem:v22+s4+$0x0], $0xffff  }
0x483: {  	v23 =	vor.u32 $0x2, v6;
	_ =	sdelay $0x2  }
0x484: {  	v21 =	vld.idx.msk [tilespmem:v21+s4+$0x0], $0xffff  }
0x485: {  	[tilespmem:s13+$0x2840] =	vst v22;
	v22 =	vor.u32 $0x3, v5  }
0x486: {  	v23 =	vld.idx.msk [tilespmem:v23+s4+$0x0], $0xffff  }
0x487: {  	v24 =	vor.u32 $0x3, v6;
	_ =	sdelay $0x1  }
0x488: {  	[tilespmem:s7+$0x3040] =	vst v21  }
0x489: {  	v21 =	vld.idx.msk [tilespmem:v22+s4+$0x0], $0xffff  }
0x48a: {  	v22 =	vadd.s32 $0x4, v5;
	[tilespmem:s13+$0x3040] =	vst v23  }
0x48b: {  	v23 =	vld.idx.msk [tilespmem:v24+s4+$0x0], $0xffff  }
0x48c: {  	v58 =	vadd.s32 $0x4, v6;
	_ =	sdelay $0x1  }
0x48d: {  	[tilespmem:s7+$0x3840] =	vst v21  }
0x48e: {  	v21 =	vld.idx.msk [tilespmem:v22+s4+$0x0], $0xffff  }
0x48f: {  	v22 =	vadd.s32 $0x5, v5;
	[tilespmem:s13+$0x3840] =	vst v23  }
0x490: {  	v23 =	vld.idx.msk [tilespmem:v58+s4+$0x0], $0xffff  }
0x491: {  	v59 =	vadd.s32 $0x5, v6  }
0x492: {  	[tilespmem:s10+$0x4040] =	vst v19  }
0x493: {  	v19 =	vld.idx.msk [tilespmem:v20+s4+$0x0], $0xffff;
	[tilespmem:s7+$0x4040] =	vst v21  }
0x494: {  	v20 =	vadd.s32 $0x6, v4;
	v21 =	vld.idx.msk [tilespmem:v22+s4+$0x0], $0xffff  }
0x495: {  	v22 =	vadd.s32 $0x6, v5;
	[tilespmem:s13+$0x4040] =	vst v23  }
0x496: {  	v23 =	vld.idx.msk [tilespmem:v59+s4+$0x0], $0xffff  }
0x497: {  	v60 =	vadd.s32 $0x6, v6  }
0x498: {  	[tilespmem:s10+$0x4840] =	vst v19  }
0x499: {  	v19 =	vld.idx.msk [tilespmem:v20+s4+$0x0], $0xffff;
	[tilespmem:s7+$0x4840] =	vst v21  }
0x49a: {  	v20 =	vadd.s32 $0x7, v4;
	v21 =	vld.idx.msk [tilespmem:v22+s4+$0x0], $0xffff  }
0x49b: {  	v22 =	vadd.s32 $0x7, v5;
	[tilespmem:s13+$0x4840] =	vst v23  }
0x49c: {  	v23 =	vld.idx.msk [tilespmem:v60+s4+$0x0], $0xffff  }
0x49d: {  	v61 =	vadd.s32 $0x7, v6  }
0x49e: {  	[tilespmem:s10+$0x5040] =	vst v19  }
0x49f: {  	v19 =	vld.idx.msk [tilespmem:v20+s4+$0x0], $0xffff;
	[tilespmem:s7+$0x5040] =	vst v21  }
0x4a0: {  	v20 =	vadd.s32 $0x8, v4;
	v21 =	vld.idx.msk [tilespmem:v22+s4+$0x0], $0xffff  }
0x4a1: {  	v22 =	vadd.s32 $0x8, v5;
	[tilespmem:s13+$0x5040] =	vst v23  }
0x4a2: {  	[tilespmem:s9+$0x5840] =	vst v17;
	v23 =	vld.idx.msk [tilespmem:v61+s4+$0x0], $0xffff  }
0x4a3: {  	v62 =	vadd.s32 $0x8, v6;
	v17 =	vld.idx.msk [tilespmem:v18+s4+$0x0], $0xffff  }
0x4a4: {  	v18 =	vadd.s32 $0x9, v3;
	[tilespmem:s10+$0x5840] =	vst v19  }
0x4a5: {  	v19 =	vld.idx.msk [tilespmem:v20+s4+$0x0], $0xffff;
	[tilespmem:s7+$0x5840] =	vst v21  }
0x4a6: {  	v20 =	vadd.s32 $0x9, v4;
	v21 =	vld.idx.msk [tilespmem:v22+s4+$0x0], $0xffff  }
0x4a7: {  	v22 =	vadd.s32 $0x9, v5;
	[tilespmem:s13+$0x5840] =	vst v23  }
0x4a8: {  	[tilespmem:s9+$0x6040] =	vst v17;
	v23 =	vld.idx.msk [tilespmem:v62+s4+$0x0], $0xffff  }
0x4a9: {  	[tilespmem:s11+$0xB040] =	vst v16;
	v16 =	vadd.s32 $0x9, v6;
	v17 =	vld.idx.msk [tilespmem:v18+s4+$0x0], $0xffff  }
0x4aa: {  	v18 =	vadd.s32 $0xA, v3;
	[tilespmem:s10+$0x6040] =	vst v19  }
0x4ab: {  	v19 =	vld.idx.msk [tilespmem:v20+s4+$0x0], $0xffff;
	[tilespmem:s7+$0x6040] =	vst v21  }
0x4ac: {  	[tilespmem:s5+$0x7040] =	vst v13;
	v20 =	vadd.s32 $0xA, v4;
	v21 =	vld.idx.msk [tilespmem:v22+s4+$0x0], $0xffff  }
0x4ad: {  	v13 =	vadd.s32 $0xA, v5;
	[tilespmem:s13+$0x6040] =	vst v23  }
0x4ae: {  	[tilespmem:s9+$0x6840] =	vst v17;
	v16 =	vld.idx.msk [tilespmem:v16+s4+$0x0], $0xffff  }
0x4af: {  	[tilespmem:s0+$0x8840] =	vst v14;
	v14 =	vadd.s32 $0xA, v6;
	v18 =	vld.idx.msk [tilespmem:v18+s4+$0x0], $0xffff  }
0x4b0: {  	v7 =	vld.idx.msk [tilespmem:v7+s4+$0x0], $0xffff;
	[tilespmem:s10+$0x6840] =	vst v19  }
0x4b1: {  	v17 =	vadd.s32 $0xE, v0;
	v19 =	vld.idx.msk [tilespmem:v20+s4+$0x0], $0xffff;
	[tilespmem:s7+$0x6840] =	vst v21  }
0x4b2: {  	[tilespmem:s3+$0xA040] =	vst v15;
	v13 =	vld.idx.msk [tilespmem:v13+s4+$0x0], $0xffff  }
0x4b3: {  	v11 =	vld.idx.msk [tilespmem:v11+s4+$0x0], $0xffff;
	[tilespmem:s13+$0x6840] =	vst v16  }
0x4b4: {  	[tilespmem:s9+$0x7040] =	vst v18;
	v16 =	vadd.s32 $0xC, v2;
	v14 =	vld.idx.msk [tilespmem:v14+s4+$0x0], $0xffff  }
0x4b5: {  	[tilespmem:s11+$0xB840] =	vst v7;
	v10 =	vld.idx.msk [tilespmem:v10+s4+$0x0], $0xffff  }
0x4b6: {  	v7 =	vadd.s32 $0x11, v1;
	v15 =	vld.idx.msk [tilespmem:v17+s4+$0x0], $0xffff;
	[tilespmem:s10+$0x7040] =	vst v19  }
0x4b7: {  	v17 =	vadd.s32 $0xC, v3;
	v8 =	vld.idx.msk [tilespmem:v8+s4+$0x0], $0xffff;
	[tilespmem:s7+$0x7040] =	vst v13  }
0x4b8: {  	[tilespmem:s5+$0x7840] =	vst v11;
	v13 =	vadd.s32 $0xC, v4;
	v9 =	vld.idx.msk [tilespmem:v9+s4+$0x0], $0xffff  }
0x4b9: {  	v11 =	vadd.s32 $0xC, v5;
	v16 =	vld.idx.msk [tilespmem:v16+s4+$0x0], $0xffff;
	[tilespmem:s13+$0x7040] =	vst v14  }
0x4ba: {  	[tilespmem:s9+$0x7840] =	vst v10;
	v10 =	vadd.s32 $0xD, v2;
	v12 =	vld.idx.msk [tilespmem:v12+s4+$0x0], $0xffff  }
0x4bb: {  	v7 =	vld.idx.msk [tilespmem:v7+s4+$0x0], $0xffff;
	[tilespmem:s0+$0x9040] =	vst v15;
	v14 =	vadd.s32 $0xC, v6  }
0x4bc: {  	v15 =	vadd.s32 $0xF, v0;
	v17 =	vld.idx.msk [tilespmem:v17+s4+$0x0], $0xffff;
	[tilespmem:s10+$0x7840] =	vst v8  }
0x4bd: {  	v13 =	vld.idx.msk [tilespmem:v13+s4+$0x0], $0xffff;
	[tilespmem:s7+$0x7840] =	vst v9  }
0x4be: {  	v8 =	vadd.s32 $0xD, v3;
	[tilespmem:s5+$0x8040] =	vst v16;
	v11 =	vld.idx.msk [tilespmem:v11+s4+$0x0], $0xffff  }
0x4bf: {  	v9 =	vadd.s32 $0xD, v4;
	v10 =	vld.idx.msk [tilespmem:v10+s4+$0x0], $0xffff;
	[tilespmem:s13+$0x7840] =	vst v12  }
0x4c0: {  	[tilespmem:s3+$0xA840] =	vst v7;
	v7 =	vadd.s32 $0xD, v5;
	v12 =	vld.idx.msk [tilespmem:v14+s4+$0x0], $0xffff  }
0x4c1: {  	[tilespmem:s9+$0x8040] =	vst v17;
	v14 =	vld.idx.msk [tilespmem:v15+s4+$0x0], $0xffff;
	v15 =	vadd.s32 $0xD, v6  }
0x4c2: {  	v17 =	vadd.s32 $0xE, v2;
	[tilespmem:s10+$0x8040] =	vst v13  }
0x4c3: {  	v8 =	vld.idx.msk [tilespmem:v8+s4+$0x0], $0xffff;
	v16 =	vadd.s32 $0x12, v1;
	[tilespmem:s7+$0x8040] =	vst v11  }
0x4c4: {  	v13 =	vadd.s32 $0xE, v3;
	v9 =	vld.idx.msk [tilespmem:v9+s4+$0x0], $0xffff;
	[tilespmem:s5+$0x8840] =	vst v10  }
0x4c5: {  	v11 =	vadd.s32 $0xE, v4;
	v7 =	vld.idx.msk [tilespmem:v7+s4+$0x0], $0xffff;
	[tilespmem:s13+$0x8040] =	vst v12  }
0x4c6: {  	[tilespmem:s0+$0x9840] =	vst v14;
	v12 =	vadd.s32 $0xE, v5;
	v14 =	vld.idx.msk [tilespmem:v15+s4+$0x0], $0xffff  }
0x4c7: {  	v10 =	vadd.s32 $0xE, v6;
	v17 =	vld.idx.msk [tilespmem:v17+s4+$0x0], $0xffff  }
0x4c8: {  	[tilespmem:s9+$0x8840] =	vst v8;
	v15 =	vld.idx.msk [tilespmem:v16+s4+$0x0], $0xffff;
	v16 =	vadd.s32 $0x10, v0  }
0x4c9: {  	v8 =	vadd.s32 $0xF, v2;
	v13 =	vld.idx.msk [tilespmem:v13+s4+$0x0], $0xffff;
	[tilespmem:s10+$0x8840] =	vst v9  }
0x4ca: {  	v9 =	vadd.s32 $0xF, v3;
	v11 =	vld.idx.msk [tilespmem:v11+s4+$0x0], $0xffff;
	[tilespmem:s7+$0x8840] =	vst v7  }
0x4cb: {  	v7 =	vadd.s32 $0xF, v4;
	v12 =	vld.idx.msk [tilespmem:v12+s4+$0x0], $0xffff;
	[tilespmem:s13+$0x8840] =	vst v14  }
0x4cc: {  	[tilespmem:s5+$0x9040] =	vst v17;
	v14 =	vadd.s32 $0xF, v5;
	v10 =	vld.idx.msk [tilespmem:v10+s4+$0x0], $0xffff  }
0x4cd: {  	[tilespmem:s3+$0xB040] =	vst v15;
	v15 =	vld.idx.msk [tilespmem:v16+s4+$0x0], $0xffff;
	v16 =	vadd.s32 $0xF, v6  }
0x4ce: {  	v1 =	vadd.s32 $0x13, v1;
	v8 =	vld.idx.msk [tilespmem:v8+s4+$0x0], $0xffff;
	[tilespmem:s9+$0x9040] =	vst v13  }
0x4cf: {  	v13 =	vadd.s32 $0x10, v2;
	v9 =	vld.idx.msk [tilespmem:v9+s4+$0x0], $0xffff;
	[tilespmem:s10+$0x9040] =	vst v11  }
0x4d0: {  	v11 =	vadd.s32 $0x10, v3;
	v7 =	vld.idx.msk [tilespmem:v7+s4+$0x0], $0xffff;
	[tilespmem:s7+$0x9040] =	vst v12  }
0x4d1: {  	v12 =	vadd.s32 $0x10, v4;
	v14 =	vld.idx.msk [tilespmem:v14+s4+$0x0], $0xffff;
	[tilespmem:s13+$0x9040] =	vst v10  }
0x4d2: {  	[tilespmem:s0+$0xA040] =	vst v15;
	v10 =	vadd.s32 $0x10, v5;
	v15 =	vld.idx.msk [tilespmem:v16+s4+$0x0], $0xffff  }
0x4d3: {  	v1 =	vld.idx.msk [tilespmem:v1+s4+$0x0], $0xffff;
	[tilespmem:s5+$0x9840] =	vst v8;
	v8 =	vadd.s32 $0x10, v6  }
0x4d4: {  	v13 =	vld.idx.msk [tilespmem:v13+s4+$0x0], $0xffff;
	[tilespmem:s9+$0x9840] =	vst v9;
	v16 =	vadd.s32 $0x11, v0  }
0x4d5: {  	v9 =	vadd.s32 $0x11, v2;
	v11 =	vld.idx.msk [tilespmem:v11+s4+$0x0], $0xffff;
	[tilespmem:s10+$0x9840] =	vst v7  }
0x4d6: {  	v7 =	vadd.s32 $0x11, v3;
	v12 =	vld.idx.msk [tilespmem:v12+s4+$0x0], $0xffff;
	[tilespmem:s7+$0x9840] =	vst v14  }
0x4d7: {  	v14 =	vadd.s32 $0x11, v4;
	v10 =	vld.idx.msk [tilespmem:v10+s4+$0x0], $0xffff;
	[tilespmem:s13+$0x9840] =	vst v15  }
0x4d8: {  	[tilespmem:s3+$0xB840] =	vst v1;
	v1 =	vadd.s32 $0x11, v5;
	v8 =	vld.idx.msk [tilespmem:v8+s4+$0x0], $0xffff  }
0x4d9: {  	[tilespmem:s5+$0xA040] =	vst v13;
	v13 =	vadd.s32 $0x11, v6;
	v15 =	vld.idx.msk [tilespmem:v16+s4+$0x0], $0xffff  }
0x4da: {  	v9 =	vld.idx.msk [tilespmem:v9+s4+$0x0], $0xffff;
	v16 =	vadd.s32 $0x12, v0;
	[tilespmem:s9+$0xA040] =	vst v11  }
0x4db: {  	v11 =	vadd.s32 $0x12, v2;
	v7 =	vld.idx.msk [tilespmem:v7+s4+$0x0], $0xffff;
	[tilespmem:s10+$0xA040] =	vst v12  }
0x4dc: {  	v12 =	vadd.s32 $0x12, v3;
	v14 =	vld.idx.msk [tilespmem:v14+s4+$0x0], $0xffff;
	[tilespmem:s7+$0xA040] =	vst v10  }
0x4dd: {  	v10 =	vadd.s32 $0x12, v4;
	v1 =	vld.idx.msk [tilespmem:v1+s4+$0x0], $0xffff;
	[tilespmem:s13+$0xA040] =	vst v8  }
0x4de: {  	[tilespmem:s0+$0xA840] =	vst v15;
	v8 =	vadd.s32 $0x12, v5;
	v13 =	vld.idx.msk [tilespmem:v13+s4+$0x0], $0xffff  }
0x4df: {  	[tilespmem:s5+$0xA840] =	vst v9;
	v9 =	vadd.s32 $0x12, v6;
	v15 =	vld.idx.msk [tilespmem:v16+s4+$0x0], $0xffff  }
0x4e0: {  	v0 =	vadd.s32 $0x13, v0;
	v11 =	vld.idx.msk [tilespmem:v11+s4+$0x0], $0xffff;
	[tilespmem:s9+$0xA840] =	vst v7  }
0x4e1: {  	v2 =	vadd.s32 $0x13, v2;
	v7 =	vld.idx.msk [tilespmem:v12+s4+$0x0], $0xffff;
	[tilespmem:s10+$0xA840] =	vst v14  }
0x4e2: {  	v3 =	vadd.s32 $0x13, v3;
	v10 =	vld.idx.msk [tilespmem:v10+s4+$0x0], $0xffff;
	[tilespmem:s7+$0xA840] =	vst v1  }
0x4e3: {  	v1 =	vadd.s32 $0x13, v4;
	v4 =	vld.idx.msk [tilespmem:v8+s4+$0x0], $0xffff;
	[tilespmem:s13+$0xA840] =	vst v13  }
0x4e4: {  	v5 =	vadd.s32 $0x13, v5;
	[tilespmem:s0+$0xB040] =	vst v15;
	v8 =	vld.idx.msk [tilespmem:v9+s4+$0x0], $0xffff  }
0x4e5: {  	v6 =	vadd.s32 $0x13, v6;
	[tilespmem:s5+$0xB040] =	vst v11;
	v0 =	vld.idx.msk [tilespmem:v0+s4+$0x0], $0xffff  }
0x4e6: {  	v2 =	vld.idx.msk [tilespmem:v2+s4+$0x0], $0xffff;
	[tilespmem:s9+$0xB040] =	vst v7  }
0x4e7: {  	v3 =	vld.idx.msk [tilespmem:v3+s4+$0x0], $0xffff;
	[tilespmem:s10+$0xB040] =	vst v10  }
0x4e8: {  	v1 =	vld.idx.msk [tilespmem:v1+s4+$0x0], $0xffff;
	[tilespmem:s7+$0xB040] =	vst v4  }
0x4e9: {  	v4 =	vld.idx.msk [tilespmem:v5+s4+$0x0], $0xffff;
	[tilespmem:s13+$0xB040] =	vst v8  }
0x4ea: {  	[tilespmem:s0+$0xB840] =	vst v0;
	v0 =	vld.idx.msk [tilespmem:v6+s4+$0x0], $0xffff  }
0x4eb: {  	[tilespmem:s5+$0xB840] =	vst v2  }
0x4ec: {  	[tilespmem:s9+$0xB840] =	vst v3  }
0x4ed: {  	[tilespmem:s10+$0xB840] =	vst v1  }
0x4ee: {  	s1 =	simm.s32 $0x2040;
	[tilespmem:s7+$0xB840] =	vst v4  }
0x4ef: {  	s12 =	simm.s32 $0x0;
	s11 =	sadd.s32 s2, s30;
	[tilespmem:s13+$0xB840] =	vst v0;
	s13 =	simm.s32 $0x0  }
0x4f0: {  	[hbm4b:s11+s18] =	stream.strided.scatter [tilespmem:s1], [sflag:$0x3], $0xA000, s19, s18, $0x38;
	[tilespmem:$0x16040] =	vst v63  }
0x4f1: {  	s14 =	sand.u32 $0x380, s12;
	s1 =	sand.u32 $0x400, s13;
	_ =	swait.ge [sflag:s24], $0xA000  }
0x4f2: {  	s0 =	sand.u32 $0x70, s12;
	s1 =	sor.u32 s14, s1;
	[sflag:s24] =	ssyncset.done $0x0  }
0x4f3: {  	s11 =	sor.u32 s1, s0;
	[sflag:s24] =	ssyncadd.s32 $0xFFFF6000  }
0x4f4: {  	v0 =	vld [tilespmem:s11+$0x840];
	_ =	sdelay $0x4  }
0x4f5: {  	v7 =	vmul.u32 $0x14, v0;
	_ =	sdelay $0x5  }
0x4f6: {  	v0 =	vld.idx.msk [tilespmem:v7+s4+$0x0], $0xffff  }
0x4f7: {  	s15 =	simm.s32 $0x80;
	s16 =	simm.s32 $0x8;
	v1 =	vor.u32 $0x1, v7  }
0x4f8: {  	s17 =	simm.s32 $0x10;
	s1 =	sand.u32 $0x380, s16;
	s0 =	sand.u32 $0x400, s15  }
0x4f9: {  	s3 =	sand.u32 $0x70, s17;
	s0 =	sor.u32 s1, s0  }
0x4fa: {  	s3 =	sor.u32 s0, s3  }
0x4fb: {  	v2 =	vld [tilespmem:s3+$0x840];
	[tilespmem:s11+$0xC040] =	vst v0  }
0x4fc: {  	v0 =	vld.idx.msk [tilespmem:v1+s4+$0x0], $0xffff  }
0x4fd: {  	v3 =	vor.u32 $0x2, v7;
	_ =	sdelay $0x3  }
0x4fe: {  	v1 =	vmul.u32 $0x14, v2;
	[tilespmem:s11+$0xC840] =	vst v0  }
0x4ff: {  	v0 =	vld.idx.msk [tilespmem:v3+s4+$0x0], $0xffff  }
0x500: {  	v2 =	vor.u32 $0x3, v7;
	_ =	sdelay $0x3  }
0x501: {  	v3 =	vld.idx.msk [tilespmem:v1+s4+$0x0], $0xffff;
	[tilespmem:s11+$0xD040] =	vst v0  }
0x502: {  	s20 =	simm.s32 $0x100;
	s21 =	simm.s32 $0x10;
	v0 =	vor.u32 $0x1, v1;
	v2 =	vld.idx.msk [tilespmem:v2+s4+$0x0], $0xffff  }
0x503: {  	s25 =	simm.s32 $0x20;
	s1 =	sand.u32 $0x380, s21;
	s0 =	sand.u32 $0x400, s20;
	v4 =	vadd.s32 $0x4, v7  }
0x504: {  	s5 =	sand.u32 $0x70, s25;
	s0 =	sor.u32 s1, s0  }
0x505: {  	s0 =	sor.u32 s0, s5  }
0x506: {  	v5 =	vld [tilespmem:s0+$0x840];
	[tilespmem:s3+$0xC040] =	vst v3  }
0x507: {  	v3 =	vld.idx.msk [tilespmem:v0+s4+$0x0], $0xffff;
	[tilespmem:s11+$0xD840] =	vst v2  }
0x508: {  	v2 =	vld.idx.msk [tilespmem:v4+s4+$0x0], $0xffff;
	v4 =	vor.u32 $0x2, v1  }
0x509: {  	v6 =	vadd.s32 $0x5, v7;
	_ =	sdelay $0x1  }
0x50a: {  	v0 =	vmul.u32 $0x14, v5  }
0x50b: {  	[tilespmem:s3+$0xC840] =	vst v3  }
0x50c: {  	v3 =	vld.idx.msk [tilespmem:v4+s4+$0x0], $0xffff;
	[tilespmem:s11+$0xE040] =	vst v2  }
0x50d: {  	v4 =	vor.u32 $0x3, v1;
	v2 =	vld.idx.msk [tilespmem:v6+s4+$0x0], $0xffff  }
0x50e: {  	v5 =	vadd.s32 $0x6, v7;
	_ =	sdelay $0x1  }
0x50f: {  	v6 =	vld.idx.msk [tilespmem:v0+s4+$0x0], $0xffff  }
0x510: {  	s30 =	simm.s32 $0x180;
	s7 =	simm.s32 $0x18;
	v8 =	vor.u32 $0x1, v0;
	[tilespmem:s3+$0xD040] =	vst v3  }
0x511: {  	s9 =	simm.s32 $0x30;
	s1 =	sand.u32 $0x400, s30;
	s5 =	sand.u32 $0x380, s7;
	v3 =	vld.idx.msk [tilespmem:v4+s4+$0x0], $0xffff;
	[tilespmem:s11+$0xE840] =	vst v2  }
0x512: {  	s7 =	sand.u32 $0x70, s9;
	s1 =	sor.u32 s5, s1;
	v4 =	vadd.s32 $0x4, v1;
	v2 =	vld.idx.msk [tilespmem:v5+s4+$0x0], $0xffff  }
0x513: {  	s5 =	sor.u32 s1, s7;
	v5 =	vadd.s32 $0x7, v7  }
0x514: {  	v9 =	vld [tilespmem:s5+$0x840];
	[tilespmem:s0+$0xC040] =	vst v6  }
0x515: {  	v6 =	vld.idx.msk [tilespmem:v8+s4+$0x0], $0xffff  }
0x516: {  	[tilespmem:s3+$0xD840] =	vst v3;
	v3 =	vor.u32 $0x2, v0  }
0x517: {  	v4 =	vld.idx.msk [tilespmem:v4+s4+$0x0], $0xffff;
	[tilespmem:s11+$0xF040] =	vst v2  }
0x518: {  	v8 =	vadd.s32 $0x5, v1;
	v5 =	vld.idx.msk [tilespmem:v5+s4+$0x0], $0xffff  }
0x519: {  	v10 =	vadd.s32 $0x8, v7  }
0x51a: {  	v2 =	vmul.u32 $0x14, v9;
	[tilespmem:s0+$0xC840] =	vst v6  }
0x51b: {  	v3 =	vld.idx.msk [tilespmem:v3+s4+$0x0], $0xffff  }
0x51c: {  	[tilespmem:s3+$0xE040] =	vst v4;
	v4 =	vor.u32 $0x3, v0  }
0x51d: {  	v6 =	vld.idx.msk [tilespmem:v8+s4+$0x0], $0xffff;
	[tilespmem:s11+$0xF840] =	vst v5  }
0x51e: {  	v8 =	vadd.s32 $0x6, v1;
	v5 =	vld.idx.msk [tilespmem:v10+s4+$0x0], $0xffff  }
0x51f: {  	v9 =	vadd.s32 $0x9, v7  }
0x520: {  	v10 =	vld.idx.msk [tilespmem:v2+s4+$0x0], $0xffff;
	[tilespmem:s0+$0xD040] =	vst v3  }
0x521: {  	s12 =	simm.s32 $0x20;
	s10 =	simm.s32 $0x200;
	v3 =	vor.u32 $0x1, v2;
	v4 =	vld.idx.msk [tilespmem:v4+s4+$0x0], $0xffff  }
0x522: {  	s13 =	simm.s32 $0x40;
	s7 =	sand.u32 $0x380, s12;
	s1 =	sand.u32 $0x400, s10;
	[tilespmem:s3+$0xE840] =	vst v6;
	v6 =	vadd.s32 $0x4, v0  }
0x523: {  	s9 =	sand.u32 $0x70, s13;
	s1 =	sor.u32 s7, s1;
	v8 =	vld.idx.msk [tilespmem:v8+s4+$0x0], $0xffff;
	[tilespmem:s11+$0x10040] =	vst v5  }
0x524: {  	s9 =	sor.u32 s1, s9;
	v5 =	vld.idx.msk [tilespmem:v9+s4+$0x0], $0xffff;
	v9 =	vadd.s32 $0x7, v1  }
0x525: {  	v11 =	vld [tilespmem:s9+$0x840];
	[tilespmem:s5+$0xC040] =	vst v10;
	v10 =	vadd.s32 $0xA, v7  }
0x526: {  	v12 =	vld.idx.msk [tilespmem:v3+s4+$0x0], $0xffff;
	[tilespmem:s0+$0xD840] =	vst v4  }
0x527: {  	v4 =	vld.idx.msk [tilespmem:v6+s4+$0x0], $0xffff;
	v6 =	vor.u32 $0x2, v2  }
0x528: {  	[tilespmem:s3+$0xF040] =	vst v8;
	v8 =	vadd.s32 $0x5, v0  }
0x529: {  	[tilespmem:s11+$0x10840] =	vst v5;
	v5 =	vld.idx.msk [tilespmem:v9+s4+$0x0], $0xffff  }
0x52a: {  	v9 =	vld.idx.msk [tilespmem:v10+s4+$0x0], $0xffff;
	v10 =	vadd.s32 $0x8, v1  }
0x52b: {  	v13 =	vadd.s32 $0xB, v7;
	v3 =	vmul.u32 $0x14, v11;
	[tilespmem:s5+$0xC840] =	vst v12  }
0x52c: {  	v6 =	vld.idx.msk [tilespmem:v6+s4+$0x0], $0xffff;
	[tilespmem:s0+$0xE040] =	vst v4  }
0x52d: {  	v4 =	vld.idx.msk [tilespmem:v8+s4+$0x0], $0xffff;
	v8 =	vor.u32 $0x3, v2  }
0x52e: {  	[tilespmem:s3+$0xF840] =	vst v5;
	v5 =	vadd.s32 $0x6, v0  }
0x52f: {  	v10 =	vld.idx.msk [tilespmem:v10+s4+$0x0], $0xffff;
	[tilespmem:s11+$0x11040] =	vst v9  }
0x530: {  	s14 =	simm.s32 $0x280;
	s15 =	simm.s32 $0x28;
	v9 =	vadd.s32 $0x9, v1;
	v11 =	vld.idx.msk [tilespmem:v13+s4+$0x0], $0xffff  }
0x531: {  	s16 =	simm.s32 $0x50;
	s7 =	sand.u32 $0x380, s15;
	s1 =	sand.u32 $0x400, s14;
	v12 =	vld.idx.msk [tilespmem:v3+s4+$0x0], $0xffff;
	[tilespmem:s5+$0xD040] =	vst v6;
	v6 =	vadd.s32 $0xC, v7  }
0x532: {  	s10 =	sand.u32 $0x70, s16;
	s1 =	sor.u32 s7, s1;
	v13 =	vor.u32 $0x1, v3;
	v8 =	vld.idx.msk [tilespmem:v8+s4+$0x0], $0xffff;
	[tilespmem:s0+$0xE840] =	vst v4  }
0x533: {  	s10 =	sor.u32 s1, s10;
	v4 =	vld.idx.msk [tilespmem:v5+s4+$0x0], $0xffff;
	v5 =	vadd.s32 $0x4, v2  }
0x534: {  	v14 =	vld [tilespmem:s10+$0x840];
	[tilespmem:s3+$0x10040] =	vst v10;
	v10 =	vadd.s32 $0x7, v0  }
0x535: {  	v9 =	vld.idx.msk [tilespmem:v9+s4+$0x0], $0xffff;
	[tilespmem:s11+$0x11840] =	vst v11  }
0x536: {  	s17 =	simm.s32 $0x300;
	s20 =	simm.s32 $0x30;
	[tilespmem:s9+$0xC040] =	vst v12;
	v11 =	vadd.s32 $0xA, v1;
	v6 =	vld.idx.msk [tilespmem:v6+s4+$0x0], $0xffff  }
0x537: {  	s12 =	simm.s32 $0x60;
	s7 =	sand.u32 $0x380, s20;
	s1 =	sand.u32 $0x400, s17;
	v12 =	vld.idx.msk [tilespmem:v13+s4+$0x0], $0xffff;
	[tilespmem:s5+$0xD840] =	vst v8;
	v8 =	vadd.s32 $0xD, v7  }
0x538: {  	s12 =	sand.u32 $0x70, s12;
	s1 =	sor.u32 s7, s1;
	v13 =	vor.u32 $0x2, v3;
	v5 =	vld.idx.msk [tilespmem:v5+s4+$0x0], $0xffff;
	[tilespmem:s0+$0xF040] =	vst v4  }
0x539: {  	s7 =	sor.u32 s1, s12;
	v15 =	vadd.s32 $0x5, v2;
	v10 =	vld.idx.msk [tilespmem:v10+s4+$0x0], $0xffff  }
0x53a: {  	v4 =	vmul.u32 $0x14, v14;
	v14 =	vld [tilespmem:s7+$0x840];
	[tilespmem:s3+$0x10840] =	vst v9;
	v9 =	vadd.s32 $0x8, v0  }
0x53b: {  	v11 =	vld.idx.msk [tilespmem:v11+s4+$0x0], $0xffff;
	[tilespmem:s11+$0x12040] =	vst v6  }
0x53c: {  	[tilespmem:s9+$0xC840] =	vst v12;
	v6 =	vld.idx.msk [tilespmem:v8+s4+$0x0], $0xffff;
	v8 =	vadd.s32 $0xB, v1  }
0x53d: {  	v12 =	vld.idx.msk [tilespmem:v13+s4+$0x0], $0xffff;
	[tilespmem:s5+$0xE040] =	vst v5;
	v5 =	vadd.s32 $0xE, v7  }
0x53e: {  	v13 =	vld.idx.msk [tilespmem:v15+s4+$0x0], $0xffff;
	[tilespmem:s0+$0xF840] =	vst v10;
	v10 =	vor.u32 $0x3, v3  }
0x53f: {  	v15 =	vadd.s32 $0x6, v2;
	v9 =	vld.idx.msk [tilespmem:v9+s4+$0x0], $0xffff  }
0x540: {  	v16 =	vld.idx.msk [tilespmem:v4+s4+$0x0], $0xffff;
	[tilespmem:s3+$0x11040] =	vst v11;
	v11 =	vadd.s32 $0x9, v0  }
0x541: {  	[tilespmem:s11+$0x12840] =	vst v6;
	v6 =	vld.idx.msk [tilespmem:v8+s4+$0x0], $0xffff;
	v8 =	vor.u32 $0x1, v4  }
0x542: {  	v17 =	vadd.s32 $0xC, v1;
	[tilespmem:s9+$0xD040] =	vst v12;
	v12 =	vld.idx.msk [tilespmem:v5+s4+$0x0], $0xffff  }
0x543: {  	v10 =	vld.idx.msk [tilespmem:v10+s4+$0x0], $0xffff;
	[tilespmem:s5+$0xE840] =	vst v13;
	v13 =	vadd.s32 $0xF, v7  }
0x544: {  	v5 =	vmul.u32 $0x14, v14;
	v15 =	vld.idx.msk [tilespmem:v15+s4+$0x0], $0xffff;
	[tilespmem:s0+$0x10040] =	vst v9;
	v9 =	vadd.s32 $0x4, v3  }
0x545: {  	[tilespmem:s10+$0xC040] =	vst v16;
	v11 =	vld.idx.msk [tilespmem:v11+s4+$0x0], $0xffff  }
0x546: {  	v8 =	vld.idx.msk [tilespmem:v8+s4+$0x0], $0xffff;
	[tilespmem:s3+$0x11840] =	vst v6;
	v6 =	vadd.s32 $0x7, v2  }
0x547: {  	v14 =	vld.idx.msk [tilespmem:v17+s4+$0x0], $0xffff;
	[tilespmem:s11+$0x13040] =	vst v12;
	v12 =	vadd.s32 $0xA, v0  }
0x548: {  	v13 =	vld.idx.msk [tilespmem:v13+s4+$0x0], $0xffff;
	[tilespmem:s9+$0xD840] =	vst v10;
	v10 =	vadd.s32 $0xD, v1  }
0x549: {  	v16 =	vadd.s32 $0x10, v7;
	v9 =	vld.idx.msk [tilespmem:v9+s4+$0x0], $0xffff  }
0x54a: {  	v17 =	vor.u32 $0x2, v4;
	[tilespmem:s5+$0xF040] =	vst v15;
	v15 =	vld.idx.msk [tilespmem:v5+s4+$0x0], $0xffff  }
0x54b: {  	[tilespmem:s0+$0x10840] =	vst v11;
	v11 =	vadd.s32 $0x5, v3;
	v6 =	vld.idx.msk [tilespmem:v6+s4+$0x0], $0xffff  }
0x54c: {  	v12 =	vld.idx.msk [tilespmem:v12+s4+$0x0], $0xffff;
	[tilespmem:s3+$0x12040] =	vst v14;
	v14 =	vadd.s32 $0x8, v2  }
0x54d: {  	v10 =	vld.idx.msk [tilespmem:v10+s4+$0x0], $0xffff;
	[tilespmem:s11+$0x13840] =	vst v13  }
0x54e: {  	s21 =	simm.s32 $0x380;
	s14 =	simm.s32 $0x38;
	[tilespmem:s10+$0xC840] =	vst v8;
	v13 =	vadd.s32 $0xB, v0;
	v8 =	vld.idx.msk [tilespmem:v16+s4+$0x0], $0xffff  }
0x54f: {  	s15 =	simm.s32 $0x70;
	s25 =	sand.u32 $0x380, s14;
	s1 =	sand.u32 $0x400, s21;
	v16 =	vld.idx.msk [tilespmem:v17+s4+$0x0], $0xffff;
	[tilespmem:s9+$0xE040] =	vst v9;
	v9 =	vadd.s32 $0xE, v1  }
0x550: {  	s30 =	sand.u32 $0x70, s15;
	s1 =	sor.u32 s25, s1;
	v17 =	vor.u32 $0x3, v4;
	v11 =	vld.idx.msk [tilespmem:v11+s4+$0x0], $0xffff;
	[tilespmem:s5+$0xF840] =	vst v6  }
0x551: {  	s13 =	sor.u32 s1, s30;
	v6 =	vadd.s32 $0x11, v7;
	v14 =	vld.idx.msk [tilespmem:v14+s4+$0x0], $0xffff;
	[tilespmem:s0+$0x11040] =	vst v12  }
0x552: {  	v18 =	vadd.s32 $0x6, v3;
	v12 =	vld [tilespmem:s13+$0x840];
	[tilespmem:s3+$0x12840] =	vst v10  }
0x553: {  	v10 =	vadd.s32 $0x9, v2;
	v13 =	vld.idx.msk [tilespmem:v13+s4+$0x0], $0xffff;
	[tilespmem:s11+$0x14040] =	vst v8  }
0x554: {  	v8 =	vor.u32 $0x1, v5;
	v9 =	vld.idx.msk [tilespmem:v9+s4+$0x0], $0xffff;
	[tilespmem:s10+$0xD040] =	vst v16  }
0x555: {  	v16 =	vadd.s32 $0xC, v0;
	v17 =	vld.idx.msk [tilespmem:v17+s4+$0x0], $0xffff  }
0x556: {  	[tilespmem:s9+$0xE840] =	vst v11;
	v11 =	vadd.s32 $0xF, v1;
	v19 =	vld.idx.msk [tilespmem:v6+s4+$0x0], $0xffff  }
0x557: {  	v18 =	vld.idx.msk [tilespmem:v18+s4+$0x0], $0xffff;
	[tilespmem:s5+$0x10040] =	vst v14;
	v14 =	vadd.s32 $0x12, v7  }
0x558: {  	[tilespmem:s7+$0xC040] =	vst v15;
	v6 =	vmul.u32 $0x14, v12;
	v12 =	vadd.s32 $0x4, v4;
	v10 =	vld.idx.msk [tilespmem:v10+s4+$0x0], $0xffff  }
0x559: {  	[tilespmem:s0+$0x11840] =	vst v13;
	v8 =	vld.idx.msk [tilespmem:v8+s4+$0x0], $0xffff  }
0x55a: {  	v13 =	vadd.s32 $0x7, v3;
	v15 =	vld.idx.msk [tilespmem:v16+s4+$0x0], $0xffff;
	[tilespmem:s3+$0x13040] =	vst v9  }
0x55b: {  	v9 =	vadd.s32 $0xA, v2;
	v20 =	vld.idx.msk [tilespmem:v11+s4+$0x0], $0xffff;
	[tilespmem:s11+$0x14840] =	vst v19  }
0x55c: {  	v22 =	vadd.s32 $0xD, v0;
	[tilespmem:s10+$0xD840] =	vst v17;
	v23 =	vld.idx.msk [tilespmem:v14+s4+$0x0], $0xffff  }
0x55d: {  	v63 =	vadd.s32 $0x10, v1;
	[tilespmem:s9+$0xF040] =	vst v18;
	v19 =	vld.idx.msk [tilespmem:v12+s4+$0x0], $0xffff  }
0x55e: {  	v16 =	vld.idx.msk [tilespmem:v6+s4+$0x0], $0xffff;
	[tilespmem:s5+$0x10840] =	vst v10  }
0x55f: {  	v21 =	vor.u32 $0x2, v5;
	v17 =	vld.idx.msk [tilespmem:v13+s4+$0x0], $0xffff;
	[tilespmem:s7+$0xC840] =	vst v8  }
0x560: {  	v11 =	vadd.s32 $0xB, v2;
	v13 =	vld.idx.msk [tilespmem:v9+s4+$0x0], $0xffff;
	[tilespmem:s0+$0x12040] =	vst v15;
	v15 =	vadd.s32 $0x13, v7  }
0x561: {  	v18 =	vadd.s32 $0x8, v3;
	v12 =	vadd.s32 $0xB, v6;
	v14 =	vld.idx.msk [tilespmem:v22+s4+$0x0], $0xffff;
	[tilespmem:s3+$0x13840] =	vst v20;
	v20 =	vadd.s32 $0x5, v4  }
0x562: {  	s1 =	simm.s32 $0x1000;
	v10 =	vadd.s32 $0xB, v3;
	v8 =	vadd.s32 $0xB, v4;
	v9 =	vadd.s32 $0xB, v5;
	v7 =	vld.idx.msk [tilespmem:v63+s4+$0x0], $0xffff;
	[tilespmem:s11+$0x15040] =	vst v23  }
.LBB2_13:
0x563: {  	s17 =	smov.u32 s1  }
0x564: {  	s12 =	sshrl.u32 s1, $0x2;
	s14 =	sadd.s32 $0x8, s14;
	v21 =	vld.idx.msk [tilespmem:v21+s4+$0x0], $0xffff;
	[tilespmem:s10+$0xE040] =	vst v19;
	s17 =	sadd.s32 $0x200, s1  }
0x565: {  	s15 =	sadd.s32 $0x10, s15;
	v19 =	vadd.s32 $0xE, v0;
	s20 =	sand.u32 $0x380, s14;
	s12 =	sand.u32 $0x400, s12;
	v15 =	vld.idx.msk [tilespmem:v15+s4+$0x0], $0xffff  }
0x566: {  	p0 =	sne.s32 s1, $0xFE00;
	s21 =	sand.u32 $0x70, s15;
	s12 =	sor.u32 s20, s12;
	v20 =	vld.idx.msk [tilespmem:v20+s4+$0x0], $0xffff;
	[tilespmem:s9+$0xF840] =	vst v17;
	v17 =	vadd.s32 $0x11, v1  }
0x567: {  	v22 =	vor.u32 $0x3, v5;
	s1 =	sor.u32 s12, s21;
	v18 =	vld.idx.msk [tilespmem:v18+s4+$0x0], $0xffff;
	[tilespmem:s5+$0x11040] =	vst v13  }
0x568: {  	v23 =	vadd.s32 $0x6, v4;
	v13 =	vld [tilespmem:s1+$0x840];
	[tilespmem:s0+$0x12840] =	vst v14  }
0x569: {  	v14 =	vadd.s32 $0x9, v3;
	v24 =	vld.idx.msk [tilespmem:v11+s4+$0x0], $0xffff;
	[tilespmem:s3+$0x14040] =	vst v7;
	v11 =	vmovc v10;
	v10 =	vmovc v8;
	v8 =	vmov v9;
	v9 =	vmov v12  }
0x56a: {  	v7 =	vor.u32 $0x1, v6;
	[tilespmem:s7+$0xD040] =	vst v21;
	v19 =	vld.idx.msk [tilespmem:v19+s4+$0x0], $0xffff  }
0x56b: {  	v21 =	vadd.s32 $0xC, v2;
	v17 =	vld.idx.msk [tilespmem:v17+s4+$0x0], $0xffff;
	[tilespmem:s11+$0x15840] =	vst v15;
	s11 =	smov.u32 s3;
	s3 =	smov.u32 s0;
	s0 =	smov.u32 s5  }
0x56c: {  	s5 =	smov.u32 s9;
	s9 =	smov.u32 s10;
	v15 =	vld.idx.msk [tilespmem:v22+s4+$0x0], $0xffff;
	[tilespmem:s10+$0xE840] =	vst v20;
	v20 =	vadd.s32 $0xF, v0;
	s10 =	smov.u32 s7  }
0x56d: {  	s7 =	smov.u32 s13;
	s13 =	smov.u32 s1;
	v22 =	vld.idx.msk [tilespmem:v23+s4+$0x0], $0xffff;
	[tilespmem:s5+$0x10040] =	vst v18;
	v18 =	vadd.s32 $0x12, v1  }
0x56e: {  	v23 =	vmul.u32 $0x14, v13;
	v13 =	vadd.s32 $0x4, v5;
	[tilespmem:s7+$0xC040] =	vst v16;
	v14 =	vld.idx.msk [tilespmem:v14+s4+$0x0], $0xffff  }
0x56f: {  	v7 =	vld.idx.msk [tilespmem:v7+s4+$0x0], $0xffff;
	[tilespmem:s0+$0x11840] =	vst v24  }
0x570: {  	v12 =	vadd.s32 $0xB, v23;
	v24 =	vadd.s32 $0x7, v4;
	v25 =	vld.idx.msk [tilespmem:v21+s4+$0x0], $0xffff;
	[tilespmem:s3+$0x13040] =	vst v19  }
0x571: {  	v26 =	vadd.s32 $0xA, v3;
	v27 =	vld.idx.msk [tilespmem:v20+s4+$0x0], $0xffff;
	[tilespmem:s11+$0x14840] =	vst v17  }
0x572: {  	v28 =	vadd.s32 $0xD, v2;
	[tilespmem:s10+$0xD840] =	vst v15;
	v29 =	vld.idx.msk [tilespmem:v18+s4+$0x0], $0xffff  }
0x573: {  	v19 =	vld.idx.msk [tilespmem:v13+s4+$0x0], $0xffff;
	[tilespmem:s9+$0xF040] =	vst v22;
	v22 =	vadd.s32 $0x10, v0  }
.Ltmp5:
0x574: {  	v21 =	vor.u32 $0x2, v6;
	v16 =	vld.idx.msk [tilespmem:v23+s4+$0x0], $0xffff;
	[tilespmem:s5+$0x10840] =	vst v14;
	(pc) =	sbr.rel @p0 .LBB2_13-.Ltmp5, $4  }
0x575: {  	v15 =	vadd.s32 $0x13, v1;
	v1 =	vmovc v0;
	v0 =	vmovc v2;
	v2 =	vmov v3;
	v3 =	vmov v4;
	[tilespmem:s7+$0xC840] =	vst v7;
	v17 =	vld.idx.msk [tilespmem:v24+s4+$0x0], $0xffff  }
0x576: {  	v20 =	vadd.s32 $0x5, v5;
	v4 =	vmovc v5;
	v5 =	vmov v6;
	v6 =	vmov v23;
	v13 =	vld.idx.msk [tilespmem:v26+s4+$0x0], $0xffff;
	[tilespmem:s0+$0x12040] =	vst v25  }
0x577: {  	v18 =	vadd.s32 $0x8, v3;
	v14 =	vld.idx.msk [tilespmem:v28+s4+$0x0], $0xffff;
	[tilespmem:s3+$0x13840] =	vst v27  }
0x578: {  	s1 =	smov.u32 s17;
	v7 =	vld.idx.msk [tilespmem:v22+s4+$0x0], $0xffff;
	[tilespmem:s11+$0x15040] =	vst v29  }
0x579: {  	v22 =	vor.u32 $0x1, v6;
	_ =	sdelay $0x3  }
0x57a: {  	[tilespmem:s13+$0xC040] =	vst v16  }
0x57b: {  	v16 =	vld.idx.msk [tilespmem:v22+s4+$0x0], $0xffff  }
0x57c: {  	v59 =	vor.u32 $0x2, v6;
	_ =	sdelay $0x3  }
0x57d: {  	v21 =	vld.idx.msk [tilespmem:v21+s4+$0x0], $0xffff;
	[tilespmem:s13+$0xC840] =	vst v16  }
0x57e: {  	v60 =	vor.u32 $0x3, v5;
	v22 =	vld.idx.msk [tilespmem:v59+s4+$0x0], $0xffff  }
0x57f: {  	v23 =	vor.u32 $0x3, v6;
	_ =	sdelay $0x2  }
0x580: {  	[tilespmem:s7+$0xD040] =	vst v21  }
0x581: {  	v16 =	vld.idx.msk [tilespmem:v60+s4+$0x0], $0xffff;
	[tilespmem:s13+$0xD040] =	vst v22  }
0x582: {  	v61 =	vadd.s32 $0x4, v5;
	v22 =	vld.idx.msk [tilespmem:v23+s4+$0x0], $0xffff  }
0x583: {  	v62 =	vadd.s32 $0x4, v6;
	_ =	sdelay $0x2  }
0x584: {  	[tilespmem:s7+$0xD840] =	vst v16  }
0x585: {  	v16 =	vld.idx.msk [tilespmem:v61+s4+$0x0], $0xffff;
	[tilespmem:s13+$0xD840] =	vst v22  }
0x586: {  	v63 =	vadd.s32 $0x5, v5;
	v22 =	vld.idx.msk [tilespmem:v62+s4+$0x0], $0xffff  }
0x587: {  	v24 =	vadd.s32 $0x5, v6;
	_ =	sdelay $0x1  }
0x588: {  	[tilespmem:s10+$0xE040] =	vst v19  }
0x589: {  	v19 =	vld.idx.msk [tilespmem:v20+s4+$0x0], $0xffff;
	[tilespmem:s7+$0xE040] =	vst v16  }
0x58a: {  	v25 =	vadd.s32 $0x6, v4;
	v26 =	vld.idx.msk [tilespmem:v63+s4+$0x0], $0xffff;
	[tilespmem:s13+$0xE040] =	vst v22  }
0x58b: {  	v27 =	vadd.s32 $0x6, v5;
	v22 =	vld.idx.msk [tilespmem:v24+s4+$0x0], $0xffff  }
0x58c: {  	v28 =	vadd.s32 $0x6, v6;
	_ =	sdelay $0x1  }
0x58d: {  	[tilespmem:s10+$0xE840] =	vst v19  }
0x58e: {  	v16 =	vld.idx.msk [tilespmem:v25+s4+$0x0], $0xffff;
	[tilespmem:s7+$0xE840] =	vst v26  }
0x58f: {  	v29 =	vadd.s32 $0x7, v4;
	v20 =	vld.idx.msk [tilespmem:v27+s4+$0x0], $0xffff;
	[tilespmem:s13+$0xE840] =	vst v22  }
0x590: {  	v30 =	vadd.s32 $0x7, v5;
	v22 =	vld.idx.msk [tilespmem:v28+s4+$0x0], $0xffff  }
0x591: {  	v31 =	vadd.s32 $0x7, v6;
	_ =	sdelay $0x1  }
0x592: {  	[tilespmem:s10+$0xF040] =	vst v16  }
0x593: {  	v16 =	vld.idx.msk [tilespmem:v29+s4+$0x0], $0xffff;
	[tilespmem:s7+$0xF040] =	vst v20  }
0x594: {  	v32 =	vadd.s32 $0x8, v4;
	v20 =	vld.idx.msk [tilespmem:v30+s4+$0x0], $0xffff;
	[tilespmem:s13+$0xF040] =	vst v22  }
0x595: {  	v33 =	vadd.s32 $0x8, v5;
	v22 =	vld.idx.msk [tilespmem:v31+s4+$0x0], $0xffff  }
0x596: {  	v34 =	vadd.s32 $0x8, v6  }
0x597: {  	[tilespmem:s9+$0xF840] =	vst v17  }
0x598: {  	v17 =	vld.idx.msk [tilespmem:v18+s4+$0x0], $0xffff;
	[tilespmem:s10+$0xF840] =	vst v16  }
0x599: {  	v35 =	vadd.s32 $0x9, v3;
	v36 =	vld.idx.msk [tilespmem:v32+s4+$0x0], $0xffff;
	[tilespmem:s7+$0xF840] =	vst v20  }
0x59a: {  	v37 =	vadd.s32 $0x9, v4;
	v20 =	vld.idx.msk [tilespmem:v33+s4+$0x0], $0xffff;
	[tilespmem:s13+$0xF840] =	vst v22  }
0x59b: {  	v38 =	vadd.s32 $0x9, v5;
	v22 =	vld.idx.msk [tilespmem:v34+s4+$0x0], $0xffff  }
0x59c: {  	v39 =	vadd.s32 $0x9, v6  }
0x59d: {  	[tilespmem:s9+$0x10040] =	vst v17  }
0x59e: {  	v16 =	vld.idx.msk [tilespmem:v35+s4+$0x0], $0xffff;
	[tilespmem:s10+$0x10040] =	vst v36  }
0x59f: {  	v40 =	vadd.s32 $0xA, v3;
	v18 =	vld.idx.msk [tilespmem:v37+s4+$0x0], $0xffff;
	[tilespmem:s7+$0x10040] =	vst v20  }
0x5a0: {  	v41 =	vadd.s32 $0xA, v4;
	v20 =	vld.idx.msk [tilespmem:v38+s4+$0x0], $0xffff;
	[tilespmem:s13+$0x10040] =	vst v22  }
0x5a1: {  	v42 =	vadd.s32 $0xA, v5;
	[tilespmem:s5+$0x11040] =	vst v13;
	v43 =	vld.idx.msk [tilespmem:v39+s4+$0x0], $0xffff  }
0x5a2: {  	v44 =	vadd.s32 $0xA, v6;
	[tilespmem:s0+$0x12840] =	vst v14  }
0x5a3: {  	v15 =	vld.idx.msk [tilespmem:v15+s4+$0x0], $0xffff;
	[tilespmem:s9+$0x10840] =	vst v16  }
0x5a4: {  	v45 =	vadd.s32 $0xE, v0;
	v17 =	vld.idx.msk [tilespmem:v40+s4+$0x0], $0xffff;
	[tilespmem:s10+$0x10840] =	vst v18  }
0x5a5: {  	v18 =	vld.idx.msk [tilespmem:v41+s4+$0x0], $0xffff;
	[tilespmem:s7+$0x10840] =	vst v20  }
0x5a6: {  	v13 =	vld.idx.msk [tilespmem:v42+s4+$0x0], $0xffff;
	[tilespmem:s13+$0x10840] =	vst v43  }
0x5a7: {  	[tilespmem:s3+$0x14040] =	vst v7;
	v46 =	vld.idx.msk [tilespmem:v44+s4+$0x0], $0xffff  }
0x5a8: {  	v11 =	vld.idx.msk [tilespmem:v11+s4+$0x0], $0xffff;
	[tilespmem:s11+$0x15840] =	vst v15  }
0x5a9: {  	v47 =	vadd.s32 $0x11, v1;
	v48 =	vld.idx.msk [tilespmem:v45+s4+$0x0], $0xffff;
	[tilespmem:s9+$0x11040] =	vst v17  }
0x5aa: {  	v49 =	vadd.s32 $0xC, v2;
	v10 =	vld.idx.msk [tilespmem:v10+s4+$0x0], $0xffff;
	[tilespmem:s10+$0x11040] =	vst v18  }
0x5ab: {  	v50 =	vadd.s32 $0xC, v3;
	v8 =	vld.idx.msk [tilespmem:v8+s4+$0x0], $0xffff;
	[tilespmem:s7+$0x11040] =	vst v13  }
0x5ac: {  	v51 =	vadd.s32 $0xC, v4;
	v9 =	vld.idx.msk [tilespmem:v9+s4+$0x0], $0xffff;
	[tilespmem:s13+$0x11040] =	vst v46  }
0x5ad: {  	v52 =	vadd.s32 $0xC, v5;
	[tilespmem:s5+$0x11840] =	vst v11;
	v53 =	vld.idx.msk [tilespmem:v12+s4+$0x0], $0xffff  }
0x5ae: {  	v55 =	vadd.s32 $0xC, v6;
	v54 =	vld.idx.msk [tilespmem:v47+s4+$0x0], $0xffff;
	[tilespmem:s0+$0x13040] =	vst v48  }
0x5af: {  	v56 =	vadd.s32 $0xF, v0;
	v16 =	vld.idx.msk [tilespmem:v49+s4+$0x0], $0xffff;
	[tilespmem:s9+$0x11840] =	vst v10  }
0x5b0: {  	v57 =	vadd.s32 $0xD, v2;
	v17 =	vld.idx.msk [tilespmem:v50+s4+$0x0], $0xffff;
	[tilespmem:s10+$0x11840] =	vst v8  }
0x5b1: {  	v58 =	vadd.s32 $0xD, v3;
	v13 =	vld.idx.msk [tilespmem:v51+s4+$0x0], $0xffff;
	[tilespmem:s7+$0x11840] =	vst v9  }
0x5b2: {  	v59 =	vadd.s32 $0xD, v4;
	v7 =	vld.idx.msk [tilespmem:v52+s4+$0x0], $0xffff;
	[tilespmem:s13+$0x11840] =	vst v53  }
0x5b3: {  	[tilespmem:s3+$0x14840] =	vst v54;
	v60 =	vadd.s32 $0xD, v5;
	v61 =	vld.idx.msk [tilespmem:v55+s4+$0x0], $0xffff  }
0x5b4: {  	v63 =	vadd.s32 $0xD, v6;
	v62 =	vld.idx.msk [tilespmem:v56+s4+$0x0], $0xffff;
	[tilespmem:s5+$0x12040] =	vst v16  }
0x5b5: {  	v28 =	vadd.s32 $0x10, v0;
	v10 =	vld.idx.msk [tilespmem:v57+s4+$0x0], $0xffff;
	[tilespmem:s9+$0x12040] =	vst v17  }
0x5b6: {  	v21 =	vadd.s32 $0xE, v2;
	v8 =	vld.idx.msk [tilespmem:v58+s4+$0x0], $0xffff;
	[tilespmem:s10+$0x12040] =	vst v13  }
0x5b7: {  	v22 =	vadd.s32 $0xE, v3;
	v9 =	vld.idx.msk [tilespmem:v59+s4+$0x0], $0xffff;
	[tilespmem:s7+$0x12040] =	vst v7  }
0x5b8: {  	v23 =	vadd.s32 $0xE, v4;
	v11 =	vld.idx.msk [tilespmem:v60+s4+$0x0], $0xffff;
	[tilespmem:s13+$0x12040] =	vst v61  }
0x5b9: {  	[tilespmem:s0+$0x13840] =	vst v62;
	v24 =	vadd.s32 $0xE, v5;
	v25 =	vld.idx.msk [tilespmem:v63+s4+$0x0], $0xffff  }
0x5ba: {  	v27 =	vadd.s32 $0xE, v6;
	v33 =	vld.idx.msk [tilespmem:v28+s4+$0x0], $0xffff;
	[tilespmem:s5+$0x12840] =	vst v10  }
0x5bb: {  	v20 =	vadd.s32 $0x12, v1;
	v17 =	vld.idx.msk [tilespmem:v21+s4+$0x0], $0xffff;
	[tilespmem:s9+$0x12840] =	vst v8  }
0x5bc: {  	v29 =	vadd.s32 $0xF, v2;
	v13 =	vld.idx.msk [tilespmem:v22+s4+$0x0], $0xffff;
	[tilespmem:s10+$0x12840] =	vst v9  }
0x5bd: {  	v30 =	vadd.s32 $0xF, v3;
	v7 =	vld.idx.msk [tilespmem:v23+s4+$0x0], $0xffff;
	[tilespmem:s7+$0x12840] =	vst v11  }
0x5be: {  	v31 =	vadd.s32 $0xF, v4;
	v12 =	vld.idx.msk [tilespmem:v24+s4+$0x0], $0xffff;
	[tilespmem:s13+$0x12840] =	vst v25  }
0x5bf: {  	v32 =	vadd.s32 $0xF, v5;
	[tilespmem:s0+$0x14040] =	vst v33;
	v10 =	vld.idx.msk [tilespmem:v27+s4+$0x0], $0xffff  }
0x5c0: {  	v34 =	vadd.s32 $0xF, v6;
	v26 =	vld.idx.msk [tilespmem:v20+s4+$0x0], $0xffff;
	[tilespmem:s5+$0x13040] =	vst v17  }
0x5c1: {  	v35 =	vadd.s32 $0x13, v1;
	v8 =	vld.idx.msk [tilespmem:v29+s4+$0x0], $0xffff;
	[tilespmem:s9+$0x13040] =	vst v13  }
0x5c2: {  	v36 =	vadd.s32 $0x10, v2;
	v9 =	vld.idx.msk [tilespmem:v30+s4+$0x0], $0xffff;
	[tilespmem:s10+$0x13040] =	vst v7  }
0x5c3: {  	v37 =	vadd.s32 $0x10, v3;
	v11 =	vld.idx.msk [tilespmem:v31+s4+$0x0], $0xffff;
	[tilespmem:s7+$0x13040] =	vst v12  }
0x5c4: {  	v38 =	vadd.s32 $0x10, v4;
	v14 =	vld.idx.msk [tilespmem:v32+s4+$0x0], $0xffff;
	[tilespmem:s13+$0x13040] =	vst v10  }
0x5c5: {  	v39 =	vadd.s32 $0x10, v5;
	[tilespmem:s3+$0x15040] =	vst v26;
	v40 =	vld.idx.msk [tilespmem:v34+s4+$0x0], $0xffff  }
0x5c6: {  	v41 =	vadd.s32 $0x10, v6;
	v1 =	vld.idx.msk [tilespmem:v35+s4+$0x0], $0xffff;
	[tilespmem:s5+$0x13840] =	vst v8  }
0x5c7: {  	v42 =	vadd.s32 $0x11, v0;
	v13 =	vld.idx.msk [tilespmem:v36+s4+$0x0], $0xffff;
	[tilespmem:s9+$0x13840] =	vst v9  }
0x5c8: {  	v43 =	vadd.s32 $0x11, v2;
	v7 =	vld.idx.msk [tilespmem:v37+s4+$0x0], $0xffff;
	[tilespmem:s10+$0x13840] =	vst v11  }
0x5c9: {  	v44 =	vadd.s32 $0x11, v3;
	v12 =	vld.idx.msk [tilespmem:v38+s4+$0x0], $0xffff;
	[tilespmem:s7+$0x13840] =	vst v14  }
0x5ca: {  	v45 =	vadd.s32 $0x11, v4;
	v10 =	vld.idx.msk [tilespmem:v39+s4+$0x0], $0xffff;
	[tilespmem:s13+$0x13840] =	vst v40  }
0x5cb: {  	v46 =	vadd.s32 $0x11, v5;
	[tilespmem:s3+$0x15840] =	vst v1;
	v8 =	vld.idx.msk [tilespmem:v41+s4+$0x0], $0xffff  }
0x5cc: {  	v48 =	vadd.s32 $0x11, v6;
	v47 =	vld.idx.msk [tilespmem:v42+s4+$0x0], $0xffff;
	[tilespmem:s5+$0x14040] =	vst v13  }
0x5cd: {  	v49 =	vadd.s32 $0x12, v0;
	v9 =	vld.idx.msk [tilespmem:v43+s4+$0x0], $0xffff;
	[tilespmem:s9+$0x14040] =	vst v7  }
0x5ce: {  	v50 =	vadd.s32 $0x12, v2;
	v11 =	vld.idx.msk [tilespmem:v44+s4+$0x0], $0xffff;
	[tilespmem:s10+$0x14040] =	vst v12  }
0x5cf: {  	v51 =	vadd.s32 $0x12, v3;
	v14 =	vld.idx.msk [tilespmem:v45+s4+$0x0], $0xffff;
	[tilespmem:s7+$0x14040] =	vst v10  }
0x5d0: {  	v52 =	vadd.s32 $0x12, v4;
	v1 =	vld.idx.msk [tilespmem:v46+s4+$0x0], $0xffff;
	[tilespmem:s13+$0x14040] =	vst v8  }
0x5d1: {  	[tilespmem:s0+$0x14840] =	vst v47;
	v53 =	vadd.s32 $0x12, v5;
	v13 =	vld.idx.msk [tilespmem:v48+s4+$0x0], $0xffff  }
0x5d2: {  	v54 =	vadd.s32 $0x12, v6;
	v15 =	vld.idx.msk [tilespmem:v49+s4+$0x0], $0xffff;
	[tilespmem:s5+$0x14840] =	vst v9  }
0x5d3: {  	v55 =	vadd.s32 $0x13, v0;
	v7 =	vld.idx.msk [tilespmem:v50+s4+$0x0], $0xffff;
	[tilespmem:s9+$0x14840] =	vst v11  }
0x5d4: {  	v56 =	vadd.s32 $0x13, v2;
	v11 =	vld.idx.msk [tilespmem:v51+s4+$0x0], $0xffff;
	[tilespmem:s10+$0x14840] =	vst v14  }
0x5d5: {  	v57 =	vadd.s32 $0x13, v3;
	v10 =	vld.idx.msk [tilespmem:v52+s4+$0x0], $0xffff;
	[tilespmem:s7+$0x14840] =	vst v1  }
0x5d6: {  	v58 =	vadd.s32 $0x13, v4;
	v59 =	vld.idx.msk [tilespmem:v53+s4+$0x0], $0xffff;
	[tilespmem:s13+$0x14840] =	vst v13  }
0x5d7: {  	[tilespmem:s0+$0x15040] =	vst v15;
	v60 =	vadd.s32 $0x13, v5;
	v61 =	vld.idx.msk [tilespmem:v54+s4+$0x0], $0xffff  }
0x5d8: {  	v62 =	vadd.s32 $0x13, v6;
	v0 =	vld.idx.msk [tilespmem:v55+s4+$0x0], $0xffff;
	[tilespmem:s5+$0x15040] =	vst v7  }
0x5d9: {  	v2 =	vld.idx.msk [tilespmem:v56+s4+$0x0], $0xffff;
	[tilespmem:s9+$0x15040] =	vst v11  }
0x5da: {  	v3 =	vld.idx.msk [tilespmem:v57+s4+$0x0], $0xffff;
	[tilespmem:s10+$0x15040] =	vst v10  }
0x5db: {  	v1 =	vld.idx.msk [tilespmem:v58+s4+$0x0], $0xffff;
	[tilespmem:s7+$0x15040] =	vst v59  }
0x5dc: {  	v4 =	vld.idx.msk [tilespmem:v60+s4+$0x0], $0xffff;
	[tilespmem:s13+$0x15040] =	vst v61  }
0x5dd: {  	s28 =	sadd.s32 $0x1, s28;
	[tilespmem:s0+$0x15840] =	vst v0;
	v63 =	vld.idx.msk [tilespmem:v62+s4+$0x0], $0xffff  }
0x5de: {  	p0 =	sne.s32 s28, $0xC;
	[tilespmem:s5+$0x15840] =	vst v2  }
.Ltmp6:
0x5df: {  	[tilespmem:s9+$0x15840] =	vst v3;
	(pc) =	sbr.rel @p0 .LBB2_6-.Ltmp6, $4  }
0x5e0: {  	s30 =	sor.u32 s8, s29;
	[tilespmem:s10+$0x15840] =	vst v1  }
0x5e1: {  	s0 =	sshrl.u32 s30, $0x3;
	[tilespmem:s7+$0x15840] =	vst v4  }
0x5e2: {  	s1 =	simm.s32 $0xC040;
	s0 =	sadd.s32 s2, s0;
	[tilespmem:s13+$0x15840] =	vst v63  }
0x5e3: {  	[hbm4b:s0+s18] =	stream.strided.scatter [tilespmem:s1], [sflag:$0x4], $0xA000, s19, s18, $0x38;
	[tilespmem:$0x16040] =	vst v63  }
0x5e4: {  	_ =	swait.ge [sflag:s22], $0x1000  }
0x5e5: {  	[sflag:s22] =	ssyncset.done $0x0  }
0x5e6: {  	[sflag:s22] =	ssyncadd.s32 $0xFFFFF000  }
0x5e7: {  	_ =	swait.ge [sflag:s23], $0xA000  }
0x5e8: {  	[sflag:s23] =	ssyncset.done $0x0  }
0x5e9: {  	[sflag:s23] =	ssyncadd.s32 $0xFFFF6000  }
0x5ea: {  	_ =	swait.ge [sflag:s24], $0xA000  }
0x5eb: {  	s1 =	rddreg [dreg:$0xb]  }
0x5ec: {  	s0 =	rddreg [dreg:$0xa];
	s1 =	sadd.s32 $0x1, s1  }
0x5ed: {  	p0 =	sne.s32 s1, s0  }
.Ltmp7:
0x5ee: {  	_ = 	snop;
	(pc) =	sbr.rel @p0 .LBB2_1-.Ltmp7, $3  }
0x5ef: {  	_ =	sdelay $0x1  }
0x5f0: {  	[sflag:s24] =	ssyncset.done $0x0  }
0x5f1: {  	[sflag:s24] =	ssyncadd.s32 $0xFFFF6000  }
0x5f2: {  	_ =	sfence.sel $0x180000  }
0x5f3: {  	[bflag:$0x0] =	sbarrier.arrive $0xFFFF  }
0x5f4: {  	_ =	strace $0x90000047  }
0x5f5: {  	s0 =	stileid.u32;
	[bflag:$0x2] =	sbarrier.arrive $0xFFFF  }
0x5f6: {  	p0 =	sne.s32 s0, $0x0;
	s0 =	rddreg [dreg:$0x3]  }
0x5f7: {  	s0 =	sadd.s32 @!p0 $0x100000, s0  }
0x5f8: {  	[sflag:s0] =	ssyncadd.tile.s32 @!p0 $0x1;
	_ =	shalt  }
.Lfunc_end2:
_tile_overlayer_lowered:
.L_overlay_start_2:
0x5f9: {  	(tag) =	ssettag $0x2  }
0x5fa: {  	s0 =	rddreg [dreg:$0x0];
	s2 =	stileid.u32  }
0x5fb: {  	s1 =	rddreg [dreg:$0x1];
	p0 =	sne.s32 s2, $0x0  }
0x5fc: {  	s3 =	rddreg [dreg:$0x2];
	[bflag:$0x3] =	sbarrier.arrive $0xFFFF;
	s2 =	simm.s32 @!p0 $0x1C05  }
0x5fd: {  	[timem:s3], [sflag:s2] =	dma.local @!p0 [hbm:s0], s1  }
0x5fe: {  	s0 =	simm.s32 @!p0 $0x5  }
0x5ff: {  	_ =	swait.ge @!p0 [sflag:s0], s1  }
0x600: {  	s1 =	ssub.s32 @!p0 $0x0, s1;
	[sflag:s0] =	ssyncset.done @!p0 $0x0  }
0x601: {  	[sflag:s0] =	ssyncadd.s32 @!p0 s1  }
0x602: {  	[bflag:$0x3] =	sbarrier.arrive $0xFFFF  }
0x603: {  	_ =	shalt  }

</sc_bundles>
